<compile_context>
chip_gen: v7x
topology: tpu7x:2x2x1
jax: 0.10.2.dev20260603
libtpu: 0.0.44.dev20260713+nightly
codegen_flags: <defaults>
</compile_context>

<pallas_src>
import functools

import jax
import jax.numpy as jnp
from jax import lax
from jax.experimental import pallas as pl
from jax.experimental.pallas import tpu as pltpu
from jax.experimental.pallas import tpu_sc as plsc

N = 10000
E = 160000
D = 128
NPG = 100
NB = 100
NPROT = 3
NPN = 100

NC, NS, K = 2, 16, 64
NW = NC * NS
MCH = 80
EPAD = NW * MCH * K
M0, M1 = 116, 42
MMAX = M0
ECAP = NS * K * (M0 + M1)
RTR = N + 240
OPT = RTR // NS

_F32 = jnp.float32
_SDS = jax.ShapeDtypeStruct

def _edge_agg_body(hh, src3, dst3, zc, outc,
                   src2_v, dst2_v, ra0, ra1, c_sh, gs0, gs1, ss0, ss1):
    cid = lax.axis_index("c")
    sid = lax.axis_index("s")
    base = sid * OPT

    pltpu.sync_copy(zc.at[pl.ds(base, OPT)], c_sh.at[pl.ds(base, OPT)])
    pltpu.sync_copy(src3.at[cid, sid], src2_v)
    pltpu.sync_copy(dst3.at[cid, sid], dst2_v)
    plsc.subcore_barrier()

    npair = jnp.where(cid == 0, M0 // 2, M1 // 2)
    mlast = jnp.where(cid == 0, M0 - 1, M1 - 1)
    pltpu.async_copy(hh.at[src2_v.at[0]], ra0, gs0)

    def _pair(p, carry):
        j0 = 2 * p
        pltpu.make_async_copy(hh.at[src2_v.at[j0]], ra0, gs0).wait()

        @pl.when(p > 0)
        def _():
            pltpu.make_async_copy(ra1, c_sh.at[dst2_v.at[j0 - 1]], ss1).wait()

        pltpu.async_copy(hh.at[src2_v.at[j0 + 1]], ra1, gs1)
        pltpu.async_copy(ra0, c_sh.at[dst2_v.at[j0]], ss0, add=True)
        pltpu.make_async_copy(hh.at[src2_v.at[j0 + 1]], ra1, gs1).wait()
        pltpu.make_async_copy(ra0, c_sh.at[dst2_v.at[j0]], ss0).wait()

        @pl.when(p < npair - 1)
        def _():
            pltpu.async_copy(hh.at[src2_v.at[j0 + 2]], ra0, gs0)

        pltpu.async_copy(ra1, c_sh.at[dst2_v.at[j0 + 1]], ss1, add=True)
        return carry

    lax.fori_loop(0, npair, _pair, 0)
    pltpu.make_async_copy(ra1, c_sh.at[dst2_v.at[mlast]], ss1).wait()
    plsc.subcore_barrier()

    pltpu.sync_copy(c_sh.at[pl.ds(base, OPT)],
                    outc.at[cid, pl.ds(base, OPT)])


@functools.cache
def _make_edge_agg():
    mesh = plsc.VectorSubcoreMesh(
        core_axis_name="c", subcore_axis_name="s",
        num_cores=NC, num_subcores=NS)
    return pl.kernel(
        _edge_agg_body,
        out_type=_SDS((NC, RTR, D), _F32),
        mesh=mesh,
        scratch_types=[
            pltpu.VMEM((MMAX, K), jnp.int32),
            pltpu.VMEM((MMAX, K), jnp.int32),
            pltpu.VMEM((K, D), _F32),
            pltpu.VMEM((K, D), _F32),
            pltpu.VMEM_SHARED((RTR, D), _F32),
            pltpu.SemaphoreType.DMA,
            pltpu.SemaphoreType.DMA,
            pltpu.SemaphoreType.DMA,
            pltpu.SemaphoreType.DMA,
        ],
    )


def _tc(body, out_shape, *args):
    return pl.pallas_call(
        body,
        out_shape=out_shape,
        compiler_params=pltpu.CompilerParams(
            vmem_limit_bytes=100 * 1024 * 1024),
    )(*args)


def _embed_body(h_ref, w_ref, b_ref, o_ref):
    o_ref[...] = jnp.dot(h_ref[...], w_ref[...],
                         preferred_element_type=_F32) + b_ref[...]


def _sage_body(h_ref, cp_ref, dp_ref, w_ref, b_ref, g_ref,
               bt_ref, o_ref):
    h = h_ref[...]
    deg = jnp.maximum(dp_ref[0, 0:N, 0:1] + dp_ref[1, 0:N, 0:1], 1.0)
    c = (cp_ref[0, 0:N, :] + cp_ref[1, 0:N, :]) / deg
    bundle = (jnp.dot(h, w_ref[0:D, :], preferred_element_type=_F32)
              + jnp.dot(c, w_ref[D:2 * D, :], preferred_element_type=_F32)
              + b_ref[...])
    nrm = jnp.maximum(jnp.sqrt(jnp.sum(bundle * bundle, axis=1,
                                       keepdims=True)), 1e-12)
    hn = jnp.maximum(bundle / nrm, 0.0)
    mu = jnp.mean(hn, axis=0, keepdims=True)
    var = jnp.mean((hn - mu) ** 2, axis=0, keepdims=True)
    o_ref[...] = h + g_ref[...] * (hn - mu) / jnp.sqrt(var + 1e-5) + bt_ref[...]


def _recon_body(h_ref, w0, b0, w1, b1, w2, b2, wd, o_x, o_l, o_r, o_hg):
    hv = h_ref[...]
    a0 = jnp.maximum(jnp.dot(hv, w0[...], preferred_element_type=_F32)
                     + b0[...], 0.0)
    a1 = jnp.maximum(jnp.dot(a0, w1[...], preferred_element_type=_F32)
                     + b1[...], 0.0)
    x = jnp.dot(a1, w2[...], preferred_element_type=_F32) + b2[...]
    o_x[...] = x
    o_l[...] = jnp.dot(x, wd[0:D, :], preferred_element_type=_F32)
    o_r[...] = jnp.dot(x, wd[D:2 * D, :], preferred_element_type=_F32)
    row = lax.broadcasted_iota(jnp.int32, (NB, N), 0)
    col = lax.broadcasted_iota(jnp.int32, (NB, N), 1) // NPG
    gmat = jnp.where(row == col, 1.0 / NPG, 0.0).astype(_F32)
    o_hg[...] = jnp.dot(gmat, hv, preferred_element_type=_F32)


def _outer_body(l_ref, r2_ref, b_ref, o_ref):
    row = lax.broadcasted_iota(jnp.int32, (N, NB), 0) // NPG
    col = lax.broadcasted_iota(jnp.int32, (N, NB), 1)
    gexp = jnp.where(row == col, 1.0, 0.0).astype(_F32)
    rb = jnp.dot(gexp, r2_ref[...], preferred_element_type=_F32)
    z = l_ref[...] + rb + b_ref[...]
    o_ref[...] = 1.0 / (1.0 + jnp.exp(-z))


def _proto_body(p_ref, a_ref, hg_ref, we, be, sw0, sb0, sg0, sbt0,
                sw1, sb1, sg1, sbt1, w0, b0, w1, b1, w2, b2, wd, bd, o_ref):
    eye = jnp.where(
        lax.broadcasted_iota(jnp.int32, (NPN, NPN), 0)
        == lax.broadcasted_iota(jnp.int32, (NPN, NPN), 1), 1.0, 0.0)
    ones_col = jnp.full((NPN, 1), 1.0, _F32)
    sparams = ((sw0, sb0, sg0, sbt0), (sw1, sb1, sg1, sbt1))
    hgv = hg_ref[...]
    dists = []
    for k in range(2 * NPROT):
        e = p_ref[k]
        a_p = a_ref[k]
        a0 = jnp.maximum(jnp.dot(e, w0[...], preferred_element_type=_F32)
                         + b0[...], 0.0)
        a1 = jnp.maximum(jnp.dot(a0, w1[...], preferred_element_type=_F32)
                         + b1[...], 0.0)
        x = jnp.dot(a1, w2[...], preferred_element_type=_F32) + b2[...]
        l = jnp.dot(x, wd[0:D, :], preferred_element_type=_F32)
        r = jnp.dot(x, wd[D:2 * D, :], preferred_element_type=_F32)
        rrow = lax.dot_general(r, eye, (((0,), (0,)), ((), ())))
        s = 1.0 / (1.0 + jnp.exp(-(l + rrow + bd[...])))
        th = a_p * 0.2 + (1.0 - a_p) * 0.8
        ab = jnp.where(s > th, 1.0, 0.0).astype(_F32)
        deg_col = jnp.maximum(
            lax.dot_general(ab, ones_col, (((0,), (0,)), ((), ()))), 1.0)
        hp = jnp.dot(x, we[...], preferred_element_type=_F32) + be[...]
        for (W, bb, g, bt) in sparams:
            c = lax.dot_general(ab, hp, (((0,), (0,)), ((), ()))) / deg_col
            bundle = (jnp.dot(hp, W[0:D, :], preferred_element_type=_F32)
                      + jnp.dot(c, W[D:2 * D, :], preferred_element_type=_F32)
                      + bb[...])
            nrm = jnp.maximum(jnp.sqrt(jnp.sum(bundle * bundle, axis=1,
                                               keepdims=True)), 1e-12)
            hn = jnp.maximum(bundle / nrm, 0.0)
            mu = jnp.mean(hn, axis=0, keepdims=True)
            var = jnp.mean((hn - mu) ** 2, axis=0, keepdims=True)
            hp = hp + g[...] * (hn - mu) / jnp.sqrt(var + 1e-5) + bt[...]
        hk = jnp.mean(hp, axis=0, keepdims=True)
        diff = hgv - hk
        dists.append(jnp.sum(diff * diff, axis=1, keepdims=True))
    dist = jnp.concatenate(dists, axis=1)
    ss = jnp.log((dist + 1.0) / (dist + 1e-12))
    m = jnp.max(ss, axis=1, keepdims=True)
    ex = jnp.exp(ss - m)
    w_ = ex / jnp.sum(ex, axis=1, keepdims=True)
    colidx = lax.broadcasted_iota(jnp.int32, (NB, 2 * NPROT), 1)
    o_ref[...] = jnp.sum(jnp.where(colidx >= NPROT, w_, 0.0), axis=1,
                         keepdims=True)


def _deg_body(dst3, zc, oc, outd, dst2_v, buf_v, d_sh, sem):
    cid = lax.axis_index("c")
    sid = lax.axis_index("s")
    wid = sid * NC + cid
    base = sid * OPT

    pltpu.sync_copy(zc.at[pl.ds(base, OPT)], d_sh.at[pl.ds(base, OPT)])
    pltpu.sync_copy(oc, buf_v)
    pltpu.sync_copy(dst3.at[wid], dst2_v)
    plsc.subcore_barrier()

    BF = 8

    def _batch(b, carry):
        j0 = b * BF
        for i in range(BF):
            pltpu.async_copy(buf_v, d_sh.at[dst2_v.at[j0 + i]], sem,
                             add=True)
        for i in range(BF):
            pltpu.make_async_copy(buf_v, d_sh.at[dst2_v.at[j0 + i]],
                                  sem).wait()
        return carry

    lax.fori_loop(0, MCH // BF, _batch, 0)
    plsc.subcore_barrier()

    pltpu.sync_copy(d_sh.at[pl.ds(base, OPT)],
                    outd.at[cid, pl.ds(base, OPT)])


@functools.cache
def _make_deg():
    mesh = plsc.VectorSubcoreMesh(
        core_axis_name="c", subcore_axis_name="s",
        num_cores=NC, num_subcores=NS)
    return pl.kernel(
        _deg_body,
        out_type=_SDS((NC, RTR, D), _F32),
        mesh=mesh,
        scratch_types=[
            pltpu.VMEM((MCH, K), jnp.int32),
            pltpu.VMEM((K, D), _F32),
            pltpu.VMEM_SHARED((RTR, D), _F32),
            pltpu.SemaphoreType.DMA,
        ],
    )


def _edge_partials(hh, src3, dst3, zc):
    return _make_edge_agg()(hh, src3, dst3, zc)


def _deg_partials(dst3, zc, oc):
    return _make_deg()(dst3, zc, oc)


def kernel(h, edge_index, W_emb, b_emb, sW0, sb0, sg0, sbt0, sW1, sb1, sg1,
           sbt1, dW0, db0, dW1, db1, dW2, db2, W_dec2, b_dec2, p_neg, p_pos,
           a_neg, a_pos):
    src = edge_index[0].astype(jnp.int32)
    dst = edge_index[1].astype(jnp.int32)

    def _asym(e, fill):
        flat = jnp.concatenate(
            [e, jnp.full((ECAP - E,), fill, jnp.int32)])
        cut = NS * M0 * K
        b0 = flat[:cut].reshape(NS, M0, K)
        b1 = flat[cut:].reshape(NS, M1, K)
        b0 = jnp.pad(b0, ((0, 0), (0, MMAX - M0), (0, 0)),
                     constant_values=fill)
        b1 = jnp.pad(b1, ((0, 0), (0, MMAX - M1), (0, 0)),
                     constant_values=fill)
        return jnp.stack([b0, b1])

    src3 = _asym(src, 0)
    dst3 = _asym(dst, N)
    npad = EPAD - E
    dst3s = jnp.concatenate([dst, jnp.full((npad,), N, jnp.int32)]
                            ).reshape(NW, MCH, K)
    zc = jnp.zeros((RTR, D), _F32)
    oc = jnp.ones((K, D), _F32)

    be = b_emb.reshape(1, D)
    sb0r, sg0r, sbt0r = sb0.reshape(1, D), sg0.reshape(1, D), sbt0.reshape(1, D)
    sb1r, sg1r, sbt1r = sb1.reshape(1, D), sg1.reshape(1, D), sbt1.reshape(1, D)
    db0r, db1r, db2r = db0.reshape(1, -1), db1.reshape(1, -1), db2.reshape(1, -1)
    bd = b_dec2.reshape(1, 1)

    hh = _tc(_embed_body, _SDS((N, D), _F32), h, W_emb, be)

    dparts = _deg_partials(dst3s, zc, oc)

    cparts = _edge_partials(hh, src3, dst3, zc)
    hh = _tc(_sage_body, _SDS((N, D), _F32), hh, cparts, dparts,
             sW0, sb0r, sg0r, sbt0r)

    cparts2 = _edge_partials(hh, src3, dst3, zc)
    hh = _tc(_sage_body, _SDS((N, D), _F32), hh, cparts2, dparts,
             sW1, sb1r, sg1r, sbt1r)

    x, l, r, hg = _tc(
        _recon_body,
        (_SDS((N, D), _F32), _SDS((N, 1), _F32), _SDS((N, 1), _F32),
         _SDS((NB, D), _F32)),
        hh, dW0, db0r, dW1, db1r, dW2, db2r, W_dec2)

    s2 = _tc(_outer_body, _SDS((N, NB), _F32), l, r.reshape(NB, NPG), bd)

    protos = jnp.concatenate([p_neg, p_pos], axis=0)
    adjs = jnp.concatenate([a_neg, a_pos], axis=0)
    out2 = _tc(_proto_body, _SDS((NB, 1), _F32), protos, adjs, hg,
               W_emb, be, sW0, sb0r, sg0r, sbt0r, sW1, sb1r, sg1r, sbt1r,
               dW0, db0r, dW1, db1r, dW2, db2r, W_dec2, bd)

    return (out2.reshape(NB), x.reshape(NB, NPG, D),
            s2.reshape(NB, NPG, NPG))

# --- scband reference (transcript-rebuilt; emitter-appended) ---
"""Pipeline reference for scband-px-gnnnet-3556232921302 (READ-ONLY COPY).

The authoritative reference and input builder live on the scoring server;
editing this copy changes nothing except your own understanding.
"""

import jax, jax.numpy as jnp
import numpy as np

N_NODES = 10000
NPG = 100
B = N_NODES // NPG
E = 160000
IN_DIM = 128
HID = 128
NPROT = 3
NP_NODES = 100

def _mlp_readout(x, dW0, db0, dW1, db1, dW2, db2):
    h = jax.nn.relu(x @ dW0 + db0)
    h = jax.nn.relu(h @ dW1 + db1)
    return h @ dW2 + db2

def _prot_generate(emb, dec1p, W_dec2, b_dec2):
    x = _mlp_readout(emb, *dec1p)
    l = (x @ W_dec2[:IN_DIM, :])[:, 0]
    r = (x @ W_dec2[IN_DIM:, :])[:, 0]
    s = jax.nn.sigmoid(l[:, None] + r[None, :] + b_dec2[0])
    return s, x

def _sage_layer(h, c, W, b, g, bt):
    h_in = h
    bundle = jnp.concatenate([h, c], axis=1) @ W + b
    norm = jnp.maximum(jnp.linalg.norm(bundle, axis=1, keepdims=True), 1e-12)
    hn = jax.nn.relu(bundle / norm)
    mu = hn.mean(0)
    var = hn.var(0)
    hn = g * (hn - mu) / jnp.sqrt(var + 1e-5) + bt
    return h_in + hn

def _forward(h, edge_index, W_emb, b_emb, sage_params, dec1p, W_dec2, b_dec2, p_neg, p_pos, a_neg, a_pos):
    src = edge_index[0]
    dst = edge_index[1]
    deg = jax.ops.segment_sum(jnp.ones(src.shape[0], jnp.float32), dst, num_segments=N_NODES)
    deg = jnp.maximum(deg, 1.0)[:, None]
    hh = h @ W_emb + b_emb
    for p in sage_params:
        c = jax.ops.segment_sum(hh[src], dst, num_segments=N_NODES) / deg
        hh = _sage_layer(hh, c, *p)
    gid = jnp.arange(N_NODES) // NPG
    hg = jax.ops.segment_sum(hh, gid, num_segments=B) / float(NPG)
    h_b = hh.reshape(B, NPG, HID)
    recon_s, recon_x = jax.vmap(lambda e: _prot_generate(e, dec1p, W_dec2, b_dec2))(h_b)
    protos = jnp.concatenate([p_neg, p_pos], axis=0)
    adjs = jnp.concatenate([a_neg, a_pos], axis=0)
    def one_proto(emb, a_p):
        s, x = _prot_generate(emb, dec1p, W_dec2, b_dec2)
        th = a_p * 0.2 + (1.0 - a_p) * 0.8
        a = (s > th).astype(jnp.float32)
        deg_in = jnp.maximum(a.sum(0), 1.0)[:, None]
        hp = x @ W_emb + b_emb
        for p in sage_params:
            c = (a.T @ hp) / deg_in
            hp = _sage_layer(hp, c, *p)
        return hp.mean(0)
    hgs = jax.vmap(one_proto)(protos, adjs)
    dist = jnp.sum((hg[:, None, :] - hgs[None, :, :]) ** 2, axis=-1)
    ss = jnp.log((dist + 1.0) / (dist + 1e-12))
    w = jax.nn.softmax(ss, axis=1)
    out = w[:, NPROT:].sum(axis=1)
    return out, recon_x, recon_s

def setup_inputs(seed: int = 0):
    key = jax.random.key(seed)
    ks = jax.random.split(key, 30)
    def lin(k, fi, fo):
        return (jax.random.normal(k, (fi, fo), jnp.float32) / np.sqrt(fi)).astype(jnp.float32)
    inp = {}
    inp["h"] = jax.random.normal(ks[0], (N_NODES, IN_DIM), jnp.float32)
    inp["edge_index"] = jax.random.randint(ks[1], (2, E), 0, N_NODES, dtype=jnp.int32)
    inp["W_emb"] = lin(ks[2], IN_DIM, HID)
    inp["b_emb"] = jnp.zeros((HID,), jnp.float32)
    inp["sW0"] = lin(ks[3], 2 * HID, HID)
    inp["sb0"] = jnp.zeros((HID,), jnp.float32)
    inp["sg0"] = jnp.ones((HID,), jnp.float32)
    inp["sbt0"] = jnp.zeros((HID,), jnp.float32)
    inp["sW1"] = lin(ks[4], 2 * HID, HID)
    inp["sb1"] = jnp.zeros((HID,), jnp.float32)
    inp["sg1"] = jnp.ones((HID,), jnp.float32)
    inp["sbt1"] = jnp.zeros((HID,), jnp.float32)
    inp["dW0"] = lin(ks[5], HID, HID // 2)
    inp["db0"] = jnp.zeros((HID // 2,), jnp.float32)
    inp["dW1"] = lin(ks[6], HID // 2, HID // 4)
    inp["db1"] = jnp.zeros((HID // 4,), jnp.float32)
    inp["dW2"] = lin(ks[7], HID // 4, IN_DIM)
    inp["db2"] = jnp.zeros((IN_DIM,), jnp.float32)
    inp["W_dec2"] = lin(ks[8], 2 * IN_DIM, 1)
    inp["b_dec2"] = jnp.zeros((1,), jnp.float32)
    inp["p_neg"] = jax.random.normal(ks[9], (NPROT, NP_NODES, HID), jnp.float32)
    inp["p_pos"] = jax.random.normal(ks[10], (NPROT, NP_NODES, HID), jnp.float32)
    inp["a_neg"] = (jax.random.uniform(ks[11], (NPROT, NP_NODES, NP_NODES)) < 0.1).astype(jnp.float32)
    inp["a_pos"] = (jax.random.uniform(ks[12], (NPROT, NP_NODES, NP_NODES)) < 0.1).astype(jnp.float32)
    return inp

def reference(h, edge_index, W_emb, b_emb, sW0, sb0, sg0, sbt0, sW1, sb1, sg1, sbt1, dW0, db0, dW1, db1, dW2, db2, W_dec2, b_dec2, p_neg, p_pos, a_neg, a_pos):
    sage_params = ((sW0, sb0, sg0, sbt0), (sW1, sb1, sg1, sbt1))
    dec1p = (dW0, db0, dW1, db1, dW2, db2)
    return _forward(h, edge_index, W_emb, b_emb, sage_params, dec1p, W_dec2, b_dec2, p_neg, p_pos, a_neg, a_pos)

if __name__ == "__main__":
    import jax
    _d = setup_inputs()
    print(jax.jit(kernel)(*tuple(_d.values())))

</pallas_src>

<mosaic_0001>
#map = affine_map<(d0, d1) -> (0, 0, 0)>
#map1 = affine_map<(d0, d1) -> (0, 0)>
module attributes {stable_mosaic.version = 14 : i64} {
  func.func @_deg_body(%arg0: i32, %arg1: i32, %arg2: memref<32x80x64xi32, #tpu.memory_space<hbm>>, %arg3: memref<10240x128xf32, #tpu.memory_space<hbm>>, %arg4: memref<64x128xf32, #tpu.memory_space<hbm>>, %arg5: memref<2x10240x128xf32, #tpu.memory_space<hbm>>, %arg6: memref<80x64xi32, #tpu.memory_space<vmem>>, %arg7: memref<64x128xf32, #tpu.memory_space<vmem>>, %arg8: memref<10240x128xf32, #tpu.memory_space<vmem_shared>>, %arg9: memref<!tpu.dma_semaphore, #tpu.memory_space<semaphore_mem>>) attributes {dimension_semantics = [#tpu.dimension_semantics<core_parallel>, #tpu.dimension_semantics<subcore_parallel>], iteration_bounds = array<i64: 2, 16>, scalar_prefetch = 0 : i64, scratch_operands = 4 : i64, tpu.core_type = #tpu.core_type<sc_vector_subcore>, window_params = [{transform_indices = #map}, {transform_indices = #map1}, {transform_indices = #map1}, {transform_indices = #map}]} {
    %mul3A = arith.constant 2 : i32
    %mul3A_0 = arith.muli %arg1, %mul3A : i32
    %add3A = arith.addi %mul3A_0, %arg0 : i32
    %mul3A_1 = arith.constant 640 : i32
    %mul3A_2 = arith.muli %arg1, %mul3A_1 : i32
    "tpu.region"() ({
      %run_scoped3A = tpu.sem_alloc : memref<!tpu.dma_semaphore, #tpu.memory_space<semaphore_mem>>
      %dma_start3A = arith.constant 0 : i32
      %dma_start3A_9 = tpu.memref_slice %arg8[%mul3A_2, %dma_start3A] : memref<10240x128xf32, #tpu.memory_space<vmem_shared>> -> memref<640x128xf32, #tpu.memory_space<vmem_shared>>
      %dma_start3A_10 = arith.constant 0 : i32
      %dma_start3A_11 = tpu.memref_slice %arg3[%mul3A_2, %dma_start3A_10] : memref<10240x128xf32, #tpu.memory_space<hbm>> -> memref<640x128xf32, #tpu.memory_space<hbm>>
      tpu.enqueue_dma source(%dma_start3A_11 : memref<640x128xf32, #tpu.memory_space<hbm>>) target(%dma_start3A_9 : memref<640x128xf32, #tpu.memory_space<vmem_shared>>) target_semaphore(%run_scoped3A : memref<!tpu.dma_semaphore, #tpu.memory_space<semaphore_mem>>)
      %dma_wait3A = arith.constant 0 : i32
      %dma_wait3A_12 = tpu.memref_slice %arg8[%mul3A_2, %dma_wait3A] : memref<10240x128xf32, #tpu.memory_space<vmem_shared>> -> memref<640x128xf32, #tpu.memory_space<vmem_shared>>
      %dma_wait3A_13 = arith.constant 0 : i32
      %dma_wait3A_14 = tpu.memref_slice %arg3[%mul3A_2, %dma_wait3A_13] : memref<10240x128xf32, #tpu.memory_space<hbm>> -> memref<640x128xf32, #tpu.memory_space<hbm>>
      tpu.wait_dma2 semaphore(%run_scoped3A : memref<!tpu.dma_semaphore, #tpu.memory_space<semaphore_mem>>) src(%dma_wait3A_14 : memref<640x128xf32, #tpu.memory_space<hbm>>) dst(%dma_wait3A_12 : memref<640x128xf32, #tpu.memory_space<vmem_shared>>)
      tpu.yield
    }) : () -> ()
    "tpu.region"() ({
      %run_scoped3A = tpu.sem_alloc : memref<!tpu.dma_semaphore, #tpu.memory_space<semaphore_mem>>
      tpu.enqueue_dma source(%arg4 : memref<64x128xf32, #tpu.memory_space<hbm>>) target(%arg7 : memref<64x128xf32, #tpu.memory_space<vmem>>) target_semaphore(%run_scoped3A : memref<!tpu.dma_semaphore, #tpu.memory_space<semaphore_mem>>)
      tpu.wait_dma2 semaphore(%run_scoped3A : memref<!tpu.dma_semaphore, #tpu.memory_space<semaphore_mem>>) src(%arg4 : memref<64x128xf32, #tpu.memory_space<hbm>>) dst(%arg7 : memref<64x128xf32, #tpu.memory_space<vmem>>)
      tpu.yield
    }) : () -> ()
    "tpu.region"() ({
      %run_scoped3A = tpu.sem_alloc : memref<!tpu.dma_semaphore, #tpu.memory_space<semaphore_mem>>
      %dma_start3A = arith.constant 0 : i32
      %dma_start3A_9 = arith.constant 0 : i32
      %dma_start3A_10 = tpu.memref_slice %arg2[%add3A, %dma_start3A, %dma_start3A_9] : memref<32x80x64xi32, #tpu.memory_space<hbm>> -> memref<1x80x64xi32, #tpu.memory_space<hbm>>
      %dma_start3A_11 = tpu.memref_squeeze %dma_start3A_10 : memref<1x80x64xi32, #tpu.memory_space<hbm>> -> memref<80x64xi32, #tpu.memory_space<hbm>>
      %dma_start3A_12 = arith.constant 0 : i32
      %dma_start3A_13 = arith.constant 0 : i32
      %dma_start3A_14 = tpu.memref_slice %arg2[%add3A, %dma_start3A_12, %dma_start3A_13] : memref<32x80x64xi32, #tpu.memory_space<hbm>> -> memref<1x80x64xi32, #tpu.memory_space<hbm>>
      %dma_start3A_15 = tpu.memref_squeeze %dma_start3A_14 : memref<1x80x64xi32, #tpu.memory_space<hbm>> -> memref<80x64xi32, #tpu.memory_space<hbm>>
      tpu.enqueue_dma source(%dma_start3A_15 : memref<80x64xi32, #tpu.memory_space<hbm>>) target(%arg6 : memref<80x64xi32, #tpu.memory_space<vmem>>) target_semaphore(%run_scoped3A : memref<!tpu.dma_semaphore, #tpu.memory_space<semaphore_mem>>)
      %dma_wait3A = arith.constant 0 : i32
      %dma_wait3A_16 = arith.constant 0 : i32
      %dma_wait3A_17 = tpu.memref_slice %arg2[%add3A, %dma_wait3A, %dma_wait3A_16] : memref<32x80x64xi32, #tpu.memory_space<hbm>> -> memref<1x80x64xi32, #tpu.memory_space<hbm>>
      %dma_wait3A_18 = tpu.memref_squeeze %dma_wait3A_17 : memref<1x80x64xi32, #tpu.memory_space<hbm>> -> memref<80x64xi32, #tpu.memory_space<hbm>>
      %dma_wait3A_19 = arith.constant 0 : i32
      %dma_wait3A_20 = arith.constant 0 : i32
      %dma_wait3A_21 = tpu.memref_slice %arg2[%add3A, %dma_wait3A_19, %dma_wait3A_20] : memref<32x80x64xi32, #tpu.memory_space<hbm>> -> memref<1x80x64xi32, #tpu.memory_space<hbm>>
      %dma_wait3A_22 = tpu.memref_squeeze %dma_wait3A_21 : memref<1x80x64xi32, #tpu.memory_space<hbm>> -> memref<80x64xi32, #tpu.memory_space<hbm>>
      tpu.wait_dma2 semaphore(%run_scoped3A : memref<!tpu.dma_semaphore, #tpu.memory_space<semaphore_mem>>) src(%dma_wait3A_22 : memref<80x64xi32, #tpu.memory_space<hbm>>) dst(%arg6 : memref<80x64xi32, #tpu.memory_space<vmem>>)
      tpu.yield
    }) : () -> ()
    %barrier3A = arith.constant 0 : index
    tpu.barrier barrier_id(%barrier3A)
    %scan3A = arith.constant 0 : i32
    %scan3A_3 = arith.constant 0 : i32
    %scan3A_4 = arith.constant 10 : i32
    %scan3A_5 = arith.addi %scan3A_3, %scan3A_4 : i32
    %scan3A_6 = arith.constant 1 : i32
    scf.for %scan3A_9 = %scan3A_3 to %scan3A_5 step %scan3A_6  : i32 {
      %mul3A_10 = arith.constant 8 : i32
      %mul3A_11 = arith.muli %scan3A_9, %mul3A_10 : i32
      %add3A_12 = arith.constant 0 : i32
      %add3A_13 = arith.addi %mul3A_11, %add3A_12 : i32
      %dma_start3A = arith.constant 0 : i32
      %dma_start3A_14 = tpu.memref_slice %arg6[%add3A_13, %dma_start3A] : memref<80x64xi32, #tpu.memory_space<vmem>> -> memref<1x64xi32, #tpu.memory_space<vmem>>
      %dma_start3A_15 = tpu.memref_squeeze %dma_start3A_14 : memref<1x64xi32, #tpu.memory_space<vmem>> -> memref<64xi32, #tpu.memory_space<vmem>>
      %dma_start3A_16 = arith.constant 0 : i32
      %dma_start3A_17 = arith.constant 0 : i32
      %dma_start3A_18 = tpu.memref_slice %arg8[%dma_start3A_16, %dma_start3A_17] : memref<10240x128xf32, #tpu.memory_space<vmem_shared>> -> memref<10240x128xf32, #tpu.memory_space<vmem_shared>>
      tpu.enqueue_indirect_dma source(%arg7 : memref<64x128xf32, #tpu.memory_space<vmem>>) target(%dma_start3A_18 : memref<10240x128xf32, #tpu.memory_space<vmem_shared>>) offsets(%dma_start3A_15 : memref<64xi32, #tpu.memory_space<vmem>>) semaphore(%arg9 : memref<!tpu.dma_semaphore, #tpu.memory_space<semaphore_mem>>) {add = true}
      %add3A_19 = arith.constant 1 : i32
      %add3A_20 = arith.addi %mul3A_11, %add3A_19 : i32
      %dma_start3A_21 = arith.constant 0 : i32
      %dma_start3A_22 = tpu.memref_slice %arg6[%add3A_20, %dma_start3A_21] : memref<80x64xi32, #tpu.memory_space<vmem>> -> memref<1x64xi32, #tpu.memory_space<vmem>>
      %dma_start3A_23 = tpu.memref_squeeze %dma_start3A_22 : memref<1x64xi32, #tpu.memory_space<vmem>> -> memref<64xi32, #tpu.memory_space<vmem>>
      %dma_start3A_24 = arith.constant 0 : i32
      %dma_start3A_25 = arith.constant 0 : i32
      %dma_start3A_26 = tpu.memref_slice %arg8[%dma_start3A_24, %dma_start3A_25] : memref<10240x128xf32, #tpu.memory_space<vmem_shared>> -> memref<10240x128xf32, #tpu.memory_space<vmem_shared>>
      tpu.enqueue_indirect_dma source(%arg7 : memref<64x128xf32, #tpu.memory_space<vmem>>) target(%dma_start3A_26 : memref<10240x128xf32, #tpu.memory_space<vmem_shared>>) offsets(%dma_start3A_23 : memref<64xi32, #tpu.memory_space<vmem>>) semaphore(%arg9 : memref<!tpu.dma_semaphore, #tpu.memory_space<semaphore_mem>>) {add = true}
      %add3A_27 = arith.constant 2 : i32
      %add3A_28 = arith.addi %mul3A_11, %add3A_27 : i32
      %dma_start3A_29 = arith.constant 0 : i32
      %dma_start3A_30 = tpu.memref_slice %arg6[%add3A_28, %dma_start3A_29] : memref<80x64xi32, #tpu.memory_space<vmem>> -> memref<1x64xi32, #tpu.memory_space<vmem>>
      %dma_start3A_31 = tpu.memref_squeeze %dma_start3A_30 : memref<1x64xi32, #tpu.memory_space<vmem>> -> memref<64xi32, #tpu.memory_space<vmem>>
      %dma_start3A_32 = arith.constant 0 : i32
      %dma_start3A_33 = arith.constant 0 : i32
      %dma_start3A_34 = tpu.memref_slice %arg8[%dma_start3A_32, %dma_start3A_33] : memref<10240x128xf32, #tpu.memory_space<vmem_shared>> -> memref<10240x128xf32, #tpu.memory_space<vmem_shared>>
      tpu.enqueue_indirect_dma source(%arg7 : memref<64x128xf32, #tpu.memory_space<vmem>>) target(%dma_start3A_34 : memref<10240x128xf32, #tpu.memory_space<vmem_shared>>) offsets(%dma_start3A_31 : memref<64xi32, #tpu.memory_space<vmem>>) semaphore(%arg9 : memref<!tpu.dma_semaphore, #tpu.memory_space<semaphore_mem>>) {add = true}
      %add3A_35 = arith.constant 3 : i32
      %add3A_36 = arith.addi %mul3A_11, %add3A_35 : i32
      %dma_start3A_37 = arith.constant 0 : i32
      %dma_start3A_38 = tpu.memref_slice %arg6[%add3A_36, %dma_start3A_37] : memref<80x64xi32, #tpu.memory_space<vmem>> -> memref<1x64xi32, #tpu.memory_space<vmem>>
      %dma_start3A_39 = tpu.memref_squeeze %dma_start3A_38 : memref<1x64xi32, #tpu.memory_space<vmem>> -> memref<64xi32, #tpu.memory_space<vmem>>
      %dma_start3A_40 = arith.constant 0 : i32
      %dma_start3A_41 = arith.constant 0 : i32
      %dma_start3A_42 = tpu.memref_slice %arg8[%dma_start3A_40, %dma_start3A_41] : memref<10240x128xf32, #tpu.memory_space<vmem_shared>> -> memref<10240x128xf32, #tpu.memory_space<vmem_shared>>
      tpu.enqueue_indirect_dma source(%arg7 : memref<64x128xf32, #tpu.memory_space<vmem>>) target(%dma_start3A_42 : memref<10240x128xf32, #tpu.memory_space<vmem_shared>>) offsets(%dma_start3A_39 : memref<64xi32, #tpu.memory_space<vmem>>) semaphore(%arg9 : memref<!tpu.dma_semaphore, #tpu.memory_space<semaphore_mem>>) {add = true}
      %add3A_43 = arith.constant 4 : i32
      %add3A_44 = arith.addi %mul3A_11, %add3A_43 : i32
      %dma_start3A_45 = arith.constant 0 : i32
      %dma_start3A_46 = tpu.memref_slice %arg6[%add3A_44, %dma_start3A_45] : memref<80x64xi32, #tpu.memory_space<vmem>> -> memref<1x64xi32, #tpu.memory_space<vmem>>
      %dma_start3A_47 = tpu.memref_squeeze %dma_start3A_46 : memref<1x64xi32, #tpu.memory_space<vmem>> -> memref<64xi32, #tpu.memory_space<vmem>>
      %dma_start3A_48 = arith.constant 0 : i32
      %dma_start3A_49 = arith.constant 0 : i32
      %dma_start3A_50 = tpu.memref_slice %arg8[%dma_start3A_48, %dma_start3A_49] : memref<10240x128xf32, #tpu.memory_space<vmem_shared>> -> memref<10240x128xf32, #tpu.memory_space<vmem_shared>>
      tpu.enqueue_indirect_dma source(%arg7 : memref<64x128xf32, #tpu.memory_space<vmem>>) target(%dma_start3A_50 : memref<10240x128xf32, #tpu.memory_space<vmem_shared>>) offsets(%dma_start3A_47 : memref<64xi32, #tpu.memory_space<vmem>>) semaphore(%arg9 : memref<!tpu.dma_semaphore, #tpu.memory_space<semaphore_mem>>) {add = true}
      %add3A_51 = arith.constant 5 : i32
      %add3A_52 = arith.addi %mul3A_11, %add3A_51 : i32
      %dma_start3A_53 = arith.constant 0 : i32
      %dma_start3A_54 = tpu.memref_slice %arg6[%add3A_52, %dma_start3A_53] : memref<80x64xi32, #tpu.memory_space<vmem>> -> memref<1x64xi32, #tpu.memory_space<vmem>>
      %dma_start3A_55 = tpu.memref_squeeze %dma_start3A_54 : memref<1x64xi32, #tpu.memory_space<vmem>> -> memref<64xi32, #tpu.memory_space<vmem>>
      %dma_start3A_56 = arith.constant 0 : i32
      %dma_start3A_57 = arith.constant 0 : i32
      %dma_start3A_58 = tpu.memref_slice %arg8[%dma_start3A_56, %dma_start3A_57] : memref<10240x128xf32, #tpu.memory_space<vmem_shared>> -> memref<10240x128xf32, #tpu.memory_space<vmem_shared>>
      tpu.enqueue_indirect_dma source(%arg7 : memref<64x128xf32, #tpu.memory_space<vmem>>) target(%dma_start3A_58 : memref<10240x128xf32, #tpu.memory_space<vmem_shared>>) offsets(%dma_start3A_55 : memref<64xi32, #tpu.memory_space<vmem>>) semaphore(%arg9 : memref<!tpu.dma_semaphore, #tpu.memory_space<semaphore_mem>>) {add = true}
      %add3A_59 = arith.constant 6 : i32
      %add3A_60 = arith.addi %mul3A_11, %add3A_59 : i32
      %dma_start3A_61 = arith.constant 0 : i32
      %dma_start3A_62 = tpu.memref_slice %arg6[%add3A_60, %dma_start3A_61] : memref<80x64xi32, #tpu.memory_space<vmem>> -> memref<1x64xi32, #tpu.memory_space<vmem>>
      %dma_start3A_63 = tpu.memref_squeeze %dma_start3A_62 : memref<1x64xi32, #tpu.memory_space<vmem>> -> memref<64xi32, #tpu.memory_space<vmem>>
      %dma_start3A_64 = arith.constant 0 : i32
      %dma_start3A_65 = arith.constant 0 : i32
      %dma_start3A_66 = tpu.memref_slice %arg8[%dma_start3A_64, %dma_start3A_65] : memref<10240x128xf32, #tpu.memory_space<vmem_shared>> -> memref<10240x128xf32, #tpu.memory_space<vmem_shared>>
      tpu.enqueue_indirect_dma source(%arg7 : memref<64x128xf32, #tpu.memory_space<vmem>>) target(%dma_start3A_66 : memref<10240x128xf32, #tpu.memory_space<vmem_shared>>) offsets(%dma_start3A_63 : memref<64xi32, #tpu.memory_space<vmem>>) semaphore(%arg9 : memref<!tpu.dma_semaphore, #tpu.memory_space<semaphore_mem>>) {add = true}
      %add3A_67 = arith.constant 7 : i32
      %add3A_68 = arith.addi %mul3A_11, %add3A_67 : i32
      %dma_start3A_69 = arith.constant 0 : i32
      %dma_start3A_70 = tpu.memref_slice %arg6[%add3A_68, %dma_start3A_69] : memref<80x64xi32, #tpu.memory_space<vmem>> -> memref<1x64xi32, #tpu.memory_space<vmem>>
      %dma_start3A_71 = tpu.memref_squeeze %dma_start3A_70 : memref<1x64xi32, #tpu.memory_space<vmem>> -> memref<64xi32, #tpu.memory_space<vmem>>
      %dma_start3A_72 = arith.constant 0 : i32
      %dma_start3A_73 = arith.constant 0 : i32
      %dma_start3A_74 = tpu.memref_slice %arg8[%dma_start3A_72, %dma_start3A_73] : memref<10240x128xf32, #tpu.memory_space<vmem_shared>> -> memref<10240x128xf32, #tpu.memory_space<vmem_shared>>
      tpu.enqueue_indirect_dma source(%arg7 : memref<64x128xf32, #tpu.memory_space<vmem>>) target(%dma_start3A_74 : memref<10240x128xf32, #tpu.memory_space<vmem_shared>>) offsets(%dma_start3A_71 : memref<64xi32, #tpu.memory_space<vmem>>) semaphore(%arg9 : memref<!tpu.dma_semaphore, #tpu.memory_space<semaphore_mem>>) {add = true}
      %add3A_75 = arith.constant 0 : i32
      %add3A_76 = arith.addi %mul3A_11, %add3A_75 : i32
      %dma_wait3A = arith.constant 0 : i32
      %dma_wait3A_77 = tpu.memref_slice %arg6[%add3A_76, %dma_wait3A] : memref<80x64xi32, #tpu.memory_space<vmem>> -> memref<1x64xi32, #tpu.memory_space<vmem>>
      %dma_wait3A_78 = tpu.memref_squeeze %dma_wait3A_77 : memref<1x64xi32, #tpu.memory_space<vmem>> -> memref<64xi32, #tpu.memory_space<vmem>>
      %dma_wait3A_79 = arith.constant 0 : i32
      %dma_wait3A_80 = arith.constant 0 : i32
      %dma_wait3A_81 = tpu.memref_slice %arg8[%dma_wait3A_79, %dma_wait3A_80] : memref<10240x128xf32, #tpu.memory_space<vmem_shared>> -> memref<10240x128xf32, #tpu.memory_space<vmem_shared>>
      tpu.wait_indirect_dma semaphore(%arg9 : memref<!tpu.dma_semaphore, #tpu.memory_space<semaphore_mem>>) src(%arg7 : memref<64x128xf32, #tpu.memory_space<vmem>>) dst(%dma_wait3A_81 : memref<10240x128xf32, #tpu.memory_space<vmem_shared>>)
      %add3A_82 = arith.constant 1 : i32
      %add3A_83 = arith.addi %mul3A_11, %add3A_82 : i32
      %dma_wait3A_84 = arith.constant 0 : i32
      %dma_wait3A_85 = tpu.memref_slice %arg6[%add3A_83, %dma_wait3A_84] : memref<80x64xi32, #tpu.memory_space<vmem>> -> memref<1x64xi32, #tpu.memory_space<vmem>>
      %dma_wait3A_86 = tpu.memref_squeeze %dma_wait3A_85 : memref<1x64xi32, #tpu.memory_space<vmem>> -> memref<64xi32, #tpu.memory_space<vmem>>
      %dma_wait3A_87 = arith.constant 0 : i32
      %dma_wait3A_88 = arith.constant 0 : i32
      %dma_wait3A_89 = tpu.memref_slice %arg8[%dma_wait3A_87, %dma_wait3A_88] : memref<10240x128xf32, #tpu.memory_space<vmem_shared>> -> memref<10240x128xf32, #tpu.memory_space<vmem_shared>>
      tpu.wait_indirect_dma semaphore(%arg9 : memref<!tpu.dma_semaphore, #tpu.memory_space<semaphore_mem>>) src(%arg7 : memref<64x128xf32, #tpu.memory_space<vmem>>) dst(%dma_wait3A_89 : memref<10240x128xf32, #tpu.memory_space<vmem_shared>>)
      %add3A_90 = arith.constant 2 : i32
      %add3A_91 = arith.addi %mul3A_11, %add3A_90 : i32
      %dma_wait3A_92 = arith.constant 0 : i32
      %dma_wait3A_93 = tpu.memref_slice %arg6[%add3A_91, %dma_wait3A_92] : memref<80x64xi32, #tpu.memory_space<vmem>> -> memref<1x64xi32, #tpu.memory_space<vmem>>
      %dma_wait3A_94 = tpu.memref_squeeze %dma_wait3A_93 : memref<1x64xi32, #tpu.memory_space<vmem>> -> memref<64xi32, #tpu.memory_space<vmem>>
      %dma_wait3A_95 = arith.constant 0 : i32
      %dma_wait3A_96 = arith.constant 0 : i32
      %dma_wait3A_97 = tpu.memref_slice %arg8[%dma_wait3A_95, %dma_wait3A_96] : memref<10240x128xf32, #tpu.memory_space<vmem_shared>> -> memref<10240x128xf32, #tpu.memory_space<vmem_shared>>
      tpu.wait_indirect_dma semaphore(%arg9 : memref<!tpu.dma_semaphore, #tpu.memory_space<semaphore_mem>>) src(%arg7 : memref<64x128xf32, #tpu.memory_space<vmem>>) dst(%dma_wait3A_97 : memref<10240x128xf32, #tpu.memory_space<vmem_shared>>)
      %add3A_98 = arith.constant 3 : i32
      %add3A_99 = arith.addi %mul3A_11, %add3A_98 : i32
      %dma_wait3A_100 = arith.constant 0 : i32
      %dma_wait3A_101 = tpu.memref_slice %arg6[%add3A_99, %dma_wait3A_100] : memref<80x64xi32, #tpu.memory_space<vmem>> -> memref<1x64xi32, #tpu.memory_space<vmem>>
      %dma_wait3A_102 = tpu.memref_squeeze %dma_wait3A_101 : memref<1x64xi32, #tpu.memory_space<vmem>> -> memref<64xi32, #tpu.memory_space<vmem>>
      %dma_wait3A_103 = arith.constant 0 : i32
      %dma_wait3A_104 = arith.constant 0 : i32
      %dma_wait3A_105 = tpu.memref_slice %arg8[%dma_wait3A_103, %dma_wait3A_104] : memref<10240x128xf32, #tpu.memory_space<vmem_shared>> -> memref<10240x128xf32, #tpu.memory_space<vmem_shared>>
      tpu.wait_indirect_dma semaphore(%arg9 : memref<!tpu.dma_semaphore, #tpu.memory_space<semaphore_mem>>) src(%arg7 : memref<64x128xf32, #tpu.memory_space<vmem>>) dst(%dma_wait3A_105 : memref<10240x128xf32, #tpu.memory_space<vmem_shared>>)
      %add3A_106 = arith.constant 4 : i32
      %add3A_107 = arith.addi %mul3A_11, %add3A_106 : i32
      %dma_wait3A_108 = arith.constant 0 : i32
      %dma_wait3A_109 = tpu.memref_slice %arg6[%add3A_107, %dma_wait3A_108] : memref<80x64xi32, #tpu.memory_space<vmem>> -> memref<1x64xi32, #tpu.memory_space<vmem>>
      %dma_wait3A_110 = tpu.memref_squeeze %dma_wait3A_109 : memref<1x64xi32, #tpu.memory_space<vmem>> -> memref<64xi32, #tpu.memory_space<vmem>>
      %dma_wait3A_111 = arith.constant 0 : i32
      %dma_wait3A_112 = arith.constant 0 : i32
      %dma_wait3A_113 = tpu.memref_slice %arg8[%dma_wait3A_111, %dma_wait3A_112] : memref<10240x128xf32, #tpu.memory_space<vmem_shared>> -> memref<10240x128xf32, #tpu.memory_space<vmem_shared>>
      tpu.wait_indirect_dma semaphore(%arg9 : memref<!tpu.dma_semaphore, #tpu.memory_space<semaphore_mem>>) src(%arg7 : memref<64x128xf32, #tpu.memory_space<vmem>>) dst(%dma_wait3A_113 : memref<10240x128xf32, #tpu.memory_space<vmem_shared>>)
      %add3A_114 = arith.constant 5 : i32
      %add3A_115 = arith.addi %mul3A_11, %add3A_114 : i32
      %dma_wait3A_116 = arith.constant 0 : i32
      %dma_wait3A_117 = tpu.memref_slice %arg6[%add3A_115, %dma_wait3A_116] : memref<80x64xi32, #tpu.memory_space<vmem>> -> memref<1x64xi32, #tpu.memory_space<vmem>>
      %dma_wait3A_118 = tpu.memref_squeeze %dma_wait3A_117 : memref<1x64xi32, #tpu.memory_space<vmem>> -> memref<64xi32, #tpu.memory_space<vmem>>
      %dma_wait3A_119 = arith.constant 0 : i32
      %dma_wait3A_120 = arith.constant 0 : i32
      %dma_wait3A_121 = tpu.memref_slice %arg8[%dma_wait3A_119, %dma_wait3A_120] : memref<10240x128xf32, #tpu.memory_space<vmem_shared>> -> memref<10240x128xf32, #tpu.memory_space<vmem_shared>>
      tpu.wait_indirect_dma semaphore(%arg9 : memref<!tpu.dma_semaphore, #tpu.memory_space<semaphore_mem>>) src(%arg7 : memref<64x128xf32, #tpu.memory_space<vmem>>) dst(%dma_wait3A_121 : memref<10240x128xf32, #tpu.memory_space<vmem_shared>>)
      %add3A_122 = arith.constant 6 : i32
      %add3A_123 = arith.addi %mul3A_11, %add3A_122 : i32
      %dma_wait3A_124 = arith.constant 0 : i32
      %dma_wait3A_125 = tpu.memref_slice %arg6[%add3A_123, %dma_wait3A_124] : memref<80x64xi32, #tpu.memory_space<vmem>> -> memref<1x64xi32, #tpu.memory_space<vmem>>
      %dma_wait3A_126 = tpu.memref_squeeze %dma_wait3A_125 : memref<1x64xi32, #tpu.memory_space<vmem>> -> memref<64xi32, #tpu.memory_space<vmem>>
      %dma_wait3A_127 = arith.constant 0 : i32
      %dma_wait3A_128 = arith.constant 0 : i32
      %dma_wait3A_129 = tpu.memref_slice %arg8[%dma_wait3A_127, %dma_wait3A_128] : memref<10240x128xf32, #tpu.memory_space<vmem_shared>> -> memref<10240x128xf32, #tpu.memory_space<vmem_shared>>
      tpu.wait_indirect_dma semaphore(%arg9 : memref<!tpu.dma_semaphore, #tpu.memory_space<semaphore_mem>>) src(%arg7 : memref<64x128xf32, #tpu.memory_space<vmem>>) dst(%dma_wait3A_129 : memref<10240x128xf32, #tpu.memory_space<vmem_shared>>)
      %add3A_130 = arith.constant 7 : i32
      %add3A_131 = arith.addi %mul3A_11, %add3A_130 : i32
      %dma_wait3A_132 = arith.constant 0 : i32
      %dma_wait3A_133 = tpu.memref_slice %arg6[%add3A_131, %dma_wait3A_132] : memref<80x64xi32, #tpu.memory_space<vmem>> -> memref<1x64xi32, #tpu.memory_space<vmem>>
      %dma_wait3A_134 = tpu.memref_squeeze %dma_wait3A_133 : memref<1x64xi32, #tpu.memory_space<vmem>> -> memref<64xi32, #tpu.memory_space<vmem>>
      %dma_wait3A_135 = arith.constant 0 : i32
      %dma_wait3A_136 = arith.constant 0 : i32
      %dma_wait3A_137 = tpu.memref_slice %arg8[%dma_wait3A_135, %dma_wait3A_136] : memref<10240x128xf32, #tpu.memory_space<vmem_shared>> -> memref<10240x128xf32, #tpu.memory_space<vmem_shared>>
      tpu.wait_indirect_dma semaphore(%arg9 : memref<!tpu.dma_semaphore, #tpu.memory_space<semaphore_mem>>) src(%arg7 : memref<64x128xf32, #tpu.memory_space<vmem>>) dst(%dma_wait3A_137 : memref<10240x128xf32, #tpu.memory_space<vmem_shared>>)
    }
    %scan3A_7 = arith.constant 10 : i32
    %barrier3A_8 = arith.constant 0 : index
    tpu.barrier barrier_id(%barrier3A_8)
    "tpu.region"() ({
      %run_scoped3A = tpu.sem_alloc : memref<!tpu.dma_semaphore, #tpu.memory_space<semaphore_mem>>
      %dma_start3A = arith.constant 0 : i32
      %dma_start3A_9 = tpu.memref_slice %arg5[%arg0, %mul3A_2, %dma_start3A] : memref<2x10240x128xf32, #tpu.memory_space<hbm>> -> memref<1x640x128xf32, #tpu.memory_space<hbm>>
      %dma_start3A_10 = tpu.memref_squeeze %dma_start3A_9 : memref<1x640x128xf32, #tpu.memory_space<hbm>> -> memref<640x128xf32, #tpu.memory_space<hbm>>
      %dma_start3A_11 = arith.constant 0 : i32
      %dma_start3A_12 = tpu.memref_slice %arg8[%mul3A_2, %dma_start3A_11] : memref<10240x128xf32, #tpu.memory_space<vmem_shared>> -> memref<640x128xf32, #tpu.memory_space<vmem_shared>>
      tpu.enqueue_dma source(%dma_start3A_12 : memref<640x128xf32, #tpu.memory_space<vmem_shared>>) target(%dma_start3A_10 : memref<640x128xf32, #tpu.memory_space<hbm>>) target_semaphore(%run_scoped3A : memref<!tpu.dma_semaphore, #tpu.memory_space<semaphore_mem>>)
      %dma_wait3A = arith.constant 0 : i32
      %dma_wait3A_13 = tpu.memref_slice %arg5[%arg0, %mul3A_2, %dma_wait3A] : memref<2x10240x128xf32, #tpu.memory_space<hbm>> -> memref<1x640x128xf32, #tpu.memory_space<hbm>>
      %dma_wait3A_14 = tpu.memref_squeeze %dma_wait3A_13 : memref<1x640x128xf32, #tpu.memory_space<hbm>> -> memref<640x128xf32, #tpu.memory_space<hbm>>
      %dma_wait3A_15 = arith.constant 0 : i32
      %dma_wait3A_16 = tpu.memref_slice %arg8[%mul3A_2, %dma_wait3A_15] : memref<10240x128xf32, #tpu.memory_space<vmem_shared>> -> memref<640x128xf32, #tpu.memory_space<vmem_shared>>
      tpu.wait_dma2 semaphore(%run_scoped3A : memref<!tpu.dma_semaphore, #tpu.memory_space<semaphore_mem>>) src(%dma_wait3A_16 : memref<640x128xf32, #tpu.memory_space<vmem_shared>>) dst(%dma_wait3A_14 : memref<640x128xf32, #tpu.memory_space<hbm>>)
      tpu.yield
    }) : () -> ()
    return
  }
}

#map = affine_map<(d0, d1) -> (0, 0)>
#map1 = affine_map<(d0, d1) -> (0, 0, 0, 0)>
#map2 = affine_map<(d0, d1) -> (0, 0, 0)>
module attributes {stable_mosaic.version = 14 : i64} {
  func.func @_edge_agg_body(%arg0: i32, %arg1: i32, %arg2: memref<10000x128xf32, #tpu.memory_space<hbm>>, %arg3: memref<2x16x116x64xi32, #tpu.memory_space<hbm>>, %arg4: memref<2x16x116x64xi32, #tpu.memory_space<hbm>>, %arg5: memref<10240x128xf32, #tpu.memory_space<hbm>>, %arg6: memref<2x10240x128xf32, #tpu.memory_space<hbm>>, %arg7: memref<116x64xi32, #tpu.memory_space<vmem>>, %arg8: memref<116x64xi32, #tpu.memory_space<vmem>>, %arg9: memref<64x128xf32, #tpu.memory_space<vmem>>, %arg10: memref<64x128xf32, #tpu.memory_space<vmem>>, %arg11: memref<10240x128xf32, #tpu.memory_space<vmem_shared>>, %arg12: memref<!tpu.dma_semaphore, #tpu.memory_space<semaphore_mem>>, %arg13: memref<!tpu.dma_semaphore, #tpu.memory_space<semaphore_mem>>, %arg14: memref<!tpu.dma_semaphore, #tpu.memory_space<semaphore_mem>>, %arg15: memref<!tpu.dma_semaphore, #tpu.memory_space<semaphore_mem>>) attributes {dimension_semantics = [#tpu.dimension_semantics<core_parallel>, #tpu.dimension_semantics<subcore_parallel>], iteration_bounds = array<i64: 2, 16>, scalar_prefetch = 0 : i64, scratch_operands = 9 : i64, tpu.core_type = #tpu.core_type<sc_vector_subcore>, window_params = [{transform_indices = #map}, {transform_indices = #map1}, {transform_indices = #map1}, {transform_indices = #map}, {transform_indices = #map2}]} {
    %mul3A = arith.constant 640 : i32
    %mul3A_0 = arith.muli %arg1, %mul3A : i32
    "tpu.region"() ({
      %run_scoped3A = tpu.sem_alloc : memref<!tpu.dma_semaphore, #tpu.memory_space<semaphore_mem>>
      %dma_start3A_29 = arith.constant 0 : i32
      %dma_start3A_30 = tpu.memref_slice %arg11[%mul3A_0, %dma_start3A_29] : memref<10240x128xf32, #tpu.memory_space<vmem_shared>> -> memref<640x128xf32, #tpu.memory_space<vmem_shared>>
      %dma_start3A_31 = arith.constant 0 : i32
      %dma_start3A_32 = tpu.memref_slice %arg5[%mul3A_0, %dma_start3A_31] : memref<10240x128xf32, #tpu.memory_space<hbm>> -> memref<640x128xf32, #tpu.memory_space<hbm>>
      tpu.enqueue_dma source(%dma_start3A_32 : memref<640x128xf32, #tpu.memory_space<hbm>>) target(%dma_start3A_30 : memref<640x128xf32, #tpu.memory_space<vmem_shared>>) target_semaphore(%run_scoped3A : memref<!tpu.dma_semaphore, #tpu.memory_space<semaphore_mem>>)
      %dma_wait3A_33 = arith.constant 0 : i32
      %dma_wait3A_34 = tpu.memref_slice %arg11[%mul3A_0, %dma_wait3A_33] : memref<10240x128xf32, #tpu.memory_space<vmem_shared>> -> memref<640x128xf32, #tpu.memory_space<vmem_shared>>
      %dma_wait3A_35 = arith.constant 0 : i32
      %dma_wait3A_36 = tpu.memref_slice %arg5[%mul3A_0, %dma_wait3A_35] : memref<10240x128xf32, #tpu.memory_space<hbm>> -> memref<640x128xf32, #tpu.memory_space<hbm>>
      tpu.wait_dma2 semaphore(%run_scoped3A : memref<!tpu.dma_semaphore, #tpu.memory_space<semaphore_mem>>) src(%dma_wait3A_36 : memref<640x128xf32, #tpu.memory_space<hbm>>) dst(%dma_wait3A_34 : memref<640x128xf32, #tpu.memory_space<vmem_shared>>)
      tpu.yield
    }) : () -> ()
    "tpu.region"() ({
      %run_scoped3A = tpu.sem_alloc : memref<!tpu.dma_semaphore, #tpu.memory_space<semaphore_mem>>
      %dma_start3A_29 = arith.constant 0 : i32
      %dma_start3A_30 = arith.constant 0 : i32
      %dma_start3A_31 = tpu.memref_slice %arg3[%arg0, %arg1, %dma_start3A_29, %dma_start3A_30] : memref<2x16x116x64xi32, #tpu.memory_space<hbm>> -> memref<1x1x116x64xi32, #tpu.memory_space<hbm>>
      %dma_start3A_32 = tpu.memref_squeeze %dma_start3A_31 : memref<1x1x116x64xi32, #tpu.memory_space<hbm>> -> memref<116x64xi32, #tpu.memory_space<hbm>>
      %dma_start3A_33 = arith.constant 0 : i32
      %dma_start3A_34 = arith.constant 0 : i32
      %dma_start3A_35 = tpu.memref_slice %arg3[%arg0, %arg1, %dma_start3A_33, %dma_start3A_34] : memref<2x16x116x64xi32, #tpu.memory_space<hbm>> -> memref<1x1x116x64xi32, #tpu.memory_space<hbm>>
      %dma_start3A_36 = tpu.memref_squeeze %dma_start3A_35 : memref<1x1x116x64xi32, #tpu.memory_space<hbm>> -> memref<116x64xi32, #tpu.memory_space<hbm>>
      tpu.enqueue_dma source(%dma_start3A_36 : memref<116x64xi32, #tpu.memory_space<hbm>>) target(%arg7 : memref<116x64xi32, #tpu.memory_space<vmem>>) target_semaphore(%run_scoped3A : memref<!tpu.dma_semaphore, #tpu.memory_space<semaphore_mem>>)
      %dma_wait3A_37 = arith.constant 0 : i32
      %dma_wait3A_38 = arith.constant 0 : i32
      %dma_wait3A_39 = tpu.memref_slice %arg3[%arg0, %arg1, %dma_wait3A_37, %dma_wait3A_38] : memref<2x16x116x64xi32, #tpu.memory_space<hbm>> -> memref<1x1x116x64xi32, #tpu.memory_space<hbm>>
      %dma_wait3A_40 = tpu.memref_squeeze %dma_wait3A_39 : memref<1x1x116x64xi32, #tpu.memory_space<hbm>> -> memref<116x64xi32, #tpu.memory_space<hbm>>
      %dma_wait3A_41 = arith.constant 0 : i32
      %dma_wait3A_42 = arith.constant 0 : i32
      %dma_wait3A_43 = tpu.memref_slice %arg3[%arg0, %arg1, %dma_wait3A_41, %dma_wait3A_42] : memref<2x16x116x64xi32, #tpu.memory_space<hbm>> -> memref<1x1x116x64xi32, #tpu.memory_space<hbm>>
      %dma_wait3A_44 = tpu.memref_squeeze %dma_wait3A_43 : memref<1x1x116x64xi32, #tpu.memory_space<hbm>> -> memref<116x64xi32, #tpu.memory_space<hbm>>
      tpu.wait_dma2 semaphore(%run_scoped3A : memref<!tpu.dma_semaphore, #tpu.memory_space<semaphore_mem>>) src(%dma_wait3A_44 : memref<116x64xi32, #tpu.memory_space<hbm>>) dst(%arg7 : memref<116x64xi32, #tpu.memory_space<vmem>>)
      tpu.yield
    }) : () -> ()
    "tpu.region"() ({
      %run_scoped3A = tpu.sem_alloc : memref<!tpu.dma_semaphore, #tpu.memory_space<semaphore_mem>>
      %dma_start3A_29 = arith.constant 0 : i32
      %dma_start3A_30 = arith.constant 0 : i32
      %dma_start3A_31 = tpu.memref_slice %arg4[%arg0, %arg1, %dma_start3A_29, %dma_start3A_30] : memref<2x16x116x64xi32, #tpu.memory_space<hbm>> -> memref<1x1x116x64xi32, #tpu.memory_space<hbm>>
      %dma_start3A_32 = tpu.memref_squeeze %dma_start3A_31 : memref<1x1x116x64xi32, #tpu.memory_space<hbm>> -> memref<116x64xi32, #tpu.memory_space<hbm>>
      %dma_start3A_33 = arith.constant 0 : i32
      %dma_start3A_34 = arith.constant 0 : i32
      %dma_start3A_35 = tpu.memref_slice %arg4[%arg0, %arg1, %dma_start3A_33, %dma_start3A_34] : memref<2x16x116x64xi32, #tpu.memory_space<hbm>> -> memref<1x1x116x64xi32, #tpu.memory_space<hbm>>
      %dma_start3A_36 = tpu.memref_squeeze %dma_start3A_35 : memref<1x1x116x64xi32, #tpu.memory_space<hbm>> -> memref<116x64xi32, #tpu.memory_space<hbm>>
      tpu.enqueue_dma source(%dma_start3A_36 : memref<116x64xi32, #tpu.memory_space<hbm>>) target(%arg8 : memref<116x64xi32, #tpu.memory_space<vmem>>) target_semaphore(%run_scoped3A : memref<!tpu.dma_semaphore, #tpu.memory_space<semaphore_mem>>)
      %dma_wait3A_37 = arith.constant 0 : i32
      %dma_wait3A_38 = arith.constant 0 : i32
      %dma_wait3A_39 = tpu.memref_slice %arg4[%arg0, %arg1, %dma_wait3A_37, %dma_wait3A_38] : memref<2x16x116x64xi32, #tpu.memory_space<hbm>> -> memref<1x1x116x64xi32, #tpu.memory_space<hbm>>
      %dma_wait3A_40 = tpu.memref_squeeze %dma_wait3A_39 : memref<1x1x116x64xi32, #tpu.memory_space<hbm>> -> memref<116x64xi32, #tpu.memory_space<hbm>>
      %dma_wait3A_41 = arith.constant 0 : i32
      %dma_wait3A_42 = arith.constant 0 : i32
      %dma_wait3A_43 = tpu.memref_slice %arg4[%arg0, %arg1, %dma_wait3A_41, %dma_wait3A_42] : memref<2x16x116x64xi32, #tpu.memory_space<hbm>> -> memref<1x1x116x64xi32, #tpu.memory_space<hbm>>
      %dma_wait3A_44 = tpu.memref_squeeze %dma_wait3A_43 : memref<1x1x116x64xi32, #tpu.memory_space<hbm>> -> memref<116x64xi32, #tpu.memory_space<hbm>>
      tpu.wait_dma2 semaphore(%run_scoped3A : memref<!tpu.dma_semaphore, #tpu.memory_space<semaphore_mem>>) src(%dma_wait3A_44 : memref<116x64xi32, #tpu.memory_space<hbm>>) dst(%arg8 : memref<116x64xi32, #tpu.memory_space<vmem>>)
      tpu.yield
    }) : () -> ()
    %barrier3A = arith.constant 0 : index
    tpu.barrier barrier_id(%barrier3A)
    %eq3A = arith.constant 0 : i32
    %eq3A_1 = arith.cmpi eq, %arg0, %eq3A : i32
    %jit3A = arith.constant 58 : i32
    %jit3A_2 = arith.constant 21 : i32
    %select_n3A = arith.select %eq3A_1, %jit3A, %jit3A_2 : i32
    %eq3A_3 = arith.constant 0 : i32
    %eq3A_4 = arith.cmpi eq, %arg0, %eq3A_3 : i32
    %jit3A_5 = arith.constant 115 : i32
    %jit3A_6 = arith.constant 41 : i32
    %select_n3A_7 = arith.select %eq3A_4, %jit3A_5, %jit3A_6 : i32
    %dma_start3A = arith.constant 0 : i32
    %dma_start3A_8 = arith.constant 0 : i32
    %dma_start3A_9 = tpu.memref_slice %arg7[%dma_start3A, %dma_start3A_8] : memref<116x64xi32, #tpu.memory_space<vmem>> -> memref<1x64xi32, #tpu.memory_space<vmem>>
    %dma_start3A_10 = tpu.memref_squeeze %dma_start3A_9 : memref<1x64xi32, #tpu.memory_space<vmem>> -> memref<64xi32, #tpu.memory_space<vmem>>
    %dma_start3A_11 = arith.constant 0 : i32
    %dma_start3A_12 = arith.constant 0 : i32
    %dma_start3A_13 = tpu.memref_slice %arg2[%dma_start3A_11, %dma_start3A_12] : memref<10000x128xf32, #tpu.memory_space<hbm>> -> memref<10000x128xf32, #tpu.memory_space<hbm>>
    tpu.enqueue_indirect_dma source(%dma_start3A_13 : memref<10000x128xf32, #tpu.memory_space<hbm>>) target(%arg9 : memref<64x128xf32, #tpu.memory_space<vmem>>) offsets(%dma_start3A_10 : memref<64xi32, #tpu.memory_space<vmem>>) semaphore(%arg12 : memref<!tpu.dma_semaphore, #tpu.memory_space<semaphore_mem>>)
    %while3A = arith.constant 0 : i32
    %while3A_14 = arith.constant 0 : i32
    %while3A_15 = arith.subi %select_n3A, %while3A_14 : i32
    %while3A_16 = arith.addi %while3A_14, %while3A_15 : i32
    %while3A_17 = arith.constant 1 : i32
    %while3A_18 = arith.divsi %while3A_15, %while3A_17 : i32
    %while3A_19 = arith.muli %while3A_18, %while3A_17 : i32
    %while3A_20 = arith.addi %while3A_14, %while3A_19 : i32
    %while3A_21 = arith.constant 1 : i32
    scf.for %while3A_29 = %while3A_14 to %while3A_20 step %while3A_21  : i32 {
      %mul3A_30 = arith.constant 2 : i32
      %mul3A_31 = arith.muli %mul3A_30, %while3A_29 : i32
      %dma_wait3A_32 = arith.constant 0 : i32
      %dma_wait3A_33 = tpu.memref_slice %arg7[%mul3A_31, %dma_wait3A_32] : memref<116x64xi32, #tpu.memory_space<vmem>> -> memref<1x64xi32, #tpu.memory_space<vmem>>
      %dma_wait3A_34 = tpu.memref_squeeze %dma_wait3A_33 : memref<1x64xi32, #tpu.memory_space<vmem>> -> memref<64xi32, #tpu.memory_space<vmem>>
      %dma_wait3A_35 = arith.constant 0 : i32
      %dma_wait3A_36 = arith.constant 0 : i32
      %dma_wait3A_37 = tpu.memref_slice %arg2[%dma_wait3A_35, %dma_wait3A_36] : memref<10000x128xf32, #tpu.memory_space<hbm>> -> memref<10000x128xf32, #tpu.memory_space<hbm>>
      tpu.wait_indirect_dma semaphore(%arg12 : memref<!tpu.dma_semaphore, #tpu.memory_space<semaphore_mem>>) src(%dma_wait3A_37 : memref<10000x128xf32, #tpu.memory_space<hbm>>) dst(%arg9 : memref<64x128xf32, #tpu.memory_space<vmem>>)
      %gt3A = arith.constant 0 : i32
      %gt3A_38 = arith.cmpi sgt, %while3A_29, %gt3A : i32
      %convert_element_type3A = arith.extui %gt3A_38 : i1 to i32
      %cond3A = arith.constant 0 : i32
      %cond3A_39 = arith.cmpi ne, %convert_element_type3A, %cond3A : i32
      scf.if %cond3A_39 {
        %sub3A_79 = arith.constant 1 : i32
        %sub3A_80 = arith.subi %mul3A_31, %sub3A_79 : i32
        %dma_wait3A_81 = arith.constant 0 : i32
        %dma_wait3A_82 = tpu.memref_slice %arg8[%sub3A_80, %dma_wait3A_81] : memref<116x64xi32, #tpu.memory_space<vmem>> -> memref<1x64xi32, #tpu.memory_space<vmem>>
        %dma_wait3A_83 = tpu.memref_squeeze %dma_wait3A_82 : memref<1x64xi32, #tpu.memory_space<vmem>> -> memref<64xi32, #tpu.memory_space<vmem>>
        %dma_wait3A_84 = arith.constant 0 : i32
        %dma_wait3A_85 = arith.constant 0 : i32
        %dma_wait3A_86 = tpu.memref_slice %arg11[%dma_wait3A_84, %dma_wait3A_85] : memref<10240x128xf32, #tpu.memory_space<vmem_shared>> -> memref<10240x128xf32, #tpu.memory_space<vmem_shared>>
        tpu.wait_indirect_dma semaphore(%arg15 : memref<!tpu.dma_semaphore, #tpu.memory_space<semaphore_mem>>) src(%arg10 : memref<64x128xf32, #tpu.memory_space<vmem>>) dst(%dma_wait3A_86 : memref<10240x128xf32, #tpu.memory_space<vmem_shared>>)
      } else {
      }
      %add3A = arith.constant 1 : i32
      %add3A_40 = arith.addi %mul3A_31, %add3A : i32
      %dma_start3A_41 = arith.constant 0 : i32
      %dma_start3A_42 = tpu.memref_slice %arg7[%add3A_40, %dma_start3A_41] : memref<116x64xi32, #tpu.memory_space<vmem>> -> memref<1x64xi32, #tpu.memory_space<vmem>>
      %dma_start3A_43 = tpu.memref_squeeze %dma_start3A_42 : memref<1x64xi32, #tpu.memory_space<vmem>> -> memref<64xi32, #tpu.memory_space<vmem>>
      %dma_start3A_44 = arith.constant 0 : i32
      %dma_start3A_45 = arith.constant 0 : i32
      %dma_start3A_46 = tpu.memref_slice %arg2[%dma_start3A_44, %dma_start3A_45] : memref<10000x128xf32, #tpu.memory_space<hbm>> -> memref<10000x128xf32, #tpu.memory_space<hbm>>
      tpu.enqueue_indirect_dma source(%dma_start3A_46 : memref<10000x128xf32, #tpu.memory_space<hbm>>) target(%arg10 : memref<64x128xf32, #tpu.memory_space<vmem>>) offsets(%dma_start3A_43 : memref<64xi32, #tpu.memory_space<vmem>>) semaphore(%arg13 : memref<!tpu.dma_semaphore, #tpu.memory_space<semaphore_mem>>)
      %dma_start3A_47 = arith.constant 0 : i32
      %dma_start3A_48 = tpu.memref_slice %arg8[%mul3A_31, %dma_start3A_47] : memref<116x64xi32, #tpu.memory_space<vmem>> -> memref<1x64xi32, #tpu.memory_space<vmem>>
      %dma_start3A_49 = tpu.memref_squeeze %dma_start3A_48 : memref<1x64xi32, #tpu.memory_space<vmem>> -> memref<64xi32, #tpu.memory_space<vmem>>
      %dma_start3A_50 = arith.constant 0 : i32
      %dma_start3A_51 = arith.constant 0 : i32
      %dma_start3A_52 = tpu.memref_slice %arg11[%dma_start3A_50, %dma_start3A_51] : memref<10240x128xf32, #tpu.memory_space<vmem_shared>> -> memref<10240x128xf32, #tpu.memory_space<vmem_shared>>
      tpu.enqueue_indirect_dma source(%arg9 : memref<64x128xf32, #tpu.memory_space<vmem>>) target(%dma_start3A_52 : memref<10240x128xf32, #tpu.memory_space<vmem_shared>>) offsets(%dma_start3A_49 : memref<64xi32, #tpu.memory_space<vmem>>) semaphore(%arg14 : memref<!tpu.dma_semaphore, #tpu.memory_space<semaphore_mem>>) {add = true}
      %add3A_53 = arith.constant 1 : i32
      %add3A_54 = arith.addi %mul3A_31, %add3A_53 : i32
      %dma_wait3A_55 = arith.constant 0 : i32
      %dma_wait3A_56 = tpu.memref_slice %arg7[%add3A_54, %dma_wait3A_55] : memref<116x64xi32, #tpu.memory_space<vmem>> -> memref<1x64xi32, #tpu.memory_space<vmem>>
      %dma_wait3A_57 = tpu.memref_squeeze %dma_wait3A_56 : memref<1x64xi32, #tpu.memory_space<vmem>> -> memref<64xi32, #tpu.memory_space<vmem>>
      %dma_wait3A_58 = arith.constant 0 : i32
      %dma_wait3A_59 = arith.constant 0 : i32
      %dma_wait3A_60 = tpu.memref_slice %arg2[%dma_wait3A_58, %dma_wait3A_59] : memref<10000x128xf32, #tpu.memory_space<hbm>> -> memref<10000x128xf32, #tpu.memory_space<hbm>>
      tpu.wait_indirect_dma semaphore(%arg13 : memref<!tpu.dma_semaphore, #tpu.memory_space<semaphore_mem>>) src(%dma_wait3A_60 : memref<10000x128xf32, #tpu.memory_space<hbm>>) dst(%arg10 : memref<64x128xf32, #tpu.memory_space<vmem>>)
      %dma_wait3A_61 = arith.constant 0 : i32
      %dma_wait3A_62 = tpu.memref_slice %arg8[%mul3A_31, %dma_wait3A_61] : memref<116x64xi32, #tpu.memory_space<vmem>> -> memref<1x64xi32, #tpu.memory_space<vmem>>
      %dma_wait3A_63 = tpu.memref_squeeze %dma_wait3A_62 : memref<1x64xi32, #tpu.memory_space<vmem>> -> memref<64xi32, #tpu.memory_space<vmem>>
      %dma_wait3A_64 = arith.constant 0 : i32
      %dma_wait3A_65 = arith.constant 0 : i32
      %dma_wait3A_66 = tpu.memref_slice %arg11[%dma_wait3A_64, %dma_wait3A_65] : memref<10240x128xf32, #tpu.memory_space<vmem_shared>> -> memref<10240x128xf32, #tpu.memory_space<vmem_shared>>
      tpu.wait_indirect_dma semaphore(%arg14 : memref<!tpu.dma_semaphore, #tpu.memory_space<semaphore_mem>>) src(%arg9 : memref<64x128xf32, #tpu.memory_space<vmem>>) dst(%dma_wait3A_66 : memref<10240x128xf32, #tpu.memory_space<vmem_shared>>)
      %sub3A = arith.constant 1 : i32
      %sub3A_67 = arith.subi %select_n3A, %sub3A : i32
      %lt3A = arith.cmpi slt, %while3A_29, %sub3A_67 : i32
      %convert_element_type3A_68 = arith.extui %lt3A : i1 to i32
      %cond3A_69 = arith.constant 0 : i32
      %cond3A_70 = arith.cmpi ne, %convert_element_type3A_68, %cond3A_69 : i32
      scf.if %cond3A_70 {
        %add3A_79 = arith.constant 2 : i32
        %add3A_80 = arith.addi %mul3A_31, %add3A_79 : i32
        %dma_start3A_81 = arith.constant 0 : i32
        %dma_start3A_82 = tpu.memref_slice %arg7[%add3A_80, %dma_start3A_81] : memref<116x64xi32, #tpu.memory_space<vmem>> -> memref<1x64xi32, #tpu.memory_space<vmem>>
        %dma_start3A_83 = tpu.memref_squeeze %dma_start3A_82 : memref<1x64xi32, #tpu.memory_space<vmem>> -> memref<64xi32, #tpu.memory_space<vmem>>
        %dma_start3A_84 = arith.constant 0 : i32
        %dma_start3A_85 = arith.constant 0 : i32
        %dma_start3A_86 = tpu.memref_slice %arg2[%dma_start3A_84, %dma_start3A_85] : memref<10000x128xf32, #tpu.memory_space<hbm>> -> memref<10000x128xf32, #tpu.memory_space<hbm>>
        tpu.enqueue_indirect_dma source(%dma_start3A_86 : memref<10000x128xf32, #tpu.memory_space<hbm>>) target(%arg9 : memref<64x128xf32, #tpu.memory_space<vmem>>) offsets(%dma_start3A_83 : memref<64xi32, #tpu.memory_space<vmem>>) semaphore(%arg12 : memref<!tpu.dma_semaphore, #tpu.memory_space<semaphore_mem>>)
      } else {
      }
      %add3A_71 = arith.constant 1 : i32
      %add3A_72 = arith.addi %mul3A_31, %add3A_71 : i32
      %dma_start3A_73 = arith.constant 0 : i32
      %dma_start3A_74 = tpu.memref_slice %arg8[%add3A_72, %dma_start3A_73] : memref<116x64xi32, #tpu.memory_space<vmem>> -> memref<1x64xi32, #tpu.memory_space<vmem>>
      %dma_start3A_75 = tpu.memref_squeeze %dma_start3A_74 : memref<1x64xi32, #tpu.memory_space<vmem>> -> memref<64xi32, #tpu.memory_space<vmem>>
      %dma_start3A_76 = arith.constant 0 : i32
      %dma_start3A_77 = arith.constant 0 : i32
      %dma_start3A_78 = tpu.memref_slice %arg11[%dma_start3A_76, %dma_start3A_77] : memref<10240x128xf32, #tpu.memory_space<vmem_shared>> -> memref<10240x128xf32, #tpu.memory_space<vmem_shared>>
      tpu.enqueue_indirect_dma source(%arg10 : memref<64x128xf32, #tpu.memory_space<vmem>>) target(%dma_start3A_78 : memref<10240x128xf32, #tpu.memory_space<vmem_shared>>) offsets(%dma_start3A_75 : memref<64xi32, #tpu.memory_space<vmem>>) semaphore(%arg15 : memref<!tpu.dma_semaphore, #tpu.memory_space<semaphore_mem>>) {add = true}
    }
    %while3A_22 = arith.constant 1 : i32
    scf.for %while3A_29 = %while3A_20 to %while3A_16 step %while3A_22  : i32 {
      %mul3A_30 = arith.constant 2 : i32
      %mul3A_31 = arith.muli %mul3A_30, %while3A_29 : i32
      %dma_wait3A_32 = arith.constant 0 : i32
      %dma_wait3A_33 = tpu.memref_slice %arg7[%mul3A_31, %dma_wait3A_32] : memref<116x64xi32, #tpu.memory_space<vmem>> -> memref<1x64xi32, #tpu.memory_space<vmem>>
      %dma_wait3A_34 = tpu.memref_squeeze %dma_wait3A_33 : memref<1x64xi32, #tpu.memory_space<vmem>> -> memref<64xi32, #tpu.memory_space<vmem>>
      %dma_wait3A_35 = arith.constant 0 : i32
      %dma_wait3A_36 = arith.constant 0 : i32
      %dma_wait3A_37 = tpu.memref_slice %arg2[%dma_wait3A_35, %dma_wait3A_36] : memref<10000x128xf32, #tpu.memory_space<hbm>> -> memref<10000x128xf32, #tpu.memory_space<hbm>>
      tpu.wait_indirect_dma semaphore(%arg12 : memref<!tpu.dma_semaphore, #tpu.memory_space<semaphore_mem>>) src(%dma_wait3A_37 : memref<10000x128xf32, #tpu.memory_space<hbm>>) dst(%arg9 : memref<64x128xf32, #tpu.memory_space<vmem>>)
      %gt3A = arith.constant 0 : i32
      %gt3A_38 = arith.cmpi sgt, %while3A_29, %gt3A : i32
      %convert_element_type3A = arith.extui %gt3A_38 : i1 to i32
      %cond3A = arith.constant 0 : i32
      %cond3A_39 = arith.cmpi ne, %convert_element_type3A, %cond3A : i32
      scf.if %cond3A_39 {
        %sub3A_79 = arith.constant 1 : i32
        %sub3A_80 = arith.subi %mul3A_31, %sub3A_79 : i32
        %dma_wait3A_81 = arith.constant 0 : i32
        %dma_wait3A_82 = tpu.memref_slice %arg8[%sub3A_80, %dma_wait3A_81] : memref<116x64xi32, #tpu.memory_space<vmem>> -> memref<1x64xi32, #tpu.memory_space<vmem>>
        %dma_wait3A_83 = tpu.memref_squeeze %dma_wait3A_82 : memref<1x64xi32, #tpu.memory_space<vmem>> -> memref<64xi32, #tpu.memory_space<vmem>>
        %dma_wait3A_84 = arith.constant 0 : i32
        %dma_wait3A_85 = arith.constant 0 : i32
        %dma_wait3A_86 = tpu.memref_slice %arg11[%dma_wait3A_84, %dma_wait3A_85] : memref<10240x128xf32, #tpu.memory_space<vmem_shared>> -> memref<10240x128xf32, #tpu.memory_space<vmem_shared>>
        tpu.wait_indirect_dma semaphore(%arg15 : memref<!tpu.dma_semaphore, #tpu.memory_space<semaphore_mem>>) src(%arg10 : memref<64x128xf32, #tpu.memory_space<vmem>>) dst(%dma_wait3A_86 : memref<10240x128xf32, #tpu.memory_space<vmem_shared>>)
      } else {
      }
      %add3A = arith.constant 1 : i32
      %add3A_40 = arith.addi %mul3A_31, %add3A : i32
      %dma_start3A_41 = arith.constant 0 : i32
      %dma_start3A_42 = tpu.memref_slice %arg7[%add3A_40, %dma_start3A_41] : memref<116x64xi32, #tpu.memory_space<vmem>> -> memref<1x64xi32, #tpu.memory_space<vmem>>
      %dma_start3A_43 = tpu.memref_squeeze %dma_start3A_42 : memref<1x64xi32, #tpu.memory_space<vmem>> -> memref<64xi32, #tpu.memory_space<vmem>>
      %dma_start3A_44 = arith.constant 0 : i32
      %dma_start3A_45 = arith.constant 0 : i32
      %dma_start3A_46 = tpu.memref_slice %arg2[%dma_start3A_44, %dma_start3A_45] : memref<10000x128xf32, #tpu.memory_space<hbm>> -> memref<10000x128xf32, #tpu.memory_space<hbm>>
      tpu.enqueue_indirect_dma source(%dma_start3A_46 : memref<10000x128xf32, #tpu.memory_space<hbm>>) target(%arg10 : memref<64x128xf32, #tpu.memory_space<vmem>>) offsets(%dma_start3A_43 : memref<64xi32, #tpu.memory_space<vmem>>) semaphore(%arg13 : memref<!tpu.dma_semaphore, #tpu.memory_space<semaphore_mem>>)
      %dma_start3A_47 = arith.constant 0 : i32
      %dma_start3A_48 = tpu.memref_slice %arg8[%mul3A_31, %dma_start3A_47] : memref<116x64xi32, #tpu.memory_space<vmem>> -> memref<1x64xi32, #tpu.memory_space<vmem>>
      %dma_start3A_49 = tpu.memref_squeeze %dma_start3A_48 : memref<1x64xi32, #tpu.memory_space<vmem>> -> memref<64xi32, #tpu.memory_space<vmem>>
      %dma_start3A_50 = arith.constant 0 : i32
      %dma_start3A_51 = arith.constant 0 : i32
      %dma_start3A_52 = tpu.memref_slice %arg11[%dma_start3A_50, %dma_start3A_51] : memref<10240x128xf32, #tpu.memory_space<vmem_shared>> -> memref<10240x128xf32, #tpu.memory_space<vmem_shared>>
      tpu.enqueue_indirect_dma source(%arg9 : memref<64x128xf32, #tpu.memory_space<vmem>>) target(%dma_start3A_52 : memref<10240x128xf32, #tpu.memory_space<vmem_shared>>) offsets(%dma_start3A_49 : memref<64xi32, #tpu.memory_space<vmem>>) semaphore(%arg14 : memref<!tpu.dma_semaphore, #tpu.memory_space<semaphore_mem>>) {add = true}
      %add3A_53 = arith.constant 1 : i32
      %add3A_54 = arith.addi %mul3A_31, %add3A_53 : i32
      %dma_wait3A_55 = arith.constant 0 : i32
      %dma_wait3A_56 = tpu.memref_slice %arg7[%add3A_54, %dma_wait3A_55] : memref<116x64xi32, #tpu.memory_space<vmem>> -> memref<1x64xi32, #tpu.memory_space<vmem>>
      %dma_wait3A_57 = tpu.memref_squeeze %dma_wait3A_56 : memref<1x64xi32, #tpu.memory_space<vmem>> -> memref<64xi32, #tpu.memory_space<vmem>>
      %dma_wait3A_58 = arith.constant 0 : i32
      %dma_wait3A_59 = arith.constant 0 : i32
      %dma_wait3A_60 = tpu.memref_slice %arg2[%dma_wait3A_58, %dma_wait3A_59] : memref<10000x128xf32, #tpu.memory_space<hbm>> -> memref<10000x128xf32, #tpu.memory_space<hbm>>
      tpu.wait_indirect_dma semaphore(%arg13 : memref<!tpu.dma_semaphore, #tpu.memory_space<semaphore_mem>>) src(%dma_wait3A_60 : memref<10000x128xf32, #tpu.memory_space<hbm>>) dst(%arg10 : memref<64x128xf32, #tpu.memory_space<vmem>>)
      %dma_wait3A_61 = arith.constant 0 : i32
      %dma_wait3A_62 = tpu.memref_slice %arg8[%mul3A_31, %dma_wait3A_61] : memref<116x64xi32, #tpu.memory_space<vmem>> -> memref<1x64xi32, #tpu.memory_space<vmem>>
      %dma_wait3A_63 = tpu.memref_squeeze %dma_wait3A_62 : memref<1x64xi32, #tpu.memory_space<vmem>> -> memref<64xi32, #tpu.memory_space<vmem>>
      %dma_wait3A_64 = arith.constant 0 : i32
      %dma_wait3A_65 = arith.constant 0 : i32
      %dma_wait3A_66 = tpu.memref_slice %arg11[%dma_wait3A_64, %dma_wait3A_65] : memref<10240x128xf32, #tpu.memory_space<vmem_shared>> -> memref<10240x128xf32, #tpu.memory_space<vmem_shared>>
      tpu.wait_indirect_dma semaphore(%arg14 : memref<!tpu.dma_semaphore, #tpu.memory_space<semaphore_mem>>) src(%arg9 : memref<64x128xf32, #tpu.memory_space<vmem>>) dst(%dma_wait3A_66 : memref<10240x128xf32, #tpu.memory_space<vmem_shared>>)
      %sub3A = arith.constant 1 : i32
      %sub3A_67 = arith.subi %select_n3A, %sub3A : i32
      %lt3A = arith.cmpi slt, %while3A_29, %sub3A_67 : i32
      %convert_element_type3A_68 = arith.extui %lt3A : i1 to i32
      %cond3A_69 = arith.constant 0 : i32
      %cond3A_70 = arith.cmpi ne, %convert_element_type3A_68, %cond3A_69 : i32
      scf.if %cond3A_70 {
        %add3A_79 = arith.constant 2 : i32
        %add3A_80 = arith.addi %mul3A_31, %add3A_79 : i32
        %dma_start3A_81 = arith.constant 0 : i32
        %dma_start3A_82 = tpu.memref_slice %arg7[%add3A_80, %dma_start3A_81] : memref<116x64xi32, #tpu.memory_space<vmem>> -> memref<1x64xi32, #tpu.memory_space<vmem>>
        %dma_start3A_83 = tpu.memref_squeeze %dma_start3A_82 : memref<1x64xi32, #tpu.memory_space<vmem>> -> memref<64xi32, #tpu.memory_space<vmem>>
        %dma_start3A_84 = arith.constant 0 : i32
        %dma_start3A_85 = arith.constant 0 : i32
        %dma_start3A_86 = tpu.memref_slice %arg2[%dma_start3A_84, %dma_start3A_85] : memref<10000x128xf32, #tpu.memory_space<hbm>> -> memref<10000x128xf32, #tpu.memory_space<hbm>>
        tpu.enqueue_indirect_dma source(%dma_start3A_86 : memref<10000x128xf32, #tpu.memory_space<hbm>>) target(%arg9 : memref<64x128xf32, #tpu.memory_space<vmem>>) offsets(%dma_start3A_83 : memref<64xi32, #tpu.memory_space<vmem>>) semaphore(%arg12 : memref<!tpu.dma_semaphore, #tpu.memory_space<semaphore_mem>>)
      } else {
      }
      %add3A_71 = arith.constant 1 : i32
      %add3A_72 = arith.addi %mul3A_31, %add3A_71 : i32
      %dma_start3A_73 = arith.constant 0 : i32
      %dma_start3A_74 = tpu.memref_slice %arg8[%add3A_72, %dma_start3A_73] : memref<116x64xi32, #tpu.memory_space<vmem>> -> memref<1x64xi32, #tpu.memory_space<vmem>>
      %dma_start3A_75 = tpu.memref_squeeze %dma_start3A_74 : memref<1x64xi32, #tpu.memory_space<vmem>> -> memref<64xi32, #tpu.memory_space<vmem>>
      %dma_start3A_76 = arith.constant 0 : i32
      %dma_start3A_77 = arith.constant 0 : i32
      %dma_start3A_78 = tpu.memref_slice %arg11[%dma_start3A_76, %dma_start3A_77] : memref<10240x128xf32, #tpu.memory_space<vmem_shared>> -> memref<10240x128xf32, #tpu.memory_space<vmem_shared>>
      tpu.enqueue_indirect_dma source(%arg10 : memref<64x128xf32, #tpu.memory_space<vmem>>) target(%dma_start3A_78 : memref<10240x128xf32, #tpu.memory_space<vmem_shared>>) offsets(%dma_start3A_75 : memref<64xi32, #tpu.memory_space<vmem>>) semaphore(%arg15 : memref<!tpu.dma_semaphore, #tpu.memory_space<semaphore_mem>>) {add = true}
    }
    %dma_wait3A = arith.constant 0 : i32
    %dma_wait3A_23 = tpu.memref_slice %arg8[%select_n3A_7, %dma_wait3A] : memref<116x64xi32, #tpu.memory_space<vmem>> -> memref<1x64xi32, #tpu.memory_space<vmem>>
    %dma_wait3A_24 = tpu.memref_squeeze %dma_wait3A_23 : memref<1x64xi32, #tpu.memory_space<vmem>> -> memref<64xi32, #tpu.memory_space<vmem>>
    %dma_wait3A_25 = arith.constant 0 : i32
    %dma_wait3A_26 = arith.constant 0 : i32
    %dma_wait3A_27 = tpu.memref_slice %arg11[%dma_wait3A_25, %dma_wait3A_26] : memref<10240x128xf32, #tpu.memory_space<vmem_shared>> -> memref<10240x128xf32, #tpu.memory_space<vmem_shared>>
    tpu.wait_indirect_dma semaphore(%arg15 : memref<!tpu.dma_semaphore, #tpu.memory_space<semaphore_mem>>) src(%arg10 : memref<64x128xf32, #tpu.memory_space<vmem>>) dst(%dma_wait3A_27 : memref<10240x128xf32, #tpu.memory_space<vmem_shared>>)
    %barrier3A_28 = arith.constant 0 : index
    tpu.barrier barrier_id(%barrier3A_28)
    "tpu.region"() ({
      %run_scoped3A = tpu.sem_alloc : memref<!tpu.dma_semaphore, #tpu.memory_space<semaphore_mem>>
      %dma_start3A_29 = arith.constant 0 : i32
      %dma_start3A_30 = tpu.memref_slice %arg6[%arg0, %mul3A_0, %dma_start3A_29] : memref<2x10240x128xf32, #tpu.memory_space<hbm>> -> memref<1x640x128xf32, #tpu.memory_space<hbm>>
      %dma_start3A_31 = tpu.memref_squeeze %dma_start3A_30 : memref<1x640x128xf32, #tpu.memory_space<hbm>> -> memref<640x128xf32, #tpu.memory_space<hbm>>
      %dma_start3A_32 = arith.constant 0 : i32
      %dma_start3A_33 = tpu.memref_slice %arg11[%mul3A_0, %dma_start3A_32] : memref<10240x128xf32, #tpu.memory_space<vmem_shared>> -> memref<640x128xf32, #tpu.memory_space<vmem_shared>>
      tpu.enqueue_dma source(%dma_start3A_33 : memref<640x128xf32, #tpu.memory_space<vmem_shared>>) target(%dma_start3A_31 : memref<640x128xf32, #tpu.memory_space<hbm>>) target_semaphore(%run_scoped3A : memref<!tpu.dma_semaphore, #tpu.memory_space<semaphore_mem>>)
      %dma_wait3A_34 = arith.constant 0 : i32
      %dma_wait3A_35 = tpu.memref_slice %arg6[%arg0, %mul3A_0, %dma_wait3A_34] : memref<2x10240x128xf32, #tpu.memory_space<hbm>> -> memref<1x640x128xf32, #tpu.memory_space<hbm>>
      %dma_wait3A_36 = tpu.memref_squeeze %dma_wait3A_35 : memref<1x640x128xf32, #tpu.memory_space<hbm>> -> memref<640x128xf32, #tpu.memory_space<hbm>>
      %dma_wait3A_37 = arith.constant 0 : i32
      %dma_wait3A_38 = tpu.memref_slice %arg11[%mul3A_0, %dma_wait3A_37] : memref<10240x128xf32, #tpu.memory_space<vmem_shared>> -> memref<640x128xf32, #tpu.memory_space<vmem_shared>>
      tpu.wait_dma2 semaphore(%run_scoped3A : memref<!tpu.dma_semaphore, #tpu.memory_space<semaphore_mem>>) src(%dma_wait3A_38 : memref<640x128xf32, #tpu.memory_space<vmem_shared>>) dst(%dma_wait3A_36 : memref<640x128xf32, #tpu.memory_space<hbm>>)
      tpu.yield
    }) : () -> ()
    return
  }
}

#map = affine_map<(d0, d1) -> (0, 0)>
#map1 = affine_map<(d0, d1) -> (0, 0, 0, 0)>
#map2 = affine_map<(d0, d1) -> (0, 0, 0)>
module attributes {stable_mosaic.version = 14 : i64} {
  func.func @_edge_agg_body(%arg0: i32, %arg1: i32, %arg2: memref<10000x128xf32, #tpu.memory_space<hbm>>, %arg3: memref<2x16x116x64xi32, #tpu.memory_space<hbm>>, %arg4: memref<2x16x116x64xi32, #tpu.memory_space<hbm>>, %arg5: memref<10240x128xf32, #tpu.memory_space<hbm>>, %arg6: memref<2x10240x128xf32, #tpu.memory_space<hbm>>, %arg7: memref<116x64xi32, #tpu.memory_space<vmem>>, %arg8: memref<116x64xi32, #tpu.memory_space<vmem>>, %arg9: memref<64x128xf32, #tpu.memory_space<vmem>>, %arg10: memref<64x128xf32, #tpu.memory_space<vmem>>, %arg11: memref<10240x128xf32, #tpu.memory_space<vmem_shared>>, %arg12: memref<!tpu.dma_semaphore, #tpu.memory_space<semaphore_mem>>, %arg13: memref<!tpu.dma_semaphore, #tpu.memory_space<semaphore_mem>>, %arg14: memref<!tpu.dma_semaphore, #tpu.memory_space<semaphore_mem>>, %arg15: memref<!tpu.dma_semaphore, #tpu.memory_space<semaphore_mem>>) attributes {dimension_semantics = [#tpu.dimension_semantics<core_parallel>, #tpu.dimension_semantics<subcore_parallel>], iteration_bounds = array<i64: 2, 16>, scalar_prefetch = 0 : i64, scratch_operands = 9 : i64, tpu.core_type = #tpu.core_type<sc_vector_subcore>, window_params = [{transform_indices = #map}, {transform_indices = #map1}, {transform_indices = #map1}, {transform_indices = #map}, {transform_indices = #map2}]} {
    %mul3A = arith.constant 640 : i32
    %mul3A_0 = arith.muli %arg1, %mul3A : i32
    "tpu.region"() ({
      %run_scoped3A = tpu.sem_alloc : memref<!tpu.dma_semaphore, #tpu.memory_space<semaphore_mem>>
      %dma_start3A_29 = arith.constant 0 : i32
      %dma_start3A_30 = tpu.memref_slice %arg11[%mul3A_0, %dma_start3A_29] : memref<10240x128xf32, #tpu.memory_space<vmem_shared>> -> memref<640x128xf32, #tpu.memory_space<vmem_shared>>
      %dma_start3A_31 = arith.constant 0 : i32
      %dma_start3A_32 = tpu.memref_slice %arg5[%mul3A_0, %dma_start3A_31] : memref<10240x128xf32, #tpu.memory_space<hbm>> -> memref<640x128xf32, #tpu.memory_space<hbm>>
      tpu.enqueue_dma source(%dma_start3A_32 : memref<640x128xf32, #tpu.memory_space<hbm>>) target(%dma_start3A_30 : memref<640x128xf32, #tpu.memory_space<vmem_shared>>) target_semaphore(%run_scoped3A : memref<!tpu.dma_semaphore, #tpu.memory_space<semaphore_mem>>)
      %dma_wait3A_33 = arith.constant 0 : i32
      %dma_wait3A_34 = tpu.memref_slice %arg11[%mul3A_0, %dma_wait3A_33] : memref<10240x128xf32, #tpu.memory_space<vmem_shared>> -> memref<640x128xf32, #tpu.memory_space<vmem_shared>>
      %dma_wait3A_35 = arith.constant 0 : i32
      %dma_wait3A_36 = tpu.memref_slice %arg5[%mul3A_0, %dma_wait3A_35] : memref<10240x128xf32, #tpu.memory_space<hbm>> -> memref<640x128xf32, #tpu.memory_space<hbm>>
      tpu.wait_dma2 semaphore(%run_scoped3A : memref<!tpu.dma_semaphore, #tpu.memory_space<semaphore_mem>>) src(%dma_wait3A_36 : memref<640x128xf32, #tpu.memory_space<hbm>>) dst(%dma_wait3A_34 : memref<640x128xf32, #tpu.memory_space<vmem_shared>>)
      tpu.yield
    }) : () -> ()
    "tpu.region"() ({
      %run_scoped3A = tpu.sem_alloc : memref<!tpu.dma_semaphore, #tpu.memory_space<semaphore_mem>>
      %dma_start3A_29 = arith.constant 0 : i32
      %dma_start3A_30 = arith.constant 0 : i32
      %dma_start3A_31 = tpu.memref_slice %arg3[%arg0, %arg1, %dma_start3A_29, %dma_start3A_30] : memref<2x16x116x64xi32, #tpu.memory_space<hbm>> -> memref<1x1x116x64xi32, #tpu.memory_space<hbm>>
      %dma_start3A_32 = tpu.memref_squeeze %dma_start3A_31 : memref<1x1x116x64xi32, #tpu.memory_space<hbm>> -> memref<116x64xi32, #tpu.memory_space<hbm>>
      %dma_start3A_33 = arith.constant 0 : i32
      %dma_start3A_34 = arith.constant 0 : i32
      %dma_start3A_35 = tpu.memref_slice %arg3[%arg0, %arg1, %dma_start3A_33, %dma_start3A_34] : memref<2x16x116x64xi32, #tpu.memory_space<hbm>> -> memref<1x1x116x64xi32, #tpu.memory_space<hbm>>
      %dma_start3A_36 = tpu.memref_squeeze %dma_start3A_35 : memref<1x1x116x64xi32, #tpu.memory_space<hbm>> -> memref<116x64xi32, #tpu.memory_space<hbm>>
      tpu.enqueue_dma source(%dma_start3A_36 : memref<116x64xi32, #tpu.memory_space<hbm>>) target(%arg7 : memref<116x64xi32, #tpu.memory_space<vmem>>) target_semaphore(%run_scoped3A : memref<!tpu.dma_semaphore, #tpu.memory_space<semaphore_mem>>)
      %dma_wait3A_37 = arith.constant 0 : i32
      %dma_wait3A_38 = arith.constant 0 : i32
      %dma_wait3A_39 = tpu.memref_slice %arg3[%arg0, %arg1, %dma_wait3A_37, %dma_wait3A_38] : memref<2x16x116x64xi32, #tpu.memory_space<hbm>> -> memref<1x1x116x64xi32, #tpu.memory_space<hbm>>
      %dma_wait3A_40 = tpu.memref_squeeze %dma_wait3A_39 : memref<1x1x116x64xi32, #tpu.memory_space<hbm>> -> memref<116x64xi32, #tpu.memory_space<hbm>>
      %dma_wait3A_41 = arith.constant 0 : i32
      %dma_wait3A_42 = arith.constant 0 : i32
      %dma_wait3A_43 = tpu.memref_slice %arg3[%arg0, %arg1, %dma_wait3A_41, %dma_wait3A_42] : memref<2x16x116x64xi32, #tpu.memory_space<hbm>> -> memref<1x1x116x64xi32, #tpu.memory_space<hbm>>
      %dma_wait3A_44 = tpu.memref_squeeze %dma_wait3A_43 : memref<1x1x116x64xi32, #tpu.memory_space<hbm>> -> memref<116x64xi32, #tpu.memory_space<hbm>>
      tpu.wait_dma2 semaphore(%run_scoped3A : memref<!tpu.dma_semaphore, #tpu.memory_space<semaphore_mem>>) src(%dma_wait3A_44 : memref<116x64xi32, #tpu.memory_space<hbm>>) dst(%arg7 : memref<116x64xi32, #tpu.memory_space<vmem>>)
      tpu.yield
    }) : () -> ()
    "tpu.region"() ({
      %run_scoped3A = tpu.sem_alloc : memref<!tpu.dma_semaphore, #tpu.memory_space<semaphore_mem>>
      %dma_start3A_29 = arith.constant 0 : i32
      %dma_start3A_30 = arith.constant 0 : i32
      %dma_start3A_31 = tpu.memref_slice %arg4[%arg0, %arg1, %dma_start3A_29, %dma_start3A_30] : memref<2x16x116x64xi32, #tpu.memory_space<hbm>> -> memref<1x1x116x64xi32, #tpu.memory_space<hbm>>
      %dma_start3A_32 = tpu.memref_squeeze %dma_start3A_31 : memref<1x1x116x64xi32, #tpu.memory_space<hbm>> -> memref<116x64xi32, #tpu.memory_space<hbm>>
      %dma_start3A_33 = arith.constant 0 : i32
      %dma_start3A_34 = arith.constant 0 : i32
      %dma_start3A_35 = tpu.memref_slice %arg4[%arg0, %arg1, %dma_start3A_33, %dma_start3A_34] : memref<2x16x116x64xi32, #tpu.memory_space<hbm>> -> memref<1x1x116x64xi32, #tpu.memory_space<hbm>>
      %dma_start3A_36 = tpu.memref_squeeze %dma_start3A_35 : memref<1x1x116x64xi32, #tpu.memory_space<hbm>> -> memref<116x64xi32, #tpu.memory_space<hbm>>
      tpu.enqueue_dma source(%dma_start3A_36 : memref<116x64xi32, #tpu.memory_space<hbm>>) target(%arg8 : memref<116x64xi32, #tpu.memory_space<vmem>>) target_semaphore(%run_scoped3A : memref<!tpu.dma_semaphore, #tpu.memory_space<semaphore_mem>>)
      %dma_wait3A_37 = arith.constant 0 : i32
      %dma_wait3A_38 = arith.constant 0 : i32
      %dma_wait3A_39 = tpu.memref_slice %arg4[%arg0, %arg1, %dma_wait3A_37, %dma_wait3A_38] : memref<2x16x116x64xi32, #tpu.memory_space<hbm>> -> memref<1x1x116x64xi32, #tpu.memory_space<hbm>>
      %dma_wait3A_40 = tpu.memref_squeeze %dma_wait3A_39 : memref<1x1x116x64xi32, #tpu.memory_space<hbm>> -> memref<116x64xi32, #tpu.memory_space<hbm>>
      %dma_wait3A_41 = arith.constant 0 : i32
      %dma_wait3A_42 = arith.constant 0 : i32
      %dma_wait3A_43 = tpu.memref_slice %arg4[%arg0, %arg1, %dma_wait3A_41, %dma_wait3A_42] : memref<2x16x116x64xi32, #tpu.memory_space<hbm>> -> memref<1x1x116x64xi32, #tpu.memory_space<hbm>>
      %dma_wait3A_44 = tpu.memref_squeeze %dma_wait3A_43 : memref<1x1x116x64xi32, #tpu.memory_space<hbm>> -> memref<116x64xi32, #tpu.memory_space<hbm>>
      tpu.wait_dma2 semaphore(%run_scoped3A : memref<!tpu.dma_semaphore, #tpu.memory_space<semaphore_mem>>) src(%dma_wait3A_44 : memref<116x64xi32, #tpu.memory_space<hbm>>) dst(%arg8 : memref<116x64xi32, #tpu.memory_space<vmem>>)
      tpu.yield
    }) : () -> ()
    %barrier3A = arith.constant 0 : index
    tpu.barrier barrier_id(%barrier3A)
    %eq3A = arith.constant 0 : i32
    %eq3A_1 = arith.cmpi eq, %arg0, %eq3A : i32
    %jit3A = arith.constant 58 : i32
    %jit3A_2 = arith.constant 21 : i32
    %select_n3A = arith.select %eq3A_1, %jit3A, %jit3A_2 : i32
    %eq3A_3 = arith.constant 0 : i32
    %eq3A_4 = arith.cmpi eq, %arg0, %eq3A_3 : i32
    %jit3A_5 = arith.constant 115 : i32
    %jit3A_6 = arith.constant 41 : i32
    %select_n3A_7 = arith.select %eq3A_4, %jit3A_5, %jit3A_6 : i32
    %dma_start3A = arith.constant 0 : i32
    %dma_start3A_8 = arith.constant 0 : i32
    %dma_start3A_9 = tpu.memref_slice %arg7[%dma_start3A, %dma_start3A_8] : memref<116x64xi32, #tpu.memory_space<vmem>> -> memref<1x64xi32, #tpu.memory_space<vmem>>
    %dma_start3A_10 = tpu.memref_squeeze %dma_start3A_9 : memref<1x64xi32, #tpu.memory_space<vmem>> -> memref<64xi32, #tpu.memory_space<vmem>>
    %dma_start3A_11 = arith.constant 0 : i32
    %dma_start3A_12 = arith.constant 0 : i32
    %dma_start3A_13 = tpu.memref_slice %arg2[%dma_start3A_11, %dma_start3A_12] : memref<10000x128xf32, #tpu.memory_space<hbm>> -> memref<10000x128xf32, #tpu.memory_space<hbm>>
    tpu.enqueue_indirect_dma source(%dma_start3A_13 : memref<10000x128xf32, #tpu.memory_space<hbm>>) target(%arg9 : memref<64x128xf32, #tpu.memory_space<vmem>>) offsets(%dma_start3A_10 : memref<64xi32, #tpu.memory_space<vmem>>) semaphore(%arg12 : memref<!tpu.dma_semaphore, #tpu.memory_space<semaphore_mem>>)
    %while3A = arith.constant 0 : i32
    %while3A_14 = arith.constant 0 : i32
    %while3A_15 = arith.subi %select_n3A, %while3A_14 : i32
    %while3A_16 = arith.addi %while3A_14, %while3A_15 : i32
    %while3A_17 = arith.constant 1 : i32
    %while3A_18 = arith.divsi %while3A_15, %while3A_17 : i32
    %while3A_19 = arith.muli %while3A_18, %while3A_17 : i32
    %while3A_20 = arith.addi %while3A_14, %while3A_19 : i32
    %while3A_21 = arith.constant 1 : i32
    scf.for %while3A_29 = %while3A_14 to %while3A_20 step %while3A_21  : i32 {
      %mul3A_30 = arith.constant 2 : i32
      %mul3A_31 = arith.muli %mul3A_30, %while3A_29 : i32
      %dma_wait3A_32 = arith.constant 0 : i32
      %dma_wait3A_33 = tpu.memref_slice %arg7[%mul3A_31, %dma_wait3A_32] : memref<116x64xi32, #tpu.memory_space<vmem>> -> memref<1x64xi32, #tpu.memory_space<vmem>>
      %dma_wait3A_34 = tpu.memref_squeeze %dma_wait3A_33 : memref<1x64xi32, #tpu.memory_space<vmem>> -> memref<64xi32, #tpu.memory_space<vmem>>
      %dma_wait3A_35 = arith.constant 0 : i32
      %dma_wait3A_36 = arith.constant 0 : i32
      %dma_wait3A_37 = tpu.memref_slice %arg2[%dma_wait3A_35, %dma_wait3A_36] : memref<10000x128xf32, #tpu.memory_space<hbm>> -> memref<10000x128xf32, #tpu.memory_space<hbm>>
      tpu.wait_indirect_dma semaphore(%arg12 : memref<!tpu.dma_semaphore, #tpu.memory_space<semaphore_mem>>) src(%dma_wait3A_37 : memref<10000x128xf32, #tpu.memory_space<hbm>>) dst(%arg9 : memref<64x128xf32, #tpu.memory_space<vmem>>)
      %gt3A = arith.constant 0 : i32
      %gt3A_38 = arith.cmpi sgt, %while3A_29, %gt3A : i32
      %convert_element_type3A = arith.extui %gt3A_38 : i1 to i32
      %cond3A = arith.constant 0 : i32
      %cond3A_39 = arith.cmpi ne, %convert_element_type3A, %cond3A : i32
      scf.if %cond3A_39 {
        %sub3A_79 = arith.constant 1 : i32
        %sub3A_80 = arith.subi %mul3A_31, %sub3A_79 : i32
        %dma_wait3A_81 = arith.constant 0 : i32
        %dma_wait3A_82 = tpu.memref_slice %arg8[%sub3A_80, %dma_wait3A_81] : memref<116x64xi32, #tpu.memory_space<vmem>> -> memref<1x64xi32, #tpu.memory_space<vmem>>
        %dma_wait3A_83 = tpu.memref_squeeze %dma_wait3A_82 : memref<1x64xi32, #tpu.memory_space<vmem>> -> memref<64xi32, #tpu.memory_space<vmem>>
        %dma_wait3A_84 = arith.constant 0 : i32
        %dma_wait3A_85 = arith.constant 0 : i32
        %dma_wait3A_86 = tpu.memref_slice %arg11[%dma_wait3A_84, %dma_wait3A_85] : memref<10240x128xf32, #tpu.memory_space<vmem_shared>> -> memref<10240x128xf32, #tpu.memory_space<vmem_shared>>
        tpu.wait_indirect_dma semaphore(%arg15 : memref<!tpu.dma_semaphore, #tpu.memory_space<semaphore_mem>>) src(%arg10 : memref<64x128xf32, #tpu.memory_space<vmem>>) dst(%dma_wait3A_86 : memref<10240x128xf32, #tpu.memory_space<vmem_shared>>)
      } else {
      }
      %add3A = arith.constant 1 : i32
      %add3A_40 = arith.addi %mul3A_31, %add3A : i32
      %dma_start3A_41 = arith.constant 0 : i32
      %dma_start3A_42 = tpu.memref_slice %arg7[%add3A_40, %dma_start3A_41] : memref<116x64xi32, #tpu.memory_space<vmem>> -> memref<1x64xi32, #tpu.memory_space<vmem>>
      %dma_start3A_43 = tpu.memref_squeeze %dma_start3A_42 : memref<1x64xi32, #tpu.memory_space<vmem>> -> memref<64xi32, #tpu.memory_space<vmem>>
      %dma_start3A_44 = arith.constant 0 : i32
      %dma_start3A_45 = arith.constant 0 : i32
      %dma_start3A_46 = tpu.memref_slice %arg2[%dma_start3A_44, %dma_start3A_45] : memref<10000x128xf32, #tpu.memory_space<hbm>> -> memref<10000x128xf32, #tpu.memory_space<hbm>>
      tpu.enqueue_indirect_dma source(%dma_start3A_46 : memref<10000x128xf32, #tpu.memory_space<hbm>>) target(%arg10 : memref<64x128xf32, #tpu.memory_space<vmem>>) offsets(%dma_start3A_43 : memref<64xi32, #tpu.memory_space<vmem>>) semaphore(%arg13 : memref<!tpu.dma_semaphore, #tpu.memory_space<semaphore_mem>>)
      %dma_start3A_47 = arith.constant 0 : i32
      %dma_start3A_48 = tpu.memref_slice %arg8[%mul3A_31, %dma_start3A_47] : memref<116x64xi32, #tpu.memory_space<vmem>> -> memref<1x64xi32, #tpu.memory_space<vmem>>
      %dma_start3A_49 = tpu.memref_squeeze %dma_start3A_48 : memref<1x64xi32, #tpu.memory_space<vmem>> -> memref<64xi32, #tpu.memory_space<vmem>>
      %dma_start3A_50 = arith.constant 0 : i32
      %dma_start3A_51 = arith.constant 0 : i32
      %dma_start3A_52 = tpu.memref_slice %arg11[%dma_start3A_50, %dma_start3A_51] : memref<10240x128xf32, #tpu.memory_space<vmem_shared>> -> memref<10240x128xf32, #tpu.memory_space<vmem_shared>>
      tpu.enqueue_indirect_dma source(%arg9 : memref<64x128xf32, #tpu.memory_space<vmem>>) target(%dma_start3A_52 : memref<10240x128xf32, #tpu.memory_space<vmem_shared>>) offsets(%dma_start3A_49 : memref<64xi32, #tpu.memory_space<vmem>>) semaphore(%arg14 : memref<!tpu.dma_semaphore, #tpu.memory_space<semaphore_mem>>) {add = true}
      %add3A_53 = arith.constant 1 : i32
      %add3A_54 = arith.addi %mul3A_31, %add3A_53 : i32
      %dma_wait3A_55 = arith.constant 0 : i32
      %dma_wait3A_56 = tpu.memref_slice %arg7[%add3A_54, %dma_wait3A_55] : memref<116x64xi32, #tpu.memory_space<vmem>> -> memref<1x64xi32, #tpu.memory_space<vmem>>
      %dma_wait3A_57 = tpu.memref_squeeze %dma_wait3A_56 : memref<1x64xi32, #tpu.memory_space<vmem>> -> memref<64xi32, #tpu.memory_space<vmem>>
      %dma_wait3A_58 = arith.constant 0 : i32
      %dma_wait3A_59 = arith.constant 0 : i32
      %dma_wait3A_60 = tpu.memref_slice %arg2[%dma_wait3A_58, %dma_wait3A_59] : memref<10000x128xf32, #tpu.memory_space<hbm>> -> memref<10000x128xf32, #tpu.memory_space<hbm>>
      tpu.wait_indirect_dma semaphore(%arg13 : memref<!tpu.dma_semaphore, #tpu.memory_space<semaphore_mem>>) src(%dma_wait3A_60 : memref<10000x128xf32, #tpu.memory_space<hbm>>) dst(%arg10 : memref<64x128xf32, #tpu.memory_space<vmem>>)
      %dma_wait3A_61 = arith.constant 0 : i32
      %dma_wait3A_62 = tpu.memref_slice %arg8[%mul3A_31, %dma_wait3A_61] : memref<116x64xi32, #tpu.memory_space<vmem>> -> memref<1x64xi32, #tpu.memory_space<vmem>>
      %dma_wait3A_63 = tpu.memref_squeeze %dma_wait3A_62 : memref<1x64xi32, #tpu.memory_space<vmem>> -> memref<64xi32, #tpu.memory_space<vmem>>
      %dma_wait3A_64 = arith.constant 0 : i32
      %dma_wait3A_65 = arith.constant 0 : i32
      %dma_wait3A_66 = tpu.memref_slice %arg11[%dma_wait3A_64, %dma_wait3A_65] : memref<10240x128xf32, #tpu.memory_space<vmem_shared>> -> memref<10240x128xf32, #tpu.memory_space<vmem_shared>>
      tpu.wait_indirect_dma semaphore(%arg14 : memref<!tpu.dma_semaphore, #tpu.memory_space<semaphore_mem>>) src(%arg9 : memref<64x128xf32, #tpu.memory_space<vmem>>) dst(%dma_wait3A_66 : memref<10240x128xf32, #tpu.memory_space<vmem_shared>>)
      %sub3A = arith.constant 1 : i32
      %sub3A_67 = arith.subi %select_n3A, %sub3A : i32
      %lt3A = arith.cmpi slt, %while3A_29, %sub3A_67 : i32
      %convert_element_type3A_68 = arith.extui %lt3A : i1 to i32
      %cond3A_69 = arith.constant 0 : i32
      %cond3A_70 = arith.cmpi ne, %convert_element_type3A_68, %cond3A_69 : i32
      scf.if %cond3A_70 {
        %add3A_79 = arith.constant 2 : i32
        %add3A_80 = arith.addi %mul3A_31, %add3A_79 : i32
        %dma_start3A_81 = arith.constant 0 : i32
        %dma_start3A_82 = tpu.memref_slice %arg7[%add3A_80, %dma_start3A_81] : memref<116x64xi32, #tpu.memory_space<vmem>> -> memref<1x64xi32, #tpu.memory_space<vmem>>
        %dma_start3A_83 = tpu.memref_squeeze %dma_start3A_82 : memref<1x64xi32, #tpu.memory_space<vmem>> -> memref<64xi32, #tpu.memory_space<vmem>>
        %dma_start3A_84 = arith.constant 0 : i32
        %dma_start3A_85 = arith.constant 0 : i32
        %dma_start3A_86 = tpu.memref_slice %arg2[%dma_start3A_84, %dma_start3A_85] : memref<10000x128xf32, #tpu.memory_space<hbm>> -> memref<10000x128xf32, #tpu.memory_space<hbm>>
        tpu.enqueue_indirect_dma source(%dma_start3A_86 : memref<10000x128xf32, #tpu.memory_space<hbm>>) target(%arg9 : memref<64x128xf32, #tpu.memory_space<vmem>>) offsets(%dma_start3A_83 : memref<64xi32, #tpu.memory_space<vmem>>) semaphore(%arg12 : memref<!tpu.dma_semaphore, #tpu.memory_space<semaphore_mem>>)
      } else {
      }
      %add3A_71 = arith.constant 1 : i32
      %add3A_72 = arith.addi %mul3A_31, %add3A_71 : i32
      %dma_start3A_73 = arith.constant 0 : i32
      %dma_start3A_74 = tpu.memref_slice %arg8[%add3A_72, %dma_start3A_73] : memref<116x64xi32, #tpu.memory_space<vmem>> -> memref<1x64xi32, #tpu.memory_space<vmem>>
      %dma_start3A_75 = tpu.memref_squeeze %dma_start3A_74 : memref<1x64xi32, #tpu.memory_space<vmem>> -> memref<64xi32, #tpu.memory_space<vmem>>
      %dma_start3A_76 = arith.constant 0 : i32
      %dma_start3A_77 = arith.constant 0 : i32
      %dma_start3A_78 = tpu.memref_slice %arg11[%dma_start3A_76, %dma_start3A_77] : memref<10240x128xf32, #tpu.memory_space<vmem_shared>> -> memref<10240x128xf32, #tpu.memory_space<vmem_shared>>
      tpu.enqueue_indirect_dma source(%arg10 : memref<64x128xf32, #tpu.memory_space<vmem>>) target(%dma_start3A_78 : memref<10240x128xf32, #tpu.memory_space<vmem_shared>>) offsets(%dma_start3A_75 : memref<64xi32, #tpu.memory_space<vmem>>) semaphore(%arg15 : memref<!tpu.dma_semaphore, #tpu.memory_space<semaphore_mem>>) {add = true}
    }
    %while3A_22 = arith.constant 1 : i32
    scf.for %while3A_29 = %while3A_20 to %while3A_16 step %while3A_22  : i32 {
      %mul3A_30 = arith.constant 2 : i32
      %mul3A_31 = arith.muli %mul3A_30, %while3A_29 : i32
      %dma_wait3A_32 = arith.constant 0 : i32
      %dma_wait3A_33 = tpu.memref_slice %arg7[%mul3A_31, %dma_wait3A_32] : memref<116x64xi32, #tpu.memory_space<vmem>> -> memref<1x64xi32, #tpu.memory_space<vmem>>
      %dma_wait3A_34 = tpu.memref_squeeze %dma_wait3A_33 : memref<1x64xi32, #tpu.memory_space<vmem>> -> memref<64xi32, #tpu.memory_space<vmem>>
      %dma_wait3A_35 = arith.constant 0 : i32
      %dma_wait3A_36 = arith.constant 0 : i32
      %dma_wait3A_37 = tpu.memref_slice %arg2[%dma_wait3A_35, %dma_wait3A_36] : memref<10000x128xf32, #tpu.memory_space<hbm>> -> memref<10000x128xf32, #tpu.memory_space<hbm>>
      tpu.wait_indirect_dma semaphore(%arg12 : memref<!tpu.dma_semaphore, #tpu.memory_space<semaphore_mem>>) src(%dma_wait3A_37 : memref<10000x128xf32, #tpu.memory_space<hbm>>) dst(%arg9 : memref<64x128xf32, #tpu.memory_space<vmem>>)
      %gt3A = arith.constant 0 : i32
      %gt3A_38 = arith.cmpi sgt, %while3A_29, %gt3A : i32
      %convert_element_type3A = arith.extui %gt3A_38 : i1 to i32
      %cond3A = arith.constant 0 : i32
      %cond3A_39 = arith.cmpi ne, %convert_element_type3A, %cond3A : i32
      scf.if %cond3A_39 {
        %sub3A_79 = arith.constant 1 : i32
        %sub3A_80 = arith.subi %mul3A_31, %sub3A_79 : i32
        %dma_wait3A_81 = arith.constant 0 : i32
        %dma_wait3A_82 = tpu.memref_slice %arg8[%sub3A_80, %dma_wait3A_81] : memref<116x64xi32, #tpu.memory_space<vmem>> -> memref<1x64xi32, #tpu.memory_space<vmem>>
        %dma_wait3A_83 = tpu.memref_squeeze %dma_wait3A_82 : memref<1x64xi32, #tpu.memory_space<vmem>> -> memref<64xi32, #tpu.memory_space<vmem>>
        %dma_wait3A_84 = arith.constant 0 : i32
        %dma_wait3A_85 = arith.constant 0 : i32
        %dma_wait3A_86 = tpu.memref_slice %arg11[%dma_wait3A_84, %dma_wait3A_85] : memref<10240x128xf32, #tpu.memory_space<vmem_shared>> -> memref<10240x128xf32, #tpu.memory_space<vmem_shared>>
        tpu.wait_indirect_dma semaphore(%arg15 : memref<!tpu.dma_semaphore, #tpu.memory_space<semaphore_mem>>) src(%arg10 : memref<64x128xf32, #tpu.memory_space<vmem>>) dst(%dma_wait3A_86 : memref<10240x128xf32, #tpu.memory_space<vmem_shared>>)
      } else {
      }
      %add3A = arith.constant 1 : i32
      %add3A_40 = arith.addi %mul3A_31, %add3A : i32
      %dma_start3A_41 = arith.constant 0 : i32
      %dma_start3A_42 = tpu.memref_slice %arg7[%add3A_40, %dma_start3A_41] : memref<116x64xi32, #tpu.memory_space<vmem>> -> memref<1x64xi32, #tpu.memory_space<vmem>>
      %dma_start3A_43 = tpu.memref_squeeze %dma_start3A_42 : memref<1x64xi32, #tpu.memory_space<vmem>> -> memref<64xi32, #tpu.memory_space<vmem>>
      %dma_start3A_44 = arith.constant 0 : i32
      %dma_start3A_45 = arith.constant 0 : i32
      %dma_start3A_46 = tpu.memref_slice %arg2[%dma_start3A_44, %dma_start3A_45] : memref<10000x128xf32, #tpu.memory_space<hbm>> -> memref<10000x128xf32, #tpu.memory_space<hbm>>
      tpu.enqueue_indirect_dma source(%dma_start3A_46 : memref<10000x128xf32, #tpu.memory_space<hbm>>) target(%arg10 : memref<64x128xf32, #tpu.memory_space<vmem>>) offsets(%dma_start3A_43 : memref<64xi32, #tpu.memory_space<vmem>>) semaphore(%arg13 : memref<!tpu.dma_semaphore, #tpu.memory_space<semaphore_mem>>)
      %dma_start3A_47 = arith.constant 0 : i32
      %dma_start3A_48 = tpu.memref_slice %arg8[%mul3A_31, %dma_start3A_47] : memref<116x64xi32, #tpu.memory_space<vmem>> -> memref<1x64xi32, #tpu.memory_space<vmem>>
      %dma_start3A_49 = tpu.memref_squeeze %dma_start3A_48 : memref<1x64xi32, #tpu.memory_space<vmem>> -> memref<64xi32, #tpu.memory_space<vmem>>
      %dma_start3A_50 = arith.constant 0 : i32
      %dma_start3A_51 = arith.constant 0 : i32
      %dma_start3A_52 = tpu.memref_slice %arg11[%dma_start3A_50, %dma_start3A_51] : memref<10240x128xf32, #tpu.memory_space<vmem_shared>> -> memref<10240x128xf32, #tpu.memory_space<vmem_shared>>
      tpu.enqueue_indirect_dma source(%arg9 : memref<64x128xf32, #tpu.memory_space<vmem>>) target(%dma_start3A_52 : memref<10240x128xf32, #tpu.memory_space<vmem_shared>>) offsets(%dma_start3A_49 : memref<64xi32, #tpu.memory_space<vmem>>) semaphore(%arg14 : memref<!tpu.dma_semaphore, #tpu.memory_space<semaphore_mem>>) {add = true}
      %add3A_53 = arith.constant 1 : i32
      %add3A_54 = arith.addi %mul3A_31, %add3A_53 : i32
      %dma_wait3A_55 = arith.constant 0 : i32
      %dma_wait3A_56 = tpu.memref_slice %arg7[%add3A_54, %dma_wait3A_55] : memref<116x64xi32, #tpu.memory_space<vmem>> -> memref<1x64xi32, #tpu.memory_space<vmem>>
      %dma_wait3A_57 = tpu.memref_squeeze %dma_wait3A_56 : memref<1x64xi32, #tpu.memory_space<vmem>> -> memref<64xi32, #tpu.memory_space<vmem>>
      %dma_wait3A_58 = arith.constant 0 : i32
      %dma_wait3A_59 = arith.constant 0 : i32
      %dma_wait3A_60 = tpu.memref_slice %arg2[%dma_wait3A_58, %dma_wait3A_59] : memref<10000x128xf32, #tpu.memory_space<hbm>> -> memref<10000x128xf32, #tpu.memory_space<hbm>>
      tpu.wait_indirect_dma semaphore(%arg13 : memref<!tpu.dma_semaphore, #tpu.memory_space<semaphore_mem>>) src(%dma_wait3A_60 : memref<10000x128xf32, #tpu.memory_space<hbm>>) dst(%arg10 : memref<64x128xf32, #tpu.memory_space<vmem>>)
      %dma_wait3A_61 = arith.constant 0 : i32
      %dma_wait3A_62 = tpu.memref_slice %arg8[%mul3A_31, %dma_wait3A_61] : memref<116x64xi32, #tpu.memory_space<vmem>> -> memref<1x64xi32, #tpu.memory_space<vmem>>
      %dma_wait3A_63 = tpu.memref_squeeze %dma_wait3A_62 : memref<1x64xi32, #tpu.memory_space<vmem>> -> memref<64xi32, #tpu.memory_space<vmem>>
      %dma_wait3A_64 = arith.constant 0 : i32
      %dma_wait3A_65 = arith.constant 0 : i32
      %dma_wait3A_66 = tpu.memref_slice %arg11[%dma_wait3A_64, %dma_wait3A_65] : memref<10240x128xf32, #tpu.memory_space<vmem_shared>> -> memref<10240x128xf32, #tpu.memory_space<vmem_shared>>
      tpu.wait_indirect_dma semaphore(%arg14 : memref<!tpu.dma_semaphore, #tpu.memory_space<semaphore_mem>>) src(%arg9 : memref<64x128xf32, #tpu.memory_space<vmem>>) dst(%dma_wait3A_66 : memref<10240x128xf32, #tpu.memory_space<vmem_shared>>)
      %sub3A = arith.constant 1 : i32
      %sub3A_67 = arith.subi %select_n3A, %sub3A : i32
      %lt3A = arith.cmpi slt, %while3A_29, %sub3A_67 : i32
      %convert_element_type3A_68 = arith.extui %lt3A : i1 to i32
      %cond3A_69 = arith.constant 0 : i32
      %cond3A_70 = arith.cmpi ne, %convert_element_type3A_68, %cond3A_69 : i32
      scf.if %cond3A_70 {
        %add3A_79 = arith.constant 2 : i32
        %add3A_80 = arith.addi %mul3A_31, %add3A_79 : i32
        %dma_start3A_81 = arith.constant 0 : i32
        %dma_start3A_82 = tpu.memref_slice %arg7[%add3A_80, %dma_start3A_81] : memref<116x64xi32, #tpu.memory_space<vmem>> -> memref<1x64xi32, #tpu.memory_space<vmem>>
        %dma_start3A_83 = tpu.memref_squeeze %dma_start3A_82 : memref<1x64xi32, #tpu.memory_space<vmem>> -> memref<64xi32, #tpu.memory_space<vmem>>
        %dma_start3A_84 = arith.constant 0 : i32
        %dma_start3A_85 = arith.constant 0 : i32
        %dma_start3A_86 = tpu.memref_slice %arg2[%dma_start3A_84, %dma_start3A_85] : memref<10000x128xf32, #tpu.memory_space<hbm>> -> memref<10000x128xf32, #tpu.memory_space<hbm>>
        tpu.enqueue_indirect_dma source(%dma_start3A_86 : memref<10000x128xf32, #tpu.memory_space<hbm>>) target(%arg9 : memref<64x128xf32, #tpu.memory_space<vmem>>) offsets(%dma_start3A_83 : memref<64xi32, #tpu.memory_space<vmem>>) semaphore(%arg12 : memref<!tpu.dma_semaphore, #tpu.memory_space<semaphore_mem>>)
      } else {
      }
      %add3A_71 = arith.constant 1 : i32
      %add3A_72 = arith.addi %mul3A_31, %add3A_71 : i32
      %dma_start3A_73 = arith.constant 0 : i32
      %dma_start3A_74 = tpu.memref_slice %arg8[%add3A_72, %dma_start3A_73] : memref<116x64xi32, #tpu.memory_space<vmem>> -> memref<1x64xi32, #tpu.memory_space<vmem>>
      %dma_start3A_75 = tpu.memref_squeeze %dma_start3A_74 : memref<1x64xi32, #tpu.memory_space<vmem>> -> memref<64xi32, #tpu.memory_space<vmem>>
      %dma_start3A_76 = arith.constant 0 : i32
      %dma_start3A_77 = arith.constant 0 : i32
      %dma_start3A_78 = tpu.memref_slice %arg11[%dma_start3A_76, %dma_start3A_77] : memref<10240x128xf32, #tpu.memory_space<vmem_shared>> -> memref<10240x128xf32, #tpu.memory_space<vmem_shared>>
      tpu.enqueue_indirect_dma source(%arg10 : memref<64x128xf32, #tpu.memory_space<vmem>>) target(%dma_start3A_78 : memref<10240x128xf32, #tpu.memory_space<vmem_shared>>) offsets(%dma_start3A_75 : memref<64xi32, #tpu.memory_space<vmem>>) semaphore(%arg15 : memref<!tpu.dma_semaphore, #tpu.memory_space<semaphore_mem>>) {add = true}
    }
    %dma_wait3A = arith.constant 0 : i32
    %dma_wait3A_23 = tpu.memref_slice %arg8[%select_n3A_7, %dma_wait3A] : memref<116x64xi32, #tpu.memory_space<vmem>> -> memref<1x64xi32, #tpu.memory_space<vmem>>
    %dma_wait3A_24 = tpu.memref_squeeze %dma_wait3A_23 : memref<1x64xi32, #tpu.memory_space<vmem>> -> memref<64xi32, #tpu.memory_space<vmem>>
    %dma_wait3A_25 = arith.constant 0 : i32
    %dma_wait3A_26 = arith.constant 0 : i32
    %dma_wait3A_27 = tpu.memref_slice %arg11[%dma_wait3A_25, %dma_wait3A_26] : memref<10240x128xf32, #tpu.memory_space<vmem_shared>> -> memref<10240x128xf32, #tpu.memory_space<vmem_shared>>
    tpu.wait_indirect_dma semaphore(%arg15 : memref<!tpu.dma_semaphore, #tpu.memory_space<semaphore_mem>>) src(%arg10 : memref<64x128xf32, #tpu.memory_space<vmem>>) dst(%dma_wait3A_27 : memref<10240x128xf32, #tpu.memory_space<vmem_shared>>)
    %barrier3A_28 = arith.constant 0 : index
    tpu.barrier barrier_id(%barrier3A_28)
    "tpu.region"() ({
      %run_scoped3A = tpu.sem_alloc : memref<!tpu.dma_semaphore, #tpu.memory_space<semaphore_mem>>
      %dma_start3A_29 = arith.constant 0 : i32
      %dma_start3A_30 = tpu.memref_slice %arg6[%arg0, %mul3A_0, %dma_start3A_29] : memref<2x10240x128xf32, #tpu.memory_space<hbm>> -> memref<1x640x128xf32, #tpu.memory_space<hbm>>
      %dma_start3A_31 = tpu.memref_squeeze %dma_start3A_30 : memref<1x640x128xf32, #tpu.memory_space<hbm>> -> memref<640x128xf32, #tpu.memory_space<hbm>>
      %dma_start3A_32 = arith.constant 0 : i32
      %dma_start3A_33 = tpu.memref_slice %arg11[%mul3A_0, %dma_start3A_32] : memref<10240x128xf32, #tpu.memory_space<vmem_shared>> -> memref<640x128xf32, #tpu.memory_space<vmem_shared>>
      tpu.enqueue_dma source(%dma_start3A_33 : memref<640x128xf32, #tpu.memory_space<vmem_shared>>) target(%dma_start3A_31 : memref<640x128xf32, #tpu.memory_space<hbm>>) target_semaphore(%run_scoped3A : memref<!tpu.dma_semaphore, #tpu.memory_space<semaphore_mem>>)
      %dma_wait3A_34 = arith.constant 0 : i32
      %dma_wait3A_35 = tpu.memref_slice %arg6[%arg0, %mul3A_0, %dma_wait3A_34] : memref<2x10240x128xf32, #tpu.memory_space<hbm>> -> memref<1x640x128xf32, #tpu.memory_space<hbm>>
      %dma_wait3A_36 = tpu.memref_squeeze %dma_wait3A_35 : memref<1x640x128xf32, #tpu.memory_space<hbm>> -> memref<640x128xf32, #tpu.memory_space<hbm>>
      %dma_wait3A_37 = arith.constant 0 : i32
      %dma_wait3A_38 = tpu.memref_slice %arg11[%mul3A_0, %dma_wait3A_37] : memref<10240x128xf32, #tpu.memory_space<vmem_shared>> -> memref<640x128xf32, #tpu.memory_space<vmem_shared>>
      tpu.wait_dma2 semaphore(%run_scoped3A : memref<!tpu.dma_semaphore, #tpu.memory_space<semaphore_mem>>) src(%dma_wait3A_38 : memref<640x128xf32, #tpu.memory_space<vmem_shared>>) dst(%dma_wait3A_36 : memref<640x128xf32, #tpu.memory_space<hbm>>)
      tpu.yield
    }) : () -> ()
    return
  }
}

module attributes {stable_mosaic.version = 14 : i64} {
  func.func @_embed_body(%arg0: memref<10000x128xf32, #tpu.memory_space<vmem>>, %arg1: memref<128x128xf32, #tpu.memory_space<vmem>>, %arg2: memref<1x128xf32, #tpu.memory_space<vmem>>, %arg3: memref<10000x128xf32, #tpu.memory_space<vmem>>) attributes {dimension_semantics = [], scalar_prefetch = 0 : i64, scratch_operands = 0 : i64, tpu.core_type = #tpu.core_type<tc>} {
    %get3A = arith.constant 0 : index
    %get3A_0 = arith.constant 0 : index
    %get3A_1 = vector.load %arg0[%get3A, %get3A_0] : memref<10000x128xf32, #tpu.memory_space<vmem>>, vector<10000x128xf32>
    %get3A_2 = arith.constant 0 : index
    %get3A_3 = arith.constant 0 : index
    %get3A_4 = vector.load %arg1[%get3A_2, %get3A_3] : memref<128x128xf32, #tpu.memory_space<vmem>>, vector<128x128xf32>
    %dot_general3A = arith.constant dense<0.000000e+00> : vector<10000x128xf32>
    %dot_general3A_5 = tpu.matmul %get3A_1, %get3A_4, %dot_general3A {dimension_numbers = #tpu.dot_dimension_numbers<[1], [0], [0], [1], [0, 0, 1, 1], [], []>, transpose_lhs_hint = false} : vector<10000x128xf32>, vector<128x128xf32>, vector<10000x128xf32> -> vector<10000x128xf32>
    %get3A_6 = arith.constant 0 : index
    %get3A_7 = arith.constant 0 : index
    %get3A_8 = vector.load %arg2[%get3A_6, %get3A_7] : memref<1x128xf32, #tpu.memory_space<vmem>>, vector<1x128xf32>
    %add3A = vector.broadcast %get3A_8 : vector<1x128xf32> to vector<10000x128xf32>
    %add3A_9 = arith.addf %dot_general3A_5, %add3A : vector<10000x128xf32>
    %swap3A = arith.constant 0 : index
    %swap3A_10 = arith.constant 0 : index
    %swap3A_11 = vector.load %arg3[%swap3A, %swap3A_10] : memref<10000x128xf32, #tpu.memory_space<vmem>>, vector<10000x128xf32>
    tpu.vector_store %arg3[%swap3A, %swap3A_10], %add3A_9 {strides = array<i32>} : memref<10000x128xf32, #tpu.memory_space<vmem>>, vector<10000x128xf32>,
    return
  }
}

module attributes {stable_mosaic.version = 14 : i64} {
  func.func @_sage_body(%arg0: memref<10000x128xf32, #tpu.memory_space<vmem>>, %arg1: memref<2x10240x128xf32, #tpu.memory_space<vmem>>, %arg2: memref<2x10240x128xf32, #tpu.memory_space<vmem>>, %arg3: memref<256x128xf32, #tpu.memory_space<vmem>>, %arg4: memref<1x128xf32, #tpu.memory_space<vmem>>, %arg5: memref<1x128xf32, #tpu.memory_space<vmem>>, %arg6: memref<1x128xf32, #tpu.memory_space<vmem>>, %arg7: memref<10000x128xf32, #tpu.memory_space<vmem>>) attributes {dimension_semantics = [], scalar_prefetch = 0 : i64, scratch_operands = 0 : i64, tpu.core_type = #tpu.core_type<tc>} {
    %get3A = arith.constant 0 : index
    %get3A_0 = arith.constant 0 : index
    %get3A_1 = vector.load %arg0[%get3A, %get3A_0] : memref<10000x128xf32, #tpu.memory_space<vmem>>, vector<10000x128xf32>
    %get3A_2 = arith.constant 0 : index
    %get3A_3 = arith.constant 0 : index
    %get3A_4 = arith.constant 0 : index
    %get3A_5 = vector.load %arg2[%get3A_2, %get3A_3, %get3A_4] : memref<2x10240x128xf32, #tpu.memory_space<vmem>>, vector<1x10000x1xf32>
    %get3A_6 = vector.shape_cast %get3A_5 : vector<1x10000x1xf32> to vector<10000x1xf32>
    %get3A_7 = arith.constant 1 : index
    %get3A_8 = arith.constant 0 : index
    %get3A_9 = arith.constant 0 : index
    %get3A_10 = vector.load %arg2[%get3A_7, %get3A_8, %get3A_9] : memref<2x10240x128xf32, #tpu.memory_space<vmem>>, vector<1x10000x1xf32>
    %get3A_11 = vector.shape_cast %get3A_10 : vector<1x10000x1xf32> to vector<10000x1xf32>
    %add3A = arith.addf %get3A_6, %get3A_11 : vector<10000x1xf32>
    %max3A = arith.constant 1.000000e+00 : f32
    %max3A_12 = vector.broadcast %max3A : f32 to vector<10000x1xf32>
    %max3A_13 = arith.maximumf %add3A, %max3A_12 : vector<10000x1xf32>
    %get3A_14 = arith.constant 0 : index
    %get3A_15 = arith.constant 0 : index
    %get3A_16 = arith.constant 0 : index
    %get3A_17 = vector.load %arg1[%get3A_14, %get3A_15, %get3A_16] : memref<2x10240x128xf32, #tpu.memory_space<vmem>>, vector<1x10000x128xf32>
    %get3A_18 = vector.shape_cast %get3A_17 : vector<1x10000x128xf32> to vector<10000x128xf32>
    %get3A_19 = arith.constant 1 : index
    %get3A_20 = arith.constant 0 : index
    %get3A_21 = arith.constant 0 : index
    %get3A_22 = vector.load %arg1[%get3A_19, %get3A_20, %get3A_21] : memref<2x10240x128xf32, #tpu.memory_space<vmem>>, vector<1x10000x128xf32>
    %get3A_23 = vector.shape_cast %get3A_22 : vector<1x10000x128xf32> to vector<10000x128xf32>
    %add3A_24 = arith.addf %get3A_18, %get3A_23 : vector<10000x128xf32>
    %div3A = vector.broadcast %max3A_13 : vector<10000x1xf32> to vector<10000x128xf32>
    %div3A_25 = arith.divf %add3A_24, %div3A : vector<10000x128xf32>
    %get3A_26 = arith.constant 0 : index
    %get3A_27 = arith.constant 0 : index
    %get3A_28 = vector.load %arg3[%get3A_26, %get3A_27] : memref<256x128xf32, #tpu.memory_space<vmem>>, vector<128x128xf32>
    %dot_general3A = arith.constant dense<0.000000e+00> : vector<10000x128xf32>
    %dot_general3A_29 = tpu.matmul %get3A_1, %get3A_28, %dot_general3A {dimension_numbers = #tpu.dot_dimension_numbers<[1], [0], [0], [1], [0, 0, 1, 1], [], []>, transpose_lhs_hint = false} : vector<10000x128xf32>, vector<128x128xf32>, vector<10000x128xf32> -> vector<10000x128xf32>
    %get3A_30 = arith.constant 128 : index
    %get3A_31 = arith.constant 0 : index
    %get3A_32 = vector.load %arg3[%get3A_30, %get3A_31] : memref<256x128xf32, #tpu.memory_space<vmem>>, vector<128x128xf32>
    %dot_general3A_33 = arith.constant dense<0.000000e+00> : vector<10000x128xf32>
    %dot_general3A_34 = tpu.matmul %div3A_25, %get3A_32, %dot_general3A_33 {dimension_numbers = #tpu.dot_dimension_numbers<[1], [0], [0], [1], [0, 0, 1, 1], [], []>, transpose_lhs_hint = false} : vector<10000x128xf32>, vector<128x128xf32>, vector<10000x128xf32> -> vector<10000x128xf32>
    %add3A_35 = arith.addf %dot_general3A_29, %dot_general3A_34 : vector<10000x128xf32>
    %get3A_36 = arith.constant 0 : index
    %get3A_37 = arith.constant 0 : index
    %get3A_38 = vector.load %arg4[%get3A_36, %get3A_37] : memref<1x128xf32, #tpu.memory_space<vmem>>, vector<1x128xf32>
    %add3A_39 = vector.broadcast %get3A_38 : vector<1x128xf32> to vector<10000x128xf32>
    %add3A_40 = arith.addf %add3A_35, %add3A_39 : vector<10000x128xf32>
    %mul3A = arith.mulf %add3A_40, %add3A_40 : vector<10000x128xf32>
    %reduce_sum3A = arith.constant dense<0.000000e+00> : vector<10000xf32>
    %reduce_sum3A_41 = vector.multi_reduction <add>, %mul3A, %reduce_sum3A [1] : vector<10000x128xf32> to vector<10000xf32>
    %broadcast_in_dim3A = vector.shape_cast %reduce_sum3A_41 : vector<10000xf32> to vector<10000x1xf32>
    %sqrt3A = math.sqrt %broadcast_in_dim3A : vector<10000x1xf32>
    %max3A_42 = arith.constant 9.99999996E-13 : f32
    %max3A_43 = vector.broadcast %max3A_42 : f32 to vector<10000x1xf32>
    %max3A_44 = arith.maximumf %sqrt3A, %max3A_43 : vector<10000x1xf32>
    %div3A_45 = vector.broadcast %max3A_44 : vector<10000x1xf32> to vector<10000x128xf32>
    %div3A_46 = arith.divf %add3A_40, %div3A_45 : vector<10000x128xf32>
    %max3A_47 = arith.constant 0.000000e+00 : f32
    %max3A_48 = vector.broadcast %max3A_47 : f32 to vector<10000x128xf32>
    %max3A_49 = arith.maximumf %div3A_46, %max3A_48 : vector<10000x128xf32>
    %reduce_sum3A_50 = arith.constant dense<0.000000e+00> : vector<128xf32>
    %reduce_sum3A_51 = vector.multi_reduction <add>, %max3A_49, %reduce_sum3A_50 [0] : vector<10000x128xf32> to vector<128xf32>
    %broadcast_in_dim3A_52 = vector.shape_cast %reduce_sum3A_51 : vector<128xf32> to vector<1x128xf32>
    %div3A_53 = arith.constant 1.000000e+04 : f32
    %div3A_54 = vector.broadcast %div3A_53 : f32 to vector<1x128xf32>
    %div3A_55 = arith.divf %broadcast_in_dim3A_52, %div3A_54 : vector<1x128xf32>
    %sub3A = vector.broadcast %div3A_55 : vector<1x128xf32> to vector<10000x128xf32>
    %sub3A_56 = arith.subf %max3A_49, %sub3A : vector<10000x128xf32>
    %integer_pow3A = arith.mulf %sub3A_56, %sub3A_56 : vector<10000x128xf32>
    %reduce_sum3A_57 = arith.constant dense<0.000000e+00> : vector<128xf32>
    %reduce_sum3A_58 = vector.multi_reduction <add>, %integer_pow3A, %reduce_sum3A_57 [0] : vector<10000x128xf32> to vector<128xf32>
    %broadcast_in_dim3A_59 = vector.shape_cast %reduce_sum3A_58 : vector<128xf32> to vector<1x128xf32>
    %div3A_60 = arith.constant 1.000000e+04 : f32
    %div3A_61 = vector.broadcast %div3A_60 : f32 to vector<1x128xf32>
    %div3A_62 = arith.divf %broadcast_in_dim3A_59, %div3A_61 : vector<1x128xf32>
    %get3A_63 = arith.constant 0 : index
    %get3A_64 = arith.constant 0 : index
    %get3A_65 = vector.load %arg5[%get3A_63, %get3A_64] : memref<1x128xf32, #tpu.memory_space<vmem>>, vector<1x128xf32>
    %sub3A_66 = vector.broadcast %div3A_55 : vector<1x128xf32> to vector<10000x128xf32>
    %sub3A_67 = arith.subf %max3A_49, %sub3A_66 : vector<10000x128xf32>
    %mul3A_68 = vector.broadcast %get3A_65 : vector<1x128xf32> to vector<10000x128xf32>
    %mul3A_69 = arith.mulf %mul3A_68, %sub3A_67 : vector<10000x128xf32>
    %add3A_70 = arith.constant 9.99999974E-6 : f32
    %add3A_71 = vector.broadcast %add3A_70 : f32 to vector<1x128xf32>
    %add3A_72 = arith.addf %div3A_62, %add3A_71 : vector<1x128xf32>
    %sqrt3A_73 = math.sqrt %add3A_72 : vector<1x128xf32>
    %div3A_74 = vector.broadcast %sqrt3A_73 : vector<1x128xf32> to vector<10000x128xf32>
    %div3A_75 = arith.divf %mul3A_69, %div3A_74 : vector<10000x128xf32>
    %add3A_76 = arith.addf %get3A_1, %div3A_75 : vector<10000x128xf32>
    %get3A_77 = arith.constant 0 : index
    %get3A_78 = arith.constant 0 : index
    %get3A_79 = vector.load %arg6[%get3A_77, %get3A_78] : memref<1x128xf32, #tpu.memory_space<vmem>>, vector<1x128xf32>
    %add3A_80 = vector.broadcast %get3A_79 : vector<1x128xf32> to vector<10000x128xf32>
    %add3A_81 = arith.addf %add3A_76, %add3A_80 : vector<10000x128xf32>
    %swap3A = arith.constant 0 : index
    %swap3A_82 = arith.constant 0 : index
    %swap3A_83 = vector.load %arg7[%swap3A, %swap3A_82] : memref<10000x128xf32, #tpu.memory_space<vmem>>, vector<10000x128xf32>
    tpu.vector_store %arg7[%swap3A, %swap3A_82], %add3A_81 {strides = array<i32>} : memref<10000x128xf32, #tpu.memory_space<vmem>>, vector<10000x128xf32>,
    return
  }
}

module attributes {stable_mosaic.version = 14 : i64} {
  func.func @_recon_body(%arg0: memref<10000x128xf32, #tpu.memory_space<vmem>>, %arg1: memref<128x64xf32, #tpu.memory_space<vmem>>, %arg2: memref<1x64xf32, #tpu.memory_space<vmem>>, %arg3: memref<64x32xf32, #tpu.memory_space<vmem>>, %arg4: memref<1x32xf32, #tpu.memory_space<vmem>>, %arg5: memref<32x128xf32, #tpu.memory_space<vmem>>, %arg6: memref<1x128xf32, #tpu.memory_space<vmem>>, %arg7: memref<256x1xf32, #tpu.memory_space<vmem>>, %arg8: memref<10000x128xf32, #tpu.memory_space<vmem>>, %arg9: memref<10000x1xf32, #tpu.memory_space<vmem>>, %arg10: memref<10000x1xf32, #tpu.memory_space<vmem>>, %arg11: memref<100x128xf32, #tpu.memory_space<vmem>>) attributes {dimension_semantics = [], scalar_prefetch = 0 : i64, scratch_operands = 0 : i64, tpu.core_type = #tpu.core_type<tc>} {
    %get3A = arith.constant 0 : index
    %get3A_0 = arith.constant 0 : index
    %get3A_1 = vector.load %arg0[%get3A, %get3A_0] : memref<10000x128xf32, #tpu.memory_space<vmem>>, vector<10000x128xf32>
    %get3A_2 = arith.constant 0 : index
    %get3A_3 = arith.constant 0 : index
    %get3A_4 = vector.load %arg1[%get3A_2, %get3A_3] : memref<128x64xf32, #tpu.memory_space<vmem>>, vector<128x64xf32>
    %dot_general3A = arith.constant dense<0.000000e+00> : vector<10000x64xf32>
    %dot_general3A_5 = tpu.matmul %get3A_1, %get3A_4, %dot_general3A {dimension_numbers = #tpu.dot_dimension_numbers<[1], [0], [0], [1], [0, 0, 1, 1], [], []>, transpose_lhs_hint = false} : vector<10000x128xf32>, vector<128x64xf32>, vector<10000x64xf32> -> vector<10000x64xf32>
    %get3A_6 = arith.constant 0 : index
    %get3A_7 = arith.constant 0 : index
    %get3A_8 = vector.load %arg2[%get3A_6, %get3A_7] : memref<1x64xf32, #tpu.memory_space<vmem>>, vector<1x64xf32>
    %add3A = vector.broadcast %get3A_8 : vector<1x64xf32> to vector<10000x64xf32>
    %add3A_9 = arith.addf %dot_general3A_5, %add3A : vector<10000x64xf32>
    %max3A = arith.constant 0.000000e+00 : f32
    %max3A_10 = vector.broadcast %max3A : f32 to vector<10000x64xf32>
    %max3A_11 = arith.maximumf %add3A_9, %max3A_10 : vector<10000x64xf32>
    %get3A_12 = arith.constant 0 : index
    %get3A_13 = arith.constant 0 : index
    %get3A_14 = vector.load %arg3[%get3A_12, %get3A_13] : memref<64x32xf32, #tpu.memory_space<vmem>>, vector<64x32xf32>
    %dot_general3A_15 = arith.constant dense<0.000000e+00> : vector<10000x32xf32>
    %dot_general3A_16 = tpu.matmul %max3A_11, %get3A_14, %dot_general3A_15 {dimension_numbers = #tpu.dot_dimension_numbers<[1], [0], [0], [1], [0, 0, 1, 1], [], []>, transpose_lhs_hint = false} : vector<10000x64xf32>, vector<64x32xf32>, vector<10000x32xf32> -> vector<10000x32xf32>
    %get3A_17 = arith.constant 0 : index
    %get3A_18 = arith.constant 0 : index
    %get3A_19 = vector.load %arg4[%get3A_17, %get3A_18] : memref<1x32xf32, #tpu.memory_space<vmem>>, vector<1x32xf32>
    %add3A_20 = vector.broadcast %get3A_19 : vector<1x32xf32> to vector<10000x32xf32>
    %add3A_21 = arith.addf %dot_general3A_16, %add3A_20 : vector<10000x32xf32>
    %max3A_22 = arith.constant 0.000000e+00 : f32
    %max3A_23 = vector.broadcast %max3A_22 : f32 to vector<10000x32xf32>
    %max3A_24 = arith.maximumf %add3A_21, %max3A_23 : vector<10000x32xf32>
    %get3A_25 = arith.constant 0 : index
    %get3A_26 = arith.constant 0 : index
    %get3A_27 = vector.load %arg5[%get3A_25, %get3A_26] : memref<32x128xf32, #tpu.memory_space<vmem>>, vector<32x128xf32>
    %dot_general3A_28 = arith.constant dense<0.000000e+00> : vector<10000x128xf32>
    %dot_general3A_29 = tpu.matmul %max3A_24, %get3A_27, %dot_general3A_28 {dimension_numbers = #tpu.dot_dimension_numbers<[1], [0], [0], [1], [0, 0, 1, 1], [], []>, transpose_lhs_hint = false} : vector<10000x32xf32>, vector<32x128xf32>, vector<10000x128xf32> -> vector<10000x128xf32>
    %get3A_30 = arith.constant 0 : index
    %get3A_31 = arith.constant 0 : index
    %get3A_32 = vector.load %arg6[%get3A_30, %get3A_31] : memref<1x128xf32, #tpu.memory_space<vmem>>, vector<1x128xf32>
    %add3A_33 = vector.broadcast %get3A_32 : vector<1x128xf32> to vector<10000x128xf32>
    %add3A_34 = arith.addf %dot_general3A_29, %add3A_33 : vector<10000x128xf32>
    %swap3A = arith.constant 0 : index
    %swap3A_35 = arith.constant 0 : index
    %swap3A_36 = vector.load %arg8[%swap3A, %swap3A_35] : memref<10000x128xf32, #tpu.memory_space<vmem>>, vector<10000x128xf32>
    tpu.vector_store %arg8[%swap3A, %swap3A_35], %add3A_34 {strides = array<i32>} : memref<10000x128xf32, #tpu.memory_space<vmem>>, vector<10000x128xf32>,
    %get3A_37 = arith.constant 0 : index
    %get3A_38 = arith.constant 0 : index
    %get3A_39 = vector.load %arg7[%get3A_37, %get3A_38] : memref<256x1xf32, #tpu.memory_space<vmem>>, vector<128x1xf32>
    %dot_general3A_40 = arith.constant dense<0.000000e+00> : vector<10000x1xf32>
    %dot_general3A_41 = tpu.matmul %add3A_34, %get3A_39, %dot_general3A_40 {dimension_numbers = #tpu.dot_dimension_numbers<[1], [0], [0], [1], [0, 0, 1, 1], [], []>, transpose_lhs_hint = false} : vector<10000x128xf32>, vector<128x1xf32>, vector<10000x1xf32> -> vector<10000x1xf32>
    %swap3A_42 = arith.constant 0 : index
    %swap3A_43 = arith.constant 0 : index
    %swap3A_44 = vector.load %arg9[%swap3A_42, %swap3A_43] : memref<10000x1xf32, #tpu.memory_space<vmem>>, vector<10000x1xf32>
    tpu.vector_store %arg9[%swap3A_42, %swap3A_43], %dot_general3A_41 {strides = array<i32>} : memref<10000x1xf32, #tpu.memory_space<vmem>>, vector<10000x1xf32>,
    %get3A_45 = arith.constant 128 : index
    %get3A_46 = arith.constant 0 : index
    %get3A_47 = vector.load %arg7[%get3A_45, %get3A_46] : memref<256x1xf32, #tpu.memory_space<vmem>>, vector<128x1xf32>
    %dot_general3A_48 = arith.constant dense<0.000000e+00> : vector<10000x1xf32>
    %dot_general3A_49 = tpu.matmul %add3A_34, %get3A_47, %dot_general3A_48 {dimension_numbers = #tpu.dot_dimension_numbers<[1], [0], [0], [1], [0, 0, 1, 1], [], []>, transpose_lhs_hint = false} : vector<10000x128xf32>, vector<128x1xf32>, vector<10000x1xf32> -> vector<10000x1xf32>
    %swap3A_50 = arith.constant 0 : index
    %swap3A_51 = arith.constant 0 : index
    %swap3A_52 = vector.load %arg10[%swap3A_50, %swap3A_51] : memref<10000x1xf32, #tpu.memory_space<vmem>>, vector<10000x1xf32>
    tpu.vector_store %arg10[%swap3A_50, %swap3A_51], %dot_general3A_49 {strides = array<i32>} : memref<10000x1xf32, #tpu.memory_space<vmem>>, vector<10000x1xf32>,
    %iota3A = tpu.iota {dimensions = array<i32: 0>} : vector<100x10000xi32>
    %iota3A_53 = tpu.iota {dimensions = array<i32: 1>} : vector<100x10000xi32>
    %jit3A = arith.constant 100 : i32
    %div3A = vector.broadcast %jit3A : i32 to vector<100x10000xi32>
    %div3A_54 = arith.divsi %iota3A_53, %div3A : vector<100x10000xi32>
    %sign3A = arith.constant 0 : i32
    %sign3A_55 = vector.broadcast %sign3A : i32 to vector<100x10000xi32>
    %sign3A_56 = arith.cmpi sgt, %iota3A_53, %sign3A_55 : vector<100x10000xi32>
    %sign3A_57 = arith.extui %sign3A_56 : vector<100x10000xi1> to vector<100x10000xi32>
    %sign3A_58 = arith.constant 0 : i32
    %sign3A_59 = vector.broadcast %sign3A_58 : i32 to vector<100x10000xi32>
    %sign3A_60 = arith.cmpi slt, %iota3A_53, %sign3A_59 : vector<100x10000xi32>
    %sign3A_61 = arith.extui %sign3A_60 : vector<100x10000xi1> to vector<100x10000xi32>
    %sign3A_62 = arith.subi %sign3A_57, %sign3A_61 : vector<100x10000xi32>
    %sign3A_63 = arith.constant 0 : i32
    %sign3A_64 = arith.cmpi sgt, %jit3A, %sign3A_63 : i32
    %sign3A_65 = arith.extui %sign3A_64 : i1 to i32
    %sign3A_66 = arith.constant 0 : i32
    %sign3A_67 = arith.cmpi slt, %jit3A, %sign3A_66 : i32
    %sign3A_68 = arith.extui %sign3A_67 : i1 to i32
    %sign3A_69 = arith.subi %sign3A_65, %sign3A_68 : i32
    %ne3A = vector.broadcast %sign3A_69 : i32 to vector<100x10000xi32>
    %ne3A_70 = arith.cmpi ne, %sign3A_62, %ne3A : vector<100x10000xi32>
    %rem3A = vector.broadcast %jit3A : i32 to vector<100x10000xi32>
    %rem3A_71 = arith.remsi %iota3A_53, %rem3A : vector<100x10000xi32>
    %ne3A_72 = arith.constant 0 : i32
    %ne3A_73 = vector.broadcast %ne3A_72 : i32 to vector<100x10000xi32>
    %ne3A_74 = arith.cmpi ne, %rem3A_71, %ne3A_73 : vector<100x10000xi32>
    %and3A = arith.andi %ne3A_70, %ne3A_74 : vector<100x10000xi1>
    %sub3A = arith.constant 1 : i32
    %sub3A_75 = vector.broadcast %sub3A : i32 to vector<100x10000xi32>
    %sub3A_76 = arith.subi %div3A_54, %sub3A_75 : vector<100x10000xi32>
    %select_n3A = arith.select %and3A, %sub3A_76, %div3A_54 : vector<100x10000xi1>, vector<100x10000xi32>
    %eq3A = arith.cmpi eq, %iota3A, %select_n3A : vector<100x10000xi32>
    %jit3A_77 = arith.constant 0.00999999977 : f32
    %jit3A_78 = arith.constant 0.000000e+00 : f32
    %broadcast_in_dim3A = vector.broadcast %jit3A_77 : f32 to vector<100x10000xf32>
    %broadcast_in_dim3A_79 = vector.broadcast %jit3A_78 : f32 to vector<100x10000xf32>
    %select_n3A_80 = arith.select %eq3A, %broadcast_in_dim3A, %broadcast_in_dim3A_79 : vector<100x10000xi1>, vector<100x10000xf32>
    %dot_general3A_81 = arith.constant dense<0.000000e+00> : vector<100x128xf32>
    %dot_general3A_82 = tpu.matmul %select_n3A_80, %get3A_1, %dot_general3A_81 {dimension_numbers = #tpu.dot_dimension_numbers<[1], [0], [0], [1], [0, 0, 1, 1], [], []>, transpose_lhs_hint = false} : vector<100x10000xf32>, vector<10000x128xf32>, vector<100x128xf32> -> vector<100x128xf32>
    %swap3A_83 = arith.constant 0 : index
    %swap3A_84 = arith.constant 0 : index
    %swap3A_85 = vector.load %arg11[%swap3A_83, %swap3A_84] : memref<100x128xf32, #tpu.memory_space<vmem>>, vector<100x128xf32>
    tpu.vector_store %arg11[%swap3A_83, %swap3A_84], %dot_general3A_82 {strides = array<i32>} : memref<100x128xf32, #tpu.memory_space<vmem>>, vector<100x128xf32>,
    return
  }
}

module attributes {stable_mosaic.version = 14 : i64} {
  func.func @_outer_body(%arg0: memref<10000x1xf32, #tpu.memory_space<vmem>>, %arg1: memref<100x100xf32, #tpu.memory_space<vmem>>, %arg2: memref<1x1xf32, #tpu.memory_space<vmem>>, %arg3: memref<10000x100xf32, #tpu.memory_space<vmem>>) attributes {dimension_semantics = [], scalar_prefetch = 0 : i64, scratch_operands = 0 : i64, tpu.core_type = #tpu.core_type<tc>} {
    %iota3A = tpu.iota {dimensions = array<i32: 0>} : vector<10000x100xi32>
    %jit3A = arith.constant 100 : i32
    %div3A = vector.broadcast %jit3A : i32 to vector<10000x100xi32>
    %div3A_0 = arith.divsi %iota3A, %div3A : vector<10000x100xi32>
    %sign3A = arith.constant 0 : i32
    %sign3A_1 = vector.broadcast %sign3A : i32 to vector<10000x100xi32>
    %sign3A_2 = arith.cmpi sgt, %iota3A, %sign3A_1 : vector<10000x100xi32>
    %sign3A_3 = arith.extui %sign3A_2 : vector<10000x100xi1> to vector<10000x100xi32>
    %sign3A_4 = arith.constant 0 : i32
    %sign3A_5 = vector.broadcast %sign3A_4 : i32 to vector<10000x100xi32>
    %sign3A_6 = arith.cmpi slt, %iota3A, %sign3A_5 : vector<10000x100xi32>
    %sign3A_7 = arith.extui %sign3A_6 : vector<10000x100xi1> to vector<10000x100xi32>
    %sign3A_8 = arith.subi %sign3A_3, %sign3A_7 : vector<10000x100xi32>
    %sign3A_9 = arith.constant 0 : i32
    %sign3A_10 = arith.cmpi sgt, %jit3A, %sign3A_9 : i32
    %sign3A_11 = arith.extui %sign3A_10 : i1 to i32
    %sign3A_12 = arith.constant 0 : i32
    %sign3A_13 = arith.cmpi slt, %jit3A, %sign3A_12 : i32
    %sign3A_14 = arith.extui %sign3A_13 : i1 to i32
    %sign3A_15 = arith.subi %sign3A_11, %sign3A_14 : i32
    %ne3A = vector.broadcast %sign3A_15 : i32 to vector<10000x100xi32>
    %ne3A_16 = arith.cmpi ne, %sign3A_8, %ne3A : vector<10000x100xi32>
    %rem3A = vector.broadcast %jit3A : i32 to vector<10000x100xi32>
    %rem3A_17 = arith.remsi %iota3A, %rem3A : vector<10000x100xi32>
    %ne3A_18 = arith.constant 0 : i32
    %ne3A_19 = vector.broadcast %ne3A_18 : i32 to vector<10000x100xi32>
    %ne3A_20 = arith.cmpi ne, %rem3A_17, %ne3A_19 : vector<10000x100xi32>
    %and3A = arith.andi %ne3A_16, %ne3A_20 : vector<10000x100xi1>
    %sub3A = arith.constant 1 : i32
    %sub3A_21 = vector.broadcast %sub3A : i32 to vector<10000x100xi32>
    %sub3A_22 = arith.subi %div3A_0, %sub3A_21 : vector<10000x100xi32>
    %select_n3A = arith.select %and3A, %sub3A_22, %div3A_0 : vector<10000x100xi1>, vector<10000x100xi32>
    %iota3A_23 = tpu.iota {dimensions = array<i32: 1>} : vector<10000x100xi32>
    %eq3A = arith.cmpi eq, %select_n3A, %iota3A_23 : vector<10000x100xi32>
    %jit3A_24 = arith.constant 1.000000e+00 : f32
    %jit3A_25 = arith.constant 0.000000e+00 : f32
    %broadcast_in_dim3A = vector.broadcast %jit3A_24 : f32 to vector<10000x100xf32>
    %broadcast_in_dim3A_26 = vector.broadcast %jit3A_25 : f32 to vector<10000x100xf32>
    %select_n3A_27 = arith.select %eq3A, %broadcast_in_dim3A, %broadcast_in_dim3A_26 : vector<10000x100xi1>, vector<10000x100xf32>
    %get3A = arith.constant 0 : index
    %get3A_28 = arith.constant 0 : index
    %get3A_29 = vector.load %arg1[%get3A, %get3A_28] : memref<100x100xf32, #tpu.memory_space<vmem>>, vector<100x100xf32>
    %dot_general3A = arith.constant dense<0.000000e+00> : vector<10000x100xf32>
    %dot_general3A_30 = tpu.matmul %select_n3A_27, %get3A_29, %dot_general3A {dimension_numbers = #tpu.dot_dimension_numbers<[1], [0], [0], [1], [0, 0, 1, 1], [], []>, transpose_lhs_hint = false} : vector<10000x100xf32>, vector<100x100xf32>, vector<10000x100xf32> -> vector<10000x100xf32>
    %get3A_31 = arith.constant 0 : index
    %get3A_32 = arith.constant 0 : index
    %get3A_33 = vector.load %arg0[%get3A_31, %get3A_32] : memref<10000x1xf32, #tpu.memory_space<vmem>>, vector<10000x1xf32>
    %add3A = vector.broadcast %get3A_33 : vector<10000x1xf32> to vector<10000x100xf32>
    %add3A_34 = arith.addf %add3A, %dot_general3A_30 : vector<10000x100xf32>
    %get3A_35 = arith.constant 0 : index
    %get3A_36 = arith.constant 0 : index
    %get3A_37 = vector.load %arg2[%get3A_35, %get3A_36] : memref<1x1xf32, #tpu.memory_space<vmem>>, vector<1x1xf32>
    %add3A_38 = vector.broadcast %get3A_37 : vector<1x1xf32> to vector<10000x100xf32>
    %add3A_39 = arith.addf %add3A_34, %add3A_38 : vector<10000x100xf32>
    %neg3A = arith.constant 0.000000e+00 : f32
    %neg3A_40 = vector.broadcast %neg3A : f32 to vector<10000x100xf32>
    %neg3A_41 = arith.subf %neg3A_40, %add3A_39 : vector<10000x100xf32>
    %exp3A = math.exp %neg3A_41 : vector<10000x100xf32>
    %add3A_42 = arith.constant 1.000000e+00 : f32
    %add3A_43 = vector.broadcast %add3A_42 : f32 to vector<10000x100xf32>
    %add3A_44 = arith.addf %add3A_43, %exp3A : vector<10000x100xf32>
    %div3A_45 = arith.constant 1.000000e+00 : f32
    %div3A_46 = vector.broadcast %div3A_45 : f32 to vector<10000x100xf32>
    %div3A_47 = arith.divf %div3A_46, %add3A_44 : vector<10000x100xf32>
    %swap3A = arith.constant 0 : index
    %swap3A_48 = arith.constant 0 : index
    %swap3A_49 = vector.load %arg3[%swap3A, %swap3A_48] : memref<10000x100xf32, #tpu.memory_space<vmem>>, vector<10000x100xf32>
    tpu.vector_store %arg3[%swap3A, %swap3A_48], %div3A_47 {strides = array<i32>} : memref<10000x100xf32, #tpu.memory_space<vmem>>, vector<10000x100xf32>,
    return
  }
}

module attributes {stable_mosaic.version = 14 : i64} {
  func.func @_proto_body(%arg0: memref<6x100x128xf32, #tpu.memory_space<vmem>>, %arg1: memref<6x100x100xf32, #tpu.memory_space<vmem>>, %arg2: memref<100x128xf32, #tpu.memory_space<vmem>>, %arg3: memref<128x128xf32, #tpu.memory_space<vmem>>, %arg4: memref<1x128xf32, #tpu.memory_space<vmem>>, %arg5: memref<256x128xf32, #tpu.memory_space<vmem>>, %arg6: memref<1x128xf32, #tpu.memory_space<vmem>>, %arg7: memref<1x128xf32, #tpu.memory_space<vmem>>, %arg8: memref<1x128xf32, #tpu.memory_space<vmem>>, %arg9: memref<256x128xf32, #tpu.memory_space<vmem>>, %arg10: memref<1x128xf32, #tpu.memory_space<vmem>>, %arg11: memref<1x128xf32, #tpu.memory_space<vmem>>, %arg12: memref<1x128xf32, #tpu.memory_space<vmem>>, %arg13: memref<128x64xf32, #tpu.memory_space<vmem>>, %arg14: memref<1x64xf32, #tpu.memory_space<vmem>>, %arg15: memref<64x32xf32, #tpu.memory_space<vmem>>, %arg16: memref<1x32xf32, #tpu.memory_space<vmem>>, %arg17: memref<32x128xf32, #tpu.memory_space<vmem>>, %arg18: memref<1x128xf32, #tpu.memory_space<vmem>>, %arg19: memref<256x1xf32, #tpu.memory_space<vmem>>, %arg20: memref<1x1xf32, #tpu.memory_space<vmem>>, %arg21: memref<100x1xf32, #tpu.memory_space<vmem>>) attributes {dimension_semantics = [], scalar_prefetch = 0 : i64, scratch_operands = 0 : i64, tpu.core_type = #tpu.core_type<tc>} {
    %iota3A = tpu.iota {dimensions = array<i32: 0>} : vector<100x100xi32>
    %iota3A_0 = tpu.iota {dimensions = array<i32: 1>} : vector<100x100xi32>
    %eq3A = arith.cmpi eq, %iota3A, %iota3A_0 : vector<100x100xi32>
    %jit3A = arith.constant 1.000000e+00 : f32
    %jit3A_1 = arith.constant 0.000000e+00 : f32
    %broadcast_in_dim3A = vector.broadcast %jit3A : f32 to vector<100x100xf32>
    %broadcast_in_dim3A_2 = vector.broadcast %jit3A_1 : f32 to vector<100x100xf32>
    %select_n3A = arith.select %eq3A, %broadcast_in_dim3A, %broadcast_in_dim3A_2 : vector<100x100xi1>, vector<100x100xf32>
    %broadcast_in_dim3A_3 = arith.constant 1.000000e+00 : f32
    %broadcast_in_dim3A_4 = vector.broadcast %broadcast_in_dim3A_3 : f32 to vector<100x1xf32>
    %get3A = arith.constant 0 : index
    %get3A_5 = arith.constant 0 : index
    %get3A_6 = vector.load %arg2[%get3A, %get3A_5] : memref<100x128xf32, #tpu.memory_space<vmem>>, vector<100x128xf32>
    %get3A_7 = arith.constant 0 : index
    %get3A_8 = arith.constant 0 : index
    %get3A_9 = arith.constant 0 : index
    %get3A_10 = vector.load %arg0[%get3A_7, %get3A_8, %get3A_9] : memref<6x100x128xf32, #tpu.memory_space<vmem>>, vector<1x100x128xf32>
    %get3A_11 = vector.shape_cast %get3A_10 : vector<1x100x128xf32> to vector<100x128xf32>
    %get3A_12 = arith.constant 0 : index
    %get3A_13 = arith.constant 0 : index
    %get3A_14 = arith.constant 0 : index
    %get3A_15 = vector.load %arg1[%get3A_12, %get3A_13, %get3A_14] : memref<6x100x100xf32, #tpu.memory_space<vmem>>, vector<1x100x100xf32>
    %get3A_16 = vector.shape_cast %get3A_15 : vector<1x100x100xf32> to vector<100x100xf32>
    %get3A_17 = arith.constant 0 : index
    %get3A_18 = arith.constant 0 : index
    %get3A_19 = vector.load %arg13[%get3A_17, %get3A_18] : memref<128x64xf32, #tpu.memory_space<vmem>>, vector<128x64xf32>
    %dot_general3A = arith.constant dense<0.000000e+00> : vector<100x64xf32>
    %dot_general3A_20 = tpu.matmul %get3A_11, %get3A_19, %dot_general3A {dimension_numbers = #tpu.dot_dimension_numbers<[1], [0], [0], [1], [0, 0, 1, 1], [], []>, transpose_lhs_hint = false} : vector<100x128xf32>, vector<128x64xf32>, vector<100x64xf32> -> vector<100x64xf32>
    %get3A_21 = arith.constant 0 : index
    %get3A_22 = arith.constant 0 : index
    %get3A_23 = vector.load %arg14[%get3A_21, %get3A_22] : memref<1x64xf32, #tpu.memory_space<vmem>>, vector<1x64xf32>
    %add3A = vector.broadcast %get3A_23 : vector<1x64xf32> to vector<100x64xf32>
    %add3A_24 = arith.addf %dot_general3A_20, %add3A : vector<100x64xf32>
    %max3A = arith.constant 0.000000e+00 : f32
    %max3A_25 = vector.broadcast %max3A : f32 to vector<100x64xf32>
    %max3A_26 = arith.maximumf %add3A_24, %max3A_25 : vector<100x64xf32>
    %get3A_27 = arith.constant 0 : index
    %get3A_28 = arith.constant 0 : index
    %get3A_29 = vector.load %arg15[%get3A_27, %get3A_28] : memref<64x32xf32, #tpu.memory_space<vmem>>, vector<64x32xf32>
    %dot_general3A_30 = arith.constant dense<0.000000e+00> : vector<100x32xf32>
    %dot_general3A_31 = tpu.matmul %max3A_26, %get3A_29, %dot_general3A_30 {dimension_numbers = #tpu.dot_dimension_numbers<[1], [0], [0], [1], [0, 0, 1, 1], [], []>, transpose_lhs_hint = false} : vector<100x64xf32>, vector<64x32xf32>, vector<100x32xf32> -> vector<100x32xf32>
    %get3A_32 = arith.constant 0 : index
    %get3A_33 = arith.constant 0 : index
    %get3A_34 = vector.load %arg16[%get3A_32, %get3A_33] : memref<1x32xf32, #tpu.memory_space<vmem>>, vector<1x32xf32>
    %add3A_35 = vector.broadcast %get3A_34 : vector<1x32xf32> to vector<100x32xf32>
    %add3A_36 = arith.addf %dot_general3A_31, %add3A_35 : vector<100x32xf32>
    %max3A_37 = arith.constant 0.000000e+00 : f32
    %max3A_38 = vector.broadcast %max3A_37 : f32 to vector<100x32xf32>
    %max3A_39 = arith.maximumf %add3A_36, %max3A_38 : vector<100x32xf32>
    %get3A_40 = arith.constant 0 : index
    %get3A_41 = arith.constant 0 : index
    %get3A_42 = vector.load %arg17[%get3A_40, %get3A_41] : memref<32x128xf32, #tpu.memory_space<vmem>>, vector<32x128xf32>
    %dot_general3A_43 = arith.constant dense<0.000000e+00> : vector<100x128xf32>
    %dot_general3A_44 = tpu.matmul %max3A_39, %get3A_42, %dot_general3A_43 {dimension_numbers = #tpu.dot_dimension_numbers<[1], [0], [0], [1], [0, 0, 1, 1], [], []>, transpose_lhs_hint = false} : vector<100x32xf32>, vector<32x128xf32>, vector<100x128xf32> -> vector<100x128xf32>
    %get3A_45 = arith.constant 0 : index
    %get3A_46 = arith.constant 0 : index
    %get3A_47 = vector.load %arg18[%get3A_45, %get3A_46] : memref<1x128xf32, #tpu.memory_space<vmem>>, vector<1x128xf32>
    %add3A_48 = vector.broadcast %get3A_47 : vector<1x128xf32> to vector<100x128xf32>
    %add3A_49 = arith.addf %dot_general3A_44, %add3A_48 : vector<100x128xf32>
    %get3A_50 = arith.constant 0 : index
    %get3A_51 = arith.constant 0 : index
    %get3A_52 = vector.load %arg19[%get3A_50, %get3A_51] : memref<256x1xf32, #tpu.memory_space<vmem>>, vector<128x1xf32>
    %dot_general3A_53 = arith.constant dense<0.000000e+00> : vector<100x1xf32>
    %dot_general3A_54 = tpu.matmul %add3A_49, %get3A_52, %dot_general3A_53 {dimension_numbers = #tpu.dot_dimension_numbers<[1], [0], [0], [1], [0, 0, 1, 1], [], []>, transpose_lhs_hint = false} : vector<100x128xf32>, vector<128x1xf32>, vector<100x1xf32> -> vector<100x1xf32>
    %get3A_55 = arith.constant 128 : index
    %get3A_56 = arith.constant 0 : index
    %get3A_57 = vector.load %arg19[%get3A_55, %get3A_56] : memref<256x1xf32, #tpu.memory_space<vmem>>, vector<128x1xf32>
    %dot_general3A_58 = arith.constant dense<0.000000e+00> : vector<100x1xf32>
    %dot_general3A_59 = tpu.matmul %add3A_49, %get3A_57, %dot_general3A_58 {dimension_numbers = #tpu.dot_dimension_numbers<[1], [0], [0], [1], [0, 0, 1, 1], [], []>, transpose_lhs_hint = false} : vector<100x128xf32>, vector<128x1xf32>, vector<100x1xf32> -> vector<100x1xf32>
    %dot_general3A_60 = arith.constant dense<0.000000e+00> : vector<1x100xf32>
    %dot_general3A_61 = tpu.matmul %dot_general3A_59, %select_n3A, %dot_general3A_60 {dimension_numbers = #tpu.dot_dimension_numbers<[0], [0], [1], [1], [0, 1, 1, 1], [], []>, transpose_lhs_hint = false} : vector<100x1xf32>, vector<100x100xf32>, vector<1x100xf32> -> vector<1x100xf32>
    %add3A_62 = vector.broadcast %dot_general3A_54 : vector<100x1xf32> to vector<100x100xf32>
    %add3A_63 = vector.broadcast %dot_general3A_61 : vector<1x100xf32> to vector<100x100xf32>
    %add3A_64 = arith.addf %add3A_62, %add3A_63 : vector<100x100xf32>
    %get3A_65 = arith.constant 0 : index
    %get3A_66 = arith.constant 0 : index
    %get3A_67 = vector.load %arg20[%get3A_65, %get3A_66] : memref<1x1xf32, #tpu.memory_space<vmem>>, vector<1x1xf32>
    %add3A_68 = vector.broadcast %get3A_67 : vector<1x1xf32> to vector<100x100xf32>
    %add3A_69 = arith.addf %add3A_64, %add3A_68 : vector<100x100xf32>
    %neg3A = arith.constant 0.000000e+00 : f32
    %neg3A_70 = vector.broadcast %neg3A : f32 to vector<100x100xf32>
    %neg3A_71 = arith.subf %neg3A_70, %add3A_69 : vector<100x100xf32>
    %exp3A = math.exp %neg3A_71 : vector<100x100xf32>
    %add3A_72 = arith.constant 1.000000e+00 : f32
    %add3A_73 = vector.broadcast %add3A_72 : f32 to vector<100x100xf32>
    %add3A_74 = arith.addf %add3A_73, %exp3A : vector<100x100xf32>
    %div3A = arith.constant 1.000000e+00 : f32
    %div3A_75 = vector.broadcast %div3A : f32 to vector<100x100xf32>
    %div3A_76 = arith.divf %div3A_75, %add3A_74 : vector<100x100xf32>
    %mul3A = arith.constant 2.000000e-01 : f32
    %mul3A_77 = vector.broadcast %mul3A : f32 to vector<100x100xf32>
    %mul3A_78 = arith.mulf %get3A_16, %mul3A_77 : vector<100x100xf32>
    %sub3A = arith.constant 1.000000e+00 : f32
    %sub3A_79 = vector.broadcast %sub3A : f32 to vector<100x100xf32>
    %sub3A_80 = arith.subf %sub3A_79, %get3A_16 : vector<100x100xf32>
    %mul3A_81 = arith.constant 8.000000e-01 : f32
    %mul3A_82 = vector.broadcast %mul3A_81 : f32 to vector<100x100xf32>
    %mul3A_83 = arith.mulf %sub3A_80, %mul3A_82 : vector<100x100xf32>
    %add3A_84 = arith.addf %mul3A_78, %mul3A_83 : vector<100x100xf32>
    %gt3A = arith.cmpf ogt, %div3A_76, %add3A_84 : vector<100x100xf32>
    %jit3A_85 = arith.constant 1.000000e+00 : f32
    %jit3A_86 = arith.constant 0.000000e+00 : f32
    %broadcast_in_dim3A_87 = vector.broadcast %jit3A_85 : f32 to vector<100x100xf32>
    %broadcast_in_dim3A_88 = vector.broadcast %jit3A_86 : f32 to vector<100x100xf32>
    %select_n3A_89 = arith.select %gt3A, %broadcast_in_dim3A_87, %broadcast_in_dim3A_88 : vector<100x100xi1>, vector<100x100xf32>
    %dot_general3A_90 = arith.constant dense<0.000000e+00> : vector<100x1xf32>
    %dot_general3A_91 = tpu.matmul %select_n3A_89, %broadcast_in_dim3A_4, %dot_general3A_90 {dimension_numbers = #tpu.dot_dimension_numbers<[0], [0], [1], [1], [0, 1, 1, 1], [], []>, transpose_lhs_hint = false} : vector<100x100xf32>, vector<100x1xf32>, vector<100x1xf32> -> vector<100x1xf32>
    %max3A_92 = arith.constant 1.000000e+00 : f32
    %max3A_93 = vector.broadcast %max3A_92 : f32 to vector<100x1xf32>
    %max3A_94 = arith.maximumf %dot_general3A_91, %max3A_93 : vector<100x1xf32>
    %get3A_95 = arith.constant 0 : index
    %get3A_96 = arith.constant 0 : index
    %get3A_97 = vector.load %arg3[%get3A_95, %get3A_96] : memref<128x128xf32, #tpu.memory_space<vmem>>, vector<128x128xf32>
    %dot_general3A_98 = arith.constant dense<0.000000e+00> : vector<100x128xf32>
    %dot_general3A_99 = tpu.matmul %add3A_49, %get3A_97, %dot_general3A_98 {dimension_numbers = #tpu.dot_dimension_numbers<[1], [0], [0], [1], [0, 0, 1, 1], [], []>, transpose_lhs_hint = false} : vector<100x128xf32>, vector<128x128xf32>, vector<100x128xf32> -> vector<100x128xf32>
    %get3A_100 = arith.constant 0 : index
    %get3A_101 = arith.constant 0 : index
    %get3A_102 = vector.load %arg4[%get3A_100, %get3A_101] : memref<1x128xf32, #tpu.memory_space<vmem>>, vector<1x128xf32>
    %add3A_103 = vector.broadcast %get3A_102 : vector<1x128xf32> to vector<100x128xf32>
    %add3A_104 = arith.addf %dot_general3A_99, %add3A_103 : vector<100x128xf32>
    %dot_general3A_105 = arith.constant dense<0.000000e+00> : vector<100x128xf32>
    %dot_general3A_106 = tpu.matmul %select_n3A_89, %add3A_104, %dot_general3A_105 {dimension_numbers = #tpu.dot_dimension_numbers<[0], [0], [1], [1], [0, 1, 1, 1], [], []>, transpose_lhs_hint = false} : vector<100x100xf32>, vector<100x128xf32>, vector<100x128xf32> -> vector<100x128xf32>
    %div3A_107 = vector.broadcast %max3A_94 : vector<100x1xf32> to vector<100x128xf32>
    %div3A_108 = arith.divf %dot_general3A_106, %div3A_107 : vector<100x128xf32>
    %get3A_109 = arith.constant 0 : index
    %get3A_110 = arith.constant 0 : index
    %get3A_111 = vector.load %arg5[%get3A_109, %get3A_110] : memref<256x128xf32, #tpu.memory_space<vmem>>, vector<128x128xf32>
    %dot_general3A_112 = arith.constant dense<0.000000e+00> : vector<100x128xf32>
    %dot_general3A_113 = tpu.matmul %add3A_104, %get3A_111, %dot_general3A_112 {dimension_numbers = #tpu.dot_dimension_numbers<[1], [0], [0], [1], [0, 0, 1, 1], [], []>, transpose_lhs_hint = false} : vector<100x128xf32>, vector<128x128xf32>, vector<100x128xf32> -> vector<100x128xf32>
    %get3A_114 = arith.constant 128 : index
    %get3A_115 = arith.constant 0 : index
    %get3A_116 = vector.load %arg5[%get3A_114, %get3A_115] : memref<256x128xf32, #tpu.memory_space<vmem>>, vector<128x128xf32>
    %dot_general3A_117 = arith.constant dense<0.000000e+00> : vector<100x128xf32>
    %dot_general3A_118 = tpu.matmul %div3A_108, %get3A_116, %dot_general3A_117 {dimension_numbers = #tpu.dot_dimension_numbers<[1], [0], [0], [1], [0, 0, 1, 1], [], []>, transpose_lhs_hint = false} : vector<100x128xf32>, vector<128x128xf32>, vector<100x128xf32> -> vector<100x128xf32>
    %add3A_119 = arith.addf %dot_general3A_113, %dot_general3A_118 : vector<100x128xf32>
    %get3A_120 = arith.constant 0 : index
    %get3A_121 = arith.constant 0 : index
    %get3A_122 = vector.load %arg6[%get3A_120, %get3A_121] : memref<1x128xf32, #tpu.memory_space<vmem>>, vector<1x128xf32>
    %add3A_123 = vector.broadcast %get3A_122 : vector<1x128xf32> to vector<100x128xf32>
    %add3A_124 = arith.addf %add3A_119, %add3A_123 : vector<100x128xf32>
    %mul3A_125 = arith.mulf %add3A_124, %add3A_124 : vector<100x128xf32>
    %reduce_sum3A = arith.constant dense<0.000000e+00> : vector<100xf32>
    %reduce_sum3A_126 = vector.multi_reduction <add>, %mul3A_125, %reduce_sum3A [1] : vector<100x128xf32> to vector<100xf32>
    %broadcast_in_dim3A_127 = vector.shape_cast %reduce_sum3A_126 : vector<100xf32> to vector<100x1xf32>
    %sqrt3A = math.sqrt %broadcast_in_dim3A_127 : vector<100x1xf32>
    %max3A_128 = arith.constant 9.99999996E-13 : f32
    %max3A_129 = vector.broadcast %max3A_128 : f32 to vector<100x1xf32>
    %max3A_130 = arith.maximumf %sqrt3A, %max3A_129 : vector<100x1xf32>
    %div3A_131 = vector.broadcast %max3A_130 : vector<100x1xf32> to vector<100x128xf32>
    %div3A_132 = arith.divf %add3A_124, %div3A_131 : vector<100x128xf32>
    %max3A_133 = arith.constant 0.000000e+00 : f32
    %max3A_134 = vector.broadcast %max3A_133 : f32 to vector<100x128xf32>
    %max3A_135 = arith.maximumf %div3A_132, %max3A_134 : vector<100x128xf32>
    %reduce_sum3A_136 = arith.constant dense<0.000000e+00> : vector<128xf32>
    %reduce_sum3A_137 = vector.multi_reduction <add>, %max3A_135, %reduce_sum3A_136 [0] : vector<100x128xf32> to vector<128xf32>
    %broadcast_in_dim3A_138 = vector.shape_cast %reduce_sum3A_137 : vector<128xf32> to vector<1x128xf32>
    %div3A_139 = arith.constant 1.000000e+02 : f32
    %div3A_140 = vector.broadcast %div3A_139 : f32 to vector<1x128xf32>
    %div3A_141 = arith.divf %broadcast_in_dim3A_138, %div3A_140 : vector<1x128xf32>
    %sub3A_142 = vector.broadcast %div3A_141 : vector<1x128xf32> to vector<100x128xf32>
    %sub3A_143 = arith.subf %max3A_135, %sub3A_142 : vector<100x128xf32>
    %integer_pow3A = arith.mulf %sub3A_143, %sub3A_143 : vector<100x128xf32>
    %reduce_sum3A_144 = arith.constant dense<0.000000e+00> : vector<128xf32>
    %reduce_sum3A_145 = vector.multi_reduction <add>, %integer_pow3A, %reduce_sum3A_144 [0] : vector<100x128xf32> to vector<128xf32>
    %broadcast_in_dim3A_146 = vector.shape_cast %reduce_sum3A_145 : vector<128xf32> to vector<1x128xf32>
    %div3A_147 = arith.constant 1.000000e+02 : f32
    %div3A_148 = vector.broadcast %div3A_147 : f32 to vector<1x128xf32>
    %div3A_149 = arith.divf %broadcast_in_dim3A_146, %div3A_148 : vector<1x128xf32>
    %get3A_150 = arith.constant 0 : index
    %get3A_151 = arith.constant 0 : index
    %get3A_152 = vector.load %arg7[%get3A_150, %get3A_151] : memref<1x128xf32, #tpu.memory_space<vmem>>, vector<1x128xf32>
    %sub3A_153 = vector.broadcast %div3A_141 : vector<1x128xf32> to vector<100x128xf32>
    %sub3A_154 = arith.subf %max3A_135, %sub3A_153 : vector<100x128xf32>
    %mul3A_155 = vector.broadcast %get3A_152 : vector<1x128xf32> to vector<100x128xf32>
    %mul3A_156 = arith.mulf %mul3A_155, %sub3A_154 : vector<100x128xf32>
    %add3A_157 = arith.constant 9.99999974E-6 : f32
    %add3A_158 = vector.broadcast %add3A_157 : f32 to vector<1x128xf32>
    %add3A_159 = arith.addf %div3A_149, %add3A_158 : vector<1x128xf32>
    %sqrt3A_160 = math.sqrt %add3A_159 : vector<1x128xf32>
    %div3A_161 = vector.broadcast %sqrt3A_160 : vector<1x128xf32> to vector<100x128xf32>
    %div3A_162 = arith.divf %mul3A_156, %div3A_161 : vector<100x128xf32>
    %add3A_163 = arith.addf %add3A_104, %div3A_162 : vector<100x128xf32>
    %get3A_164 = arith.constant 0 : index
    %get3A_165 = arith.constant 0 : index
    %get3A_166 = vector.load %arg8[%get3A_164, %get3A_165] : memref<1x128xf32, #tpu.memory_space<vmem>>, vector<1x128xf32>
    %add3A_167 = vector.broadcast %get3A_166 : vector<1x128xf32> to vector<100x128xf32>
    %add3A_168 = arith.addf %add3A_163, %add3A_167 : vector<100x128xf32>
    %dot_general3A_169 = arith.constant dense<0.000000e+00> : vector<100x128xf32>
    %dot_general3A_170 = tpu.matmul %select_n3A_89, %add3A_168, %dot_general3A_169 {dimension_numbers = #tpu.dot_dimension_numbers<[0], [0], [1], [1], [0, 1, 1, 1], [], []>, transpose_lhs_hint = false} : vector<100x100xf32>, vector<100x128xf32>, vector<100x128xf32> -> vector<100x128xf32>
    %div3A_171 = vector.broadcast %max3A_94 : vector<100x1xf32> to vector<100x128xf32>
    %div3A_172 = arith.divf %dot_general3A_170, %div3A_171 : vector<100x128xf32>
    %get3A_173 = arith.constant 0 : index
    %get3A_174 = arith.constant 0 : index
    %get3A_175 = vector.load %arg9[%get3A_173, %get3A_174] : memref<256x128xf32, #tpu.memory_space<vmem>>, vector<128x128xf32>
    %dot_general3A_176 = arith.constant dense<0.000000e+00> : vector<100x128xf32>
    %dot_general3A_177 = tpu.matmul %add3A_168, %get3A_175, %dot_general3A_176 {dimension_numbers = #tpu.dot_dimension_numbers<[1], [0], [0], [1], [0, 0, 1, 1], [], []>, transpose_lhs_hint = false} : vector<100x128xf32>, vector<128x128xf32>, vector<100x128xf32> -> vector<100x128xf32>
    %get3A_178 = arith.constant 128 : index
    %get3A_179 = arith.constant 0 : index
    %get3A_180 = vector.load %arg9[%get3A_178, %get3A_179] : memref<256x128xf32, #tpu.memory_space<vmem>>, vector<128x128xf32>
    %dot_general3A_181 = arith.constant dense<0.000000e+00> : vector<100x128xf32>
    %dot_general3A_182 = tpu.matmul %div3A_172, %get3A_180, %dot_general3A_181 {dimension_numbers = #tpu.dot_dimension_numbers<[1], [0], [0], [1], [0, 0, 1, 1], [], []>, transpose_lhs_hint = false} : vector<100x128xf32>, vector<128x128xf32>, vector<100x128xf32> -> vector<100x128xf32>
    %add3A_183 = arith.addf %dot_general3A_177, %dot_general3A_182 : vector<100x128xf32>
    %get3A_184 = arith.constant 0 : index
    %get3A_185 = arith.constant 0 : index
    %get3A_186 = vector.load %arg10[%get3A_184, %get3A_185] : memref<1x128xf32, #tpu.memory_space<vmem>>, vector<1x128xf32>
    %add3A_187 = vector.broadcast %get3A_186 : vector<1x128xf32> to vector<100x128xf32>
    %add3A_188 = arith.addf %add3A_183, %add3A_187 : vector<100x128xf32>
    %mul3A_189 = arith.mulf %add3A_188, %add3A_188 : vector<100x128xf32>
    %reduce_sum3A_190 = arith.constant dense<0.000000e+00> : vector<100xf32>
    %reduce_sum3A_191 = vector.multi_reduction <add>, %mul3A_189, %reduce_sum3A_190 [1] : vector<100x128xf32> to vector<100xf32>
    %broadcast_in_dim3A_192 = vector.shape_cast %reduce_sum3A_191 : vector<100xf32> to vector<100x1xf32>
    %sqrt3A_193 = math.sqrt %broadcast_in_dim3A_192 : vector<100x1xf32>
    %max3A_194 = arith.constant 9.99999996E-13 : f32
    %max3A_195 = vector.broadcast %max3A_194 : f32 to vector<100x1xf32>
    %max3A_196 = arith.maximumf %sqrt3A_193, %max3A_195 : vector<100x1xf32>
    %div3A_197 = vector.broadcast %max3A_196 : vector<100x1xf32> to vector<100x128xf32>
    %div3A_198 = arith.divf %add3A_188, %div3A_197 : vector<100x128xf32>
    %max3A_199 = arith.constant 0.000000e+00 : f32
    %max3A_200 = vector.broadcast %max3A_199 : f32 to vector<100x128xf32>
    %max3A_201 = arith.maximumf %div3A_198, %max3A_200 : vector<100x128xf32>
    %reduce_sum3A_202 = arith.constant dense<0.000000e+00> : vector<128xf32>
    %reduce_sum3A_203 = vector.multi_reduction <add>, %max3A_201, %reduce_sum3A_202 [0] : vector<100x128xf32> to vector<128xf32>
    %broadcast_in_dim3A_204 = vector.shape_cast %reduce_sum3A_203 : vector<128xf32> to vector<1x128xf32>
    %div3A_205 = arith.constant 1.000000e+02 : f32
    %div3A_206 = vector.broadcast %div3A_205 : f32 to vector<1x128xf32>
    %div3A_207 = arith.divf %broadcast_in_dim3A_204, %div3A_206 : vector<1x128xf32>
    %sub3A_208 = vector.broadcast %div3A_207 : vector<1x128xf32> to vector<100x128xf32>
    %sub3A_209 = arith.subf %max3A_201, %sub3A_208 : vector<100x128xf32>
    %integer_pow3A_210 = arith.mulf %sub3A_209, %sub3A_209 : vector<100x128xf32>
    %reduce_sum3A_211 = arith.constant dense<0.000000e+00> : vector<128xf32>
    %reduce_sum3A_212 = vector.multi_reduction <add>, %integer_pow3A_210, %reduce_sum3A_211 [0] : vector<100x128xf32> to vector<128xf32>
    %broadcast_in_dim3A_213 = vector.shape_cast %reduce_sum3A_212 : vector<128xf32> to vector<1x128xf32>
    %div3A_214 = arith.constant 1.000000e+02 : f32
    %div3A_215 = vector.broadcast %div3A_214 : f32 to vector<1x128xf32>
    %div3A_216 = arith.divf %broadcast_in_dim3A_213, %div3A_215 : vector<1x128xf32>
    %get3A_217 = arith.constant 0 : index
    %get3A_218 = arith.constant 0 : index
    %get3A_219 = vector.load %arg11[%get3A_217, %get3A_218] : memref<1x128xf32, #tpu.memory_space<vmem>>, vector<1x128xf32>
    %sub3A_220 = vector.broadcast %div3A_207 : vector<1x128xf32> to vector<100x128xf32>
    %sub3A_221 = arith.subf %max3A_201, %sub3A_220 : vector<100x128xf32>
    %mul3A_222 = vector.broadcast %get3A_219 : vector<1x128xf32> to vector<100x128xf32>
    %mul3A_223 = arith.mulf %mul3A_222, %sub3A_221 : vector<100x128xf32>
    %add3A_224 = arith.constant 9.99999974E-6 : f32
    %add3A_225 = vector.broadcast %add3A_224 : f32 to vector<1x128xf32>
    %add3A_226 = arith.addf %div3A_216, %add3A_225 : vector<1x128xf32>
    %sqrt3A_227 = math.sqrt %add3A_226 : vector<1x128xf32>
    %div3A_228 = vector.broadcast %sqrt3A_227 : vector<1x128xf32> to vector<100x128xf32>
    %div3A_229 = arith.divf %mul3A_223, %div3A_228 : vector<100x128xf32>
    %add3A_230 = arith.addf %add3A_168, %div3A_229 : vector<100x128xf32>
    %get3A_231 = arith.constant 0 : index
    %get3A_232 = arith.constant 0 : index
    %get3A_233 = vector.load %arg12[%get3A_231, %get3A_232] : memref<1x128xf32, #tpu.memory_space<vmem>>, vector<1x128xf32>
    %add3A_234 = vector.broadcast %get3A_233 : vector<1x128xf32> to vector<100x128xf32>
    %add3A_235 = arith.addf %add3A_230, %add3A_234 : vector<100x128xf32>
    %reduce_sum3A_236 = arith.constant dense<0.000000e+00> : vector<128xf32>
    %reduce_sum3A_237 = vector.multi_reduction <add>, %add3A_235, %reduce_sum3A_236 [0] : vector<100x128xf32> to vector<128xf32>
    %broadcast_in_dim3A_238 = vector.shape_cast %reduce_sum3A_237 : vector<128xf32> to vector<1x128xf32>
    %div3A_239 = arith.constant 1.000000e+02 : f32
    %div3A_240 = vector.broadcast %div3A_239 : f32 to vector<1x128xf32>
    %div3A_241 = arith.divf %broadcast_in_dim3A_238, %div3A_240 : vector<1x128xf32>
    %sub3A_242 = vector.broadcast %div3A_241 : vector<1x128xf32> to vector<100x128xf32>
    %sub3A_243 = arith.subf %get3A_6, %sub3A_242 : vector<100x128xf32>
    %mul3A_244 = arith.mulf %sub3A_243, %sub3A_243 : vector<100x128xf32>
    %reduce_sum3A_245 = arith.constant dense<0.000000e+00> : vector<100xf32>
    %reduce_sum3A_246 = vector.multi_reduction <add>, %mul3A_244, %reduce_sum3A_245 [1] : vector<100x128xf32> to vector<100xf32>
    %broadcast_in_dim3A_247 = vector.shape_cast %reduce_sum3A_246 : vector<100xf32> to vector<100x1xf32>
    %get3A_248 = arith.constant 1 : index
    %get3A_249 = arith.constant 0 : index
    %get3A_250 = arith.constant 0 : index
    %get3A_251 = vector.load %arg0[%get3A_248, %get3A_249, %get3A_250] : memref<6x100x128xf32, #tpu.memory_space<vmem>>, vector<1x100x128xf32>
    %get3A_252 = vector.shape_cast %get3A_251 : vector<1x100x128xf32> to vector<100x128xf32>
    %get3A_253 = arith.constant 1 : index
    %get3A_254 = arith.constant 0 : index
    %get3A_255 = arith.constant 0 : index
    %get3A_256 = vector.load %arg1[%get3A_253, %get3A_254, %get3A_255] : memref<6x100x100xf32, #tpu.memory_space<vmem>>, vector<1x100x100xf32>
    %get3A_257 = vector.shape_cast %get3A_256 : vector<1x100x100xf32> to vector<100x100xf32>
    %get3A_258 = arith.constant 0 : index
    %get3A_259 = arith.constant 0 : index
    %get3A_260 = vector.load %arg13[%get3A_258, %get3A_259] : memref<128x64xf32, #tpu.memory_space<vmem>>, vector<128x64xf32>
    %dot_general3A_261 = arith.constant dense<0.000000e+00> : vector<100x64xf32>
    %dot_general3A_262 = tpu.matmul %get3A_252, %get3A_260, %dot_general3A_261 {dimension_numbers = #tpu.dot_dimension_numbers<[1], [0], [0], [1], [0, 0, 1, 1], [], []>, transpose_lhs_hint = false} : vector<100x128xf32>, vector<128x64xf32>, vector<100x64xf32> -> vector<100x64xf32>
    %get3A_263 = arith.constant 0 : index
    %get3A_264 = arith.constant 0 : index
    %get3A_265 = vector.load %arg14[%get3A_263, %get3A_264] : memref<1x64xf32, #tpu.memory_space<vmem>>, vector<1x64xf32>
    %add3A_266 = vector.broadcast %get3A_265 : vector<1x64xf32> to vector<100x64xf32>
    %add3A_267 = arith.addf %dot_general3A_262, %add3A_266 : vector<100x64xf32>
    %max3A_268 = arith.constant 0.000000e+00 : f32
    %max3A_269 = vector.broadcast %max3A_268 : f32 to vector<100x64xf32>
    %max3A_270 = arith.maximumf %add3A_267, %max3A_269 : vector<100x64xf32>
    %get3A_271 = arith.constant 0 : index
    %get3A_272 = arith.constant 0 : index
    %get3A_273 = vector.load %arg15[%get3A_271, %get3A_272] : memref<64x32xf32, #tpu.memory_space<vmem>>, vector<64x32xf32>
    %dot_general3A_274 = arith.constant dense<0.000000e+00> : vector<100x32xf32>
    %dot_general3A_275 = tpu.matmul %max3A_270, %get3A_273, %dot_general3A_274 {dimension_numbers = #tpu.dot_dimension_numbers<[1], [0], [0], [1], [0, 0, 1, 1], [], []>, transpose_lhs_hint = false} : vector<100x64xf32>, vector<64x32xf32>, vector<100x32xf32> -> vector<100x32xf32>
    %get3A_276 = arith.constant 0 : index
    %get3A_277 = arith.constant 0 : index
    %get3A_278 = vector.load %arg16[%get3A_276, %get3A_277] : memref<1x32xf32, #tpu.memory_space<vmem>>, vector<1x32xf32>
    %add3A_279 = vector.broadcast %get3A_278 : vector<1x32xf32> to vector<100x32xf32>
    %add3A_280 = arith.addf %dot_general3A_275, %add3A_279 : vector<100x32xf32>
    %max3A_281 = arith.constant 0.000000e+00 : f32
    %max3A_282 = vector.broadcast %max3A_281 : f32 to vector<100x32xf32>
    %max3A_283 = arith.maximumf %add3A_280, %max3A_282 : vector<100x32xf32>
    %get3A_284 = arith.constant 0 : index
    %get3A_285 = arith.constant 0 : index
    %get3A_286 = vector.load %arg17[%get3A_284, %get3A_285] : memref<32x128xf32, #tpu.memory_space<vmem>>, vector<32x128xf32>
    %dot_general3A_287 = arith.constant dense<0.000000e+00> : vector<100x128xf32>
    %dot_general3A_288 = tpu.matmul %max3A_283, %get3A_286, %dot_general3A_287 {dimension_numbers = #tpu.dot_dimension_numbers<[1], [0], [0], [1], [0, 0, 1, 1], [], []>, transpose_lhs_hint = false} : vector<100x32xf32>, vector<32x128xf32>, vector<100x128xf32> -> vector<100x128xf32>
    %get3A_289 = arith.constant 0 : index
    %get3A_290 = arith.constant 0 : index
    %get3A_291 = vector.load %arg18[%get3A_289, %get3A_290] : memref<1x128xf32, #tpu.memory_space<vmem>>, vector<1x128xf32>
    %add3A_292 = vector.broadcast %get3A_291 : vector<1x128xf32> to vector<100x128xf32>
    %add3A_293 = arith.addf %dot_general3A_288, %add3A_292 : vector<100x128xf32>
    %get3A_294 = arith.constant 0 : index
    %get3A_295 = arith.constant 0 : index
    %get3A_296 = vector.load %arg19[%get3A_294, %get3A_295] : memref<256x1xf32, #tpu.memory_space<vmem>>, vector<128x1xf32>
    %dot_general3A_297 = arith.constant dense<0.000000e+00> : vector<100x1xf32>
    %dot_general3A_298 = tpu.matmul %add3A_293, %get3A_296, %dot_general3A_297 {dimension_numbers = #tpu.dot_dimension_numbers<[1], [0], [0], [1], [0, 0, 1, 1], [], []>, transpose_lhs_hint = false} : vector<100x128xf32>, vector<128x1xf32>, vector<100x1xf32> -> vector<100x1xf32>
    %get3A_299 = arith.constant 128 : index
    %get3A_300 = arith.constant 0 : index
    %get3A_301 = vector.load %arg19[%get3A_299, %get3A_300] : memref<256x1xf32, #tpu.memory_space<vmem>>, vector<128x1xf32>
    %dot_general3A_302 = arith.constant dense<0.000000e+00> : vector<100x1xf32>
    %dot_general3A_303 = tpu.matmul %add3A_293, %get3A_301, %dot_general3A_302 {dimension_numbers = #tpu.dot_dimension_numbers<[1], [0], [0], [1], [0, 0, 1, 1], [], []>, transpose_lhs_hint = false} : vector<100x128xf32>, vector<128x1xf32>, vector<100x1xf32> -> vector<100x1xf32>
    %dot_general3A_304 = arith.constant dense<0.000000e+00> : vector<1x100xf32>
    %dot_general3A_305 = tpu.matmul %dot_general3A_303, %select_n3A, %dot_general3A_304 {dimension_numbers = #tpu.dot_dimension_numbers<[0], [0], [1], [1], [0, 1, 1, 1], [], []>, transpose_lhs_hint = false} : vector<100x1xf32>, vector<100x100xf32>, vector<1x100xf32> -> vector<1x100xf32>
    %add3A_306 = vector.broadcast %dot_general3A_298 : vector<100x1xf32> to vector<100x100xf32>
    %add3A_307 = vector.broadcast %dot_general3A_305 : vector<1x100xf32> to vector<100x100xf32>
    %add3A_308 = arith.addf %add3A_306, %add3A_307 : vector<100x100xf32>
    %get3A_309 = arith.constant 0 : index
    %get3A_310 = arith.constant 0 : index
    %get3A_311 = vector.load %arg20[%get3A_309, %get3A_310] : memref<1x1xf32, #tpu.memory_space<vmem>>, vector<1x1xf32>
    %add3A_312 = vector.broadcast %get3A_311 : vector<1x1xf32> to vector<100x100xf32>
    %add3A_313 = arith.addf %add3A_308, %add3A_312 : vector<100x100xf32>
    %neg3A_314 = arith.constant 0.000000e+00 : f32
    %neg3A_315 = vector.broadcast %neg3A_314 : f32 to vector<100x100xf32>
    %neg3A_316 = arith.subf %neg3A_315, %add3A_313 : vector<100x100xf32>
    %exp3A_317 = math.exp %neg3A_316 : vector<100x100xf32>
    %add3A_318 = arith.constant 1.000000e+00 : f32
    %add3A_319 = vector.broadcast %add3A_318 : f32 to vector<100x100xf32>
    %add3A_320 = arith.addf %add3A_319, %exp3A_317 : vector<100x100xf32>
    %div3A_321 = arith.constant 1.000000e+00 : f32
    %div3A_322 = vector.broadcast %div3A_321 : f32 to vector<100x100xf32>
    %div3A_323 = arith.divf %div3A_322, %add3A_320 : vector<100x100xf32>
    %mul3A_324 = arith.constant 2.000000e-01 : f32
    %mul3A_325 = vector.broadcast %mul3A_324 : f32 to vector<100x100xf32>
    %mul3A_326 = arith.mulf %get3A_257, %mul3A_325 : vector<100x100xf32>
    %sub3A_327 = arith.constant 1.000000e+00 : f32
    %sub3A_328 = vector.broadcast %sub3A_327 : f32 to vector<100x100xf32>
    %sub3A_329 = arith.subf %sub3A_328, %get3A_257 : vector<100x100xf32>
    %mul3A_330 = arith.constant 8.000000e-01 : f32
    %mul3A_331 = vector.broadcast %mul3A_330 : f32 to vector<100x100xf32>
    %mul3A_332 = arith.mulf %sub3A_329, %mul3A_331 : vector<100x100xf32>
    %add3A_333 = arith.addf %mul3A_326, %mul3A_332 : vector<100x100xf32>
    %gt3A_334 = arith.cmpf ogt, %div3A_323, %add3A_333 : vector<100x100xf32>
    %jit3A_335 = arith.constant 1.000000e+00 : f32
    %jit3A_336 = arith.constant 0.000000e+00 : f32
    %broadcast_in_dim3A_337 = vector.broadcast %jit3A_335 : f32 to vector<100x100xf32>
    %broadcast_in_dim3A_338 = vector.broadcast %jit3A_336 : f32 to vector<100x100xf32>
    %select_n3A_339 = arith.select %gt3A_334, %broadcast_in_dim3A_337, %broadcast_in_dim3A_338 : vector<100x100xi1>, vector<100x100xf32>
    %dot_general3A_340 = arith.constant dense<0.000000e+00> : vector<100x1xf32>
    %dot_general3A_341 = tpu.matmul %select_n3A_339, %broadcast_in_dim3A_4, %dot_general3A_340 {dimension_numbers = #tpu.dot_dimension_numbers<[0], [0], [1], [1], [0, 1, 1, 1], [], []>, transpose_lhs_hint = false} : vector<100x100xf32>, vector<100x1xf32>, vector<100x1xf32> -> vector<100x1xf32>
    %max3A_342 = arith.constant 1.000000e+00 : f32
    %max3A_343 = vector.broadcast %max3A_342 : f32 to vector<100x1xf32>
    %max3A_344 = arith.maximumf %dot_general3A_341, %max3A_343 : vector<100x1xf32>
    %get3A_345 = arith.constant 0 : index
    %get3A_346 = arith.constant 0 : index
    %get3A_347 = vector.load %arg3[%get3A_345, %get3A_346] : memref<128x128xf32, #tpu.memory_space<vmem>>, vector<128x128xf32>
    %dot_general3A_348 = arith.constant dense<0.000000e+00> : vector<100x128xf32>
    %dot_general3A_349 = tpu.matmul %add3A_293, %get3A_347, %dot_general3A_348 {dimension_numbers = #tpu.dot_dimension_numbers<[1], [0], [0], [1], [0, 0, 1, 1], [], []>, transpose_lhs_hint = false} : vector<100x128xf32>, vector<128x128xf32>, vector<100x128xf32> -> vector<100x128xf32>
    %get3A_350 = arith.constant 0 : index
    %get3A_351 = arith.constant 0 : index
    %get3A_352 = vector.load %arg4[%get3A_350, %get3A_351] : memref<1x128xf32, #tpu.memory_space<vmem>>, vector<1x128xf32>
    %add3A_353 = vector.broadcast %get3A_352 : vector<1x128xf32> to vector<100x128xf32>
    %add3A_354 = arith.addf %dot_general3A_349, %add3A_353 : vector<100x128xf32>
    %dot_general3A_355 = arith.constant dense<0.000000e+00> : vector<100x128xf32>
    %dot_general3A_356 = tpu.matmul %select_n3A_339, %add3A_354, %dot_general3A_355 {dimension_numbers = #tpu.dot_dimension_numbers<[0], [0], [1], [1], [0, 1, 1, 1], [], []>, transpose_lhs_hint = false} : vector<100x100xf32>, vector<100x128xf32>, vector<100x128xf32> -> vector<100x128xf32>
    %div3A_357 = vector.broadcast %max3A_344 : vector<100x1xf32> to vector<100x128xf32>
    %div3A_358 = arith.divf %dot_general3A_356, %div3A_357 : vector<100x128xf32>
    %get3A_359 = arith.constant 0 : index
    %get3A_360 = arith.constant 0 : index
    %get3A_361 = vector.load %arg5[%get3A_359, %get3A_360] : memref<256x128xf32, #tpu.memory_space<vmem>>, vector<128x128xf32>
    %dot_general3A_362 = arith.constant dense<0.000000e+00> : vector<100x128xf32>
    %dot_general3A_363 = tpu.matmul %add3A_354, %get3A_361, %dot_general3A_362 {dimension_numbers = #tpu.dot_dimension_numbers<[1], [0], [0], [1], [0, 0, 1, 1], [], []>, transpose_lhs_hint = false} : vector<100x128xf32>, vector<128x128xf32>, vector<100x128xf32> -> vector<100x128xf32>
    %get3A_364 = arith.constant 128 : index
    %get3A_365 = arith.constant 0 : index
    %get3A_366 = vector.load %arg5[%get3A_364, %get3A_365] : memref<256x128xf32, #tpu.memory_space<vmem>>, vector<128x128xf32>
    %dot_general3A_367 = arith.constant dense<0.000000e+00> : vector<100x128xf32>
    %dot_general3A_368 = tpu.matmul %div3A_358, %get3A_366, %dot_general3A_367 {dimension_numbers = #tpu.dot_dimension_numbers<[1], [0], [0], [1], [0, 0, 1, 1], [], []>, transpose_lhs_hint = false} : vector<100x128xf32>, vector<128x128xf32>, vector<100x128xf32> -> vector<100x128xf32>
    %add3A_369 = arith.addf %dot_general3A_363, %dot_general3A_368 : vector<100x128xf32>
    %get3A_370 = arith.constant 0 : index
    %get3A_371 = arith.constant 0 : index
    %get3A_372 = vector.load %arg6[%get3A_370, %get3A_371] : memref<1x128xf32, #tpu.memory_space<vmem>>, vector<1x128xf32>
    %add3A_373 = vector.broadcast %get3A_372 : vector<1x128xf32> to vector<100x128xf32>
    %add3A_374 = arith.addf %add3A_369, %add3A_373 : vector<100x128xf32>
    %mul3A_375 = arith.mulf %add3A_374, %add3A_374 : vector<100x128xf32>
    %reduce_sum3A_376 = arith.constant dense<0.000000e+00> : vector<100xf32>
    %reduce_sum3A_377 = vector.multi_reduction <add>, %mul3A_375, %reduce_sum3A_376 [1] : vector<100x128xf32> to vector<100xf32>
    %broadcast_in_dim3A_378 = vector.shape_cast %reduce_sum3A_377 : vector<100xf32> to vector<100x1xf32>
    %sqrt3A_379 = math.sqrt %broadcast_in_dim3A_378 : vector<100x1xf32>
    %max3A_380 = arith.constant 9.99999996E-13 : f32
    %max3A_381 = vector.broadcast %max3A_380 : f32 to vector<100x1xf32>
    %max3A_382 = arith.maximumf %sqrt3A_379, %max3A_381 : vector<100x1xf32>
    %div3A_383 = vector.broadcast %max3A_382 : vector<100x1xf32> to vector<100x128xf32>
    %div3A_384 = arith.divf %add3A_374, %div3A_383 : vector<100x128xf32>
    %max3A_385 = arith.constant 0.000000e+00 : f32
    %max3A_386 = vector.broadcast %max3A_385 : f32 to vector<100x128xf32>
    %max3A_387 = arith.maximumf %div3A_384, %max3A_386 : vector<100x128xf32>
    %reduce_sum3A_388 = arith.constant dense<0.000000e+00> : vector<128xf32>
    %reduce_sum3A_389 = vector.multi_reduction <add>, %max3A_387, %reduce_sum3A_388 [0] : vector<100x128xf32> to vector<128xf32>
    %broadcast_in_dim3A_390 = vector.shape_cast %reduce_sum3A_389 : vector<128xf32> to vector<1x128xf32>
    %div3A_391 = arith.constant 1.000000e+02 : f32
    %div3A_392 = vector.broadcast %div3A_391 : f32 to vector<1x128xf32>
    %div3A_393 = arith.divf %broadcast_in_dim3A_390, %div3A_392 : vector<1x128xf32>
    %sub3A_394 = vector.broadcast %div3A_393 : vector<1x128xf32> to vector<100x128xf32>
    %sub3A_395 = arith.subf %max3A_387, %sub3A_394 : vector<100x128xf32>
    %integer_pow3A_396 = arith.mulf %sub3A_395, %sub3A_395 : vector<100x128xf32>
    %reduce_sum3A_397 = arith.constant dense<0.000000e+00> : vector<128xf32>
    %reduce_sum3A_398 = vector.multi_reduction <add>, %integer_pow3A_396, %reduce_sum3A_397 [0] : vector<100x128xf32> to vector<128xf32>
    %broadcast_in_dim3A_399 = vector.shape_cast %reduce_sum3A_398 : vector<128xf32> to vector<1x128xf32>
    %div3A_400 = arith.constant 1.000000e+02 : f32
    %div3A_401 = vector.broadcast %div3A_400 : f32 to vector<1x128xf32>
    %div3A_402 = arith.divf %broadcast_in_dim3A_399, %div3A_401 : vector<1x128xf32>
    %get3A_403 = arith.constant 0 : index
    %get3A_404 = arith.constant 0 : index
    %get3A_405 = vector.load %arg7[%get3A_403, %get3A_404] : memref<1x128xf32, #tpu.memory_space<vmem>>, vector<1x128xf32>
    %sub3A_406 = vector.broadcast %div3A_393 : vector<1x128xf32> to vector<100x128xf32>
    %sub3A_407 = arith.subf %max3A_387, %sub3A_406 : vector<100x128xf32>
    %mul3A_408 = vector.broadcast %get3A_405 : vector<1x128xf32> to vector<100x128xf32>
    %mul3A_409 = arith.mulf %mul3A_408, %sub3A_407 : vector<100x128xf32>
    %add3A_410 = arith.constant 9.99999974E-6 : f32
    %add3A_411 = vector.broadcast %add3A_410 : f32 to vector<1x128xf32>
    %add3A_412 = arith.addf %div3A_402, %add3A_411 : vector<1x128xf32>
    %sqrt3A_413 = math.sqrt %add3A_412 : vector<1x128xf32>
    %div3A_414 = vector.broadcast %sqrt3A_413 : vector<1x128xf32> to vector<100x128xf32>
    %div3A_415 = arith.divf %mul3A_409, %div3A_414 : vector<100x128xf32>
    %add3A_416 = arith.addf %add3A_354, %div3A_415 : vector<100x128xf32>
    %get3A_417 = arith.constant 0 : index
    %get3A_418 = arith.constant 0 : index
    %get3A_419 = vector.load %arg8[%get3A_417, %get3A_418] : memref<1x128xf32, #tpu.memory_space<vmem>>, vector<1x128xf32>
    %add3A_420 = vector.broadcast %get3A_419 : vector<1x128xf32> to vector<100x128xf32>
    %add3A_421 = arith.addf %add3A_416, %add3A_420 : vector<100x128xf32>
    %dot_general3A_422 = arith.constant dense<0.000000e+00> : vector<100x128xf32>
    %dot_general3A_423 = tpu.matmul %select_n3A_339, %add3A_421, %dot_general3A_422 {dimension_numbers = #tpu.dot_dimension_numbers<[0], [0], [1], [1], [0, 1, 1, 1], [], []>, transpose_lhs_hint = false} : vector<100x100xf32>, vector<100x128xf32>, vector<100x128xf32> -> vector<100x128xf32>
    %div3A_424 = vector.broadcast %max3A_344 : vector<100x1xf32> to vector<100x128xf32>
    %div3A_425 = arith.divf %dot_general3A_423, %div3A_424 : vector<100x128xf32>
    %get3A_426 = arith.constant 0 : index
    %get3A_427 = arith.constant 0 : index
    %get3A_428 = vector.load %arg9[%get3A_426, %get3A_427] : memref<256x128xf32, #tpu.memory_space<vmem>>, vector<128x128xf32>
    %dot_general3A_429 = arith.constant dense<0.000000e+00> : vector<100x128xf32>
    %dot_general3A_430 = tpu.matmul %add3A_421, %get3A_428, %dot_general3A_429 {dimension_numbers = #tpu.dot_dimension_numbers<[1], [0], [0], [1], [0, 0, 1, 1], [], []>, transpose_lhs_hint = false} : vector<100x128xf32>, vector<128x128xf32>, vector<100x128xf32> -> vector<100x128xf32>
    %get3A_431 = arith.constant 128 : index
    %get3A_432 = arith.constant 0 : index
    %get3A_433 = vector.load %arg9[%get3A_431, %get3A_432] : memref<256x128xf32, #tpu.memory_space<vmem>>, vector<128x128xf32>
    %dot_general3A_434 = arith.constant dense<0.000000e+00> : vector<100x128xf32>
    %dot_general3A_435 = tpu.matmul %div3A_425, %get3A_433, %dot_general3A_434 {dimension_numbers = #tpu.dot_dimension_numbers<[1], [0], [0], [1], [0, 0, 1, 1], [], []>, transpose_lhs_hint = false} : vector<100x128xf32>, vector<128x128xf32>, vector<100x128xf32> -> vector<100x128xf32>
    %add3A_436 = arith.addf %dot_general3A_430, %dot_general3A_435 : vector<100x128xf32>
    %get3A_437 = arith.constant 0 : index
    %get3A_438 = arith.constant 0 : index
    %get3A_439 = vector.load %arg10[%get3A_437, %get3A_438] : memref<1x128xf32, #tpu.memory_space<vmem>>, vector<1x128xf32>
    %add3A_440 = vector.broadcast %get3A_439 : vector<1x128xf32> to vector<100x128xf32>
    %add3A_441 = arith.addf %add3A_436, %add3A_440 : vector<100x128xf32>
    %mul3A_442 = arith.mulf %add3A_441, %add3A_441 : vector<100x128xf32>
    %reduce_sum3A_443 = arith.constant dense<0.000000e+00> : vector<100xf32>
    %reduce_sum3A_444 = vector.multi_reduction <add>, %mul3A_442, %reduce_sum3A_443 [1] : vector<100x128xf32> to vector<100xf32>
    %broadcast_in_dim3A_445 = vector.shape_cast %reduce_sum3A_444 : vector<100xf32> to vector<100x1xf32>
    %sqrt3A_446 = math.sqrt %broadcast_in_dim3A_445 : vector<100x1xf32>
    %max3A_447 = arith.constant 9.99999996E-13 : f32
    %max3A_448 = vector.broadcast %max3A_447 : f32 to vector<100x1xf32>
    %max3A_449 = arith.maximumf %sqrt3A_446, %max3A_448 : vector<100x1xf32>
    %div3A_450 = vector.broadcast %max3A_449 : vector<100x1xf32> to vector<100x128xf32>
    %div3A_451 = arith.divf %add3A_441, %div3A_450 : vector<100x128xf32>
    %max3A_452 = arith.constant 0.000000e+00 : f32
    %max3A_453 = vector.broadcast %max3A_452 : f32 to vector<100x128xf32>
    %max3A_454 = arith.maximumf %div3A_451, %max3A_453 : vector<100x128xf32>
    %reduce_sum3A_455 = arith.constant dense<0.000000e+00> : vector<128xf32>
    %reduce_sum3A_456 = vector.multi_reduction <add>, %max3A_454, %reduce_sum3A_455 [0] : vector<100x128xf32> to vector<128xf32>
    %broadcast_in_dim3A_457 = vector.shape_cast %reduce_sum3A_456 : vector<128xf32> to vector<1x128xf32>
    %div3A_458 = arith.constant 1.000000e+02 : f32
    %div3A_459 = vector.broadcast %div3A_458 : f32 to vector<1x128xf32>
    %div3A_460 = arith.divf %broadcast_in_dim3A_457, %div3A_459 : vector<1x128xf32>
    %sub3A_461 = vector.broadcast %div3A_460 : vector<1x128xf32> to vector<100x128xf32>
    %sub3A_462 = arith.subf %max3A_454, %sub3A_461 : vector<100x128xf32>
    %integer_pow3A_463 = arith.mulf %sub3A_462, %sub3A_462 : vector<100x128xf32>
    %reduce_sum3A_464 = arith.constant dense<0.000000e+00> : vector<128xf32>
    %reduce_sum3A_465 = vector.multi_reduction <add>, %integer_pow3A_463, %reduce_sum3A_464 [0] : vector<100x128xf32> to vector<128xf32>
    %broadcast_in_dim3A_466 = vector.shape_cast %reduce_sum3A_465 : vector<128xf32> to vector<1x128xf32>
    %div3A_467 = arith.constant 1.000000e+02 : f32
    %div3A_468 = vector.broadcast %div3A_467 : f32 to vector<1x128xf32>
    %div3A_469 = arith.divf %broadcast_in_dim3A_466, %div3A_468 : vector<1x128xf32>
    %get3A_470 = arith.constant 0 : index
    %get3A_471 = arith.constant 0 : index
    %get3A_472 = vector.load %arg11[%get3A_470, %get3A_471] : memref<1x128xf32, #tpu.memory_space<vmem>>, vector<1x128xf32>
    %sub3A_473 = vector.broadcast %div3A_460 : vector<1x128xf32> to vector<100x128xf32>
    %sub3A_474 = arith.subf %max3A_454, %sub3A_473 : vector<100x128xf32>
    %mul3A_475 = vector.broadcast %get3A_472 : vector<1x128xf32> to vector<100x128xf32>
    %mul3A_476 = arith.mulf %mul3A_475, %sub3A_474 : vector<100x128xf32>
    %add3A_477 = arith.constant 9.99999974E-6 : f32
    %add3A_478 = vector.broadcast %add3A_477 : f32 to vector<1x128xf32>
    %add3A_479 = arith.addf %div3A_469, %add3A_478 : vector<1x128xf32>
    %sqrt3A_480 = math.sqrt %add3A_479 : vector<1x128xf32>
    %div3A_481 = vector.broadcast %sqrt3A_480 : vector<1x128xf32> to vector<100x128xf32>
    %div3A_482 = arith.divf %mul3A_476, %div3A_481 : vector<100x128xf32>
    %add3A_483 = arith.addf %add3A_421, %div3A_482 : vector<100x128xf32>
    %get3A_484 = arith.constant 0 : index
    %get3A_485 = arith.constant 0 : index
    %get3A_486 = vector.load %arg12[%get3A_484, %get3A_485] : memref<1x128xf32, #tpu.memory_space<vmem>>, vector<1x128xf32>
    %add3A_487 = vector.broadcast %get3A_486 : vector<1x128xf32> to vector<100x128xf32>
    %add3A_488 = arith.addf %add3A_483, %add3A_487 : vector<100x128xf32>
    %reduce_sum3A_489 = arith.constant dense<0.000000e+00> : vector<128xf32>
    %reduce_sum3A_490 = vector.multi_reduction <add>, %add3A_488, %reduce_sum3A_489 [0] : vector<100x128xf32> to vector<128xf32>
    %broadcast_in_dim3A_491 = vector.shape_cast %reduce_sum3A_490 : vector<128xf32> to vector<1x128xf32>
    %div3A_492 = arith.constant 1.000000e+02 : f32
    %div3A_493 = vector.broadcast %div3A_492 : f32 to vector<1x128xf32>
    %div3A_494 = arith.divf %broadcast_in_dim3A_491, %div3A_493 : vector<1x128xf32>
    %sub3A_495 = vector.broadcast %div3A_494 : vector<1x128xf32> to vector<100x128xf32>
    %sub3A_496 = arith.subf %get3A_6, %sub3A_495 : vector<100x128xf32>
    %mul3A_497 = arith.mulf %sub3A_496, %sub3A_496 : vector<100x128xf32>
    %reduce_sum3A_498 = arith.constant dense<0.000000e+00> : vector<100xf32>
    %reduce_sum3A_499 = vector.multi_reduction <add>, %mul3A_497, %reduce_sum3A_498 [1] : vector<100x128xf32> to vector<100xf32>
    %broadcast_in_dim3A_500 = vector.shape_cast %reduce_sum3A_499 : vector<100xf32> to vector<100x1xf32>
    %get3A_501 = arith.constant 2 : index
    %get3A_502 = arith.constant 0 : index
    %get3A_503 = arith.constant 0 : index
    %get3A_504 = vector.load %arg0[%get3A_501, %get3A_502, %get3A_503] : memref<6x100x128xf32, #tpu.memory_space<vmem>>, vector<1x100x128xf32>
    %get3A_505 = vector.shape_cast %get3A_504 : vector<1x100x128xf32> to vector<100x128xf32>
    %get3A_506 = arith.constant 2 : index
    %get3A_507 = arith.constant 0 : index
    %get3A_508 = arith.constant 0 : index
    %get3A_509 = vector.load %arg1[%get3A_506, %get3A_507, %get3A_508] : memref<6x100x100xf32, #tpu.memory_space<vmem>>, vector<1x100x100xf32>
    %get3A_510 = vector.shape_cast %get3A_509 : vector<1x100x100xf32> to vector<100x100xf32>
    %get3A_511 = arith.constant 0 : index
    %get3A_512 = arith.constant 0 : index
    %get3A_513 = vector.load %arg13[%get3A_511, %get3A_512] : memref<128x64xf32, #tpu.memory_space<vmem>>, vector<128x64xf32>
    %dot_general3A_514 = arith.constant dense<0.000000e+00> : vector<100x64xf32>
    %dot_general3A_515 = tpu.matmul %get3A_505, %get3A_513, %dot_general3A_514 {dimension_numbers = #tpu.dot_dimension_numbers<[1], [0], [0], [1], [0, 0, 1, 1], [], []>, transpose_lhs_hint = false} : vector<100x128xf32>, vector<128x64xf32>, vector<100x64xf32> -> vector<100x64xf32>
    %get3A_516 = arith.constant 0 : index
    %get3A_517 = arith.constant 0 : index
    %get3A_518 = vector.load %arg14[%get3A_516, %get3A_517] : memref<1x64xf32, #tpu.memory_space<vmem>>, vector<1x64xf32>
    %add3A_519 = vector.broadcast %get3A_518 : vector<1x64xf32> to vector<100x64xf32>
    %add3A_520 = arith.addf %dot_general3A_515, %add3A_519 : vector<100x64xf32>
    %max3A_521 = arith.constant 0.000000e+00 : f32
    %max3A_522 = vector.broadcast %max3A_521 : f32 to vector<100x64xf32>
    %max3A_523 = arith.maximumf %add3A_520, %max3A_522 : vector<100x64xf32>
    %get3A_524 = arith.constant 0 : index
    %get3A_525 = arith.constant 0 : index
    %get3A_526 = vector.load %arg15[%get3A_524, %get3A_525] : memref<64x32xf32, #tpu.memory_space<vmem>>, vector<64x32xf32>
    %dot_general3A_527 = arith.constant dense<0.000000e+00> : vector<100x32xf32>
    %dot_general3A_528 = tpu.matmul %max3A_523, %get3A_526, %dot_general3A_527 {dimension_numbers = #tpu.dot_dimension_numbers<[1], [0], [0], [1], [0, 0, 1, 1], [], []>, transpose_lhs_hint = false} : vector<100x64xf32>, vector<64x32xf32>, vector<100x32xf32> -> vector<100x32xf32>
    %get3A_529 = arith.constant 0 : index
    %get3A_530 = arith.constant 0 : index
    %get3A_531 = vector.load %arg16[%get3A_529, %get3A_530] : memref<1x32xf32, #tpu.memory_space<vmem>>, vector<1x32xf32>
    %add3A_532 = vector.broadcast %get3A_531 : vector<1x32xf32> to vector<100x32xf32>
    %add3A_533 = arith.addf %dot_general3A_528, %add3A_532 : vector<100x32xf32>
    %max3A_534 = arith.constant 0.000000e+00 : f32
    %max3A_535 = vector.broadcast %max3A_534 : f32 to vector<100x32xf32>
    %max3A_536 = arith.maximumf %add3A_533, %max3A_535 : vector<100x32xf32>
    %get3A_537 = arith.constant 0 : index
    %get3A_538 = arith.constant 0 : index
    %get3A_539 = vector.load %arg17[%get3A_537, %get3A_538] : memref<32x128xf32, #tpu.memory_space<vmem>>, vector<32x128xf32>
    %dot_general3A_540 = arith.constant dense<0.000000e+00> : vector<100x128xf32>
    %dot_general3A_541 = tpu.matmul %max3A_536, %get3A_539, %dot_general3A_540 {dimension_numbers = #tpu.dot_dimension_numbers<[1], [0], [0], [1], [0, 0, 1, 1], [], []>, transpose_lhs_hint = false} : vector<100x32xf32>, vector<32x128xf32>, vector<100x128xf32> -> vector<100x128xf32>
    %get3A_542 = arith.constant 0 : index
    %get3A_543 = arith.constant 0 : index
    %get3A_544 = vector.load %arg18[%get3A_542, %get3A_543] : memref<1x128xf32, #tpu.memory_space<vmem>>, vector<1x128xf32>
    %add3A_545 = vector.broadcast %get3A_544 : vector<1x128xf32> to vector<100x128xf32>
    %add3A_546 = arith.addf %dot_general3A_541, %add3A_545 : vector<100x128xf32>
    %get3A_547 = arith.constant 0 : index
    %get3A_548 = arith.constant 0 : index
    %get3A_549 = vector.load %arg19[%get3A_547, %get3A_548] : memref<256x1xf32, #tpu.memory_space<vmem>>, vector<128x1xf32>
    %dot_general3A_550 = arith.constant dense<0.000000e+00> : vector<100x1xf32>
    %dot_general3A_551 = tpu.matmul %add3A_546, %get3A_549, %dot_general3A_550 {dimension_numbers = #tpu.dot_dimension_numbers<[1], [0], [0], [1], [0, 0, 1, 1], [], []>, transpose_lhs_hint = false} : vector<100x128xf32>, vector<128x1xf32>, vector<100x1xf32> -> vector<100x1xf32>
    %get3A_552 = arith.constant 128 : index
    %get3A_553 = arith.constant 0 : index
    %get3A_554 = vector.load %arg19[%get3A_552, %get3A_553] : memref<256x1xf32, #tpu.memory_space<vmem>>, vector<128x1xf32>
    %dot_general3A_555 = arith.constant dense<0.000000e+00> : vector<100x1xf32>
    %dot_general3A_556 = tpu.matmul %add3A_546, %get3A_554, %dot_general3A_555 {dimension_numbers = #tpu.dot_dimension_numbers<[1], [0], [0], [1], [0, 0, 1, 1], [], []>, transpose_lhs_hint = false} : vector<100x128xf32>, vector<128x1xf32>, vector<100x1xf32> -> vector<100x1xf32>
    %dot_general3A_557 = arith.constant dense<0.000000e+00> : vector<1x100xf32>
    %dot_general3A_558 = tpu.matmul %dot_general3A_556, %select_n3A, %dot_general3A_557 {dimension_numbers = #tpu.dot_dimension_numbers<[0], [0], [1], [1], [0, 1, 1, 1], [], []>, transpose_lhs_hint = false} : vector<100x1xf32>, vector<100x100xf32>, vector<1x100xf32> -> vector<1x100xf32>
    %add3A_559 = vector.broadcast %dot_general3A_551 : vector<100x1xf32> to vector<100x100xf32>
    %add3A_560 = vector.broadcast %dot_general3A_558 : vector<1x100xf32> to vector<100x100xf32>
    %add3A_561 = arith.addf %add3A_559, %add3A_560 : vector<100x100xf32>
    %get3A_562 = arith.constant 0 : index
    %get3A_563 = arith.constant 0 : index
    %get3A_564 = vector.load %arg20[%get3A_562, %get3A_563] : memref<1x1xf32, #tpu.memory_space<vmem>>, vector<1x1xf32>
    %add3A_565 = vector.broadcast %get3A_564 : vector<1x1xf32> to vector<100x100xf32>
    %add3A_566 = arith.addf %add3A_561, %add3A_565 : vector<100x100xf32>
    %neg3A_567 = arith.constant 0.000000e+00 : f32
    %neg3A_568 = vector.broadcast %neg3A_567 : f32 to vector<100x100xf32>
    %neg3A_569 = arith.subf %neg3A_568, %add3A_566 : vector<100x100xf32>
    %exp3A_570 = math.exp %neg3A_569 : vector<100x100xf32>
    %add3A_571 = arith.constant 1.000000e+00 : f32
    %add3A_572 = vector.broadcast %add3A_571 : f32 to vector<100x100xf32>
    %add3A_573 = arith.addf %add3A_572, %exp3A_570 : vector<100x100xf32>
    %div3A_574 = arith.constant 1.000000e+00 : f32
    %div3A_575 = vector.broadcast %div3A_574 : f32 to vector<100x100xf32>
    %div3A_576 = arith.divf %div3A_575, %add3A_573 : vector<100x100xf32>
    %mul3A_577 = arith.constant 2.000000e-01 : f32
    %mul3A_578 = vector.broadcast %mul3A_577 : f32 to vector<100x100xf32>
    %mul3A_579 = arith.mulf %get3A_510, %mul3A_578 : vector<100x100xf32>
    %sub3A_580 = arith.constant 1.000000e+00 : f32
    %sub3A_581 = vector.broadcast %sub3A_580 : f32 to vector<100x100xf32>
    %sub3A_582 = arith.subf %sub3A_581, %get3A_510 : vector<100x100xf32>
    %mul3A_583 = arith.constant 8.000000e-01 : f32
    %mul3A_584 = vector.broadcast %mul3A_583 : f32 to vector<100x100xf32>
    %mul3A_585 = arith.mulf %sub3A_582, %mul3A_584 : vector<100x100xf32>
    %add3A_586 = arith.addf %mul3A_579, %mul3A_585 : vector<100x100xf32>
    %gt3A_587 = arith.cmpf ogt, %div3A_576, %add3A_586 : vector<100x100xf32>
    %jit3A_588 = arith.constant 1.000000e+00 : f32
    %jit3A_589 = arith.constant 0.000000e+00 : f32
    %broadcast_in_dim3A_590 = vector.broadcast %jit3A_588 : f32 to vector<100x100xf32>
    %broadcast_in_dim3A_591 = vector.broadcast %jit3A_589 : f32 to vector<100x100xf32>
    %select_n3A_592 = arith.select %gt3A_587, %broadcast_in_dim3A_590, %broadcast_in_dim3A_591 : vector<100x100xi1>, vector<100x100xf32>
    %dot_general3A_593 = arith.constant dense<0.000000e+00> : vector<100x1xf32>
    %dot_general3A_594 = tpu.matmul %select_n3A_592, %broadcast_in_dim3A_4, %dot_general3A_593 {dimension_numbers = #tpu.dot_dimension_numbers<[0], [0], [1], [1], [0, 1, 1, 1], [], []>, transpose_lhs_hint = false} : vector<100x100xf32>, vector<100x1xf32>, vector<100x1xf32> -> vector<100x1xf32>
    %max3A_595 = arith.constant 1.000000e+00 : f32
    %max3A_596 = vector.broadcast %max3A_595 : f32 to vector<100x1xf32>
    %max3A_597 = arith.maximumf %dot_general3A_594, %max3A_596 : vector<100x1xf32>
    %get3A_598 = arith.constant 0 : index
    %get3A_599 = arith.constant 0 : index
    %get3A_600 = vector.load %arg3[%get3A_598, %get3A_599] : memref<128x128xf32, #tpu.memory_space<vmem>>, vector<128x128xf32>
    %dot_general3A_601 = arith.constant dense<0.000000e+00> : vector<100x128xf32>
    %dot_general3A_602 = tpu.matmul %add3A_546, %get3A_600, %dot_general3A_601 {dimension_numbers = #tpu.dot_dimension_numbers<[1], [0], [0], [1], [0, 0, 1, 1], [], []>, transpose_lhs_hint = false} : vector<100x128xf32>, vector<128x128xf32>, vector<100x128xf32> -> vector<100x128xf32>
    %get3A_603 = arith.constant 0 : index
    %get3A_604 = arith.constant 0 : index
    %get3A_605 = vector.load %arg4[%get3A_603, %get3A_604] : memref<1x128xf32, #tpu.memory_space<vmem>>, vector<1x128xf32>
    %add3A_606 = vector.broadcast %get3A_605 : vector<1x128xf32> to vector<100x128xf32>
    %add3A_607 = arith.addf %dot_general3A_602, %add3A_606 : vector<100x128xf32>
    %dot_general3A_608 = arith.constant dense<0.000000e+00> : vector<100x128xf32>
    %dot_general3A_609 = tpu.matmul %select_n3A_592, %add3A_607, %dot_general3A_608 {dimension_numbers = #tpu.dot_dimension_numbers<[0], [0], [1], [1], [0, 1, 1, 1], [], []>, transpose_lhs_hint = false} : vector<100x100xf32>, vector<100x128xf32>, vector<100x128xf32> -> vector<100x128xf32>
    %div3A_610 = vector.broadcast %max3A_597 : vector<100x1xf32> to vector<100x128xf32>
    %div3A_611 = arith.divf %dot_general3A_609, %div3A_610 : vector<100x128xf32>
    %get3A_612 = arith.constant 0 : index
    %get3A_613 = arith.constant 0 : index
    %get3A_614 = vector.load %arg5[%get3A_612, %get3A_613] : memref<256x128xf32, #tpu.memory_space<vmem>>, vector<128x128xf32>
    %dot_general3A_615 = arith.constant dense<0.000000e+00> : vector<100x128xf32>
    %dot_general3A_616 = tpu.matmul %add3A_607, %get3A_614, %dot_general3A_615 {dimension_numbers = #tpu.dot_dimension_numbers<[1], [0], [0], [1], [0, 0, 1, 1], [], []>, transpose_lhs_hint = false} : vector<100x128xf32>, vector<128x128xf32>, vector<100x128xf32> -> vector<100x128xf32>
    %get3A_617 = arith.constant 128 : index
    %get3A_618 = arith.constant 0 : index
    %get3A_619 = vector.load %arg5[%get3A_617, %get3A_618] : memref<256x128xf32, #tpu.memory_space<vmem>>, vector<128x128xf32>
    %dot_general3A_620 = arith.constant dense<0.000000e+00> : vector<100x128xf32>
    %dot_general3A_621 = tpu.matmul %div3A_611, %get3A_619, %dot_general3A_620 {dimension_numbers = #tpu.dot_dimension_numbers<[1], [0], [0], [1], [0, 0, 1, 1], [], []>, transpose_lhs_hint = false} : vector<100x128xf32>, vector<128x128xf32>, vector<100x128xf32> -> vector<100x128xf32>
    %add3A_622 = arith.addf %dot_general3A_616, %dot_general3A_621 : vector<100x128xf32>
    %get3A_623 = arith.constant 0 : index
    %get3A_624 = arith.constant 0 : index
    %get3A_625 = vector.load %arg6[%get3A_623, %get3A_624] : memref<1x128xf32, #tpu.memory_space<vmem>>, vector<1x128xf32>
    %add3A_626 = vector.broadcast %get3A_625 : vector<1x128xf32> to vector<100x128xf32>
    %add3A_627 = arith.addf %add3A_622, %add3A_626 : vector<100x128xf32>
    %mul3A_628 = arith.mulf %add3A_627, %add3A_627 : vector<100x128xf32>
    %reduce_sum3A_629 = arith.constant dense<0.000000e+00> : vector<100xf32>
    %reduce_sum3A_630 = vector.multi_reduction <add>, %mul3A_628, %reduce_sum3A_629 [1] : vector<100x128xf32> to vector<100xf32>
    %broadcast_in_dim3A_631 = vector.shape_cast %reduce_sum3A_630 : vector<100xf32> to vector<100x1xf32>
    %sqrt3A_632 = math.sqrt %broadcast_in_dim3A_631 : vector<100x1xf32>
    %max3A_633 = arith.constant 9.99999996E-13 : f32
    %max3A_634 = vector.broadcast %max3A_633 : f32 to vector<100x1xf32>
    %max3A_635 = arith.maximumf %sqrt3A_632, %max3A_634 : vector<100x1xf32>
    %div3A_636 = vector.broadcast %max3A_635 : vector<100x1xf32> to vector<100x128xf32>
    %div3A_637 = arith.divf %add3A_627, %div3A_636 : vector<100x128xf32>
    %max3A_638 = arith.constant 0.000000e+00 : f32
    %max3A_639 = vector.broadcast %max3A_638 : f32 to vector<100x128xf32>
    %max3A_640 = arith.maximumf %div3A_637, %max3A_639 : vector<100x128xf32>
    %reduce_sum3A_641 = arith.constant dense<0.000000e+00> : vector<128xf32>
    %reduce_sum3A_642 = vector.multi_reduction <add>, %max3A_640, %reduce_sum3A_641 [0] : vector<100x128xf32> to vector<128xf32>
    %broadcast_in_dim3A_643 = vector.shape_cast %reduce_sum3A_642 : vector<128xf32> to vector<1x128xf32>
    %div3A_644 = arith.constant 1.000000e+02 : f32
    %div3A_645 = vector.broadcast %div3A_644 : f32 to vector<1x128xf32>
    %div3A_646 = arith.divf %broadcast_in_dim3A_643, %div3A_645 : vector<1x128xf32>
    %sub3A_647 = vector.broadcast %div3A_646 : vector<1x128xf32> to vector<100x128xf32>
    %sub3A_648 = arith.subf %max3A_640, %sub3A_647 : vector<100x128xf32>
    %integer_pow3A_649 = arith.mulf %sub3A_648, %sub3A_648 : vector<100x128xf32>
    %reduce_sum3A_650 = arith.constant dense<0.000000e+00> : vector<128xf32>
    %reduce_sum3A_651 = vector.multi_reduction <add>, %integer_pow3A_649, %reduce_sum3A_650 [0] : vector<100x128xf32> to vector<128xf32>
    %broadcast_in_dim3A_652 = vector.shape_cast %reduce_sum3A_651 : vector<128xf32> to vector<1x128xf32>
    %div3A_653 = arith.constant 1.000000e+02 : f32
    %div3A_654 = vector.broadcast %div3A_653 : f32 to vector<1x128xf32>
    %div3A_655 = arith.divf %broadcast_in_dim3A_652, %div3A_654 : vector<1x128xf32>
    %get3A_656 = arith.constant 0 : index
    %get3A_657 = arith.constant 0 : index
    %get3A_658 = vector.load %arg7[%get3A_656, %get3A_657] : memref<1x128xf32, #tpu.memory_space<vmem>>, vector<1x128xf32>
    %sub3A_659 = vector.broadcast %div3A_646 : vector<1x128xf32> to vector<100x128xf32>
    %sub3A_660 = arith.subf %max3A_640, %sub3A_659 : vector<100x128xf32>
    %mul3A_661 = vector.broadcast %get3A_658 : vector<1x128xf32> to vector<100x128xf32>
    %mul3A_662 = arith.mulf %mul3A_661, %sub3A_660 : vector<100x128xf32>
    %add3A_663 = arith.constant 9.99999974E-6 : f32
    %add3A_664 = vector.broadcast %add3A_663 : f32 to vector<1x128xf32>
    %add3A_665 = arith.addf %div3A_655, %add3A_664 : vector<1x128xf32>
    %sqrt3A_666 = math.sqrt %add3A_665 : vector<1x128xf32>
    %div3A_667 = vector.broadcast %sqrt3A_666 : vector<1x128xf32> to vector<100x128xf32>
    %div3A_668 = arith.divf %mul3A_662, %div3A_667 : vector<100x128xf32>
    %add3A_669 = arith.addf %add3A_607, %div3A_668 : vector<100x128xf32>
    %get3A_670 = arith.constant 0 : index
    %get3A_671 = arith.constant 0 : index
    %get3A_672 = vector.load %arg8[%get3A_670, %get3A_671] : memref<1x128xf32, #tpu.memory_space<vmem>>, vector<1x128xf32>
    %add3A_673 = vector.broadcast %get3A_672 : vector<1x128xf32> to vector<100x128xf32>
    %add3A_674 = arith.addf %add3A_669, %add3A_673 : vector<100x128xf32>
    %dot_general3A_675 = arith.constant dense<0.000000e+00> : vector<100x128xf32>
    %dot_general3A_676 = tpu.matmul %select_n3A_592, %add3A_674, %dot_general3A_675 {dimension_numbers = #tpu.dot_dimension_numbers<[0], [0], [1], [1], [0, 1, 1, 1], [], []>, transpose_lhs_hint = false} : vector<100x100xf32>, vector<100x128xf32>, vector<100x128xf32> -> vector<100x128xf32>
    %div3A_677 = vector.broadcast %max3A_597 : vector<100x1xf32> to vector<100x128xf32>
    %div3A_678 = arith.divf %dot_general3A_676, %div3A_677 : vector<100x128xf32>
    %get3A_679 = arith.constant 0 : index
    %get3A_680 = arith.constant 0 : index
    %get3A_681 = vector.load %arg9[%get3A_679, %get3A_680] : memref<256x128xf32, #tpu.memory_space<vmem>>, vector<128x128xf32>
    %dot_general3A_682 = arith.constant dense<0.000000e+00> : vector<100x128xf32>
    %dot_general3A_683 = tpu.matmul %add3A_674, %get3A_681, %dot_general3A_682 {dimension_numbers = #tpu.dot_dimension_numbers<[1], [0], [0], [1], [0, 0, 1, 1], [], []>, transpose_lhs_hint = false} : vector<100x128xf32>, vector<128x128xf32>, vector<100x128xf32> -> vector<100x128xf32>
    %get3A_684 = arith.constant 128 : index
    %get3A_685 = arith.constant 0 : index
    %get3A_686 = vector.load %arg9[%get3A_684, %get3A_685] : memref<256x128xf32, #tpu.memory_space<vmem>>, vector<128x128xf32>
    %dot_general3A_687 = arith.constant dense<0.000000e+00> : vector<100x128xf32>
    %dot_general3A_688 = tpu.matmul %div3A_678, %get3A_686, %dot_general3A_687 {dimension_numbers = #tpu.dot_dimension_numbers<[1], [0], [0], [1], [0, 0, 1, 1], [], []>, transpose_lhs_hint = false} : vector<100x128xf32>, vector<128x128xf32>, vector<100x128xf32> -> vector<100x128xf32>
    %add3A_689 = arith.addf %dot_general3A_683, %dot_general3A_688 : vector<100x128xf32>
    %get3A_690 = arith.constant 0 : index
    %get3A_691 = arith.constant 0 : index
    %get3A_692 = vector.load %arg10[%get3A_690, %get3A_691] : memref<1x128xf32, #tpu.memory_space<vmem>>, vector<1x128xf32>
    %add3A_693 = vector.broadcast %get3A_692 : vector<1x128xf32> to vector<100x128xf32>
    %add3A_694 = arith.addf %add3A_689, %add3A_693 : vector<100x128xf32>
    %mul3A_695 = arith.mulf %add3A_694, %add3A_694 : vector<100x128xf32>
    %reduce_sum3A_696 = arith.constant dense<0.000000e+00> : vector<100xf32>
    %reduce_sum3A_697 = vector.multi_reduction <add>, %mul3A_695, %reduce_sum3A_696 [1] : vector<100x128xf32> to vector<100xf32>
    %broadcast_in_dim3A_698 = vector.shape_cast %reduce_sum3A_697 : vector<100xf32> to vector<100x1xf32>
    %sqrt3A_699 = math.sqrt %broadcast_in_dim3A_698 : vector<100x1xf32>
    %max3A_700 = arith.constant 9.99999996E-13 : f32
    %max3A_701 = vector.broadcast %max3A_700 : f32 to vector<100x1xf32>
    %max3A_702 = arith.maximumf %sqrt3A_699, %max3A_701 : vector<100x1xf32>
    %div3A_703 = vector.broadcast %max3A_702 : vector<100x1xf32> to vector<100x128xf32>
    %div3A_704 = arith.divf %add3A_694, %div3A_703 : vector<100x128xf32>
    %max3A_705 = arith.constant 0.000000e+00 : f32
    %max3A_706 = vector.broadcast %max3A_705 : f32 to vector<100x128xf32>
    %max3A_707 = arith.maximumf %div3A_704, %max3A_706 : vector<100x128xf32>
    %reduce_sum3A_708 = arith.constant dense<0.000000e+00> : vector<128xf32>
    %reduce_sum3A_709 = vector.multi_reduction <add>, %max3A_707, %reduce_sum3A_708 [0] : vector<100x128xf32> to vector<128xf32>
    %broadcast_in_dim3A_710 = vector.shape_cast %reduce_sum3A_709 : vector<128xf32> to vector<1x128xf32>
    %div3A_711 = arith.constant 1.000000e+02 : f32
    %div3A_712 = vector.broadcast %div3A_711 : f32 to vector<1x128xf32>
    %div3A_713 = arith.divf %broadcast_in_dim3A_710, %div3A_712 : vector<1x128xf32>
    %sub3A_714 = vector.broadcast %div3A_713 : vector<1x128xf32> to vector<100x128xf32>
    %sub3A_715 = arith.subf %max3A_707, %sub3A_714 : vector<100x128xf32>
    %integer_pow3A_716 = arith.mulf %sub3A_715, %sub3A_715 : vector<100x128xf32>
    %reduce_sum3A_717 = arith.constant dense<0.000000e+00> : vector<128xf32>
    %reduce_sum3A_718 = vector.multi_reduction <add>, %integer_pow3A_716, %reduce_sum3A_717 [0] : vector<100x128xf32> to vector<128xf32>
    %broadcast_in_dim3A_719 = vector.shape_cast %reduce_sum3A_718 : vector<128xf32> to vector<1x128xf32>
    %div3A_720 = arith.constant 1.000000e+02 : f32
    %div3A_721 = vector.broadcast %div3A_720 : f32 to vector<1x128xf32>
    %div3A_722 = arith.divf %broadcast_in_dim3A_719, %div3A_721 : vector<1x128xf32>
    %get3A_723 = arith.constant 0 : index
    %get3A_724 = arith.constant 0 : index
    %get3A_725 = vector.load %arg11[%get3A_723, %get3A_724] : memref<1x128xf32, #tpu.memory_space<vmem>>, vector<1x128xf32>
    %sub3A_726 = vector.broadcast %div3A_713 : vector<1x128xf32> to vector<100x128xf32>
    %sub3A_727 = arith.subf %max3A_707, %sub3A_726 : vector<100x128xf32>
    %mul3A_728 = vector.broadcast %get3A_725 : vector<1x128xf32> to vector<100x128xf32>
    %mul3A_729 = arith.mulf %mul3A_728, %sub3A_727 : vector<100x128xf32>
    %add3A_730 = arith.constant 9.99999974E-6 : f32
    %add3A_731 = vector.broadcast %add3A_730 : f32 to vector<1x128xf32>
    %add3A_732 = arith.addf %div3A_722, %add3A_731 : vector<1x128xf32>
    %sqrt3A_733 = math.sqrt %add3A_732 : vector<1x128xf32>
    %div3A_734 = vector.broadcast %sqrt3A_733 : vector<1x128xf32> to vector<100x128xf32>
    %div3A_735 = arith.divf %mul3A_729, %div3A_734 : vector<100x128xf32>
    %add3A_736 = arith.addf %add3A_674, %div3A_735 : vector<100x128xf32>
    %get3A_737 = arith.constant 0 : index
    %get3A_738 = arith.constant 0 : index
    %get3A_739 = vector.load %arg12[%get3A_737, %get3A_738] : memref<1x128xf32, #tpu.memory_space<vmem>>, vector<1x128xf32>
    %add3A_740 = vector.broadcast %get3A_739 : vector<1x128xf32> to vector<100x128xf32>
    %add3A_741 = arith.addf %add3A_736, %add3A_740 : vector<100x128xf32>
    %reduce_sum3A_742 = arith.constant dense<0.000000e+00> : vector<128xf32>
    %reduce_sum3A_743 = vector.multi_reduction <add>, %add3A_741, %reduce_sum3A_742 [0] : vector<100x128xf32> to vector<128xf32>
    %broadcast_in_dim3A_744 = vector.shape_cast %reduce_sum3A_743 : vector<128xf32> to vector<1x128xf32>
    %div3A_745 = arith.constant 1.000000e+02 : f32
    %div3A_746 = vector.broadcast %div3A_745 : f32 to vector<1x128xf32>
    %div3A_747 = arith.divf %broadcast_in_dim3A_744, %div3A_746 : vector<1x128xf32>
    %sub3A_748 = vector.broadcast %div3A_747 : vector<1x128xf32> to vector<100x128xf32>
    %sub3A_749 = arith.subf %get3A_6, %sub3A_748 : vector<100x128xf32>
    %mul3A_750 = arith.mulf %sub3A_749, %sub3A_749 : vector<100x128xf32>
    %reduce_sum3A_751 = arith.constant dense<0.000000e+00> : vector<100xf32>
    %reduce_sum3A_752 = vector.multi_reduction <add>, %mul3A_750, %reduce_sum3A_751 [1] : vector<100x128xf32> to vector<100xf32>
    %broadcast_in_dim3A_753 = vector.shape_cast %reduce_sum3A_752 : vector<100xf32> to vector<100x1xf32>
    %get3A_754 = arith.constant 3 : index
    %get3A_755 = arith.constant 0 : index
    %get3A_756 = arith.constant 0 : index
    %get3A_757 = vector.load %arg0[%get3A_754, %get3A_755, %get3A_756] : memref<6x100x128xf32, #tpu.memory_space<vmem>>, vector<1x100x128xf32>
    %get3A_758 = vector.shape_cast %get3A_757 : vector<1x100x128xf32> to vector<100x128xf32>
    %get3A_759 = arith.constant 3 : index
    %get3A_760 = arith.constant 0 : index
    %get3A_761 = arith.constant 0 : index
    %get3A_762 = vector.load %arg1[%get3A_759, %get3A_760, %get3A_761] : memref<6x100x100xf32, #tpu.memory_space<vmem>>, vector<1x100x100xf32>
    %get3A_763 = vector.shape_cast %get3A_762 : vector<1x100x100xf32> to vector<100x100xf32>
    %get3A_764 = arith.constant 0 : index
    %get3A_765 = arith.constant 0 : index
    %get3A_766 = vector.load %arg13[%get3A_764, %get3A_765] : memref<128x64xf32, #tpu.memory_space<vmem>>, vector<128x64xf32>
    %dot_general3A_767 = arith.constant dense<0.000000e+00> : vector<100x64xf32>
    %dot_general3A_768 = tpu.matmul %get3A_758, %get3A_766, %dot_general3A_767 {dimension_numbers = #tpu.dot_dimension_numbers<[1], [0], [0], [1], [0, 0, 1, 1], [], []>, transpose_lhs_hint = false} : vector<100x128xf32>, vector<128x64xf32>, vector<100x64xf32> -> vector<100x64xf32>
    %get3A_769 = arith.constant 0 : index
    %get3A_770 = arith.constant 0 : index
    %get3A_771 = vector.load %arg14[%get3A_769, %get3A_770] : memref<1x64xf32, #tpu.memory_space<vmem>>, vector<1x64xf32>
    %add3A_772 = vector.broadcast %get3A_771 : vector<1x64xf32> to vector<100x64xf32>
    %add3A_773 = arith.addf %dot_general3A_768, %add3A_772 : vector<100x64xf32>
    %max3A_774 = arith.constant 0.000000e+00 : f32
    %max3A_775 = vector.broadcast %max3A_774 : f32 to vector<100x64xf32>
    %max3A_776 = arith.maximumf %add3A_773, %max3A_775 : vector<100x64xf32>
    %get3A_777 = arith.constant 0 : index
    %get3A_778 = arith.constant 0 : index
    %get3A_779 = vector.load %arg15[%get3A_777, %get3A_778] : memref<64x32xf32, #tpu.memory_space<vmem>>, vector<64x32xf32>
    %dot_general3A_780 = arith.constant dense<0.000000e+00> : vector<100x32xf32>
    %dot_general3A_781 = tpu.matmul %max3A_776, %get3A_779, %dot_general3A_780 {dimension_numbers = #tpu.dot_dimension_numbers<[1], [0], [0], [1], [0, 0, 1, 1], [], []>, transpose_lhs_hint = false} : vector<100x64xf32>, vector<64x32xf32>, vector<100x32xf32> -> vector<100x32xf32>
    %get3A_782 = arith.constant 0 : index
    %get3A_783 = arith.constant 0 : index
    %get3A_784 = vector.load %arg16[%get3A_782, %get3A_783] : memref<1x32xf32, #tpu.memory_space<vmem>>, vector<1x32xf32>
    %add3A_785 = vector.broadcast %get3A_784 : vector<1x32xf32> to vector<100x32xf32>
    %add3A_786 = arith.addf %dot_general3A_781, %add3A_785 : vector<100x32xf32>
    %max3A_787 = arith.constant 0.000000e+00 : f32
    %max3A_788 = vector.broadcast %max3A_787 : f32 to vector<100x32xf32>
    %max3A_789 = arith.maximumf %add3A_786, %max3A_788 : vector<100x32xf32>
    %get3A_790 = arith.constant 0 : index
    %get3A_791 = arith.constant 0 : index
    %get3A_792 = vector.load %arg17[%get3A_790, %get3A_791] : memref<32x128xf32, #tpu.memory_space<vmem>>, vector<32x128xf32>
    %dot_general3A_793 = arith.constant dense<0.000000e+00> : vector<100x128xf32>
    %dot_general3A_794 = tpu.matmul %max3A_789, %get3A_792, %dot_general3A_793 {dimension_numbers = #tpu.dot_dimension_numbers<[1], [0], [0], [1], [0, 0, 1, 1], [], []>, transpose_lhs_hint = false} : vector<100x32xf32>, vector<32x128xf32>, vector<100x128xf32> -> vector<100x128xf32>
    %get3A_795 = arith.constant 0 : index
    %get3A_796 = arith.constant 0 : index
    %get3A_797 = vector.load %arg18[%get3A_795, %get3A_796] : memref<1x128xf32, #tpu.memory_space<vmem>>, vector<1x128xf32>
    %add3A_798 = vector.broadcast %get3A_797 : vector<1x128xf32> to vector<100x128xf32>
    %add3A_799 = arith.addf %dot_general3A_794, %add3A_798 : vector<100x128xf32>
    %get3A_800 = arith.constant 0 : index
    %get3A_801 = arith.constant 0 : index
    %get3A_802 = vector.load %arg19[%get3A_800, %get3A_801] : memref<256x1xf32, #tpu.memory_space<vmem>>, vector<128x1xf32>
    %dot_general3A_803 = arith.constant dense<0.000000e+00> : vector<100x1xf32>
    %dot_general3A_804 = tpu.matmul %add3A_799, %get3A_802, %dot_general3A_803 {dimension_numbers = #tpu.dot_dimension_numbers<[1], [0], [0], [1], [0, 0, 1, 1], [], []>, transpose_lhs_hint = false} : vector<100x128xf32>, vector<128x1xf32>, vector<100x1xf32> -> vector<100x1xf32>
    %get3A_805 = arith.constant 128 : index
    %get3A_806 = arith.constant 0 : index
    %get3A_807 = vector.load %arg19[%get3A_805, %get3A_806] : memref<256x1xf32, #tpu.memory_space<vmem>>, vector<128x1xf32>
    %dot_general3A_808 = arith.constant dense<0.000000e+00> : vector<100x1xf32>
    %dot_general3A_809 = tpu.matmul %add3A_799, %get3A_807, %dot_general3A_808 {dimension_numbers = #tpu.dot_dimension_numbers<[1], [0], [0], [1], [0, 0, 1, 1], [], []>, transpose_lhs_hint = false} : vector<100x128xf32>, vector<128x1xf32>, vector<100x1xf32> -> vector<100x1xf32>
    %dot_general3A_810 = arith.constant dense<0.000000e+00> : vector<1x100xf32>
    %dot_general3A_811 = tpu.matmul %dot_general3A_809, %select_n3A, %dot_general3A_810 {dimension_numbers = #tpu.dot_dimension_numbers<[0], [0], [1], [1], [0, 1, 1, 1], [], []>, transpose_lhs_hint = false} : vector<100x1xf32>, vector<100x100xf32>, vector<1x100xf32> -> vector<1x100xf32>
    %add3A_812 = vector.broadcast %dot_general3A_804 : vector<100x1xf32> to vector<100x100xf32>
    %add3A_813 = vector.broadcast %dot_general3A_811 : vector<1x100xf32> to vector<100x100xf32>
    %add3A_814 = arith.addf %add3A_812, %add3A_813 : vector<100x100xf32>
    %get3A_815 = arith.constant 0 : index
    %get3A_816 = arith.constant 0 : index
    %get3A_817 = vector.load %arg20[%get3A_815, %get3A_816] : memref<1x1xf32, #tpu.memory_space<vmem>>, vector<1x1xf32>
    %add3A_818 = vector.broadcast %get3A_817 : vector<1x1xf32> to vector<100x100xf32>
    %add3A_819 = arith.addf %add3A_814, %add3A_818 : vector<100x100xf32>
    %neg3A_820 = arith.constant 0.000000e+00 : f32
    %neg3A_821 = vector.broadcast %neg3A_820 : f32 to vector<100x100xf32>
    %neg3A_822 = arith.subf %neg3A_821, %add3A_819 : vector<100x100xf32>
    %exp3A_823 = math.exp %neg3A_822 : vector<100x100xf32>
    %add3A_824 = arith.constant 1.000000e+00 : f32
    %add3A_825 = vector.broadcast %add3A_824 : f32 to vector<100x100xf32>
    %add3A_826 = arith.addf %add3A_825, %exp3A_823 : vector<100x100xf32>
    %div3A_827 = arith.constant 1.000000e+00 : f32
    %div3A_828 = vector.broadcast %div3A_827 : f32 to vector<100x100xf32>
    %div3A_829 = arith.divf %div3A_828, %add3A_826 : vector<100x100xf32>
    %mul3A_830 = arith.constant 2.000000e-01 : f32
    %mul3A_831 = vector.broadcast %mul3A_830 : f32 to vector<100x100xf32>
    %mul3A_832 = arith.mulf %get3A_763, %mul3A_831 : vector<100x100xf32>
    %sub3A_833 = arith.constant 1.000000e+00 : f32
    %sub3A_834 = vector.broadcast %sub3A_833 : f32 to vector<100x100xf32>
    %sub3A_835 = arith.subf %sub3A_834, %get3A_763 : vector<100x100xf32>
    %mul3A_836 = arith.constant 8.000000e-01 : f32
    %mul3A_837 = vector.broadcast %mul3A_836 : f32 to vector<100x100xf32>
    %mul3A_838 = arith.mulf %sub3A_835, %mul3A_837 : vector<100x100xf32>
    %add3A_839 = arith.addf %mul3A_832, %mul3A_838 : vector<100x100xf32>
    %gt3A_840 = arith.cmpf ogt, %div3A_829, %add3A_839 : vector<100x100xf32>
    %jit3A_841 = arith.constant 1.000000e+00 : f32
    %jit3A_842 = arith.constant 0.000000e+00 : f32
    %broadcast_in_dim3A_843 = vector.broadcast %jit3A_841 : f32 to vector<100x100xf32>
    %broadcast_in_dim3A_844 = vector.broadcast %jit3A_842 : f32 to vector<100x100xf32>
    %select_n3A_845 = arith.select %gt3A_840, %broadcast_in_dim3A_843, %broadcast_in_dim3A_844 : vector<100x100xi1>, vector<100x100xf32>
    %dot_general3A_846 = arith.constant dense<0.000000e+00> : vector<100x1xf32>
    %dot_general3A_847 = tpu.matmul %select_n3A_845, %broadcast_in_dim3A_4, %dot_general3A_846 {dimension_numbers = #tpu.dot_dimension_numbers<[0], [0], [1], [1], [0, 1, 1, 1], [], []>, transpose_lhs_hint = false} : vector<100x100xf32>, vector<100x1xf32>, vector<100x1xf32> -> vector<100x1xf32>
    %max3A_848 = arith.constant 1.000000e+00 : f32
    %max3A_849 = vector.broadcast %max3A_848 : f32 to vector<100x1xf32>
    %max3A_850 = arith.maximumf %dot_general3A_847, %max3A_849 : vector<100x1xf32>
    %get3A_851 = arith.constant 0 : index
    %get3A_852 = arith.constant 0 : index
    %get3A_853 = vector.load %arg3[%get3A_851, %get3A_852] : memref<128x128xf32, #tpu.memory_space<vmem>>, vector<128x128xf32>
    %dot_general3A_854 = arith.constant dense<0.000000e+00> : vector<100x128xf32>
    %dot_general3A_855 = tpu.matmul %add3A_799, %get3A_853, %dot_general3A_854 {dimension_numbers = #tpu.dot_dimension_numbers<[1], [0], [0], [1], [0, 0, 1, 1], [], []>, transpose_lhs_hint = false} : vector<100x128xf32>, vector<128x128xf32>, vector<100x128xf32> -> vector<100x128xf32>
    %get3A_856 = arith.constant 0 : index
    %get3A_857 = arith.constant 0 : index
    %get3A_858 = vector.load %arg4[%get3A_856, %get3A_857] : memref<1x128xf32, #tpu.memory_space<vmem>>, vector<1x128xf32>
    %add3A_859 = vector.broadcast %get3A_858 : vector<1x128xf32> to vector<100x128xf32>
    %add3A_860 = arith.addf %dot_general3A_855, %add3A_859 : vector<100x128xf32>
    %dot_general3A_861 = arith.constant dense<0.000000e+00> : vector<100x128xf32>
    %dot_general3A_862 = tpu.matmul %select_n3A_845, %add3A_860, %dot_general3A_861 {dimension_numbers = #tpu.dot_dimension_numbers<[0], [0], [1], [1], [0, 1, 1, 1], [], []>, transpose_lhs_hint = false} : vector<100x100xf32>, vector<100x128xf32>, vector<100x128xf32> -> vector<100x128xf32>
    %div3A_863 = vector.broadcast %max3A_850 : vector<100x1xf32> to vector<100x128xf32>
    %div3A_864 = arith.divf %dot_general3A_862, %div3A_863 : vector<100x128xf32>
    %get3A_865 = arith.constant 0 : index
    %get3A_866 = arith.constant 0 : index
    %get3A_867 = vector.load %arg5[%get3A_865, %get3A_866] : memref<256x128xf32, #tpu.memory_space<vmem>>, vector<128x128xf32>
    %dot_general3A_868 = arith.constant dense<0.000000e+00> : vector<100x128xf32>
    %dot_general3A_869 = tpu.matmul %add3A_860, %get3A_867, %dot_general3A_868 {dimension_numbers = #tpu.dot_dimension_numbers<[1], [0], [0], [1], [0, 0, 1, 1], [], []>, transpose_lhs_hint = false} : vector<100x128xf32>, vector<128x128xf32>, vector<100x128xf32> -> vector<100x128xf32>
    %get3A_870 = arith.constant 128 : index
    %get3A_871 = arith.constant 0 : index
    %get3A_872 = vector.load %arg5[%get3A_870, %get3A_871] : memref<256x128xf32, #tpu.memory_space<vmem>>, vector<128x128xf32>
    %dot_general3A_873 = arith.constant dense<0.000000e+00> : vector<100x128xf32>
    %dot_general3A_874 = tpu.matmul %div3A_864, %get3A_872, %dot_general3A_873 {dimension_numbers = #tpu.dot_dimension_numbers<[1], [0], [0], [1], [0, 0, 1, 1], [], []>, transpose_lhs_hint = false} : vector<100x128xf32>, vector<128x128xf32>, vector<100x128xf32> -> vector<100x128xf32>
    %add3A_875 = arith.addf %dot_general3A_869, %dot_general3A_874 : vector<100x128xf32>
    %get3A_876 = arith.constant 0 : index
    %get3A_877 = arith.constant 0 : index
    %get3A_878 = vector.load %arg6[%get3A_876, %get3A_877] : memref<1x128xf32, #tpu.memory_space<vmem>>, vector<1x128xf32>
    %add3A_879 = vector.broadcast %get3A_878 : vector<1x128xf32> to vector<100x128xf32>
    %add3A_880 = arith.addf %add3A_875, %add3A_879 : vector<100x128xf32>
    %mul3A_881 = arith.mulf %add3A_880, %add3A_880 : vector<100x128xf32>
    %reduce_sum3A_882 = arith.constant dense<0.000000e+00> : vector<100xf32>
    %reduce_sum3A_883 = vector.multi_reduction <add>, %mul3A_881, %reduce_sum3A_882 [1] : vector<100x128xf32> to vector<100xf32>
    %broadcast_in_dim3A_884 = vector.shape_cast %reduce_sum3A_883 : vector<100xf32> to vector<100x1xf32>
    %sqrt3A_885 = math.sqrt %broadcast_in_dim3A_884 : vector<100x1xf32>
    %max3A_886 = arith.constant 9.99999996E-13 : f32
    %max3A_887 = vector.broadcast %max3A_886 : f32 to vector<100x1xf32>
    %max3A_888 = arith.maximumf %sqrt3A_885, %max3A_887 : vector<100x1xf32>
    %div3A_889 = vector.broadcast %max3A_888 : vector<100x1xf32> to vector<100x128xf32>
    %div3A_890 = arith.divf %add3A_880, %div3A_889 : vector<100x128xf32>
    %max3A_891 = arith.constant 0.000000e+00 : f32
    %max3A_892 = vector.broadcast %max3A_891 : f32 to vector<100x128xf32>
    %max3A_893 = arith.maximumf %div3A_890, %max3A_892 : vector<100x128xf32>
    %reduce_sum3A_894 = arith.constant dense<0.000000e+00> : vector<128xf32>
    %reduce_sum3A_895 = vector.multi_reduction <add>, %max3A_893, %reduce_sum3A_894 [0] : vector<100x128xf32> to vector<128xf32>
    %broadcast_in_dim3A_896 = vector.shape_cast %reduce_sum3A_895 : vector<128xf32> to vector<1x128xf32>
    %div3A_897 = arith.constant 1.000000e+02 : f32
    %div3A_898 = vector.broadcast %div3A_897 : f32 to vector<1x128xf32>
    %div3A_899 = arith.divf %broadcast_in_dim3A_896, %div3A_898 : vector<1x128xf32>
    %sub3A_900 = vector.broadcast %div3A_899 : vector<1x128xf32> to vector<100x128xf32>
    %sub3A_901 = arith.subf %max3A_893, %sub3A_900 : vector<100x128xf32>
    %integer_pow3A_902 = arith.mulf %sub3A_901, %sub3A_901 : vector<100x128xf32>
    %reduce_sum3A_903 = arith.constant dense<0.000000e+00> : vector<128xf32>
    %reduce_sum3A_904 = vector.multi_reduction <add>, %integer_pow3A_902, %reduce_sum3A_903 [0] : vector<100x128xf32> to vector<128xf32>
    %broadcast_in_dim3A_905 = vector.shape_cast %reduce_sum3A_904 : vector<128xf32> to vector<1x128xf32>
    %div3A_906 = arith.constant 1.000000e+02 : f32
    %div3A_907 = vector.broadcast %div3A_906 : f32 to vector<1x128xf32>
    %div3A_908 = arith.divf %broadcast_in_dim3A_905, %div3A_907 : vector<1x128xf32>
    %get3A_909 = arith.constant 0 : index
    %get3A_910 = arith.constant 0 : index
    %get3A_911 = vector.load %arg7[%get3A_909, %get3A_910] : memref<1x128xf32, #tpu.memory_space<vmem>>, vector<1x128xf32>
    %sub3A_912 = vector.broadcast %div3A_899 : vector<1x128xf32> to vector<100x128xf32>
    %sub3A_913 = arith.subf %max3A_893, %sub3A_912 : vector<100x128xf32>
    %mul3A_914 = vector.broadcast %get3A_911 : vector<1x128xf32> to vector<100x128xf32>
    %mul3A_915 = arith.mulf %mul3A_914, %sub3A_913 : vector<100x128xf32>
    %add3A_916 = arith.constant 9.99999974E-6 : f32
    %add3A_917 = vector.broadcast %add3A_916 : f32 to vector<1x128xf32>
    %add3A_918 = arith.addf %div3A_908, %add3A_917 : vector<1x128xf32>
    %sqrt3A_919 = math.sqrt %add3A_918 : vector<1x128xf32>
    %div3A_920 = vector.broadcast %sqrt3A_919 : vector<1x128xf32> to vector<100x128xf32>
    %div3A_921 = arith.divf %mul3A_915, %div3A_920 : vector<100x128xf32>
    %add3A_922 = arith.addf %add3A_860, %div3A_921 : vector<100x128xf32>
    %get3A_923 = arith.constant 0 : index
    %get3A_924 = arith.constant 0 : index
    %get3A_925 = vector.load %arg8[%get3A_923, %get3A_924] : memref<1x128xf32, #tpu.memory_space<vmem>>, vector<1x128xf32>
    %add3A_926 = vector.broadcast %get3A_925 : vector<1x128xf32> to vector<100x128xf32>
    %add3A_927 = arith.addf %add3A_922, %add3A_926 : vector<100x128xf32>
    %dot_general3A_928 = arith.constant dense<0.000000e+00> : vector<100x128xf32>
    %dot_general3A_929 = tpu.matmul %select_n3A_845, %add3A_927, %dot_general3A_928 {dimension_numbers = #tpu.dot_dimension_numbers<[0], [0], [1], [1], [0, 1, 1, 1], [], []>, transpose_lhs_hint = false} : vector<100x100xf32>, vector<100x128xf32>, vector<100x128xf32> -> vector<100x128xf32>
    %div3A_930 = vector.broadcast %max3A_850 : vector<100x1xf32> to vector<100x128xf32>
    %div3A_931 = arith.divf %dot_general3A_929, %div3A_930 : vector<100x128xf32>
    %get3A_932 = arith.constant 0 : index
    %get3A_933 = arith.constant 0 : index
    %get3A_934 = vector.load %arg9[%get3A_932, %get3A_933] : memref<256x128xf32, #tpu.memory_space<vmem>>, vector<128x128xf32>
    %dot_general3A_935 = arith.constant dense<0.000000e+00> : vector<100x128xf32>
    %dot_general3A_936 = tpu.matmul %add3A_927, %get3A_934, %dot_general3A_935 {dimension_numbers = #tpu.dot_dimension_numbers<[1], [0], [0], [1], [0, 0, 1, 1], [], []>, transpose_lhs_hint = false} : vector<100x128xf32>, vector<128x128xf32>, vector<100x128xf32> -> vector<100x128xf32>
    %get3A_937 = arith.constant 128 : index
    %get3A_938 = arith.constant 0 : index
    %get3A_939 = vector.load %arg9[%get3A_937, %get3A_938] : memref<256x128xf32, #tpu.memory_space<vmem>>, vector<128x128xf32>
    %dot_general3A_940 = arith.constant dense<0.000000e+00> : vector<100x128xf32>
    %dot_general3A_941 = tpu.matmul %div3A_931, %get3A_939, %dot_general3A_940 {dimension_numbers = #tpu.dot_dimension_numbers<[1], [0], [0], [1], [0, 0, 1, 1], [], []>, transpose_lhs_hint = false} : vector<100x128xf32>, vector<128x128xf32>, vector<100x128xf32> -> vector<100x128xf32>
    %add3A_942 = arith.addf %dot_general3A_936, %dot_general3A_941 : vector<100x128xf32>
    %get3A_943 = arith.constant 0 : index
    %get3A_944 = arith.constant 0 : index
    %get3A_945 = vector.load %arg10[%get3A_943, %get3A_944] : memref<1x128xf32, #tpu.memory_space<vmem>>, vector<1x128xf32>
    %add3A_946 = vector.broadcast %get3A_945 : vector<1x128xf32> to vector<100x128xf32>
    %add3A_947 = arith.addf %add3A_942, %add3A_946 : vector<100x128xf32>
    %mul3A_948 = arith.mulf %add3A_947, %add3A_947 : vector<100x128xf32>
    %reduce_sum3A_949 = arith.constant dense<0.000000e+00> : vector<100xf32>
    %reduce_sum3A_950 = vector.multi_reduction <add>, %mul3A_948, %reduce_sum3A_949 [1] : vector<100x128xf32> to vector<100xf32>
    %broadcast_in_dim3A_951 = vector.shape_cast %reduce_sum3A_950 : vector<100xf32> to vector<100x1xf32>
    %sqrt3A_952 = math.sqrt %broadcast_in_dim3A_951 : vector<100x1xf32>
    %max3A_953 = arith.constant 9.99999996E-13 : f32
    %max3A_954 = vector.broadcast %max3A_953 : f32 to vector<100x1xf32>
    %max3A_955 = arith.maximumf %sqrt3A_952, %max3A_954 : vector<100x1xf32>
    %div3A_956 = vector.broadcast %max3A_955 : vector<100x1xf32> to vector<100x128xf32>
    %div3A_957 = arith.divf %add3A_947, %div3A_956 : vector<100x128xf32>
    %max3A_958 = arith.constant 0.000000e+00 : f32
    %max3A_959 = vector.broadcast %max3A_958 : f32 to vector<100x128xf32>
    %max3A_960 = arith.maximumf %div3A_957, %max3A_959 : vector<100x128xf32>
    %reduce_sum3A_961 = arith.constant dense<0.000000e+00> : vector<128xf32>
    %reduce_sum3A_962 = vector.multi_reduction <add>, %max3A_960, %reduce_sum3A_961 [0] : vector<100x128xf32> to vector<128xf32>
    %broadcast_in_dim3A_963 = vector.shape_cast %reduce_sum3A_962 : vector<128xf32> to vector<1x128xf32>
    %div3A_964 = arith.constant 1.000000e+02 : f32
    %div3A_965 = vector.broadcast %div3A_964 : f32 to vector<1x128xf32>
    %div3A_966 = arith.divf %broadcast_in_dim3A_963, %div3A_965 : vector<1x128xf32>
    %sub3A_967 = vector.broadcast %div3A_966 : vector<1x128xf32> to vector<100x128xf32>
    %sub3A_968 = arith.subf %max3A_960, %sub3A_967 : vector<100x128xf32>
    %integer_pow3A_969 = arith.mulf %sub3A_968, %sub3A_968 : vector<100x128xf32>
    %reduce_sum3A_970 = arith.constant dense<0.000000e+00> : vector<128xf32>
    %reduce_sum3A_971 = vector.multi_reduction <add>, %integer_pow3A_969, %reduce_sum3A_970 [0] : vector<100x128xf32> to vector<128xf32>
    %broadcast_in_dim3A_972 = vector.shape_cast %reduce_sum3A_971 : vector<128xf32> to vector<1x128xf32>
    %div3A_973 = arith.constant 1.000000e+02 : f32
    %div3A_974 = vector.broadcast %div3A_973 : f32 to vector<1x128xf32>
    %div3A_975 = arith.divf %broadcast_in_dim3A_972, %div3A_974 : vector<1x128xf32>
    %get3A_976 = arith.constant 0 : index
    %get3A_977 = arith.constant 0 : index
    %get3A_978 = vector.load %arg11[%get3A_976, %get3A_977] : memref<1x128xf32, #tpu.memory_space<vmem>>, vector<1x128xf32>
    %sub3A_979 = vector.broadcast %div3A_966 : vector<1x128xf32> to vector<100x128xf32>
    %sub3A_980 = arith.subf %max3A_960, %sub3A_979 : vector<100x128xf32>
    %mul3A_981 = vector.broadcast %get3A_978 : vector<1x128xf32> to vector<100x128xf32>
    %mul3A_982 = arith.mulf %mul3A_981, %sub3A_980 : vector<100x128xf32>
    %add3A_983 = arith.constant 9.99999974E-6 : f32
    %add3A_984 = vector.broadcast %add3A_983 : f32 to vector<1x128xf32>
    %add3A_985 = arith.addf %div3A_975, %add3A_984 : vector<1x128xf32>
    %sqrt3A_986 = math.sqrt %add3A_985 : vector<1x128xf32>
    %div3A_987 = vector.broadcast %sqrt3A_986 : vector<1x128xf32> to vector<100x128xf32>
    %div3A_988 = arith.divf %mul3A_982, %div3A_987 : vector<100x128xf32>
    %add3A_989 = arith.addf %add3A_927, %div3A_988 : vector<100x128xf32>
    %get3A_990 = arith.constant 0 : index
    %get3A_991 = arith.constant 0 : index
    %get3A_992 = vector.load %arg12[%get3A_990, %get3A_991] : memref<1x128xf32, #tpu.memory_space<vmem>>, vector<1x128xf32>
    %add3A_993 = vector.broadcast %get3A_992 : vector<1x128xf32> to vector<100x128xf32>
    %add3A_994 = arith.addf %add3A_989, %add3A_993 : vector<100x128xf32>
    %reduce_sum3A_995 = arith.constant dense<0.000000e+00> : vector<128xf32>
    %reduce_sum3A_996 = vector.multi_reduction <add>, %add3A_994, %reduce_sum3A_995 [0] : vector<100x128xf32> to vector<128xf32>
    %broadcast_in_dim3A_997 = vector.shape_cast %reduce_sum3A_996 : vector<128xf32> to vector<1x128xf32>
    %div3A_998 = arith.constant 1.000000e+02 : f32
    %div3A_999 = vector.broadcast %div3A_998 : f32 to vector<1x128xf32>
    %div3A_1000 = arith.divf %broadcast_in_dim3A_997, %div3A_999 : vector<1x128xf32>
    %sub3A_1001 = vector.broadcast %div3A_1000 : vector<1x128xf32> to vector<100x128xf32>
    %sub3A_1002 = arith.subf %get3A_6, %sub3A_1001 : vector<100x128xf32>
    %mul3A_1003 = arith.mulf %sub3A_1002, %sub3A_1002 : vector<100x128xf32>
    %reduce_sum3A_1004 = arith.constant dense<0.000000e+00> : vector<100xf32>
    %reduce_sum3A_1005 = vector.multi_reduction <add>, %mul3A_1003, %reduce_sum3A_1004 [1] : vector<100x128xf32> to vector<100xf32>
    %broadcast_in_dim3A_1006 = vector.shape_cast %reduce_sum3A_1005 : vector<100xf32> to vector<100x1xf32>
    %get3A_1007 = arith.constant 4 : index
    %get3A_1008 = arith.constant 0 : index
    %get3A_1009 = arith.constant 0 : index
    %get3A_1010 = vector.load %arg0[%get3A_1007, %get3A_1008, %get3A_1009] : memref<6x100x128xf32, #tpu.memory_space<vmem>>, vector<1x100x128xf32>
    %get3A_1011 = vector.shape_cast %get3A_1010 : vector<1x100x128xf32> to vector<100x128xf32>
    %get3A_1012 = arith.constant 4 : index
    %get3A_1013 = arith.constant 0 : index
    %get3A_1014 = arith.constant 0 : index
    %get3A_1015 = vector.load %arg1[%get3A_1012, %get3A_1013, %get3A_1014] : memref<6x100x100xf32, #tpu.memory_space<vmem>>, vector<1x100x100xf32>
    %get3A_1016 = vector.shape_cast %get3A_1015 : vector<1x100x100xf32> to vector<100x100xf32>
    %get3A_1017 = arith.constant 0 : index
    %get3A_1018 = arith.constant 0 : index
    %get3A_1019 = vector.load %arg13[%get3A_1017, %get3A_1018] : memref<128x64xf32, #tpu.memory_space<vmem>>, vector<128x64xf32>
    %dot_general3A_1020 = arith.constant dense<0.000000e+00> : vector<100x64xf32>
    %dot_general3A_1021 = tpu.matmul %get3A_1011, %get3A_1019, %dot_general3A_1020 {dimension_numbers = #tpu.dot_dimension_numbers<[1], [0], [0], [1], [0, 0, 1, 1], [], []>, transpose_lhs_hint = false} : vector<100x128xf32>, vector<128x64xf32>, vector<100x64xf32> -> vector<100x64xf32>
    %get3A_1022 = arith.constant 0 : index
    %get3A_1023 = arith.constant 0 : index
    %get3A_1024 = vector.load %arg14[%get3A_1022, %get3A_1023] : memref<1x64xf32, #tpu.memory_space<vmem>>, vector<1x64xf32>
    %add3A_1025 = vector.broadcast %get3A_1024 : vector<1x64xf32> to vector<100x64xf32>
    %add3A_1026 = arith.addf %dot_general3A_1021, %add3A_1025 : vector<100x64xf32>
    %max3A_1027 = arith.constant 0.000000e+00 : f32
    %max3A_1028 = vector.broadcast %max3A_1027 : f32 to vector<100x64xf32>
    %max3A_1029 = arith.maximumf %add3A_1026, %max3A_1028 : vector<100x64xf32>
    %get3A_1030 = arith.constant 0 : index
    %get3A_1031 = arith.constant 0 : index
    %get3A_1032 = vector.load %arg15[%get3A_1030, %get3A_1031] : memref<64x32xf32, #tpu.memory_space<vmem>>, vector<64x32xf32>
    %dot_general3A_1033 = arith.constant dense<0.000000e+00> : vector<100x32xf32>
    %dot_general3A_1034 = tpu.matmul %max3A_1029, %get3A_1032, %dot_general3A_1033 {dimension_numbers = #tpu.dot_dimension_numbers<[1], [0], [0], [1], [0, 0, 1, 1], [], []>, transpose_lhs_hint = false} : vector<100x64xf32>, vector<64x32xf32>, vector<100x32xf32> -> vector<100x32xf32>
    %get3A_1035 = arith.constant 0 : index
    %get3A_1036 = arith.constant 0 : index
    %get3A_1037 = vector.load %arg16[%get3A_1035, %get3A_1036] : memref<1x32xf32, #tpu.memory_space<vmem>>, vector<1x32xf32>
    %add3A_1038 = vector.broadcast %get3A_1037 : vector<1x32xf32> to vector<100x32xf32>
    %add3A_1039 = arith.addf %dot_general3A_1034, %add3A_1038 : vector<100x32xf32>
    %max3A_1040 = arith.constant 0.000000e+00 : f32
    %max3A_1041 = vector.broadcast %max3A_1040 : f32 to vector<100x32xf32>
    %max3A_1042 = arith.maximumf %add3A_1039, %max3A_1041 : vector<100x32xf32>
    %get3A_1043 = arith.constant 0 : index
    %get3A_1044 = arith.constant 0 : index
    %get3A_1045 = vector.load %arg17[%get3A_1043, %get3A_1044] : memref<32x128xf32, #tpu.memory_space<vmem>>, vector<32x128xf32>
    %dot_general3A_1046 = arith.constant dense<0.000000e+00> : vector<100x128xf32>
    %dot_general3A_1047 = tpu.matmul %max3A_1042, %get3A_1045, %dot_general3A_1046 {dimension_numbers = #tpu.dot_dimension_numbers<[1], [0], [0], [1], [0, 0, 1, 1], [], []>, transpose_lhs_hint = false} : vector<100x32xf32>, vector<32x128xf32>, vector<100x128xf32> -> vector<100x128xf32>
    %get3A_1048 = arith.constant 0 : index
    %get3A_1049 = arith.constant 0 : index
    %get3A_1050 = vector.load %arg18[%get3A_1048, %get3A_1049] : memref<1x128xf32, #tpu.memory_space<vmem>>, vector<1x128xf32>
    %add3A_1051 = vector.broadcast %get3A_1050 : vector<1x128xf32> to vector<100x128xf32>
    %add3A_1052 = arith.addf %dot_general3A_1047, %add3A_1051 : vector<100x128xf32>
    %get3A_1053 = arith.constant 0 : index
    %get3A_1054 = arith.constant 0 : index
    %get3A_1055 = vector.load %arg19[%get3A_1053, %get3A_1054] : memref<256x1xf32, #tpu.memory_space<vmem>>, vector<128x1xf32>
    %dot_general3A_1056 = arith.constant dense<0.000000e+00> : vector<100x1xf32>
    %dot_general3A_1057 = tpu.matmul %add3A_1052, %get3A_1055, %dot_general3A_1056 {dimension_numbers = #tpu.dot_dimension_numbers<[1], [0], [0], [1], [0, 0, 1, 1], [], []>, transpose_lhs_hint = false} : vector<100x128xf32>, vector<128x1xf32>, vector<100x1xf32> -> vector<100x1xf32>
    %get3A_1058 = arith.constant 128 : index
    %get3A_1059 = arith.constant 0 : index
    %get3A_1060 = vector.load %arg19[%get3A_1058, %get3A_1059] : memref<256x1xf32, #tpu.memory_space<vmem>>, vector<128x1xf32>
    %dot_general3A_1061 = arith.constant dense<0.000000e+00> : vector<100x1xf32>
    %dot_general3A_1062 = tpu.matmul %add3A_1052, %get3A_1060, %dot_general3A_1061 {dimension_numbers = #tpu.dot_dimension_numbers<[1], [0], [0], [1], [0, 0, 1, 1], [], []>, transpose_lhs_hint = false} : vector<100x128xf32>, vector<128x1xf32>, vector<100x1xf32> -> vector<100x1xf32>
    %dot_general3A_1063 = arith.constant dense<0.000000e+00> : vector<1x100xf32>
    %dot_general3A_1064 = tpu.matmul %dot_general3A_1062, %select_n3A, %dot_general3A_1063 {dimension_numbers = #tpu.dot_dimension_numbers<[0], [0], [1], [1], [0, 1, 1, 1], [], []>, transpose_lhs_hint = false} : vector<100x1xf32>, vector<100x100xf32>, vector<1x100xf32> -> vector<1x100xf32>
    %add3A_1065 = vector.broadcast %dot_general3A_1057 : vector<100x1xf32> to vector<100x100xf32>
    %add3A_1066 = vector.broadcast %dot_general3A_1064 : vector<1x100xf32> to vector<100x100xf32>
    %add3A_1067 = arith.addf %add3A_1065, %add3A_1066 : vector<100x100xf32>
    %get3A_1068 = arith.constant 0 : index
    %get3A_1069 = arith.constant 0 : index
    %get3A_1070 = vector.load %arg20[%get3A_1068, %get3A_1069] : memref<1x1xf32, #tpu.memory_space<vmem>>, vector<1x1xf32>
    %add3A_1071 = vector.broadcast %get3A_1070 : vector<1x1xf32> to vector<100x100xf32>
    %add3A_1072 = arith.addf %add3A_1067, %add3A_1071 : vector<100x100xf32>
    %neg3A_1073 = arith.constant 0.000000e+00 : f32
    %neg3A_1074 = vector.broadcast %neg3A_1073 : f32 to vector<100x100xf32>
    %neg3A_1075 = arith.subf %neg3A_1074, %add3A_1072 : vector<100x100xf32>
    %exp3A_1076 = math.exp %neg3A_1075 : vector<100x100xf32>
    %add3A_1077 = arith.constant 1.000000e+00 : f32
    %add3A_1078 = vector.broadcast %add3A_1077 : f32 to vector<100x100xf32>
    %add3A_1079 = arith.addf %add3A_1078, %exp3A_1076 : vector<100x100xf32>
    %div3A_1080 = arith.constant 1.000000e+00 : f32
    %div3A_1081 = vector.broadcast %div3A_1080 : f32 to vector<100x100xf32>
    %div3A_1082 = arith.divf %div3A_1081, %add3A_1079 : vector<100x100xf32>
    %mul3A_1083 = arith.constant 2.000000e-01 : f32
    %mul3A_1084 = vector.broadcast %mul3A_1083 : f32 to vector<100x100xf32>
    %mul3A_1085 = arith.mulf %get3A_1016, %mul3A_1084 : vector<100x100xf32>
    %sub3A_1086 = arith.constant 1.000000e+00 : f32
    %sub3A_1087 = vector.broadcast %sub3A_1086 : f32 to vector<100x100xf32>
    %sub3A_1088 = arith.subf %sub3A_1087, %get3A_1016 : vector<100x100xf32>
    %mul3A_1089 = arith.constant 8.000000e-01 : f32
    %mul3A_1090 = vector.broadcast %mul3A_1089 : f32 to vector<100x100xf32>
    %mul3A_1091 = arith.mulf %sub3A_1088, %mul3A_1090 : vector<100x100xf32>
    %add3A_1092 = arith.addf %mul3A_1085, %mul3A_1091 : vector<100x100xf32>
    %gt3A_1093 = arith.cmpf ogt, %div3A_1082, %add3A_1092 : vector<100x100xf32>
    %jit3A_1094 = arith.constant 1.000000e+00 : f32
    %jit3A_1095 = arith.constant 0.000000e+00 : f32
    %broadcast_in_dim3A_1096 = vector.broadcast %jit3A_1094 : f32 to vector<100x100xf32>
    %broadcast_in_dim3A_1097 = vector.broadcast %jit3A_1095 : f32 to vector<100x100xf32>
    %select_n3A_1098 = arith.select %gt3A_1093, %broadcast_in_dim3A_1096, %broadcast_in_dim3A_1097 : vector<100x100xi1>, vector<100x100xf32>
    %dot_general3A_1099 = arith.constant dense<0.000000e+00> : vector<100x1xf32>
    %dot_general3A_1100 = tpu.matmul %select_n3A_1098, %broadcast_in_dim3A_4, %dot_general3A_1099 {dimension_numbers = #tpu.dot_dimension_numbers<[0], [0], [1], [1], [0, 1, 1, 1], [], []>, transpose_lhs_hint = false} : vector<100x100xf32>, vector<100x1xf32>, vector<100x1xf32> -> vector<100x1xf32>
    %max3A_1101 = arith.constant 1.000000e+00 : f32
    %max3A_1102 = vector.broadcast %max3A_1101 : f32 to vector<100x1xf32>
    %max3A_1103 = arith.maximumf %dot_general3A_1100, %max3A_1102 : vector<100x1xf32>
    %get3A_1104 = arith.constant 0 : index
    %get3A_1105 = arith.constant 0 : index
    %get3A_1106 = vector.load %arg3[%get3A_1104, %get3A_1105] : memref<128x128xf32, #tpu.memory_space<vmem>>, vector<128x128xf32>
    %dot_general3A_1107 = arith.constant dense<0.000000e+00> : vector<100x128xf32>
    %dot_general3A_1108 = tpu.matmul %add3A_1052, %get3A_1106, %dot_general3A_1107 {dimension_numbers = #tpu.dot_dimension_numbers<[1], [0], [0], [1], [0, 0, 1, 1], [], []>, transpose_lhs_hint = false} : vector<100x128xf32>, vector<128x128xf32>, vector<100x128xf32> -> vector<100x128xf32>
    %get3A_1109 = arith.constant 0 : index
    %get3A_1110 = arith.constant 0 : index
    %get3A_1111 = vector.load %arg4[%get3A_1109, %get3A_1110] : memref<1x128xf32, #tpu.memory_space<vmem>>, vector<1x128xf32>
    %add3A_1112 = vector.broadcast %get3A_1111 : vector<1x128xf32> to vector<100x128xf32>
    %add3A_1113 = arith.addf %dot_general3A_1108, %add3A_1112 : vector<100x128xf32>
    %dot_general3A_1114 = arith.constant dense<0.000000e+00> : vector<100x128xf32>
    %dot_general3A_1115 = tpu.matmul %select_n3A_1098, %add3A_1113, %dot_general3A_1114 {dimension_numbers = #tpu.dot_dimension_numbers<[0], [0], [1], [1], [0, 1, 1, 1], [], []>, transpose_lhs_hint = false} : vector<100x100xf32>, vector<100x128xf32>, vector<100x128xf32> -> vector<100x128xf32>
    %div3A_1116 = vector.broadcast %max3A_1103 : vector<100x1xf32> to vector<100x128xf32>
    %div3A_1117 = arith.divf %dot_general3A_1115, %div3A_1116 : vector<100x128xf32>
    %get3A_1118 = arith.constant 0 : index
    %get3A_1119 = arith.constant 0 : index
    %get3A_1120 = vector.load %arg5[%get3A_1118, %get3A_1119] : memref<256x128xf32, #tpu.memory_space<vmem>>, vector<128x128xf32>
    %dot_general3A_1121 = arith.constant dense<0.000000e+00> : vector<100x128xf32>
    %dot_general3A_1122 = tpu.matmul %add3A_1113, %get3A_1120, %dot_general3A_1121 {dimension_numbers = #tpu.dot_dimension_numbers<[1], [0], [0], [1], [0, 0, 1, 1], [], []>, transpose_lhs_hint = false} : vector<100x128xf32>, vector<128x128xf32>, vector<100x128xf32> -> vector<100x128xf32>
    %get3A_1123 = arith.constant 128 : index
    %get3A_1124 = arith.constant 0 : index
    %get3A_1125 = vector.load %arg5[%get3A_1123, %get3A_1124] : memref<256x128xf32, #tpu.memory_space<vmem>>, vector<128x128xf32>
    %dot_general3A_1126 = arith.constant dense<0.000000e+00> : vector<100x128xf32>
    %dot_general3A_1127 = tpu.matmul %div3A_1117, %get3A_1125, %dot_general3A_1126 {dimension_numbers = #tpu.dot_dimension_numbers<[1], [0], [0], [1], [0, 0, 1, 1], [], []>, transpose_lhs_hint = false} : vector<100x128xf32>, vector<128x128xf32>, vector<100x128xf32> -> vector<100x128xf32>
    %add3A_1128 = arith.addf %dot_general3A_1122, %dot_general3A_1127 : vector<100x128xf32>
    %get3A_1129 = arith.constant 0 : index
    %get3A_1130 = arith.constant 0 : index
    %get3A_1131 = vector.load %arg6[%get3A_1129, %get3A_1130] : memref<1x128xf32, #tpu.memory_space<vmem>>, vector<1x128xf32>
    %add3A_1132 = vector.broadcast %get3A_1131 : vector<1x128xf32> to vector<100x128xf32>
    %add3A_1133 = arith.addf %add3A_1128, %add3A_1132 : vector<100x128xf32>
    %mul3A_1134 = arith.mulf %add3A_1133, %add3A_1133 : vector<100x128xf32>
    %reduce_sum3A_1135 = arith.constant dense<0.000000e+00> : vector<100xf32>
    %reduce_sum3A_1136 = vector.multi_reduction <add>, %mul3A_1134, %reduce_sum3A_1135 [1] : vector<100x128xf32> to vector<100xf32>
    %broadcast_in_dim3A_1137 = vector.shape_cast %reduce_sum3A_1136 : vector<100xf32> to vector<100x1xf32>
    %sqrt3A_1138 = math.sqrt %broadcast_in_dim3A_1137 : vector<100x1xf32>
    %max3A_1139 = arith.constant 9.99999996E-13 : f32
    %max3A_1140 = vector.broadcast %max3A_1139 : f32 to vector<100x1xf32>
    %max3A_1141 = arith.maximumf %sqrt3A_1138, %max3A_1140 : vector<100x1xf32>
    %div3A_1142 = vector.broadcast %max3A_1141 : vector<100x1xf32> to vector<100x128xf32>
    %div3A_1143 = arith.divf %add3A_1133, %div3A_1142 : vector<100x128xf32>
    %max3A_1144 = arith.constant 0.000000e+00 : f32
    %max3A_1145 = vector.broadcast %max3A_1144 : f32 to vector<100x128xf32>
    %max3A_1146 = arith.maximumf %div3A_1143, %max3A_1145 : vector<100x128xf32>
    %reduce_sum3A_1147 = arith.constant dense<0.000000e+00> : vector<128xf32>
    %reduce_sum3A_1148 = vector.multi_reduction <add>, %max3A_1146, %reduce_sum3A_1147 [0] : vector<100x128xf32> to vector<128xf32>
    %broadcast_in_dim3A_1149 = vector.shape_cast %reduce_sum3A_1148 : vector<128xf32> to vector<1x128xf32>
    %div3A_1150 = arith.constant 1.000000e+02 : f32
    %div3A_1151 = vector.broadcast %div3A_1150 : f32 to vector<1x128xf32>
    %div3A_1152 = arith.divf %broadcast_in_dim3A_1149, %div3A_1151 : vector<1x128xf32>
    %sub3A_1153 = vector.broadcast %div3A_1152 : vector<1x128xf32> to vector<100x128xf32>
    %sub3A_1154 = arith.subf %max3A_1146, %sub3A_1153 : vector<100x128xf32>
    %integer_pow3A_1155 = arith.mulf %sub3A_1154, %sub3A_1154 : vector<100x128xf32>
    %reduce_sum3A_1156 = arith.constant dense<0.000000e+00> : vector<128xf32>
    %reduce_sum3A_1157 = vector.multi_reduction <add>, %integer_pow3A_1155, %reduce_sum3A_1156 [0] : vector<100x128xf32> to vector<128xf32>
    %broadcast_in_dim3A_1158 = vector.shape_cast %reduce_sum3A_1157 : vector<128xf32> to vector<1x128xf32>
    %div3A_1159 = arith.constant 1.000000e+02 : f32
    %div3A_1160 = vector.broadcast %div3A_1159 : f32 to vector<1x128xf32>
    %div3A_1161 = arith.divf %broadcast_in_dim3A_1158, %div3A_1160 : vector<1x128xf32>
    %get3A_1162 = arith.constant 0 : index
    %get3A_1163 = arith.constant 0 : index
    %get3A_1164 = vector.load %arg7[%get3A_1162, %get3A_1163] : memref<1x128xf32, #tpu.memory_space<vmem>>, vector<1x128xf32>
    %sub3A_1165 = vector.broadcast %div3A_1152 : vector<1x128xf32> to vector<100x128xf32>
    %sub3A_1166 = arith.subf %max3A_1146, %sub3A_1165 : vector<100x128xf32>
    %mul3A_1167 = vector.broadcast %get3A_1164 : vector<1x128xf32> to vector<100x128xf32>
    %mul3A_1168 = arith.mulf %mul3A_1167, %sub3A_1166 : vector<100x128xf32>
    %add3A_1169 = arith.constant 9.99999974E-6 : f32
    %add3A_1170 = vector.broadcast %add3A_1169 : f32 to vector<1x128xf32>
    %add3A_1171 = arith.addf %div3A_1161, %add3A_1170 : vector<1x128xf32>
    %sqrt3A_1172 = math.sqrt %add3A_1171 : vector<1x128xf32>
    %div3A_1173 = vector.broadcast %sqrt3A_1172 : vector<1x128xf32> to vector<100x128xf32>
    %div3A_1174 = arith.divf %mul3A_1168, %div3A_1173 : vector<100x128xf32>
    %add3A_1175 = arith.addf %add3A_1113, %div3A_1174 : vector<100x128xf32>
    %get3A_1176 = arith.constant 0 : index
    %get3A_1177 = arith.constant 0 : index
    %get3A_1178 = vector.load %arg8[%get3A_1176, %get3A_1177] : memref<1x128xf32, #tpu.memory_space<vmem>>, vector<1x128xf32>
    %add3A_1179 = vector.broadcast %get3A_1178 : vector<1x128xf32> to vector<100x128xf32>
    %add3A_1180 = arith.addf %add3A_1175, %add3A_1179 : vector<100x128xf32>
    %dot_general3A_1181 = arith.constant dense<0.000000e+00> : vector<100x128xf32>
    %dot_general3A_1182 = tpu.matmul %select_n3A_1098, %add3A_1180, %dot_general3A_1181 {dimension_numbers = #tpu.dot_dimension_numbers<[0], [0], [1], [1], [0, 1, 1, 1], [], []>, transpose_lhs_hint = false} : vector<100x100xf32>, vector<100x128xf32>, vector<100x128xf32> -> vector<100x128xf32>
    %div3A_1183 = vector.broadcast %max3A_1103 : vector<100x1xf32> to vector<100x128xf32>
    %div3A_1184 = arith.divf %dot_general3A_1182, %div3A_1183 : vector<100x128xf32>
    %get3A_1185 = arith.constant 0 : index
    %get3A_1186 = arith.constant 0 : index
    %get3A_1187 = vector.load %arg9[%get3A_1185, %get3A_1186] : memref<256x128xf32, #tpu.memory_space<vmem>>, vector<128x128xf32>
    %dot_general3A_1188 = arith.constant dense<0.000000e+00> : vector<100x128xf32>
    %dot_general3A_1189 = tpu.matmul %add3A_1180, %get3A_1187, %dot_general3A_1188 {dimension_numbers = #tpu.dot_dimension_numbers<[1], [0], [0], [1], [0, 0, 1, 1], [], []>, transpose_lhs_hint = false} : vector<100x128xf32>, vector<128x128xf32>, vector<100x128xf32> -> vector<100x128xf32>
    %get3A_1190 = arith.constant 128 : index
    %get3A_1191 = arith.constant 0 : index
    %get3A_1192 = vector.load %arg9[%get3A_1190, %get3A_1191] : memref<256x128xf32, #tpu.memory_space<vmem>>, vector<128x128xf32>
    %dot_general3A_1193 = arith.constant dense<0.000000e+00> : vector<100x128xf32>
    %dot_general3A_1194 = tpu.matmul %div3A_1184, %get3A_1192, %dot_general3A_1193 {dimension_numbers = #tpu.dot_dimension_numbers<[1], [0], [0], [1], [0, 0, 1, 1], [], []>, transpose_lhs_hint = false} : vector<100x128xf32>, vector<128x128xf32>, vector<100x128xf32> -> vector<100x128xf32>
    %add3A_1195 = arith.addf %dot_general3A_1189, %dot_general3A_1194 : vector<100x128xf32>
    %get3A_1196 = arith.constant 0 : index
    %get3A_1197 = arith.constant 0 : index
    %get3A_1198 = vector.load %arg10[%get3A_1196, %get3A_1197] : memref<1x128xf32, #tpu.memory_space<vmem>>, vector<1x128xf32>
    %add3A_1199 = vector.broadcast %get3A_1198 : vector<1x128xf32> to vector<100x128xf32>
    %add3A_1200 = arith.addf %add3A_1195, %add3A_1199 : vector<100x128xf32>
    %mul3A_1201 = arith.mulf %add3A_1200, %add3A_1200 : vector<100x128xf32>
    %reduce_sum3A_1202 = arith.constant dense<0.000000e+00> : vector<100xf32>
    %reduce_sum3A_1203 = vector.multi_reduction <add>, %mul3A_1201, %reduce_sum3A_1202 [1] : vector<100x128xf32> to vector<100xf32>
    %broadcast_in_dim3A_1204 = vector.shape_cast %reduce_sum3A_1203 : vector<100xf32> to vector<100x1xf32>
    %sqrt3A_1205 = math.sqrt %broadcast_in_dim3A_1204 : vector<100x1xf32>
    %max3A_1206 = arith.constant 9.99999996E-13 : f32
    %max3A_1207 = vector.broadcast %max3A_1206 : f32 to vector<100x1xf32>
    %max3A_1208 = arith.maximumf %sqrt3A_1205, %max3A_1207 : vector<100x1xf32>
    %div3A_1209 = vector.broadcast %max3A_1208 : vector<100x1xf32> to vector<100x128xf32>
    %div3A_1210 = arith.divf %add3A_1200, %div3A_1209 : vector<100x128xf32>
    %max3A_1211 = arith.constant 0.000000e+00 : f32
    %max3A_1212 = vector.broadcast %max3A_1211 : f32 to vector<100x128xf32>
    %max3A_1213 = arith.maximumf %div3A_1210, %max3A_1212 : vector<100x128xf32>
    %reduce_sum3A_1214 = arith.constant dense<0.000000e+00> : vector<128xf32>
    %reduce_sum3A_1215 = vector.multi_reduction <add>, %max3A_1213, %reduce_sum3A_1214 [0] : vector<100x128xf32> to vector<128xf32>
    %broadcast_in_dim3A_1216 = vector.shape_cast %reduce_sum3A_1215 : vector<128xf32> to vector<1x128xf32>
    %div3A_1217 = arith.constant 1.000000e+02 : f32
    %div3A_1218 = vector.broadcast %div3A_1217 : f32 to vector<1x128xf32>
    %div3A_1219 = arith.divf %broadcast_in_dim3A_1216, %div3A_1218 : vector<1x128xf32>
    %sub3A_1220 = vector.broadcast %div3A_1219 : vector<1x128xf32> to vector<100x128xf32>
    %sub3A_1221 = arith.subf %max3A_1213, %sub3A_1220 : vector<100x128xf32>
    %integer_pow3A_1222 = arith.mulf %sub3A_1221, %sub3A_1221 : vector<100x128xf32>
    %reduce_sum3A_1223 = arith.constant dense<0.000000e+00> : vector<128xf32>
    %reduce_sum3A_1224 = vector.multi_reduction <add>, %integer_pow3A_1222, %reduce_sum3A_1223 [0] : vector<100x128xf32> to vector<128xf32>
    %broadcast_in_dim3A_1225 = vector.shape_cast %reduce_sum3A_1224 : vector<128xf32> to vector<1x128xf32>
    %div3A_1226 = arith.constant 1.000000e+02 : f32
    %div3A_1227 = vector.broadcast %div3A_1226 : f32 to vector<1x128xf32>
    %div3A_1228 = arith.divf %broadcast_in_dim3A_1225, %div3A_1227 : vector<1x128xf32>
    %get3A_1229 = arith.constant 0 : index
    %get3A_1230 = arith.constant 0 : index
    %get3A_1231 = vector.load %arg11[%get3A_1229, %get3A_1230] : memref<1x128xf32, #tpu.memory_space<vmem>>, vector<1x128xf32>
    %sub3A_1232 = vector.broadcast %div3A_1219 : vector<1x128xf32> to vector<100x128xf32>
    %sub3A_1233 = arith.subf %max3A_1213, %sub3A_1232 : vector<100x128xf32>
    %mul3A_1234 = vector.broadcast %get3A_1231 : vector<1x128xf32> to vector<100x128xf32>
    %mul3A_1235 = arith.mulf %mul3A_1234, %sub3A_1233 : vector<100x128xf32>
    %add3A_1236 = arith.constant 9.99999974E-6 : f32
    %add3A_1237 = vector.broadcast %add3A_1236 : f32 to vector<1x128xf32>
    %add3A_1238 = arith.addf %div3A_1228, %add3A_1237 : vector<1x128xf32>
    %sqrt3A_1239 = math.sqrt %add3A_1238 : vector<1x128xf32>
    %div3A_1240 = vector.broadcast %sqrt3A_1239 : vector<1x128xf32> to vector<100x128xf32>
    %div3A_1241 = arith.divf %mul3A_1235, %div3A_1240 : vector<100x128xf32>
    %add3A_1242 = arith.addf %add3A_1180, %div3A_1241 : vector<100x128xf32>
    %get3A_1243 = arith.constant 0 : index
    %get3A_1244 = arith.constant 0 : index
    %get3A_1245 = vector.load %arg12[%get3A_1243, %get3A_1244] : memref<1x128xf32, #tpu.memory_space<vmem>>, vector<1x128xf32>
    %add3A_1246 = vector.broadcast %get3A_1245 : vector<1x128xf32> to vector<100x128xf32>
    %add3A_1247 = arith.addf %add3A_1242, %add3A_1246 : vector<100x128xf32>
    %reduce_sum3A_1248 = arith.constant dense<0.000000e+00> : vector<128xf32>
    %reduce_sum3A_1249 = vector.multi_reduction <add>, %add3A_1247, %reduce_sum3A_1248 [0] : vector<100x128xf32> to vector<128xf32>
    %broadcast_in_dim3A_1250 = vector.shape_cast %reduce_sum3A_1249 : vector<128xf32> to vector<1x128xf32>
    %div3A_1251 = arith.constant 1.000000e+02 : f32
    %div3A_1252 = vector.broadcast %div3A_1251 : f32 to vector<1x128xf32>
    %div3A_1253 = arith.divf %broadcast_in_dim3A_1250, %div3A_1252 : vector<1x128xf32>
    %sub3A_1254 = vector.broadcast %div3A_1253 : vector<1x128xf32> to vector<100x128xf32>
    %sub3A_1255 = arith.subf %get3A_6, %sub3A_1254 : vector<100x128xf32>
    %mul3A_1256 = arith.mulf %sub3A_1255, %sub3A_1255 : vector<100x128xf32>
    %reduce_sum3A_1257 = arith.constant dense<0.000000e+00> : vector<100xf32>
    %reduce_sum3A_1258 = vector.multi_reduction <add>, %mul3A_1256, %reduce_sum3A_1257 [1] : vector<100x128xf32> to vector<100xf32>
    %broadcast_in_dim3A_1259 = vector.shape_cast %reduce_sum3A_1258 : vector<100xf32> to vector<100x1xf32>
    %get3A_1260 = arith.constant 5 : index
    %get3A_1261 = arith.constant 0 : index
    %get3A_1262 = arith.constant 0 : index
    %get3A_1263 = vector.load %arg0[%get3A_1260, %get3A_1261, %get3A_1262] : memref<6x100x128xf32, #tpu.memory_space<vmem>>, vector<1x100x128xf32>
    %get3A_1264 = vector.shape_cast %get3A_1263 : vector<1x100x128xf32> to vector<100x128xf32>
    %get3A_1265 = arith.constant 5 : index
    %get3A_1266 = arith.constant 0 : index
    %get3A_1267 = arith.constant 0 : index
    %get3A_1268 = vector.load %arg1[%get3A_1265, %get3A_1266, %get3A_1267] : memref<6x100x100xf32, #tpu.memory_space<vmem>>, vector<1x100x100xf32>
    %get3A_1269 = vector.shape_cast %get3A_1268 : vector<1x100x100xf32> to vector<100x100xf32>
    %get3A_1270 = arith.constant 0 : index
    %get3A_1271 = arith.constant 0 : index
    %get3A_1272 = vector.load %arg13[%get3A_1270, %get3A_1271] : memref<128x64xf32, #tpu.memory_space<vmem>>, vector<128x64xf32>
    %dot_general3A_1273 = arith.constant dense<0.000000e+00> : vector<100x64xf32>
    %dot_general3A_1274 = tpu.matmul %get3A_1264, %get3A_1272, %dot_general3A_1273 {dimension_numbers = #tpu.dot_dimension_numbers<[1], [0], [0], [1], [0, 0, 1, 1], [], []>, transpose_lhs_hint = false} : vector<100x128xf32>, vector<128x64xf32>, vector<100x64xf32> -> vector<100x64xf32>
    %get3A_1275 = arith.constant 0 : index
    %get3A_1276 = arith.constant 0 : index
    %get3A_1277 = vector.load %arg14[%get3A_1275, %get3A_1276] : memref<1x64xf32, #tpu.memory_space<vmem>>, vector<1x64xf32>
    %add3A_1278 = vector.broadcast %get3A_1277 : vector<1x64xf32> to vector<100x64xf32>
    %add3A_1279 = arith.addf %dot_general3A_1274, %add3A_1278 : vector<100x64xf32>
    %max3A_1280 = arith.constant 0.000000e+00 : f32
    %max3A_1281 = vector.broadcast %max3A_1280 : f32 to vector<100x64xf32>
    %max3A_1282 = arith.maximumf %add3A_1279, %max3A_1281 : vector<100x64xf32>
    %get3A_1283 = arith.constant 0 : index
    %get3A_1284 = arith.constant 0 : index
    %get3A_1285 = vector.load %arg15[%get3A_1283, %get3A_1284] : memref<64x32xf32, #tpu.memory_space<vmem>>, vector<64x32xf32>
    %dot_general3A_1286 = arith.constant dense<0.000000e+00> : vector<100x32xf32>
    %dot_general3A_1287 = tpu.matmul %max3A_1282, %get3A_1285, %dot_general3A_1286 {dimension_numbers = #tpu.dot_dimension_numbers<[1], [0], [0], [1], [0, 0, 1, 1], [], []>, transpose_lhs_hint = false} : vector<100x64xf32>, vector<64x32xf32>, vector<100x32xf32> -> vector<100x32xf32>
    %get3A_1288 = arith.constant 0 : index
    %get3A_1289 = arith.constant 0 : index
    %get3A_1290 = vector.load %arg16[%get3A_1288, %get3A_1289] : memref<1x32xf32, #tpu.memory_space<vmem>>, vector<1x32xf32>
    %add3A_1291 = vector.broadcast %get3A_1290 : vector<1x32xf32> to vector<100x32xf32>
    %add3A_1292 = arith.addf %dot_general3A_1287, %add3A_1291 : vector<100x32xf32>
    %max3A_1293 = arith.constant 0.000000e+00 : f32
    %max3A_1294 = vector.broadcast %max3A_1293 : f32 to vector<100x32xf32>
    %max3A_1295 = arith.maximumf %add3A_1292, %max3A_1294 : vector<100x32xf32>
    %get3A_1296 = arith.constant 0 : index
    %get3A_1297 = arith.constant 0 : index
    %get3A_1298 = vector.load %arg17[%get3A_1296, %get3A_1297] : memref<32x128xf32, #tpu.memory_space<vmem>>, vector<32x128xf32>
    %dot_general3A_1299 = arith.constant dense<0.000000e+00> : vector<100x128xf32>
    %dot_general3A_1300 = tpu.matmul %max3A_1295, %get3A_1298, %dot_general3A_1299 {dimension_numbers = #tpu.dot_dimension_numbers<[1], [0], [0], [1], [0, 0, 1, 1], [], []>, transpose_lhs_hint = false} : vector<100x32xf32>, vector<32x128xf32>, vector<100x128xf32> -> vector<100x128xf32>
    %get3A_1301 = arith.constant 0 : index
    %get3A_1302 = arith.constant 0 : index
    %get3A_1303 = vector.load %arg18[%get3A_1301, %get3A_1302] : memref<1x128xf32, #tpu.memory_space<vmem>>, vector<1x128xf32>
    %add3A_1304 = vector.broadcast %get3A_1303 : vector<1x128xf32> to vector<100x128xf32>
    %add3A_1305 = arith.addf %dot_general3A_1300, %add3A_1304 : vector<100x128xf32>
    %get3A_1306 = arith.constant 0 : index
    %get3A_1307 = arith.constant 0 : index
    %get3A_1308 = vector.load %arg19[%get3A_1306, %get3A_1307] : memref<256x1xf32, #tpu.memory_space<vmem>>, vector<128x1xf32>
    %dot_general3A_1309 = arith.constant dense<0.000000e+00> : vector<100x1xf32>
    %dot_general3A_1310 = tpu.matmul %add3A_1305, %get3A_1308, %dot_general3A_1309 {dimension_numbers = #tpu.dot_dimension_numbers<[1], [0], [0], [1], [0, 0, 1, 1], [], []>, transpose_lhs_hint = false} : vector<100x128xf32>, vector<128x1xf32>, vector<100x1xf32> -> vector<100x1xf32>
    %get3A_1311 = arith.constant 128 : index
    %get3A_1312 = arith.constant 0 : index
    %get3A_1313 = vector.load %arg19[%get3A_1311, %get3A_1312] : memref<256x1xf32, #tpu.memory_space<vmem>>, vector<128x1xf32>
    %dot_general3A_1314 = arith.constant dense<0.000000e+00> : vector<100x1xf32>
    %dot_general3A_1315 = tpu.matmul %add3A_1305, %get3A_1313, %dot_general3A_1314 {dimension_numbers = #tpu.dot_dimension_numbers<[1], [0], [0], [1], [0, 0, 1, 1], [], []>, transpose_lhs_hint = false} : vector<100x128xf32>, vector<128x1xf32>, vector<100x1xf32> -> vector<100x1xf32>
    %dot_general3A_1316 = arith.constant dense<0.000000e+00> : vector<1x100xf32>
    %dot_general3A_1317 = tpu.matmul %dot_general3A_1315, %select_n3A, %dot_general3A_1316 {dimension_numbers = #tpu.dot_dimension_numbers<[0], [0], [1], [1], [0, 1, 1, 1], [], []>, transpose_lhs_hint = false} : vector<100x1xf32>, vector<100x100xf32>, vector<1x100xf32> -> vector<1x100xf32>
    %add3A_1318 = vector.broadcast %dot_general3A_1310 : vector<100x1xf32> to vector<100x100xf32>
    %add3A_1319 = vector.broadcast %dot_general3A_1317 : vector<1x100xf32> to vector<100x100xf32>
    %add3A_1320 = arith.addf %add3A_1318, %add3A_1319 : vector<100x100xf32>
    %get3A_1321 = arith.constant 0 : index
    %get3A_1322 = arith.constant 0 : index
    %get3A_1323 = vector.load %arg20[%get3A_1321, %get3A_1322] : memref<1x1xf32, #tpu.memory_space<vmem>>, vector<1x1xf32>
    %add3A_1324 = vector.broadcast %get3A_1323 : vector<1x1xf32> to vector<100x100xf32>
    %add3A_1325 = arith.addf %add3A_1320, %add3A_1324 : vector<100x100xf32>
    %neg3A_1326 = arith.constant 0.000000e+00 : f32
    %neg3A_1327 = vector.broadcast %neg3A_1326 : f32 to vector<100x100xf32>
    %neg3A_1328 = arith.subf %neg3A_1327, %add3A_1325 : vector<100x100xf32>
    %exp3A_1329 = math.exp %neg3A_1328 : vector<100x100xf32>
    %add3A_1330 = arith.constant 1.000000e+00 : f32
    %add3A_1331 = vector.broadcast %add3A_1330 : f32 to vector<100x100xf32>
    %add3A_1332 = arith.addf %add3A_1331, %exp3A_1329 : vector<100x100xf32>
    %div3A_1333 = arith.constant 1.000000e+00 : f32
    %div3A_1334 = vector.broadcast %div3A_1333 : f32 to vector<100x100xf32>
    %div3A_1335 = arith.divf %div3A_1334, %add3A_1332 : vector<100x100xf32>
    %mul3A_1336 = arith.constant 2.000000e-01 : f32
    %mul3A_1337 = vector.broadcast %mul3A_1336 : f32 to vector<100x100xf32>
    %mul3A_1338 = arith.mulf %get3A_1269, %mul3A_1337 : vector<100x100xf32>
    %sub3A_1339 = arith.constant 1.000000e+00 : f32
    %sub3A_1340 = vector.broadcast %sub3A_1339 : f32 to vector<100x100xf32>
    %sub3A_1341 = arith.subf %sub3A_1340, %get3A_1269 : vector<100x100xf32>
    %mul3A_1342 = arith.constant 8.000000e-01 : f32
    %mul3A_1343 = vector.broadcast %mul3A_1342 : f32 to vector<100x100xf32>
    %mul3A_1344 = arith.mulf %sub3A_1341, %mul3A_1343 : vector<100x100xf32>
    %add3A_1345 = arith.addf %mul3A_1338, %mul3A_1344 : vector<100x100xf32>
    %gt3A_1346 = arith.cmpf ogt, %div3A_1335, %add3A_1345 : vector<100x100xf32>
    %jit3A_1347 = arith.constant 1.000000e+00 : f32
    %jit3A_1348 = arith.constant 0.000000e+00 : f32
    %broadcast_in_dim3A_1349 = vector.broadcast %jit3A_1347 : f32 to vector<100x100xf32>
    %broadcast_in_dim3A_1350 = vector.broadcast %jit3A_1348 : f32 to vector<100x100xf32>
    %select_n3A_1351 = arith.select %gt3A_1346, %broadcast_in_dim3A_1349, %broadcast_in_dim3A_1350 : vector<100x100xi1>, vector<100x100xf32>
    %dot_general3A_1352 = arith.constant dense<0.000000e+00> : vector<100x1xf32>
    %dot_general3A_1353 = tpu.matmul %select_n3A_1351, %broadcast_in_dim3A_4, %dot_general3A_1352 {dimension_numbers = #tpu.dot_dimension_numbers<[0], [0], [1], [1], [0, 1, 1, 1], [], []>, transpose_lhs_hint = false} : vector<100x100xf32>, vector<100x1xf32>, vector<100x1xf32> -> vector<100x1xf32>
    %max3A_1354 = arith.constant 1.000000e+00 : f32
    %max3A_1355 = vector.broadcast %max3A_1354 : f32 to vector<100x1xf32>
    %max3A_1356 = arith.maximumf %dot_general3A_1353, %max3A_1355 : vector<100x1xf32>
    %get3A_1357 = arith.constant 0 : index
    %get3A_1358 = arith.constant 0 : index
    %get3A_1359 = vector.load %arg3[%get3A_1357, %get3A_1358] : memref<128x128xf32, #tpu.memory_space<vmem>>, vector<128x128xf32>
    %dot_general3A_1360 = arith.constant dense<0.000000e+00> : vector<100x128xf32>
    %dot_general3A_1361 = tpu.matmul %add3A_1305, %get3A_1359, %dot_general3A_1360 {dimension_numbers = #tpu.dot_dimension_numbers<[1], [0], [0], [1], [0, 0, 1, 1], [], []>, transpose_lhs_hint = false} : vector<100x128xf32>, vector<128x128xf32>, vector<100x128xf32> -> vector<100x128xf32>
    %get3A_1362 = arith.constant 0 : index
    %get3A_1363 = arith.constant 0 : index
    %get3A_1364 = vector.load %arg4[%get3A_1362, %get3A_1363] : memref<1x128xf32, #tpu.memory_space<vmem>>, vector<1x128xf32>
    %add3A_1365 = vector.broadcast %get3A_1364 : vector<1x128xf32> to vector<100x128xf32>
    %add3A_1366 = arith.addf %dot_general3A_1361, %add3A_1365 : vector<100x128xf32>
    %dot_general3A_1367 = arith.constant dense<0.000000e+00> : vector<100x128xf32>
    %dot_general3A_1368 = tpu.matmul %select_n3A_1351, %add3A_1366, %dot_general3A_1367 {dimension_numbers = #tpu.dot_dimension_numbers<[0], [0], [1], [1], [0, 1, 1, 1], [], []>, transpose_lhs_hint = false} : vector<100x100xf32>, vector<100x128xf32>, vector<100x128xf32> -> vector<100x128xf32>
    %div3A_1369 = vector.broadcast %max3A_1356 : vector<100x1xf32> to vector<100x128xf32>
    %div3A_1370 = arith.divf %dot_general3A_1368, %div3A_1369 : vector<100x128xf32>
    %get3A_1371 = arith.constant 0 : index
    %get3A_1372 = arith.constant 0 : index
    %get3A_1373 = vector.load %arg5[%get3A_1371, %get3A_1372] : memref<256x128xf32, #tpu.memory_space<vmem>>, vector<128x128xf32>
    %dot_general3A_1374 = arith.constant dense<0.000000e+00> : vector<100x128xf32>
    %dot_general3A_1375 = tpu.matmul %add3A_1366, %get3A_1373, %dot_general3A_1374 {dimension_numbers = #tpu.dot_dimension_numbers<[1], [0], [0], [1], [0, 0, 1, 1], [], []>, transpose_lhs_hint = false} : vector<100x128xf32>, vector<128x128xf32>, vector<100x128xf32> -> vector<100x128xf32>
    %get3A_1376 = arith.constant 128 : index
    %get3A_1377 = arith.constant 0 : index
    %get3A_1378 = vector.load %arg5[%get3A_1376, %get3A_1377] : memref<256x128xf32, #tpu.memory_space<vmem>>, vector<128x128xf32>
    %dot_general3A_1379 = arith.constant dense<0.000000e+00> : vector<100x128xf32>
    %dot_general3A_1380 = tpu.matmul %div3A_1370, %get3A_1378, %dot_general3A_1379 {dimension_numbers = #tpu.dot_dimension_numbers<[1], [0], [0], [1], [0, 0, 1, 1], [], []>, transpose_lhs_hint = false} : vector<100x128xf32>, vector<128x128xf32>, vector<100x128xf32> -> vector<100x128xf32>
    %add3A_1381 = arith.addf %dot_general3A_1375, %dot_general3A_1380 : vector<100x128xf32>
    %get3A_1382 = arith.constant 0 : index
    %get3A_1383 = arith.constant 0 : index
    %get3A_1384 = vector.load %arg6[%get3A_1382, %get3A_1383] : memref<1x128xf32, #tpu.memory_space<vmem>>, vector<1x128xf32>
    %add3A_1385 = vector.broadcast %get3A_1384 : vector<1x128xf32> to vector<100x128xf32>
    %add3A_1386 = arith.addf %add3A_1381, %add3A_1385 : vector<100x128xf32>
    %mul3A_1387 = arith.mulf %add3A_1386, %add3A_1386 : vector<100x128xf32>
    %reduce_sum3A_1388 = arith.constant dense<0.000000e+00> : vector<100xf32>
    %reduce_sum3A_1389 = vector.multi_reduction <add>, %mul3A_1387, %reduce_sum3A_1388 [1] : vector<100x128xf32> to vector<100xf32>
    %broadcast_in_dim3A_1390 = vector.shape_cast %reduce_sum3A_1389 : vector<100xf32> to vector<100x1xf32>
    %sqrt3A_1391 = math.sqrt %broadcast_in_dim3A_1390 : vector<100x1xf32>
    %max3A_1392 = arith.constant 9.99999996E-13 : f32
    %max3A_1393 = vector.broadcast %max3A_1392 : f32 to vector<100x1xf32>
    %max3A_1394 = arith.maximumf %sqrt3A_1391, %max3A_1393 : vector<100x1xf32>
    %div3A_1395 = vector.broadcast %max3A_1394 : vector<100x1xf32> to vector<100x128xf32>
    %div3A_1396 = arith.divf %add3A_1386, %div3A_1395 : vector<100x128xf32>
    %max3A_1397 = arith.constant 0.000000e+00 : f32
    %max3A_1398 = vector.broadcast %max3A_1397 : f32 to vector<100x128xf32>
    %max3A_1399 = arith.maximumf %div3A_1396, %max3A_1398 : vector<100x128xf32>
    %reduce_sum3A_1400 = arith.constant dense<0.000000e+00> : vector<128xf32>
    %reduce_sum3A_1401 = vector.multi_reduction <add>, %max3A_1399, %reduce_sum3A_1400 [0] : vector<100x128xf32> to vector<128xf32>
    %broadcast_in_dim3A_1402 = vector.shape_cast %reduce_sum3A_1401 : vector<128xf32> to vector<1x128xf32>
    %div3A_1403 = arith.constant 1.000000e+02 : f32
    %div3A_1404 = vector.broadcast %div3A_1403 : f32 to vector<1x128xf32>
    %div3A_1405 = arith.divf %broadcast_in_dim3A_1402, %div3A_1404 : vector<1x128xf32>
    %sub3A_1406 = vector.broadcast %div3A_1405 : vector<1x128xf32> to vector<100x128xf32>
    %sub3A_1407 = arith.subf %max3A_1399, %sub3A_1406 : vector<100x128xf32>
    %integer_pow3A_1408 = arith.mulf %sub3A_1407, %sub3A_1407 : vector<100x128xf32>
    %reduce_sum3A_1409 = arith.constant dense<0.000000e+00> : vector<128xf32>
    %reduce_sum3A_1410 = vector.multi_reduction <add>, %integer_pow3A_1408, %reduce_sum3A_1409 [0] : vector<100x128xf32> to vector<128xf32>
    %broadcast_in_dim3A_1411 = vector.shape_cast %reduce_sum3A_1410 : vector<128xf32> to vector<1x128xf32>
    %div3A_1412 = arith.constant 1.000000e+02 : f32
    %div3A_1413 = vector.broadcast %div3A_1412 : f32 to vector<1x128xf32>
    %div3A_1414 = arith.divf %broadcast_in_dim3A_1411, %div3A_1413 : vector<1x128xf32>
    %get3A_1415 = arith.constant 0 : index
    %get3A_1416 = arith.constant 0 : index
    %get3A_1417 = vector.load %arg7[%get3A_1415, %get3A_1416] : memref<1x128xf32, #tpu.memory_space<vmem>>, vector<1x128xf32>
    %sub3A_1418 = vector.broadcast %div3A_1405 : vector<1x128xf32> to vector<100x128xf32>
    %sub3A_1419 = arith.subf %max3A_1399, %sub3A_1418 : vector<100x128xf32>
    %mul3A_1420 = vector.broadcast %get3A_1417 : vector<1x128xf32> to vector<100x128xf32>
    %mul3A_1421 = arith.mulf %mul3A_1420, %sub3A_1419 : vector<100x128xf32>
    %add3A_1422 = arith.constant 9.99999974E-6 : f32
    %add3A_1423 = vector.broadcast %add3A_1422 : f32 to vector<1x128xf32>
    %add3A_1424 = arith.addf %div3A_1414, %add3A_1423 : vector<1x128xf32>
    %sqrt3A_1425 = math.sqrt %add3A_1424 : vector<1x128xf32>
    %div3A_1426 = vector.broadcast %sqrt3A_1425 : vector<1x128xf32> to vector<100x128xf32>
    %div3A_1427 = arith.divf %mul3A_1421, %div3A_1426 : vector<100x128xf32>
    %add3A_1428 = arith.addf %add3A_1366, %div3A_1427 : vector<100x128xf32>
    %get3A_1429 = arith.constant 0 : index
    %get3A_1430 = arith.constant 0 : index
    %get3A_1431 = vector.load %arg8[%get3A_1429, %get3A_1430] : memref<1x128xf32, #tpu.memory_space<vmem>>, vector<1x128xf32>
    %add3A_1432 = vector.broadcast %get3A_1431 : vector<1x128xf32> to vector<100x128xf32>
    %add3A_1433 = arith.addf %add3A_1428, %add3A_1432 : vector<100x128xf32>
    %dot_general3A_1434 = arith.constant dense<0.000000e+00> : vector<100x128xf32>
    %dot_general3A_1435 = tpu.matmul %select_n3A_1351, %add3A_1433, %dot_general3A_1434 {dimension_numbers = #tpu.dot_dimension_numbers<[0], [0], [1], [1], [0, 1, 1, 1], [], []>, transpose_lhs_hint = false} : vector<100x100xf32>, vector<100x128xf32>, vector<100x128xf32> -> vector<100x128xf32>
    %div3A_1436 = vector.broadcast %max3A_1356 : vector<100x1xf32> to vector<100x128xf32>
    %div3A_1437 = arith.divf %dot_general3A_1435, %div3A_1436 : vector<100x128xf32>
    %get3A_1438 = arith.constant 0 : index
    %get3A_1439 = arith.constant 0 : index
    %get3A_1440 = vector.load %arg9[%get3A_1438, %get3A_1439] : memref<256x128xf32, #tpu.memory_space<vmem>>, vector<128x128xf32>
    %dot_general3A_1441 = arith.constant dense<0.000000e+00> : vector<100x128xf32>
    %dot_general3A_1442 = tpu.matmul %add3A_1433, %get3A_1440, %dot_general3A_1441 {dimension_numbers = #tpu.dot_dimension_numbers<[1], [0], [0], [1], [0, 0, 1, 1], [], []>, transpose_lhs_hint = false} : vector<100x128xf32>, vector<128x128xf32>, vector<100x128xf32> -> vector<100x128xf32>
    %get3A_1443 = arith.constant 128 : index
    %get3A_1444 = arith.constant 0 : index
    %get3A_1445 = vector.load %arg9[%get3A_1443, %get3A_1444] : memref<256x128xf32, #tpu.memory_space<vmem>>, vector<128x128xf32>
    %dot_general3A_1446 = arith.constant dense<0.000000e+00> : vector<100x128xf32>
    %dot_general3A_1447 = tpu.matmul %div3A_1437, %get3A_1445, %dot_general3A_1446 {dimension_numbers = #tpu.dot_dimension_numbers<[1], [0], [0], [1], [0, 0, 1, 1], [], []>, transpose_lhs_hint = false} : vector<100x128xf32>, vector<128x128xf32>, vector<100x128xf32> -> vector<100x128xf32>
    %add3A_1448 = arith.addf %dot_general3A_1442, %dot_general3A_1447 : vector<100x128xf32>
    %get3A_1449 = arith.constant 0 : index
    %get3A_1450 = arith.constant 0 : index
    %get3A_1451 = vector.load %arg10[%get3A_1449, %get3A_1450] : memref<1x128xf32, #tpu.memory_space<vmem>>, vector<1x128xf32>
    %add3A_1452 = vector.broadcast %get3A_1451 : vector<1x128xf32> to vector<100x128xf32>
    %add3A_1453 = arith.addf %add3A_1448, %add3A_1452 : vector<100x128xf32>
    %mul3A_1454 = arith.mulf %add3A_1453, %add3A_1453 : vector<100x128xf32>
    %reduce_sum3A_1455 = arith.constant dense<0.000000e+00> : vector<100xf32>
    %reduce_sum3A_1456 = vector.multi_reduction <add>, %mul3A_1454, %reduce_sum3A_1455 [1] : vector<100x128xf32> to vector<100xf32>
    %broadcast_in_dim3A_1457 = vector.shape_cast %reduce_sum3A_1456 : vector<100xf32> to vector<100x1xf32>
    %sqrt3A_1458 = math.sqrt %broadcast_in_dim3A_1457 : vector<100x1xf32>
    %max3A_1459 = arith.constant 9.99999996E-13 : f32
    %max3A_1460 = vector.broadcast %max3A_1459 : f32 to vector<100x1xf32>
    %max3A_1461 = arith.maximumf %sqrt3A_1458, %max3A_1460 : vector<100x1xf32>
    %div3A_1462 = vector.broadcast %max3A_1461 : vector<100x1xf32> to vector<100x128xf32>
    %div3A_1463 = arith.divf %add3A_1453, %div3A_1462 : vector<100x128xf32>
    %max3A_1464 = arith.constant 0.000000e+00 : f32
    %max3A_1465 = vector.broadcast %max3A_1464 : f32 to vector<100x128xf32>
    %max3A_1466 = arith.maximumf %div3A_1463, %max3A_1465 : vector<100x128xf32>
    %reduce_sum3A_1467 = arith.constant dense<0.000000e+00> : vector<128xf32>
    %reduce_sum3A_1468 = vector.multi_reduction <add>, %max3A_1466, %reduce_sum3A_1467 [0] : vector<100x128xf32> to vector<128xf32>
    %broadcast_in_dim3A_1469 = vector.shape_cast %reduce_sum3A_1468 : vector<128xf32> to vector<1x128xf32>
    %div3A_1470 = arith.constant 1.000000e+02 : f32
    %div3A_1471 = vector.broadcast %div3A_1470 : f32 to vector<1x128xf32>
    %div3A_1472 = arith.divf %broadcast_in_dim3A_1469, %div3A_1471 : vector<1x128xf32>
    %sub3A_1473 = vector.broadcast %div3A_1472 : vector<1x128xf32> to vector<100x128xf32>
    %sub3A_1474 = arith.subf %max3A_1466, %sub3A_1473 : vector<100x128xf32>
    %integer_pow3A_1475 = arith.mulf %sub3A_1474, %sub3A_1474 : vector<100x128xf32>
    %reduce_sum3A_1476 = arith.constant dense<0.000000e+00> : vector<128xf32>
    %reduce_sum3A_1477 = vector.multi_reduction <add>, %integer_pow3A_1475, %reduce_sum3A_1476 [0] : vector<100x128xf32> to vector<128xf32>
    %broadcast_in_dim3A_1478 = vector.shape_cast %reduce_sum3A_1477 : vector<128xf32> to vector<1x128xf32>
    %div3A_1479 = arith.constant 1.000000e+02 : f32
    %div3A_1480 = vector.broadcast %div3A_1479 : f32 to vector<1x128xf32>
    %div3A_1481 = arith.divf %broadcast_in_dim3A_1478, %div3A_1480 : vector<1x128xf32>
    %get3A_1482 = arith.constant 0 : index
    %get3A_1483 = arith.constant 0 : index
    %get3A_1484 = vector.load %arg11[%get3A_1482, %get3A_1483] : memref<1x128xf32, #tpu.memory_space<vmem>>, vector<1x128xf32>
    %sub3A_1485 = vector.broadcast %div3A_1472 : vector<1x128xf32> to vector<100x128xf32>
    %sub3A_1486 = arith.subf %max3A_1466, %sub3A_1485 : vector<100x128xf32>
    %mul3A_1487 = vector.broadcast %get3A_1484 : vector<1x128xf32> to vector<100x128xf32>
    %mul3A_1488 = arith.mulf %mul3A_1487, %sub3A_1486 : vector<100x128xf32>
    %add3A_1489 = arith.constant 9.99999974E-6 : f32
    %add3A_1490 = vector.broadcast %add3A_1489 : f32 to vector<1x128xf32>
    %add3A_1491 = arith.addf %div3A_1481, %add3A_1490 : vector<1x128xf32>
    %sqrt3A_1492 = math.sqrt %add3A_1491 : vector<1x128xf32>
    %div3A_1493 = vector.broadcast %sqrt3A_1492 : vector<1x128xf32> to vector<100x128xf32>
    %div3A_1494 = arith.divf %mul3A_1488, %div3A_1493 : vector<100x128xf32>
    %add3A_1495 = arith.addf %add3A_1433, %div3A_1494 : vector<100x128xf32>
    %get3A_1496 = arith.constant 0 : index
    %get3A_1497 = arith.constant 0 : index
    %get3A_1498 = vector.load %arg12[%get3A_1496, %get3A_1497] : memref<1x128xf32, #tpu.memory_space<vmem>>, vector<1x128xf32>
    %add3A_1499 = vector.broadcast %get3A_1498 : vector<1x128xf32> to vector<100x128xf32>
    %add3A_1500 = arith.addf %add3A_1495, %add3A_1499 : vector<100x128xf32>
    %reduce_sum3A_1501 = arith.constant dense<0.000000e+00> : vector<128xf32>
    %reduce_sum3A_1502 = vector.multi_reduction <add>, %add3A_1500, %reduce_sum3A_1501 [0] : vector<100x128xf32> to vector<128xf32>
    %broadcast_in_dim3A_1503 = vector.shape_cast %reduce_sum3A_1502 : vector<128xf32> to vector<1x128xf32>
    %div3A_1504 = arith.constant 1.000000e+02 : f32
    %div3A_1505 = vector.broadcast %div3A_1504 : f32 to vector<1x128xf32>
    %div3A_1506 = arith.divf %broadcast_in_dim3A_1503, %div3A_1505 : vector<1x128xf32>
    %sub3A_1507 = vector.broadcast %div3A_1506 : vector<1x128xf32> to vector<100x128xf32>
    %sub3A_1508 = arith.subf %get3A_6, %sub3A_1507 : vector<100x128xf32>
    %mul3A_1509 = arith.mulf %sub3A_1508, %sub3A_1508 : vector<100x128xf32>
    %reduce_sum3A_1510 = arith.constant dense<0.000000e+00> : vector<100xf32>
    %reduce_sum3A_1511 = vector.multi_reduction <add>, %mul3A_1509, %reduce_sum3A_1510 [1] : vector<100x128xf32> to vector<100xf32>
    %broadcast_in_dim3A_1512 = vector.shape_cast %reduce_sum3A_1511 : vector<100xf32> to vector<100x1xf32>
    %concatenate3A = tpu.concatenate %broadcast_in_dim3A_247, %broadcast_in_dim3A_500, %broadcast_in_dim3A_753, %broadcast_in_dim3A_1006, %broadcast_in_dim3A_1259, %broadcast_in_dim3A_1512 in 1 : vector<100x1xf32>, vector<100x1xf32>, vector<100x1xf32>, vector<100x1xf32>, vector<100x1xf32>, vector<100x1xf32> -> vector<100x6xf32>
    %add3A_1513 = arith.constant 1.000000e+00 : f32
    %add3A_1514 = vector.broadcast %add3A_1513 : f32 to vector<100x6xf32>
    %add3A_1515 = arith.addf %concatenate3A, %add3A_1514 : vector<100x6xf32>
    %add3A_1516 = arith.constant 9.99999996E-13 : f32
    %add3A_1517 = vector.broadcast %add3A_1516 : f32 to vector<100x6xf32>
    %add3A_1518 = arith.addf %concatenate3A, %add3A_1517 : vector<100x6xf32>
    %div3A_1519 = arith.divf %add3A_1515, %add3A_1518 : vector<100x6xf32>
    %log3A = math.log %div3A_1519 : vector<100x6xf32>
    %reduce_max3A = arith.constant dense<0xFF800000> : vector<100xf32>
    %reduce_max3A_1520 = vector.multi_reduction <maximumf>, %log3A, %reduce_max3A [1] : vector<100x6xf32> to vector<100xf32>
    %broadcast_in_dim3A_1521 = vector.shape_cast %reduce_max3A_1520 : vector<100xf32> to vector<100x1xf32>
    %sub3A_1522 = vector.broadcast %broadcast_in_dim3A_1521 : vector<100x1xf32> to vector<100x6xf32>
    %sub3A_1523 = arith.subf %log3A, %sub3A_1522 : vector<100x6xf32>
    %exp3A_1524 = math.exp %sub3A_1523 : vector<100x6xf32>
    %reduce_sum3A_1525 = arith.constant dense<0.000000e+00> : vector<100xf32>
    %reduce_sum3A_1526 = vector.multi_reduction <add>, %exp3A_1524, %reduce_sum3A_1525 [1] : vector<100x6xf32> to vector<100xf32>
    %broadcast_in_dim3A_1527 = vector.shape_cast %reduce_sum3A_1526 : vector<100xf32> to vector<100x1xf32>
    %div3A_1528 = vector.broadcast %broadcast_in_dim3A_1527 : vector<100x1xf32> to vector<100x6xf32>
    %div3A_1529 = arith.divf %exp3A_1524, %div3A_1528 : vector<100x6xf32>
    %iota3A_1530 = tpu.iota {dimensions = array<i32: 1>} : vector<100x6xi32>
    %ge3A = arith.constant 3 : i32
    %ge3A_1531 = vector.broadcast %ge3A : i32 to vector<100x6xi32>
    %ge3A_1532 = arith.cmpi sge, %iota3A_1530, %ge3A_1531 : vector<100x6xi32>
    %jit3A_1533 = arith.constant 0.000000e+00 : f32
    %broadcast_in_dim3A_1534 = vector.broadcast %jit3A_1533 : f32 to vector<100x6xf32>
    %select_n3A_1535 = arith.select %ge3A_1532, %div3A_1529, %broadcast_in_dim3A_1534 : vector<100x6xi1>, vector<100x6xf32>
    %reduce_sum3A_1536 = arith.constant dense<0.000000e+00> : vector<100xf32>
    %reduce_sum3A_1537 = vector.multi_reduction <add>, %select_n3A_1535, %reduce_sum3A_1536 [1] : vector<100x6xf32> to vector<100xf32>
    %broadcast_in_dim3A_1538 = vector.shape_cast %reduce_sum3A_1537 : vector<100xf32> to vector<100x1xf32>
    %swap3A = arith.constant 0 : index
    %swap3A_1539 = arith.constant 0 : index
    %swap3A_1540 = vector.load %arg21[%swap3A, %swap3A_1539] : memref<100x1xf32, #tpu.memory_space<vmem>>, vector<100x1xf32>
    tpu.vector_store %arg21[%swap3A, %swap3A_1539], %broadcast_in_dim3A_1538 {strides = array<i32>} : memref<100x1xf32, #tpu.memory_space<vmem>>, vector<100x1xf32>,
    return
  }
}

</mosaic_0001>

<sc_bundles>
// kernel: kernel.11.cloned.1.call-start
scs
__scs_entry_jumppad:
0x0: {  	(pc) =	sbr.rel $0x88, $3  }
0x1: {  	(tag) =	ssettag $0x0;
	lr =	simm.s32 $0x1  }
0x2: {  	[smem:$0x3F89] =	sst lr;
	_ =	strace $0xD0000000  }
0x3: {  	_ = 	snop  }
0x4: {  	_ = 	snop  }
0x5: {  	_ = 	snop  }
0x6: {  	_ = 	snop  }
0x7: {  	_ = 	snop  }
__scs_overlays_trampoline_lowered:
0x8: {  	[smem:$0x3F98] =	sst s0  }
0x9: {  	[smem:$0x3F99] =	sst s1  }
0xa: {  	[smem:$0x3F9A] =	sst s2  }
0xb: {  	[smem:$0x3F9B] =	sst s3  }
0xc: {  	[smem:$0x3F9C] =	sst s4  }
0xd: {  	[smem:$0x3F9D] =	sst s5  }
0xe: {  	[smem:$0x3F9E] =	sst s6  }
0xf: {  	[smem:$0x3F9F] =	sst s7  }
0x10: {  	[smem:$0x3FA0] =	sst s8  }
0x11: {  	[smem:$0x3FA1] =	sst s9;
	s0 =	simm.s32 @!p0 $0x0  }
0x12: {  	s1 =	sld [smem:$0x3F87];
	s0 =	simm.s32 @p0 $0x1  }
0x13: {  	[smem:$0x3FA2] =	sst s0;
	s0 =	simm.s32 @!p1 $0x0  }
0x14: {  	s2 =	sld [smem:$0x3F86];
	s0 =	simm.s32 @p1 $0x1  }
0x15: {  	[smem:$0x3FA3] =	sst s0;
	s0 =	simm.s32 @!p2 $0x0  }
0x16: {  	s3 =	sld [smem:$0x3FDB];
	s0 =	simm.s32 @p2 $0x1  }
0x17: {  	s4 =	simm.s32 $0x1BF5;
	[smem:$0x3FA5] =	sst s0  }
0x18: {  	s0 =	sld [smem:$0x3F88];
	_ =	swait.ge [sflag:s4], $0x0  }
0x19: {  	s7 =	sld [smem:$0x3F89]  }
0x1a: {  	s8 =	sadd.s32 $0xFFFFE003, lr  }
0x1b: {  	s9 =	sadd.s32 $0xFFFFFEF7, lr;
	s5 =	simm.s32 $0xFFFFFFFF;
	p2 =	slt.u32 s8, $0xFFFFF086  }
0x1c: {  	p1 =	slt.u32 s9, $0xF7A;
	s5 =	simm.s32 @!p2 $0x0  }
0x1d: {  	s5 =	simm.s32 @p1 $0x1;
	p0 =	seq.s32 s7, s2  }
0x1e: {  	s7 =	smul.u32 @!p0 $0xF7A, s2;
	p2 =	seq.s32 @!p0 s5, $0x0  }
0x1f: {  	s9 =	smul.u32 $0xF7A, s1;
	s8 =	simm.s32 @!p0 $0x1BF5;
	p2 =	por !p2, p0  }
0x20: {  	[sflag:s8] =	ssyncset.s32 @!p0 $0xFFFFF086;
	s6 =	sadd.s32 @!p0 s3, s7;
	s7 =	simm.s32 @!p0 $0x108  }
0x21: {  	s3 =	sadd.s32 s3, s9;
	s6 =	sadd.s32 @!p0 $0x88, s6;
	s7 =	simm.s32 @p2 $0x1082  }
0x22: {  	[simem:s7], [sflag:s8] =	dma.local @!p0 [hbm:s6], $0xF7A  }
0x23: {  	s9 =	sor.u32 $0xD0000000, s2;
	s6 =	simm.s32 $0x108;
	_ =	swait.ge @!p0 [sflag:s8], $0x0  }
0x24: {  	s3 =	sadd.s32 $0x88, s3;
	s6 =	simm.s32 @!p1 $0x1082;
	[sflag:s4] =	ssyncset.s32 $0xFFFFF086  }
0x25: {  	[simem:s6], [sflag:s4] =	dma.local [hbm:s3], $0xF7A  }
0x26: {  	[smem:$0x3F89] =	sst s1;
	(tag) =	ssettag s2;
	_ =	strace s9  }
0x27: {  	s1 =	sld [smem:$0x3F99]  }
0x28: {  	s2 =	sld [smem:$0x3F9A]  }
0x29: {  	s4 =	sld [smem:$0x3F9C]  }
0x2a: {  	p0 =	seq.s32 s5, $0x0;
	s5 =	sld [smem:$0x3F9D]  }
0x2b: {  	s6 =	sld [smem:$0x3F9E]  }
0x2c: {  	s7 =	sld [smem:$0x3F9F]  }
0x2d: {  	s3 =	simm.s32 $0x108;
	s8 =	sld [smem:$0x3FA0]  }
0x2e: {  	s3 =	simm.s32 @!p0 $0x1082;
	s9 =	sld [smem:$0x3FA1]  }
0x2f: {  	lr =	sadd.s32 s0, s3;
	s0 =	sld [smem:$0x3F98]  }
0x30: {  	s3 =	sld [smem:$0x3F9B]  }
0x31: {  	[smem:$0x3FA4] =	sst s10  }
0x32: {  	s10 =	sld [smem:$0x3FA2];
	_ =	sdelay $0x3  }
0x33: {  	p0 =	seq.s32 s10, $0x1;
	s10 =	sld [smem:$0x3FA4];
	_ =	sdelay $0x3  }
0x34: {  	[smem:$0x3FA4] =	sst s10  }
0x35: {  	s10 =	sld [smem:$0x3FA3];
	_ =	sdelay $0x3  }
0x36: {  	p1 =	seq.s32 s10, $0x1;
	s10 =	sld [smem:$0x3FA4];
	_ =	sdelay $0x3  }
0x37: {  	[smem:$0x3FA4] =	sst s10  }
0x38: {  	s10 =	sld [smem:$0x3FA5]  }
0x39: {  	_ = 	snop;
	(pc) =	sbr.ind lr, $3  }
0x3a: {  	_ = 	snop  }
0x3b: {  	_ = 	snop  }
0x3c: {  	p2 =	seq.s32 s10, $0x1;
	s10 =	sld [smem:$0x3FA4]  }
0x3d: {  	_ =	shalt  }
0x3e: {  	_ =	shalt  }
0x3f: {  	_ =	shalt  }
0x40: {  	_ =	shalt  }
0x41: {  	_ =	shalt  }
0x42: {  	_ =	shalt  }
0x43: {  	_ =	shalt  }
0x44: {  	_ =	shalt  }
0x45: {  	_ =	shalt  }
0x46: {  	_ =	shalt  }
0x47: {  	_ =	shalt  }
0x48: {  	_ =	shalt  }
0x49: {  	_ =	shalt  }
0x4a: {  	_ =	shalt  }
0x4b: {  	_ =	shalt  }
0x4c: {  	_ =	shalt  }
0x4d: {  	_ =	shalt  }
0x4e: {  	_ =	shalt  }
0x4f: {  	_ =	shalt  }
0x50: {  	_ =	shalt  }
0x51: {  	_ =	shalt  }
0x52: {  	_ =	shalt  }
0x53: {  	_ =	shalt  }
0x54: {  	_ =	shalt  }
0x55: {  	_ =	shalt  }
0x56: {  	_ =	shalt  }
0x57: {  	_ =	shalt  }
0x58: {  	_ =	shalt  }
0x59: {  	_ =	shalt  }
0x5a: {  	_ =	shalt  }
0x5b: {  	_ =	shalt  }
0x5c: {  	_ =	shalt  }
0x5d: {  	_ =	shalt  }
0x5e: {  	_ =	shalt  }
0x5f: {  	_ =	shalt  }
0x60: {  	_ =	shalt  }
0x61: {  	_ =	shalt  }
0x62: {  	_ =	shalt  }
0x63: {  	_ =	shalt  }
0x64: {  	_ =	shalt  }
0x65: {  	_ =	shalt  }
0x66: {  	_ =	shalt  }
0x67: {  	_ =	shalt  }
0x68: {  	_ =	shalt  }
0x69: {  	_ =	shalt  }
0x6a: {  	_ =	shalt  }
0x6b: {  	_ =	shalt  }
0x6c: {  	_ =	shalt  }
0x6d: {  	_ =	shalt  }
0x6e: {  	_ =	shalt  }
0x6f: {  	_ =	shalt  }
0x70: {  	_ =	shalt  }
0x71: {  	_ =	shalt  }
0x72: {  	_ =	shalt  }
0x73: {  	_ =	shalt  }
0x74: {  	_ =	shalt  }
0x75: {  	_ =	shalt  }
0x76: {  	_ =	shalt  }
0x77: {  	_ =	shalt  }
0x78: {  	_ =	shalt  }
0x79: {  	_ =	shalt  }
0x7a: {  	_ =	shalt  }
0x7b: {  	_ =	shalt  }
0x7c: {  	_ =	shalt  }
0x7d: {  	_ =	shalt  }
0x7e: {  	_ =	shalt  }
0x7f: {  	_ =	shalt  }
0x80: {  	_ =	shalt  }
0x81: {  	_ =	shalt  }
0x82: {  	_ =	shalt  }
0x83: {  	_ =	shalt  }
0x84: {  	_ =	shalt  }
0x85: {  	_ =	shalt  }
0x86: {  	_ =	shalt  }
0x87: {  	_ =	shalt  }
.Lfunc_end0:
.L_simem_size_0:
called_computation_lowered:
.L_overlay_start_0:
0x88: {  	s2 =	sld [smem:$0x3FD9]  }
0x89: {  	s3 =	sld [smem:$0x3FFE];
	_ =	sdelay $0x1  }
0x8a: {  	s1 =	srdreg.scid  }
0x8b: {  	s0 =	sand.u32 $0x1, s1  }
0x8c: {  	s15 =	sshll.u32 s0, $0xA;
	s2 =	sadd.s32 s3, s2  }
0x8d: {  	s2 =	sadd.s32 s2, s15  }
0x8e: {  	[smem:$0x3FB0] =	sst s2  }
0x8f: {  	_ = 	snop  }
0x90: {  	s2 =	sld [smem:$0x3FD0];
	_ =	sdelay $0x2  }
0x91: {  	s16 =	simm.s32 $0xB;
	s4 =	simm.s32 $0x10  }
0x92: {  	[smem:s4], [sflag:s16] =	dma.local [hbm:s2], $0x1  }
0x93: {  	_ =	swait.eq [sflag:s16], $0x1  }
0x94: {  	[sflag:s16] =	ssyncset.done $0x0  }
0x95: {  	[sflag:s16] =	ssyncadd.s32 $0xFFFFFFFF  }
0x96: {  	s17 =	sld [smem:$0x12];
	(tm) =	ssettm $0x1  }
0x97: {  	s18 =	sld [smem:$0x3FFB];
	_ =	sdelay $0x3  }
0x98: {  	_ =	strace s18  }
0x99: {  	s2 =	sld [smem:$0x3FFC];
	_ =	sdelay $0x3  }
0x9a: {  	_ =	strace s2  }
0x9b: {  	s2 =	sld [smem:$0x3FFD];
	_ =	sdelay $0x3  }
0x9c: {  	_ =	strace s2  }
0x9d: {  	_ =	strace $0x8FFFFFFF  }
0x9e: {  	s19 =	sld [smem:$0x3FDB];
	_ =	sdelay $0x1  }
0x9f: {  	s20 =	simm.s32 $_scs_section_size  }
0xa0: {  	s5 =	simm.s32 $_size__tile_overlayer_lowered;
	s6 =	simm.s32 $_tile_overlayer_lowered  }
0xa1: {  	s7 =	simm.s32 $0x1BFF;
	s21 =	sshll.u32 s6, $0x1;
	s4 =	sadd.s32 s20, s19  }
0xa2: {  	s22 =	simm.s32 $0x0;
	s5 =	sshll.u32 s5, $0x1;
	s6 =	sadd.s32 s21, s4  }
0xa3: {  	[timem:s22], [sflag:s7] =	dma.local [hbm:s6], s5  }
0xa4: {  	_ =	swait.ge [sflag:s7], s5  }
0xa5: {  	s5 =	ssub.s32 $0x0, s5;
	[sflag:s7] =	ssyncset.done $0x0  }
0xa6: {  	[sflag:s7] =	ssyncadd.s32 s5;
	_ =	sdelay $0x1  }
0xa7: {  	s23 =	simm.s32 $0x1B8B  }
0xa8: {  	_ =	swait.ge [sflag:s23], $0x1  }
0xa9: {  	[sflag:s23] =	ssyncset.done $0x0  }
0xaa: {  	[sflag:s23] =	ssyncadd.s32 $0xFFFFFFFF  }
0xab: {  	s5 =	sld [smem:$0x0]  }
0xac: {  	s6 =	sand.u32 $0xFFFFFFFE, s1  }
0xad: {  	p0 =	sne.s32 s1, s6  }
0xae: {  	s6 =	sshll.u32 @p0 s6, $0xE  }
0xaf: {  	s6 =	sadd.s32 @p0 $0x11B8D, s6;
	s7 =	sshll.u32 @p0 s5, $0x11  }
0xb0: {  	s6 =	sor.u32 @p0 s7, s6  }
0xb1: {  	[sflag:s6] =	ssyncadd.remote.s32 @p0 $0x1;
	_ =	sdelay $0x1  }
0xb2: {  	s6 =	simm.s32 @p0 $0x1B8D  }
0xb3: {  	_ =	swait.eq @p0 [sflag:s6], $0x1  }
0xb4: {  	[sflag:s6] =	ssyncadd.s32 @p0 $0xFFFFFFFF  }
0xb5: {  	s7 =	sshll.u32 @!p0 s1, $0xE  }
0xb6: {  	s7 =	sor.u32 @!p0 $0x4000, s7;
	s6 =	simm.s32 @!p0 $0x1B8D  }
0xb7: {  	s5 =	sshll.u32 @!p0 s5, $0x11;
	s7 =	sadd.s32 @!p0 $0x11B8D, s7;
	_ =	swait.eq @!p0 [sflag:s6], $0x1  }
0xb8: {  	s5 =	sor.u32 @!p0 s5, s7;
	[sflag:s6] =	ssyncadd.s32 @!p0 $0xFFFFFFFF  }
0xb9: {  	s25 =	simm.s32 $0x1B8E;
	s24 =	sld [smem:$0x3FFE];
	[sflag:s5] =	ssyncadd.remote.s32 @!p0 $0x1  }
0xba: {  	s26 =	simm.s32 $execute0_lowered;
	[smem:$0x3FD2] =	sst s25  }
0xbb: {  	s6 =	sshll.u32 s26, $0x1;
	_ =	strace $0x80000049;
	[dreg:$0x1] =	wrdreg $0xFFFFFFFF  }
0xbc: {  	s28 =	simm.s32 $_size_execute0_lowered;
	s4 =	sadd.s32 s4, s6;
	[dreg:$0x0] =	wrdreg $0x0  }
0xbd: {  	s6 =	sshll.u32 s28, $0x1;
	[dreg:$0x2] =	wrdreg s4  }
0xbe: {  	[dreg:$0x3] =	wrdreg s6  }
0xbf: {  	[dreg:$0x4] =	wrdreg $0xC0  }
0xc0: {  	_ =	task [dreg:s22], $0x5FFFF  }
0xc1: {  	[dreg:$0x1] =	wrdreg $0xFFFFFFFF  }
0xc2: {  	[dreg:$0x0] =	wrdreg $0x60  }
0xc3: {  	[dreg:$0x2] =	wrdreg s24  }
0xc4: {  	[dreg:$0x3] =	wrdreg s17  }
0xc5: {  	[dreg:$0x4] =	wrdreg $0x48000  }
0xc6: {  	[dreg:$0x5] =	wrdreg $0x9  }
0xc7: {  	_ =	task.clear_ibuf [dreg:s22], $0x6FFFF;
	_ =	strace $0x90000049  }
0xc8: {  	s29 =	simm.s32 $0x9;
	_ =	strace $0x8000004B  }
0xc9: {  	_ =	swait.ge [sflag:s29], $0x1  }
0xca: {  	[sflag:s29] =	ssyncadd.s32 $0xFFFFFFFF  }
0xcb: {  	_ =	strace $0x9000004B  }
0xcc: {  	_ =	sfence  }
0xcd: {  	s30 =	sld [smem:$0x0];
	_ =	sdelay $0x2  }
0xce: {  	s31 =	sshll.u32 s1, $0xD;
	s1 =	sshrl.u32 s1, $0x2  }
0xcf: {  	s4 =	sand.u32 $0x4000, s31;
	s1 =	sadd.s32 s1, s30  }
0xd0: {  	s0 =	sor.u32 s4, s0;
	s1 =	sshll.u32 s1, $0x11  }
0xd1: {  	s0 =	sor.u32 s1, s0  }
0xd2: {  	s0 =	sadd.s32 $0x8F2B, s0  }
0xd3: {  	[sflag:s0] =	ssyncadd.remote.s32 $0x1  }
0xd4: {  	_ =	sfence.sel $0xFFFF  }
0xd5: {  	[dreg:$0x0] =	wrdreg $0xFFFFFFFF;
	(pc) =	sbr.abs _section_cstart, $3  }
0xd6: {  	[dreg:$0x1] =	wrdreg $0xFFFFFFFF  }
0xd7: {  	_ =	task.clear_ibuf [dreg:s22], $0x2FFFF;
	_ =	strace $0x9FFFFFFF  }
0xd8: {  	(tm) =	ssettm $0x7FFFFFFF  }
0xd9: {  	_ =	shalt  }
tec
execute0_lowered:
.L_overlay_start_1:
0x0: {  	(tag) =	ssettag $0x1  }
0x1: {  	s5 =	rddreg [dreg:$0x0]  }
0x2: {  	s1 =	srdreg.scid;
	s6 =	rddreg [dreg:$0x1]  }
0x3: {  	s0 =	stileid.u32;
	s2 =	rddreg [dreg:$0x2];
	s3 =	simm.s32 $0x0  }
0x4: {  	s13 =	simm.s32 $0x40;
	s14 =	simm.s32 $0x1;
	s15 =	simm.s32 $0x0  }
0x5: {  	s4 =	sand.u32 $0x1, s1;
	s29 =	sshll.u32 s0, $0x1;
	s8 =	smul.u32 $0x14000, s0  }
0x6: {  	[smem:$0x7FF] =	sst s3;
	s12 =	smul.u32 $0x50000, s0;
	s31 =	sshll.u32 s0, $0x6  }
0x7: {  	s1 =	sor.u32 s4, s29;
	s9 =	smul.u32 $0x140000, s4;
	s10 =	ssub.s32 $0x2, s4  }
0x8: {  	s4 =	sadd.s32 $0x400, s5;
	s7 =	smul.u32 $0x500, s1;
	s1 =	rddreg [dreg:$0x3]  }
0x9: {  	_ =	strace $0x8000004A;
	s11 =	sshrl.u32 s10, $0x1;
	s30 =	sshrl.u32 s12, $0x2  }
0xa: {  	s9 =	sadd.s32 s8, s9;
	s10 =	ssub.s32 s10, s11;
	s8 =	sshrl.u32 s8, $0x3  }
0xb: {  	s12 =	sadd.s32 s30, s2;
	s11 =	simm.s32 $0x2;
	s9 =	sshrl.u32 s9, $0x3  }
0xc: {  	s7 =	sadd.s32 s7, s5;
	s9 =	sadd.s32 s9, s5;
	s5 =	sadd.s32 s6, s8  }
0xd: {  	s6 =	sor.u32 $0x1C02, s31;
	s7 =	sadd.s32 $0x73400, s7;
	s8 =	sadd.s32 $0x7D400, s9  }
0xe: {  	s9 =	smax.u32 s10, $0x1;
	s10 =	sshrl.u32 s12, $0x3;
	s12 =	simm.s32 $0x2800  }
.LBB2_1:
0xf: {  	[spmem:s10], [sflag:s6] =	dma.local [hbm:s5], $0x2800  }
0x10: {  	_ =	swait.ge [sflag:s11], $0x2800  }
0x11: {  	[sflag:s11] =	ssyncset.done $0x0  }
0x12: {  	[sflag:s11] =	ssyncadd.s32 $0xFFFFD800  }
0x13: {  	[tilespmem:s12], [sflag:$0x2] =	stream.linear.gather [hbm4b:s4+s3], $0x2000, $0x38;
	[tilespmem:$0x18800] =	vst v63  }
0x14: {  	_ =	swait.ge [sflag:s11], $0x2000  }
0x15: {  	[sflag:s11] =	ssyncset.done $0x0  }
0x16: {  	[sflag:s11] =	ssyncadd.s32 $0xFFFFE000  }
0x17: {  	[tilespmem:s3], [sflag:$0x2] =	stream.linear.gather [hbm4b:s7+s3], $0x2800, $0x38;
	[tilespmem:$0x18800] =	vst v63  }
0x18: {  	_ =	swait.ge [sflag:s11], $0x2800  }
0x19: {  	[sflag:s11] =	ssyncset.done $0x0  }
0x1a: {  	[sflag:s11] =	ssyncadd.s32 $0xFFFFD800  }
0x1b: {  	s16 =	simm.s32 $0x0;
	[bflag:$0x0] =	sbarrier.arrive $0xFFFF  }
0x1c: {  	[spmem:s2] =	stream.indirect.scatter.add.f32 [tilespmem:s12], [sflag:$0x1], $0x80, s16, s13, $0xb8;
	[tilespmem:$0x18800] =	vst v63  }
0x1d: {  	s24 =	simm.s32 $0x80  }
0x1e: {  	[spmem:s2] =	stream.indirect.scatter.add.f32 [tilespmem:s12], [sflag:$0x1], $0x80, s24, s13, $0xb8;
	[tilespmem:$0x18800] =	vst v63  }
0x1f: {  	s25 =	simm.s32 $0x100  }
0x20: {  	[spmem:s2] =	stream.indirect.scatter.add.f32 [tilespmem:s12], [sflag:$0x1], $0x80, s25, s13, $0xb8;
	[tilespmem:$0x18800] =	vst v63  }
0x21: {  	s26 =	simm.s32 $0x180  }
0x22: {  	[spmem:s2] =	stream.indirect.scatter.add.f32 [tilespmem:s12], [sflag:$0x1], $0x80, s26, s13, $0xb8;
	[tilespmem:$0x18800] =	vst v63  }
0x23: {  	s28 =	simm.s32 $0x200  }
0x24: {  	[spmem:s2] =	stream.indirect.scatter.add.f32 [tilespmem:s12], [sflag:$0x1], $0x80, s28, s13, $0xb8;
	[tilespmem:$0x18800] =	vst v63  }
0x25: {  	s29 =	simm.s32 $0x280  }
0x26: {  	[spmem:s2] =	stream.indirect.scatter.add.f32 [tilespmem:s12], [sflag:$0x1], $0x80, s29, s13, $0xb8;
	[tilespmem:$0x18800] =	vst v63  }
0x27: {  	s30 =	simm.s32 $0x300  }
0x28: {  	[spmem:s2] =	stream.indirect.scatter.add.f32 [tilespmem:s12], [sflag:$0x1], $0x80, s30, s13, $0xb8;
	[tilespmem:$0x18800] =	vst v63  }
0x29: {  	s31 =	simm.s32 $0x380  }
0x2a: {  	[spmem:s2] =	stream.indirect.scatter.add.f32 [tilespmem:s12], [sflag:$0x1], $0x80, s31, s13, $0xb8;
	[tilespmem:$0x18800] =	vst v63  }
0x2b: {  	_ =	swait.ge [sflag:s14], $0x2000  }
0x2c: {  	[sflag:s14] =	ssyncset.done $0x0  }
0x2d: {  	[sflag:s14] =	ssyncadd.s32 $0xFFFFE000  }
0x2e: {  	_ =	swait.ge [sflag:s14], $0x2000  }
0x2f: {  	[sflag:s14] =	ssyncset.done $0x0  }
0x30: {  	[sflag:s14] =	ssyncadd.s32 $0xFFFFE000  }
0x31: {  	_ =	swait.ge [sflag:s14], $0x2000  }
0x32: {  	[sflag:s14] =	ssyncset.done $0x0  }
0x33: {  	[sflag:s14] =	ssyncadd.s32 $0xFFFFE000  }
0x34: {  	_ =	swait.ge [sflag:s14], $0x2000  }
0x35: {  	[sflag:s14] =	ssyncset.done $0x0  }
0x36: {  	[sflag:s14] =	ssyncadd.s32 $0xFFFFE000  }
0x37: {  	_ =	swait.ge [sflag:s14], $0x2000  }
0x38: {  	[sflag:s14] =	ssyncset.done $0x0  }
0x39: {  	[sflag:s14] =	ssyncadd.s32 $0xFFFFE000  }
0x3a: {  	_ =	swait.ge [sflag:s14], $0x2000  }
0x3b: {  	[sflag:s14] =	ssyncset.done $0x0  }
0x3c: {  	[sflag:s14] =	ssyncadd.s32 $0xFFFFE000  }
0x3d: {  	_ =	swait.ge [sflag:s14], $0x2000  }
0x3e: {  	[sflag:s14] =	ssyncset.done $0x0  }
0x3f: {  	[sflag:s14] =	ssyncadd.s32 $0xFFFFE000  }
0x40: {  	_ =	swait.ge [sflag:s14], $0x2000  }
0x41: {  	s18 =	simm.s32 $0x2000;
	s16 =	simm.s32 $0x1000;
	[sflag:s14] =	ssyncset.done $0x0  }
.LBB2_2:
0x42: {  	s19 =	sshra.s32 s16, $0x2  }
0x43: {  	[sflag:s14] =	ssyncadd.s32 $0xFFFFE000;
	s16 =	smov.u32 s18;
	s17 =	sadd.s32 $0x1000, s18  }
0x44: {  	[spmem:s2] =	stream.indirect.scatter.add.f32 [tilespmem:s12], [sflag:$0x1], $0x80, s19, s13, $0xb8;
	[tilespmem:$0x18800] =	vst v63  }
0x45: {  	p0 =	sne.s32 s18, $0x9000;
	s18 =	sadd.s32 $0x80, s19  }
0x46: {  	[spmem:s2] =	stream.indirect.scatter.add.f32 [tilespmem:s12], [sflag:$0x1], $0x80, s18, s13, $0xb8;
	[tilespmem:$0x18800] =	vst v63  }
0x47: {  	s18 =	sadd.s32 $0x100, s19  }
0x48: {  	[spmem:s2] =	stream.indirect.scatter.add.f32 [tilespmem:s12], [sflag:$0x1], $0x80, s18, s13, $0xb8;
	[tilespmem:$0x18800] =	vst v63  }
0x49: {  	s18 =	sadd.s32 $0x180, s19  }
0x4a: {  	[spmem:s2] =	stream.indirect.scatter.add.f32 [tilespmem:s12], [sflag:$0x1], $0x80, s18, s13, $0xb8;
	[tilespmem:$0x18800] =	vst v63  }
0x4b: {  	s18 =	sadd.s32 $0x200, s19  }
0x4c: {  	[spmem:s2] =	stream.indirect.scatter.add.f32 [tilespmem:s12], [sflag:$0x1], $0x80, s18, s13, $0xb8;
	[tilespmem:$0x18800] =	vst v63  }
0x4d: {  	s18 =	sadd.s32 $0x280, s19  }
0x4e: {  	[spmem:s2] =	stream.indirect.scatter.add.f32 [tilespmem:s12], [sflag:$0x1], $0x80, s18, s13, $0xb8;
	[tilespmem:$0x18800] =	vst v63  }
0x4f: {  	s18 =	sadd.s32 $0x300, s19  }
0x50: {  	[spmem:s2] =	stream.indirect.scatter.add.f32 [tilespmem:s12], [sflag:$0x1], $0x80, s18, s13, $0xb8;
	[tilespmem:$0x18800] =	vst v63  }
0x51: {  	s18 =	sadd.s32 $0x380, s19  }
0x52: {  	[spmem:s2] =	stream.indirect.scatter.add.f32 [tilespmem:s12], [sflag:$0x1], $0x80, s18, s13, $0xb8;
	[tilespmem:$0x18800] =	vst v63  }
0x53: {  	_ =	swait.ge [sflag:s14], $0x2000  }
0x54: {  	[sflag:s14] =	ssyncset.done $0x0  }
0x55: {  	[sflag:s14] =	ssyncadd.s32 $0xFFFFE000  }
0x56: {  	_ =	swait.ge [sflag:s14], $0x2000  }
0x57: {  	[sflag:s14] =	ssyncset.done $0x0  }
0x58: {  	[sflag:s14] =	ssyncadd.s32 $0xFFFFE000  }
0x59: {  	_ =	swait.ge [sflag:s14], $0x2000  }
0x5a: {  	[sflag:s14] =	ssyncset.done $0x0  }
0x5b: {  	[sflag:s14] =	ssyncadd.s32 $0xFFFFE000  }
0x5c: {  	_ =	swait.ge [sflag:s14], $0x2000  }
0x5d: {  	[sflag:s14] =	ssyncset.done $0x0  }
0x5e: {  	[sflag:s14] =	ssyncadd.s32 $0xFFFFE000  }
0x5f: {  	_ =	swait.ge [sflag:s14], $0x2000  }
0x60: {  	[sflag:s14] =	ssyncset.done $0x0  }
0x61: {  	[sflag:s14] =	ssyncadd.s32 $0xFFFFE000  }
0x62: {  	_ =	swait.ge [sflag:s14], $0x2000  }
0x63: {  	[sflag:s14] =	ssyncset.done $0x0  }
0x64: {  	[sflag:s14] =	ssyncadd.s32 $0xFFFFE000  }
.Ltmp0:
0x65: {  	_ =	swait.ge [sflag:s14], $0x2000;
	(pc) =	sbr.rel @p0 .LBB2_2-.Ltmp0, $4  }
0x66: {  	[sflag:s14] =	ssyncset.done $0x0  }
0x67: {  	[sflag:s14] =	ssyncadd.s32 $0xFFFFE000  }
0x68: {  	_ =	swait.ge [sflag:s14], $0x2000  }
0x69: {  	s18 =	smov.u32 s17;
	[sflag:s14] =	ssyncset.done $0x0  }
0x6a: {  	s16 =	sshra.s32 s16, $0x2;
	[sflag:s14] =	ssyncadd.s32 $0xFFFFE000  }
0x6b: {  	[spmem:s2] =	stream.indirect.scatter.add.f32 [tilespmem:s12], [sflag:$0x1], $0x80, s16, s13, $0xb8;
	[tilespmem:$0x18800] =	vst v63  }
0x6c: {  	s17 =	sadd.s32 $0x80, s16  }
0x6d: {  	[spmem:s2] =	stream.indirect.scatter.add.f32 [tilespmem:s12], [sflag:$0x1], $0x80, s17, s13, $0xb8;
	[tilespmem:$0x18800] =	vst v63  }
0x6e: {  	s26 =	sadd.s32 $0x100, s16  }
0x6f: {  	[spmem:s2] =	stream.indirect.scatter.add.f32 [tilespmem:s12], [sflag:$0x1], $0x80, s26, s13, $0xb8;
	[tilespmem:$0x18800] =	vst v63  }
0x70: {  	s28 =	sadd.s32 $0x180, s16  }
0x71: {  	[spmem:s2] =	stream.indirect.scatter.add.f32 [tilespmem:s12], [sflag:$0x1], $0x80, s28, s13, $0xb8;
	[tilespmem:$0x18800] =	vst v63  }
0x72: {  	s29 =	sadd.s32 $0x200, s16  }
0x73: {  	[spmem:s2] =	stream.indirect.scatter.add.f32 [tilespmem:s12], [sflag:$0x1], $0x80, s29, s13, $0xb8;
	[tilespmem:$0x18800] =	vst v63  }
0x74: {  	s30 =	sadd.s32 $0x280, s16  }
0x75: {  	[spmem:s2] =	stream.indirect.scatter.add.f32 [tilespmem:s12], [sflag:$0x1], $0x80, s30, s13, $0xb8;
	[tilespmem:$0x18800] =	vst v63  }
0x76: {  	s31 =	sadd.s32 $0x300, s16  }
0x77: {  	[spmem:s2] =	stream.indirect.scatter.add.f32 [tilespmem:s12], [sflag:$0x1], $0x80, s31, s13, $0xb8;
	[tilespmem:$0x18800] =	vst v63  }
0x78: {  	s16 =	sadd.s32 $0x380, s16  }
0x79: {  	[spmem:s2] =	stream.indirect.scatter.add.f32 [tilespmem:s12], [sflag:$0x1], $0x80, s16, s13, $0xb8;
	[tilespmem:$0x18800] =	vst v63  }
0x7a: {  	_ =	swait.ge [sflag:s14], $0x2000  }
0x7b: {  	[sflag:s14] =	ssyncset.done $0x0  }
0x7c: {  	[sflag:s14] =	ssyncadd.s32 $0xFFFFE000  }
0x7d: {  	_ =	swait.ge [sflag:s14], $0x2000  }
0x7e: {  	[sflag:s14] =	ssyncset.done $0x0  }
0x7f: {  	[sflag:s14] =	ssyncadd.s32 $0xFFFFE000  }
0x80: {  	_ =	swait.ge [sflag:s14], $0x2000  }
0x81: {  	[sflag:s14] =	ssyncset.done $0x0  }
0x82: {  	[sflag:s14] =	ssyncadd.s32 $0xFFFFE000  }
0x83: {  	_ =	swait.ge [sflag:s14], $0x2000  }
0x84: {  	[sflag:s14] =	ssyncset.done $0x0  }
0x85: {  	[sflag:s14] =	ssyncadd.s32 $0xFFFFE000  }
0x86: {  	_ =	swait.ge [sflag:s14], $0x2000  }
0x87: {  	[sflag:s14] =	ssyncset.done $0x0  }
0x88: {  	[sflag:s14] =	ssyncadd.s32 $0xFFFFE000  }
0x89: {  	_ =	swait.ge [sflag:s14], $0x2000  }
0x8a: {  	[sflag:s14] =	ssyncset.done $0x0  }
0x8b: {  	[sflag:s14] =	ssyncadd.s32 $0xFFFFE000  }
0x8c: {  	_ =	swait.ge [sflag:s14], $0x2000  }
0x8d: {  	[sflag:s14] =	ssyncset.done $0x0  }
0x8e: {  	[sflag:s14] =	ssyncadd.s32 $0xFFFFE000  }
0x8f: {  	_ =	swait.ge [sflag:s14], $0x2000  }
0x90: {  	s15 =	sadd.s32 $0x1, s15;
	[sflag:s14] =	ssyncset.done $0x0  }
0x91: {  	p0 =	sne.s32 s15, s9;
	[sflag:s14] =	ssyncadd.s32 $0xFFFFE000  }
.Ltmp1:
0x92: {  	[bflag:$0x0] =	sbarrier.arrive $0xFFFF;
	(pc) =	sbr.rel @p0 .LBB2_1-.Ltmp1, $4  }
0x93: {  	[hbm:s8], [sflag:s6] =	dma.local [spmem:s10], $0x2800  }
0x94: {  	_ =	swait.ge [sflag:s11], $0x2800  }
0x95: {  	[sflag:s11] =	ssyncset.done $0x0  }
0x96: {  	[sflag:s11] =	ssyncadd.s32 $0xFFFFD800  }
0x97: {  	_ =	sfence.sel $0x180000  }
0x98: {  	[bflag:$0x0] =	sbarrier.arrive $0xFFFF  }
0x99: {  	p0 =	sne.s32 s0, $0x0;
	_ =	strace $0x9000004A  }
0x9a: {  	s0 =	sadd.s32 @!p0 $0x100000, s1;
	[bflag:$0x2] =	sbarrier.arrive $0xFFFF  }
0x9b: {  	[sflag:s0] =	ssyncadd.tile.s32 @!p0 $0x1;
	_ =	shalt  }
.Lfunc_end2:
_tile_overlayer_lowered:
.L_overlay_start_2:
0x9c: {  	(tag) =	ssettag $0x2  }
0x9d: {  	s0 =	rddreg [dreg:$0x0];
	s2 =	stileid.u32  }
0x9e: {  	s1 =	rddreg [dreg:$0x1];
	p0 =	sne.s32 s2, $0x0  }
0x9f: {  	s3 =	rddreg [dreg:$0x2];
	[bflag:$0x3] =	sbarrier.arrive $0xFFFF;
	s2 =	simm.s32 @!p0 $0x1C02  }
0xa0: {  	[timem:s3], [sflag:s2] =	dma.local @!p0 [hbm:s0], s1  }
0xa1: {  	s0 =	simm.s32 @!p0 $0x2  }
0xa2: {  	_ =	swait.ge @!p0 [sflag:s0], s1  }
0xa3: {  	s1 =	ssub.s32 @!p0 $0x0, s1;
	[sflag:s0] =	ssyncset.done @!p0 $0x0  }
0xa4: {  	[sflag:s0] =	ssyncadd.s32 @!p0 s1  }
0xa5: {  	[bflag:$0x3] =	sbarrier.arrive $0xFFFF  }
0xa6: {  	_ =	shalt  }

// kernel: kernel.14.cloned.1.call-start
scs
__scs_entry_jumppad:
0x0: {  	(pc) =	sbr.rel $0x88, $3  }
0x1: {  	(tag) =	ssettag $0x0;
	lr =	simm.s32 $0x1  }
0x2: {  	[smem:$0x3F89] =	sst lr;
	_ =	strace $0xD0000000  }
0x3: {  	_ = 	snop  }
0x4: {  	_ = 	snop  }
0x5: {  	_ = 	snop  }
0x6: {  	_ = 	snop  }
0x7: {  	_ = 	snop  }
__scs_overlays_trampoline_lowered:
0x8: {  	[smem:$0x3F98] =	sst s0  }
0x9: {  	[smem:$0x3F99] =	sst s1  }
0xa: {  	[smem:$0x3F9A] =	sst s2  }
0xb: {  	[smem:$0x3F9B] =	sst s3  }
0xc: {  	[smem:$0x3F9C] =	sst s4  }
0xd: {  	[smem:$0x3F9D] =	sst s5  }
0xe: {  	[smem:$0x3F9E] =	sst s6  }
0xf: {  	[smem:$0x3F9F] =	sst s7  }
0x10: {  	[smem:$0x3FA0] =	sst s8  }
0x11: {  	[smem:$0x3FA1] =	sst s9;
	s0 =	simm.s32 @!p0 $0x0  }
0x12: {  	s1 =	sld [smem:$0x3F87];
	s0 =	simm.s32 @p0 $0x1  }
0x13: {  	[smem:$0x3FA2] =	sst s0;
	s0 =	simm.s32 @!p1 $0x0  }
0x14: {  	s2 =	sld [smem:$0x3F86];
	s0 =	simm.s32 @p1 $0x1  }
0x15: {  	[smem:$0x3FA3] =	sst s0;
	s0 =	simm.s32 @!p2 $0x0  }
0x16: {  	s3 =	sld [smem:$0x3FDB];
	s0 =	simm.s32 @p2 $0x1  }
0x17: {  	s4 =	simm.s32 $0x1BF5;
	[smem:$0x3FA5] =	sst s0  }
0x18: {  	s0 =	sld [smem:$0x3F88];
	_ =	swait.ge [sflag:s4], $0x0  }
0x19: {  	s7 =	sld [smem:$0x3F89]  }
0x1a: {  	s8 =	sadd.s32 $0xFFFFE003, lr  }
0x1b: {  	s9 =	sadd.s32 $0xFFFFFEF7, lr;
	s5 =	simm.s32 $0xFFFFFFFF;
	p2 =	slt.u32 s8, $0xFFFFF086  }
0x1c: {  	p1 =	slt.u32 s9, $0xF7A;
	s5 =	simm.s32 @!p2 $0x0  }
0x1d: {  	s5 =	simm.s32 @p1 $0x1;
	p0 =	seq.s32 s7, s2  }
0x1e: {  	s7 =	smul.u32 @!p0 $0xF7A, s2;
	p2 =	seq.s32 @!p0 s5, $0x0  }
0x1f: {  	s9 =	smul.u32 $0xF7A, s1;
	s8 =	simm.s32 @!p0 $0x1BF5;
	p2 =	por !p2, p0  }
0x20: {  	[sflag:s8] =	ssyncset.s32 @!p0 $0xFFFFF086;
	s6 =	sadd.s32 @!p0 s3, s7;
	s7 =	simm.s32 @!p0 $0x108  }
0x21: {  	s3 =	sadd.s32 s3, s9;
	s6 =	sadd.s32 @!p0 $0x88, s6;
	s7 =	simm.s32 @p2 $0x1082  }
0x22: {  	[simem:s7], [sflag:s8] =	dma.local @!p0 [hbm:s6], $0xF7A  }
0x23: {  	s9 =	sor.u32 $0xD0000000, s2;
	s6 =	simm.s32 $0x108;
	_ =	swait.ge @!p0 [sflag:s8], $0x0  }
0x24: {  	s3 =	sadd.s32 $0x88, s3;
	s6 =	simm.s32 @!p1 $0x1082;
	[sflag:s4] =	ssyncset.s32 $0xFFFFF086  }
0x25: {  	[simem:s6], [sflag:s4] =	dma.local [hbm:s3], $0xF7A  }
0x26: {  	[smem:$0x3F89] =	sst s1;
	(tag) =	ssettag s2;
	_ =	strace s9  }
0x27: {  	s1 =	sld [smem:$0x3F99]  }
0x28: {  	s2 =	sld [smem:$0x3F9A]  }
0x29: {  	s4 =	sld [smem:$0x3F9C]  }
0x2a: {  	p0 =	seq.s32 s5, $0x0;
	s5 =	sld [smem:$0x3F9D]  }
0x2b: {  	s6 =	sld [smem:$0x3F9E]  }
0x2c: {  	s7 =	sld [smem:$0x3F9F]  }
0x2d: {  	s3 =	simm.s32 $0x108;
	s8 =	sld [smem:$0x3FA0]  }
0x2e: {  	s3 =	simm.s32 @!p0 $0x1082;
	s9 =	sld [smem:$0x3FA1]  }
0x2f: {  	lr =	sadd.s32 s0, s3;
	s0 =	sld [smem:$0x3F98]  }
0x30: {  	s3 =	sld [smem:$0x3F9B]  }
0x31: {  	[smem:$0x3FA4] =	sst s10  }
0x32: {  	s10 =	sld [smem:$0x3FA2];
	_ =	sdelay $0x3  }
0x33: {  	p0 =	seq.s32 s10, $0x1;
	s10 =	sld [smem:$0x3FA4];
	_ =	sdelay $0x3  }
0x34: {  	[smem:$0x3FA4] =	sst s10  }
0x35: {  	s10 =	sld [smem:$0x3FA3];
	_ =	sdelay $0x3  }
0x36: {  	p1 =	seq.s32 s10, $0x1;
	s10 =	sld [smem:$0x3FA4];
	_ =	sdelay $0x3  }
0x37: {  	[smem:$0x3FA4] =	sst s10  }
0x38: {  	s10 =	sld [smem:$0x3FA5]  }
0x39: {  	_ = 	snop;
	(pc) =	sbr.ind lr, $3  }
0x3a: {  	_ = 	snop  }
0x3b: {  	_ = 	snop  }
0x3c: {  	p2 =	seq.s32 s10, $0x1;
	s10 =	sld [smem:$0x3FA4]  }
0x3d: {  	_ =	shalt  }
0x3e: {  	_ =	shalt  }
0x3f: {  	_ =	shalt  }
0x40: {  	_ =	shalt  }
0x41: {  	_ =	shalt  }
0x42: {  	_ =	shalt  }
0x43: {  	_ =	shalt  }
0x44: {  	_ =	shalt  }
0x45: {  	_ =	shalt  }
0x46: {  	_ =	shalt  }
0x47: {  	_ =	shalt  }
0x48: {  	_ =	shalt  }
0x49: {  	_ =	shalt  }
0x4a: {  	_ =	shalt  }
0x4b: {  	_ =	shalt  }
0x4c: {  	_ =	shalt  }
0x4d: {  	_ =	shalt  }
0x4e: {  	_ =	shalt  }
0x4f: {  	_ =	shalt  }
0x50: {  	_ =	shalt  }
0x51: {  	_ =	shalt  }
0x52: {  	_ =	shalt  }
0x53: {  	_ =	shalt  }
0x54: {  	_ =	shalt  }
0x55: {  	_ =	shalt  }
0x56: {  	_ =	shalt  }
0x57: {  	_ =	shalt  }
0x58: {  	_ =	shalt  }
0x59: {  	_ =	shalt  }
0x5a: {  	_ =	shalt  }
0x5b: {  	_ =	shalt  }
0x5c: {  	_ =	shalt  }
0x5d: {  	_ =	shalt  }
0x5e: {  	_ =	shalt  }
0x5f: {  	_ =	shalt  }
0x60: {  	_ =	shalt  }
0x61: {  	_ =	shalt  }
0x62: {  	_ =	shalt  }
0x63: {  	_ =	shalt  }
0x64: {  	_ =	shalt  }
0x65: {  	_ =	shalt  }
0x66: {  	_ =	shalt  }
0x67: {  	_ =	shalt  }
0x68: {  	_ =	shalt  }
0x69: {  	_ =	shalt  }
0x6a: {  	_ =	shalt  }
0x6b: {  	_ =	shalt  }
0x6c: {  	_ =	shalt  }
0x6d: {  	_ =	shalt  }
0x6e: {  	_ =	shalt  }
0x6f: {  	_ =	shalt  }
0x70: {  	_ =	shalt  }
0x71: {  	_ =	shalt  }
0x72: {  	_ =	shalt  }
0x73: {  	_ =	shalt  }
0x74: {  	_ =	shalt  }
0x75: {  	_ =	shalt  }
0x76: {  	_ =	shalt  }
0x77: {  	_ =	shalt  }
0x78: {  	_ =	shalt  }
0x79: {  	_ =	shalt  }
0x7a: {  	_ =	shalt  }
0x7b: {  	_ =	shalt  }
0x7c: {  	_ =	shalt  }
0x7d: {  	_ =	shalt  }
0x7e: {  	_ =	shalt  }
0x7f: {  	_ =	shalt  }
0x80: {  	_ =	shalt  }
0x81: {  	_ =	shalt  }
0x82: {  	_ =	shalt  }
0x83: {  	_ =	shalt  }
0x84: {  	_ =	shalt  }
0x85: {  	_ =	shalt  }
0x86: {  	_ =	shalt  }
0x87: {  	_ =	shalt  }
.Lfunc_end0:
.L_simem_size_0:
called_computation.1_lowered:
.L_overlay_start_0:
0x88: {  	s2 =	sld [smem:$0x3FD9]  }
0x89: {  	s3 =	sld [smem:$0x3FFE];
	_ =	sdelay $0x1  }
0x8a: {  	s1 =	srdreg.scid  }
0x8b: {  	s0 =	sand.u32 $0x1, s1  }
0x8c: {  	s14 =	sshll.u32 s0, $0xA;
	s2 =	sadd.s32 s3, s2  }
0x8d: {  	s2 =	sadd.s32 s2, s14  }
0x8e: {  	[smem:$0x3FB0] =	sst s2  }
0x8f: {  	_ = 	snop  }
0x90: {  	s2 =	sld [smem:$0x3FD0];
	_ =	sdelay $0x2  }
0x91: {  	s15 =	simm.s32 $0xB;
	s4 =	simm.s32 $0x10  }
0x92: {  	[smem:s4], [sflag:s15] =	dma.local [hbm:s2], $0x1  }
0x93: {  	_ =	swait.eq [sflag:s15], $0x1  }
0x94: {  	[sflag:s15] =	ssyncset.done $0x0  }
0x95: {  	s16 =	sld [smem:$0x11];
	[sflag:s15] =	ssyncadd.s32 $0xFFFFFFFF  }
0x96: {  	s17 =	sld [smem:$0x12];
	(tm) =	ssettm $0x1  }
0x97: {  	s18 =	sld [smem:$0x3FFB];
	_ =	sdelay $0x3  }
0x98: {  	_ =	strace s18  }
0x99: {  	s4 =	sld [smem:$0x3FFC];
	_ =	sdelay $0x3  }
0x9a: {  	_ =	strace s4  }
0x9b: {  	s4 =	sld [smem:$0x3FFD];
	_ =	sdelay $0x3  }
0x9c: {  	_ =	strace s4  }
0x9d: {  	_ =	strace $0x8FFFFFFF  }
0x9e: {  	s19 =	sld [smem:$0x3FDB];
	_ =	sdelay $0x1  }
0x9f: {  	s5 =	simm.s32 $_scs_section_size  }
0xa0: {  	s6 =	simm.s32 $_size__tile_overlayer_lowered;
	s7 =	simm.s32 $_tile_overlayer_lowered  }
0xa1: {  	s22 =	simm.s32 $0x1BFF;
	s21 =	sshll.u32 s7, $0x1;
	s4 =	sadd.s32 s5, s19  }
0xa2: {  	s8 =	simm.s32 $0x0;
	s20 =	sshll.u32 s6, $0x1;
	s6 =	sadd.s32 s21, s4  }
0xa3: {  	[timem:s8], [sflag:s22] =	dma.local [hbm:s6], s20  }
0xa4: {  	_ =	swait.ge [sflag:s22], s20  }
0xa5: {  	s5 =	ssub.s32 $0x0, s20;
	[sflag:s22] =	ssyncset.done $0x0  }
0xa6: {  	[sflag:s22] =	ssyncadd.s32 s5;
	_ =	sdelay $0x1  }
0xa7: {  	s23 =	simm.s32 $0x1B8B  }
0xa8: {  	_ =	swait.ge [sflag:s23], $0x1  }
0xa9: {  	[sflag:s23] =	ssyncset.done $0x0  }
0xaa: {  	s25 =	simm.s32 $0x1B8E;
	s24 =	sld [smem:$0x3FFE];
	[sflag:s23] =	ssyncadd.s32 $0xFFFFFFFF  }
0xab: {  	s26 =	simm.s32 $execute0_lowered;
	[smem:$0x3FD2] =	sst s25  }
0xac: {  	s6 =	sshll.u32 s26, $0x1;
	_ =	strace $0x80000046;
	[dreg:$0x1] =	wrdreg $0xFFFFFFFF  }
0xad: {  	s28 =	simm.s32 $_size_execute0_lowered;
	s4 =	sadd.s32 s4, s6;
	[dreg:$0x0] =	wrdreg $0x0  }
0xae: {  	s6 =	sshll.u32 s28, $0x1;
	[dreg:$0x2] =	wrdreg s4  }
0xaf: {  	[dreg:$0x3] =	wrdreg s6  }
0xb0: {  	[dreg:$0x4] =	wrdreg $0xC0  }
0xb1: {  	_ =	task [dreg:s8], $0x5FFFF  }
0xb2: {  	[dreg:$0x1] =	wrdreg $0xFFFFFFFF  }
0xb3: {  	[dreg:$0x0] =	wrdreg $0x60  }
0xb4: {  	[dreg:$0x2] =	wrdreg s16  }
0xb5: {  	[dreg:$0x3] =	wrdreg s24  }
0xb6: {  	[dreg:$0x4] =	wrdreg s17  }
0xb7: {  	[dreg:$0x5] =	wrdreg $0xB8000  }
0xb8: {  	[dreg:$0x6] =	wrdreg $0xA  }
0xb9: {  	_ =	task.clear_ibuf [dreg:s8], $0x7FFFF;
	_ =	strace $0x90000046  }
0xba: {  	s29 =	simm.s32 $0xA;
	_ =	strace $0x80000048  }
0xbb: {  	_ =	swait.ge [sflag:s29], $0x1  }
0xbc: {  	[sflag:s29] =	ssyncadd.s32 $0xFFFFFFFF  }
0xbd: {  	_ =	strace $0x90000048  }
0xbe: {  	_ =	sfence  }
0xbf: {  	s30 =	sld [smem:$0x0];
	_ =	sdelay $0x2  }
0xc0: {  	s31 =	sshll.u32 s1, $0xD;
	s1 =	sshrl.u32 s1, $0x2  }
0xc1: {  	s3 =	sand.u32 $0x4000, s31;
	s1 =	sadd.s32 s1, s30  }
0xc2: {  	s0 =	sor.u32 s3, s0;
	s1 =	sshll.u32 s1, $0x11  }
0xc3: {  	s0 =	sor.u32 s1, s0  }
0xc4: {  	s0 =	sadd.s32 $0x8F2B, s0  }
0xc5: {  	[sflag:s0] =	ssyncadd.remote.s32 $0x1  }
0xc6: {  	_ =	sfence.sel $0xFFFF  }
0xc7: {  	[dreg:$0x0] =	wrdreg $0xFFFFFFFF;
	(pc) =	sbr.abs _section_cstart, $3  }
0xc8: {  	[dreg:$0x1] =	wrdreg $0xFFFFFFFF  }
0xc9: {  	_ =	task.clear_ibuf [dreg:s8], $0x2FFFF;
	_ =	strace $0x9FFFFFFF  }
0xca: {  	(tm) =	ssettm $0x7FFFFFFF  }
0xcb: {  	_ =	shalt  }
tec
execute0_lowered:
.L_overlay_start_1:
0x0: {  	(tag) =	ssettag $0x1  }
0x1: {  	s1 =	rddreg [dreg:$0x0]  }
0x2: {  	s2 =	rddreg [dreg:$0x1]  }
0x3: {  	s0 =	srdreg.scid;
	s6 =	rddreg [dreg:$0x2]  }
0x4: {  	s14 =	stileid.u32;
	s3 =	rddreg [dreg:$0x3];
	s4 =	simm.s32 $0x0  }
0x5: {  	s15 =	simm.s32 $0x3C00;
	s16 =	simm.s32 $0x40;
	s17 =	simm.s32 $0x7800  }
0x6: {  	s18 =	simm.s32 $0x1;
	s20 =	simm.s32 $0x9800;
	s7 =	smul.u32 $0x3C00, s14  }
0x7: {  	s21 =	simm.s32 $0x2;
	s22 =	simm.s32 $0x3;
	s8 =	smul.u32 $0x14000, s14  }
0x8: {  	s23 =	simm.s32 $0x100;
	s0 =	sand.u32 $0x1, s0;
	s10 =	smul.u32 $0x50000, s14  }
0x9: {  	s24 =	simm.s32 $0x3C80;
	[smem:$0x7FF] =	sst s4;
	s5 =	smul.u32 $0x3C000, s0  }
0xa: {  	s31 =	sshll.u32 s14, $0x6;
	s14 =	simm.s32 $0x5;
	s9 =	smul.u32 $0x140000, s0  }
0xb: {  	_ =	strace $0x80000047;
	s26 =	ssub.s32 $0x2, s0;
	p0 =	seq.s32 s0, $0x0  }
0xc: {  	s0 =	simm.s32 $0x3A;
	s28 =	sshrl.u32 s26, $0x1;
	s29 =	sshrl.u32 s10, $0x2  }
0xd: {  	s30 =	sshrl.u32 s8, $0x3;
	s0 =	simm.s32 @!p0 $0x15;
	s5 =	sadd.s32 s7, s5  }
0xe: {  	s25 =	sadd.s32 s8, s9;
	s12 =	ssub.s32 s26, s28;
	s13 =	sadd.s32 s29, s3  }
0xf: {  	s9 =	sadd.s32 $0xFFFFFFFF, s0;
	s26 =	simm.s32 $0x0;
	s5 =	sshrl.u32 s5, $0x3  }
0x10: {  	s7 =	sshrl.u32 s25, $0x3;
	s13 =	sshrl.u32 s13, $0x3;
	s25 =	simm.s32 $0x4  }
0x11: {  	s11 =	sadd.s32 s5, s2;
	s2 =	sadd.s32 s7, s2;
	s5 =	sadd.s32 s6, s30  }
0x12: {  	s6 =	sor.u32 $0x1C05, s31;
	s7 =	sadd.s32 $0x5400, s11;
	s8 =	sadd.s32 $0x14400, s11  }
0x13: {  	s10 =	sadd.s32 $0x23400, s2;
	s11 =	smax.u32 s12, $0x1;
	s12 =	ssub.s32 $0x2, s0  }
.LBB2_1:
0x14: {  	[spmem:s13], [sflag:s6] =	dma.local [hbm:s5], $0x2800  }
0x15: {  	_ =	swait.ge [sflag:s14], $0x2800  }
0x16: {  	[sflag:s14] =	ssyncset.done $0x0  }
0x17: {  	[sflag:s14] =	ssyncadd.s32 $0xFFFFD800  }
0x18: {  	[tilespmem:s4], [sflag:$0x5] =	stream.linear.gather [hbm4b:s7+s4], $0x3A00, $0x38;
	[tilespmem:$0x1F800] =	vst v63  }
0x19: {  	_ =	swait.ge [sflag:s14], $0x3A00  }
0x1a: {  	[sflag:s14] =	ssyncset.done $0x0  }
0x1b: {  	[sflag:s14] =	ssyncadd.s32 $0xFFFFC600  }
0x1c: {  	[tilespmem:s15], [sflag:$0x5] =	stream.linear.gather [hbm4b:s8+s4], $0x3A00, $0x38;
	[tilespmem:$0x1F800] =	vst v63  }
0x1d: {  	_ =	swait.ge [sflag:s14], $0x3A00  }
0x1e: {  	[sflag:s14] =	ssyncset.done $0x0  }
0x1f: {  	[sflag:s14] =	ssyncadd.s32 $0xFFFFC600  }
0x20: {  	[bflag:$0x0] =	sbarrier.arrive $0xFFFF  }
0x21: {  	[tilespmem:s17], [sflag:$0x1] =	stream.indirect.gather [hbm4b:s1+s16], $0x80, s4, s16, $0xb8;
	[tilespmem:$0x1F800] =	vst v63  }
0x22: {  	_ =	swait.ge [sflag:s18], $0x2000  }
0x23: {  	[sflag:s18] =	ssyncset.done $0x0  }
0x24: {  	s0 =	simm.s32 $0x80;
	[sflag:s18] =	ssyncadd.s32 $0xFFFFE000  }
0x25: {  	[tilespmem:s20], [sflag:$0x2] =	stream.indirect.gather [hbm4b:s1+s16], $0x80, s0, s16, $0xb8;
	[tilespmem:$0x1F800] =	vst v63  }
0x26: {  	_ = 	snop  }
0x27: {  	[spmem:s3] =	stream.indirect.scatter.add.f32 [tilespmem:s17], [sflag:$0x3], $0x80, s15, s16, $0xb8;
	[tilespmem:$0x1F800] =	vst v63  }
0x28: {  	_ =	swait.ge [sflag:s21], $0x2000  }
0x29: {  	[sflag:s21] =	ssyncset.done $0x0  }
0x2a: {  	[sflag:s21] =	ssyncadd.s32 $0xFFFFE000  }
0x2b: {  	_ =	swait.ge [sflag:s22], $0x2000  }
0x2c: {  	[sflag:s22] =	ssyncset.done $0x0  }
0x2d: {  	[sflag:s22] =	ssyncadd.s32 $0xFFFFE000  }
0x2e: {  	[tilespmem:s17], [sflag:$0x1] =	stream.indirect.gather [hbm4b:s1+s16], $0x80, s23, s16, $0xb8;
	[tilespmem:$0x1F800] =	vst v63  }
0x2f: {  	_ = 	snop  }
0x30: {  	[spmem:s3] =	stream.indirect.scatter.add.f32 [tilespmem:s20], [sflag:$0x4], $0x80, s24, s16, $0xb8;
	[tilespmem:$0x1F800] =	vst v63  }
0x31: {  	_ =	swait.ge [sflag:s18], $0x2000  }
0x32: {  	[sflag:s18] =	ssyncset.done $0x0  }
0x33: {  	[sflag:s18] =	ssyncadd.s32 $0xFFFFE000  }
0x34: {  	_ =	swait.ge [sflag:s25], $0x2000  }
0x35: {  	[sflag:s25] =	ssyncset.done $0x0  }
0x36: {  	s28 =	simm.s32 $0x180;
	[sflag:s25] =	ssyncadd.s32 $0xFFFFE000  }
0x37: {  	[tilespmem:s20], [sflag:$0x2] =	stream.indirect.gather [hbm4b:s1+s16], $0x80, s28, s16, $0xb8;
	[tilespmem:$0x1F800] =	vst v63  }
0x38: {  	s2 =	simm.s32 $0x3D00  }
0x39: {  	[spmem:s3] =	stream.indirect.scatter.add.f32 [tilespmem:s17], [sflag:$0x3], $0x80, s2, s16, $0xb8;
	[tilespmem:$0x1F800] =	vst v63  }
0x3a: {  	_ =	swait.ge [sflag:s21], $0x2000  }
0x3b: {  	p0 =	sne.s32 s12, $0xFFFFFFFF;
	[sflag:s21] =	ssyncset.done $0x0  }
.Ltmp0:
0x3c: {  	[sflag:s21] =	ssyncadd.s32 $0xFFFFE000;
	(pc) =	sbr.rel @!p0 .LBB2_3-.Ltmp0, $4  }
0x3d: {  	s19 =	simm.s32 $0x200;
	s30 =	simm.s32 $0xFFFFFFFF;
	_ =	swait.ge [sflag:s22], $0x2000  }
0x3e: {  	s29 =	simm.s32 $0x3E80;
	s31 =	simm.s32 $0x280;
	[sflag:s22] =	ssyncset.done $0x0  }
0x3f: {  	s0 =	simm.s32 $0x3D80;
	s2 =	simm.s32 $0x3D80;
	[sflag:s22] =	ssyncadd.s32 $0xFFFFE000  }
0x40: {  	[tilespmem:s17], [sflag:$0x1] =	stream.indirect.gather [hbm4b:s1+s16], $0x80, s19, s16, $0xb8;
	[tilespmem:$0x1F800] =	vst v63  }
.LBB2_2:
0x41: {  	s2 =	smov.u32 s29;
	s28 =	smov.u32 s31  }
0x42: {  	[spmem:s3] =	stream.indirect.scatter.add.f32 [tilespmem:s20], [sflag:$0x4], $0x80, s0, s16, $0xb8;
	[tilespmem:$0x1F800] =	vst v63  }
0x43: {  	s30 =	sadd.s32 $0xFFFFFFFF, s30;
	s0 =	smov.u32 s29;
	_ =	swait.ge [sflag:s18], $0x2000  }
0x44: {  	p0 =	sne.s32 s12, s30;
	[sflag:s18] =	ssyncset.done $0x0  }
0x45: {  	[sflag:s18] =	ssyncadd.s32 $0xFFFFE000  }
0x46: {  	_ =	swait.ge [sflag:s25], $0x2000  }
0x47: {  	[sflag:s25] =	ssyncset.done $0x0  }
0x48: {  	[sflag:s25] =	ssyncadd.s32 $0xFFFFE000  }
0x49: {  	[tilespmem:s20], [sflag:$0x2] =	stream.indirect.gather [hbm4b:s1+s16], $0x80, s31, s16, $0xb8;
	[tilespmem:$0x1F800] =	vst v63  }
0x4a: {  	s19 =	sadd.s32 $0xFFFFFF80, s29  }
0x4b: {  	[spmem:s3] =	stream.indirect.scatter.add.f32 [tilespmem:s17], [sflag:$0x3], $0x80, s19, s16, $0xb8;
	[tilespmem:$0x1F800] =	vst v63  }
0x4c: {  	_ =	swait.ge [sflag:s21], $0x2000  }
0x4d: {  	[sflag:s21] =	ssyncset.done $0x0  }
0x4e: {  	[sflag:s21] =	ssyncadd.s32 $0xFFFFE000  }
.Ltmp1:
0x4f: {  	_ =	swait.ge [sflag:s22], $0x2000;
	(pc) =	sbr.rel @p0 .LBB2_2-.Ltmp1, $4  }
0x50: {  	[sflag:s22] =	ssyncset.done $0x0  }
0x51: {  	s19 =	sadd.s32 $0x80, s31;
	[sflag:s22] =	ssyncadd.s32 $0xFFFFE000  }
0x52: {  	[tilespmem:s17], [sflag:$0x1] =	stream.indirect.gather [hbm4b:s1+s16], $0x80, s19, s16, $0xb8;
	[tilespmem:$0x1F800] =	vst v63  }
0x53: {  	s29 =	sadd.s32 $0x100, s29;
	s31 =	sadd.s32 $0x100, s31  }
.LBB2_3:
0x54: {  	[spmem:s3] =	stream.indirect.scatter.add.f32 [tilespmem:s20], [sflag:$0x4], $0x80, s0, s16, $0xb8;
	[tilespmem:$0x1F800] =	vst v63  }
0x55: {  	_ =	swait.ge [sflag:s18], $0x2000  }
0x56: {  	[sflag:s18] =	ssyncset.done $0x0  }
0x57: {  	[sflag:s18] =	ssyncadd.s32 $0xFFFFE000  }
0x58: {  	_ =	swait.ge [sflag:s25], $0x2000  }
0x59: {  	[sflag:s25] =	ssyncset.done $0x0  }
0x5a: {  	[sflag:s25] =	ssyncadd.s32 $0xFFFFE000  }
0x5b: {  	[tilespmem:s20], [sflag:$0x2] =	stream.indirect.gather [hbm4b:s1+s16], $0x80, s31, s16, $0xb8;
	[tilespmem:$0x1F800] =	vst v63  }
0x5c: {  	s19 =	sadd.s32 $0x80, s2  }
0x5d: {  	[spmem:s3] =	stream.indirect.scatter.add.f32 [tilespmem:s17], [sflag:$0x3], $0x80, s19, s16, $0xb8;
	[tilespmem:$0x1F800] =	vst v63  }
0x5e: {  	_ =	swait.ge [sflag:s21], $0x2000  }
0x5f: {  	[sflag:s21] =	ssyncset.done $0x0  }
0x60: {  	s31 =	ssub.s32 $0x1, s30;
	[sflag:s21] =	ssyncadd.s32 $0xFFFFE000  }
0x61: {  	p0 =	sge.u32 s31, s9;
	_ =	swait.ge [sflag:s22], $0x2000  }
0x62: {  	s0 =	sadd.s32 @!p0 $0x180, s28;
	[sflag:s22] =	ssyncset.done $0x0  }
0x63: {  	s2 =	simm.s32 @!p0 $0x40;
	s19 =	simm.s32 @!p0 $0x7800;
	[sflag:s22] =	ssyncadd.s32 $0xFFFFE000  }
0x64: {  	[tilespmem:s19], [sflag:$0x1] =	stream.indirect.gather @!p0 [hbm4b:s1+s2], $0x80, s0, s2, $0xb8;
	[tilespmem:$0x1F800] =	vst v63  }
0x65: {  	_ = 	snop  }
0x66: {  	[spmem:s3] =	stream.indirect.scatter.add.f32 [tilespmem:s20], [sflag:$0x4], $0x80, s29, s16, $0xb8;
	[tilespmem:$0x1F800] =	vst v63  }
0x67: {  	_ =	swait.ge [sflag:s25], $0x2000  }
0x68: {  	s26 =	sadd.s32 $0x1, s26;
	[sflag:s25] =	ssyncset.done $0x0  }
0x69: {  	p0 =	sne.s32 s26, s11;
	[sflag:s25] =	ssyncadd.s32 $0xFFFFE000  }
.Ltmp2:
0x6a: {  	[bflag:$0x0] =	sbarrier.arrive $0xFFFF;
	(pc) =	sbr.rel @p0 .LBB2_1-.Ltmp2, $4  }
0x6b: {  	[hbm:s10], [sflag:s6] =	dma.local [spmem:s13], $0x2800  }
0x6c: {  	_ =	swait.ge [sflag:s14], $0x2800  }
0x6d: {  	[sflag:s14] =	ssyncset.done $0x0  }
0x6e: {  	[sflag:s14] =	ssyncadd.s32 $0xFFFFD800  }
0x6f: {  	_ =	sfence.sel $0x180000  }
0x70: {  	[bflag:$0x0] =	sbarrier.arrive $0xFFFF  }
0x71: {  	_ =	strace $0x90000047  }
0x72: {  	s0 =	stileid.u32;
	[bflag:$0x2] =	sbarrier.arrive $0xFFFF  }
0x73: {  	p0 =	sne.s32 s0, $0x0;
	s0 =	rddreg [dreg:$0x4]  }
0x74: {  	s0 =	sadd.s32 @!p0 $0x100000, s0  }
0x75: {  	[sflag:s0] =	ssyncadd.tile.s32 @!p0 $0x1;
	_ =	shalt  }
.Lfunc_end2:
_tile_overlayer_lowered:
.L_overlay_start_2:
0x76: {  	(tag) =	ssettag $0x2  }
0x77: {  	s0 =	rddreg [dreg:$0x0];
	s2 =	stileid.u32  }
0x78: {  	s1 =	rddreg [dreg:$0x1];
	p0 =	sne.s32 s2, $0x0  }
0x79: {  	s3 =	rddreg [dreg:$0x2];
	[bflag:$0x3] =	sbarrier.arrive $0xFFFF;
	s2 =	simm.s32 @!p0 $0x1C05  }
0x7a: {  	[timem:s3], [sflag:s2] =	dma.local @!p0 [hbm:s0], s1  }
0x7b: {  	s0 =	simm.s32 @!p0 $0x5  }
0x7c: {  	_ =	swait.ge @!p0 [sflag:s0], s1  }
0x7d: {  	s1 =	ssub.s32 @!p0 $0x0, s1;
	[sflag:s0] =	ssyncset.done @!p0 $0x0  }
0x7e: {  	[sflag:s0] =	ssyncadd.s32 @!p0 s1  }
0x7f: {  	[bflag:$0x3] =	sbarrier.arrive $0xFFFF  }
0x80: {  	_ =	shalt  }

// kernel: kernel.17.cloned.1.call-start
scs
__scs_entry_jumppad:
0x0: {  	(pc) =	sbr.rel $0x88, $3  }
0x1: {  	(tag) =	ssettag $0x0;
	lr =	simm.s32 $0x1  }
0x2: {  	[smem:$0x3F89] =	sst lr;
	_ =	strace $0xD0000000  }
0x3: {  	_ = 	snop  }
0x4: {  	_ = 	snop  }
0x5: {  	_ = 	snop  }
0x6: {  	_ = 	snop  }
0x7: {  	_ = 	snop  }
__scs_overlays_trampoline_lowered:
0x8: {  	[smem:$0x3F98] =	sst s0  }
0x9: {  	[smem:$0x3F99] =	sst s1  }
0xa: {  	[smem:$0x3F9A] =	sst s2  }
0xb: {  	[smem:$0x3F9B] =	sst s3  }
0xc: {  	[smem:$0x3F9C] =	sst s4  }
0xd: {  	[smem:$0x3F9D] =	sst s5  }
0xe: {  	[smem:$0x3F9E] =	sst s6  }
0xf: {  	[smem:$0x3F9F] =	sst s7  }
0x10: {  	[smem:$0x3FA0] =	sst s8  }
0x11: {  	[smem:$0x3FA1] =	sst s9;
	s0 =	simm.s32 @!p0 $0x0  }
0x12: {  	s1 =	sld [smem:$0x3F87];
	s0 =	simm.s32 @p0 $0x1  }
0x13: {  	[smem:$0x3FA2] =	sst s0;
	s0 =	simm.s32 @!p1 $0x0  }
0x14: {  	s2 =	sld [smem:$0x3F86];
	s0 =	simm.s32 @p1 $0x1  }
0x15: {  	[smem:$0x3FA3] =	sst s0;
	s0 =	simm.s32 @!p2 $0x0  }
0x16: {  	s3 =	sld [smem:$0x3FDB];
	s0 =	simm.s32 @p2 $0x1  }
0x17: {  	s4 =	simm.s32 $0x1BF5;
	[smem:$0x3FA5] =	sst s0  }
0x18: {  	s0 =	sld [smem:$0x3F88];
	_ =	swait.ge [sflag:s4], $0x0  }
0x19: {  	s7 =	sld [smem:$0x3F89]  }
0x1a: {  	s8 =	sadd.s32 $0xFFFFE003, lr  }
0x1b: {  	s9 =	sadd.s32 $0xFFFFFEF7, lr;
	s5 =	simm.s32 $0xFFFFFFFF;
	p2 =	slt.u32 s8, $0xFFFFF086  }
0x1c: {  	p1 =	slt.u32 s9, $0xF7A;
	s5 =	simm.s32 @!p2 $0x0  }
0x1d: {  	s5 =	simm.s32 @p1 $0x1;
	p0 =	seq.s32 s7, s2  }
0x1e: {  	s7 =	smul.u32 @!p0 $0xF7A, s2;
	p2 =	seq.s32 @!p0 s5, $0x0  }
0x1f: {  	s9 =	smul.u32 $0xF7A, s1;
	s8 =	simm.s32 @!p0 $0x1BF5;
	p2 =	por !p2, p0  }
0x20: {  	[sflag:s8] =	ssyncset.s32 @!p0 $0xFFFFF086;
	s6 =	sadd.s32 @!p0 s3, s7;
	s7 =	simm.s32 @!p0 $0x108  }
0x21: {  	s3 =	sadd.s32 s3, s9;
	s6 =	sadd.s32 @!p0 $0x88, s6;
	s7 =	simm.s32 @p2 $0x1082  }
0x22: {  	[simem:s7], [sflag:s8] =	dma.local @!p0 [hbm:s6], $0xF7A  }
0x23: {  	s9 =	sor.u32 $0xD0000000, s2;
	s6 =	simm.s32 $0x108;
	_ =	swait.ge @!p0 [sflag:s8], $0x0  }
0x24: {  	s3 =	sadd.s32 $0x88, s3;
	s6 =	simm.s32 @!p1 $0x1082;
	[sflag:s4] =	ssyncset.s32 $0xFFFFF086  }
0x25: {  	[simem:s6], [sflag:s4] =	dma.local [hbm:s3], $0xF7A  }
0x26: {  	[smem:$0x3F89] =	sst s1;
	(tag) =	ssettag s2;
	_ =	strace s9  }
0x27: {  	s1 =	sld [smem:$0x3F99]  }
0x28: {  	s2 =	sld [smem:$0x3F9A]  }
0x29: {  	s4 =	sld [smem:$0x3F9C]  }
0x2a: {  	p0 =	seq.s32 s5, $0x0;
	s5 =	sld [smem:$0x3F9D]  }
0x2b: {  	s6 =	sld [smem:$0x3F9E]  }
0x2c: {  	s7 =	sld [smem:$0x3F9F]  }
0x2d: {  	s3 =	simm.s32 $0x108;
	s8 =	sld [smem:$0x3FA0]  }
0x2e: {  	s3 =	simm.s32 @!p0 $0x1082;
	s9 =	sld [smem:$0x3FA1]  }
0x2f: {  	lr =	sadd.s32 s0, s3;
	s0 =	sld [smem:$0x3F98]  }
0x30: {  	s3 =	sld [smem:$0x3F9B]  }
0x31: {  	[smem:$0x3FA4] =	sst s10  }
0x32: {  	s10 =	sld [smem:$0x3FA2];
	_ =	sdelay $0x3  }
0x33: {  	p0 =	seq.s32 s10, $0x1;
	s10 =	sld [smem:$0x3FA4];
	_ =	sdelay $0x3  }
0x34: {  	[smem:$0x3FA4] =	sst s10  }
0x35: {  	s10 =	sld [smem:$0x3FA3];
	_ =	sdelay $0x3  }
0x36: {  	p1 =	seq.s32 s10, $0x1;
	s10 =	sld [smem:$0x3FA4];
	_ =	sdelay $0x3  }
0x37: {  	[smem:$0x3FA4] =	sst s10  }
0x38: {  	s10 =	sld [smem:$0x3FA5]  }
0x39: {  	_ = 	snop;
	(pc) =	sbr.ind lr, $3  }
0x3a: {  	_ = 	snop  }
0x3b: {  	_ = 	snop  }
0x3c: {  	p2 =	seq.s32 s10, $0x1;
	s10 =	sld [smem:$0x3FA4]  }
0x3d: {  	_ =	shalt  }
0x3e: {  	_ =	shalt  }
0x3f: {  	_ =	shalt  }
0x40: {  	_ =	shalt  }
0x41: {  	_ =	shalt  }
0x42: {  	_ =	shalt  }
0x43: {  	_ =	shalt  }
0x44: {  	_ =	shalt  }
0x45: {  	_ =	shalt  }
0x46: {  	_ =	shalt  }
0x47: {  	_ =	shalt  }
0x48: {  	_ =	shalt  }
0x49: {  	_ =	shalt  }
0x4a: {  	_ =	shalt  }
0x4b: {  	_ =	shalt  }
0x4c: {  	_ =	shalt  }
0x4d: {  	_ =	shalt  }
0x4e: {  	_ =	shalt  }
0x4f: {  	_ =	shalt  }
0x50: {  	_ =	shalt  }
0x51: {  	_ =	shalt  }
0x52: {  	_ =	shalt  }
0x53: {  	_ =	shalt  }
0x54: {  	_ =	shalt  }
0x55: {  	_ =	shalt  }
0x56: {  	_ =	shalt  }
0x57: {  	_ =	shalt  }
0x58: {  	_ =	shalt  }
0x59: {  	_ =	shalt  }
0x5a: {  	_ =	shalt  }
0x5b: {  	_ =	shalt  }
0x5c: {  	_ =	shalt  }
0x5d: {  	_ =	shalt  }
0x5e: {  	_ =	shalt  }
0x5f: {  	_ =	shalt  }
0x60: {  	_ =	shalt  }
0x61: {  	_ =	shalt  }
0x62: {  	_ =	shalt  }
0x63: {  	_ =	shalt  }
0x64: {  	_ =	shalt  }
0x65: {  	_ =	shalt  }
0x66: {  	_ =	shalt  }
0x67: {  	_ =	shalt  }
0x68: {  	_ =	shalt  }
0x69: {  	_ =	shalt  }
0x6a: {  	_ =	shalt  }
0x6b: {  	_ =	shalt  }
0x6c: {  	_ =	shalt  }
0x6d: {  	_ =	shalt  }
0x6e: {  	_ =	shalt  }
0x6f: {  	_ =	shalt  }
0x70: {  	_ =	shalt  }
0x71: {  	_ =	shalt  }
0x72: {  	_ =	shalt  }
0x73: {  	_ =	shalt  }
0x74: {  	_ =	shalt  }
0x75: {  	_ =	shalt  }
0x76: {  	_ =	shalt  }
0x77: {  	_ =	shalt  }
0x78: {  	_ =	shalt  }
0x79: {  	_ =	shalt  }
0x7a: {  	_ =	shalt  }
0x7b: {  	_ =	shalt  }
0x7c: {  	_ =	shalt  }
0x7d: {  	_ =	shalt  }
0x7e: {  	_ =	shalt  }
0x7f: {  	_ =	shalt  }
0x80: {  	_ =	shalt  }
0x81: {  	_ =	shalt  }
0x82: {  	_ =	shalt  }
0x83: {  	_ =	shalt  }
0x84: {  	_ =	shalt  }
0x85: {  	_ =	shalt  }
0x86: {  	_ =	shalt  }
0x87: {  	_ =	shalt  }
.Lfunc_end0:
.L_simem_size_0:
called_computation.2_lowered:
.L_overlay_start_0:
0x88: {  	s2 =	sld [smem:$0x3FD9]  }
0x89: {  	s3 =	sld [smem:$0x3FFE];
	_ =	sdelay $0x1  }
0x8a: {  	s1 =	srdreg.scid  }
0x8b: {  	s0 =	sand.u32 $0x1, s1  }
0x8c: {  	s14 =	sshll.u32 s0, $0xA;
	s2 =	sadd.s32 s3, s2  }
0x8d: {  	s2 =	sadd.s32 s2, s14  }
0x8e: {  	[smem:$0x3FB0] =	sst s2  }
0x8f: {  	_ = 	snop  }
0x90: {  	s2 =	sld [smem:$0x3FD0];
	_ =	sdelay $0x2  }
0x91: {  	s15 =	simm.s32 $0xB;
	s4 =	simm.s32 $0x10  }
0x92: {  	[smem:s4], [sflag:s15] =	dma.local [hbm:s2], $0x1  }
0x93: {  	_ =	swait.eq [sflag:s15], $0x1  }
0x94: {  	[sflag:s15] =	ssyncset.done $0x0  }
0x95: {  	[sflag:s15] =	ssyncadd.s32 $0xFFFFFFFF  }
0x96: {  	s16 =	sld [smem:$0x12];
	(tm) =	ssettm $0x1  }
0x97: {  	s17 =	sld [smem:$0x3FFB];
	_ =	sdelay $0x3  }
0x98: {  	_ =	strace s17  }
0x99: {  	s3 =	sld [smem:$0x3FFC];
	_ =	sdelay $0x3  }
0x9a: {  	_ =	strace s3  }
0x9b: {  	s3 =	sld [smem:$0x3FFD];
	_ =	sdelay $0x3  }
0x9c: {  	_ =	strace s3  }
0x9d: {  	_ =	strace $0x8FFFFFFF  }
0x9e: {  	s18 =	sld [smem:$0x3FDB];
	_ =	sdelay $0x1  }
0x9f: {  	s19 =	simm.s32 $_scs_section_size  }
0xa0: {  	s5 =	simm.s32 $_size__tile_overlayer_lowered;
	s6 =	simm.s32 $_tile_overlayer_lowered  }
0xa1: {  	s22 =	simm.s32 $0x1BFF;
	s21 =	sshll.u32 s6, $0x1;
	s3 =	sadd.s32 s19, s18  }
0xa2: {  	s7 =	simm.s32 $0x0;
	s20 =	sshll.u32 s5, $0x1;
	s5 =	sadd.s32 s21, s3  }
0xa3: {  	[timem:s7], [sflag:s22] =	dma.local [hbm:s5], s20  }
0xa4: {  	_ =	swait.ge [sflag:s22], s20  }
0xa5: {  	s4 =	ssub.s32 $0x0, s20;
	[sflag:s22] =	ssyncset.done $0x0  }
0xa6: {  	[sflag:s22] =	ssyncadd.s32 s4;
	_ =	sdelay $0x1  }
0xa7: {  	s23 =	simm.s32 $0x1B8B  }
0xa8: {  	_ =	swait.ge [sflag:s23], $0x1  }
0xa9: {  	[sflag:s23] =	ssyncset.done $0x0  }
0xaa: {  	s25 =	simm.s32 $0x1B8E;
	s24 =	sld [smem:$0x3FFE];
	[sflag:s23] =	ssyncadd.s32 $0xFFFFFFFF  }
0xab: {  	s26 =	simm.s32 $execute0_lowered;
	[smem:$0x3FD2] =	sst s25  }
0xac: {  	s5 =	sshll.u32 s26, $0x1;
	_ =	strace $0x8000004C;
	[dreg:$0x1] =	wrdreg $0xFFFFFFFF  }
0xad: {  	s28 =	simm.s32 $_size_execute0_lowered;
	s3 =	sadd.s32 s3, s5;
	[dreg:$0x0] =	wrdreg $0x0  }
0xae: {  	s5 =	sshll.u32 s28, $0x1;
	[dreg:$0x2] =	wrdreg s3  }
0xaf: {  	[dreg:$0x3] =	wrdreg s5  }
0xb0: {  	[dreg:$0x4] =	wrdreg $0xC0  }
0xb1: {  	_ =	task [dreg:s7], $0x5FFFF  }
0xb2: {  	[dreg:$0x1] =	wrdreg $0xFFFFFFFF  }
0xb3: {  	[dreg:$0x0] =	wrdreg $0x60  }
0xb4: {  	[dreg:$0x2] =	wrdreg s24  }
0xb5: {  	[dreg:$0x3] =	wrdreg s16  }
0xb6: {  	[dreg:$0x4] =	wrdreg $0xB8000  }
0xb7: {  	[dreg:$0x5] =	wrdreg $0x9  }
0xb8: {  	_ =	task.clear_ibuf [dreg:s7], $0x6FFFF;
	_ =	strace $0x9000004C  }
0xb9: {  	s29 =	simm.s32 $0x9;
	_ =	strace $0x8000004E  }
0xba: {  	_ =	swait.ge [sflag:s29], $0x1  }
0xbb: {  	[sflag:s29] =	ssyncadd.s32 $0xFFFFFFFF  }
0xbc: {  	_ =	strace $0x9000004E  }
0xbd: {  	_ =	sfence  }
0xbe: {  	s30 =	sld [smem:$0x0];
	_ =	sdelay $0x2  }
0xbf: {  	s31 =	sshll.u32 s1, $0xD;
	s1 =	sshrl.u32 s1, $0x2  }
0xc0: {  	s3 =	sand.u32 $0x4000, s31;
	s1 =	sadd.s32 s1, s30  }
0xc1: {  	s0 =	sor.u32 s3, s0;
	s1 =	sshll.u32 s1, $0x11  }
0xc2: {  	s0 =	sor.u32 s1, s0  }
0xc3: {  	s0 =	sadd.s32 $0x8F2B, s0  }
0xc4: {  	[sflag:s0] =	ssyncadd.remote.s32 $0x1  }
0xc5: {  	_ =	sfence.sel $0xFFFF  }
0xc6: {  	[dreg:$0x0] =	wrdreg $0xFFFFFFFF;
	(pc) =	sbr.abs _section_cstart, $3  }
0xc7: {  	[dreg:$0x1] =	wrdreg $0xFFFFFFFF  }
0xc8: {  	_ =	task.clear_ibuf [dreg:s7], $0x2FFFF;
	_ =	strace $0x9FFFFFFF  }
0xc9: {  	(tm) =	ssettm $0x7FFFFFFF  }
tec
execute0_lowered:
.L_overlay_start_1:
0x0: {  	(tag) =	ssettag $0x1  }
0x1: {  	s0 =	rddreg [dreg:$0x0];
	s1 =	srdreg.scid  }
0x2: {  	s5 =	rddreg [dreg:$0x1];
	s14 =	stileid.u32  }
0x3: {  	s2 =	rddreg [dreg:$0x2];
	s3 =	simm.s32 $0x0;
	s15 =	simm.s32 $0x3C00  }
0x4: {  	s16 =	simm.s32 $0x40;
	s17 =	simm.s32 $0x7800;
	s18 =	simm.s32 $0x1  }
0x5: {  	s20 =	simm.s32 $0x9800;
	s21 =	simm.s32 $0x2;
	s22 =	simm.s32 $0x3  }
0x6: {  	s23 =	simm.s32 $0x100;
	s24 =	simm.s32 $0x3C80;
	s6 =	smul.u32 $0x3C00, s14  }
0x7: {  	s25 =	simm.s32 $0x4;
	s26 =	simm.s32 $0x0;
	s7 =	smul.u32 $0x14000, s14  }
0x8: {  	s1 =	sand.u32 $0x1, s1;
	[smem:$0x7FF] =	sst s3;
	s10 =	smul.u32 $0x50000, s14  }
0x9: {  	s31 =	sshll.u32 s14, $0x6;
	s14 =	simm.s32 $0x5;
	s4 =	smul.u32 $0x3C000, s1  }
0xa: {  	s8 =	smul.u32 $0x140000, s1;
	_ =	strace $0x8000004D;
	s9 =	ssub.s32 $0x2, s1  }
0xb: {  	p0 =	seq.s32 s1, $0x0;
	s1 =	simm.s32 $0x3A;
	s29 =	sshrl.u32 s9, $0x1  }
0xc: {  	s30 =	sshrl.u32 s10, $0x2;
	s1 =	simm.s32 @!p0 $0x15;
	s6 =	sadd.s32 s6, s4  }
0xd: {  	s4 =	sadd.s32 $0xCD400, s0;
	s8 =	sadd.s32 s7, s8;
	s12 =	ssub.s32 s9, s29  }
0xe: {  	s7 =	sshrl.u32 s7, $0x3;
	s13 =	sadd.s32 s30, s2;
	s9 =	sadd.s32 $0xFFFFFFFF, s1  }
0xf: {  	s6 =	sshrl.u32 s6, $0x3;
	s8 =	sshrl.u32 s8, $0x3;
	s5 =	sadd.s32 s5, s7  }
0x10: {  	s13 =	sshrl.u32 s13, $0x3;
	s11 =	sadd.s32 s6, s0;
	s0 =	sadd.s32 s8, s0  }
0x11: {  	s6 =	sor.u32 $0x1C05, s31;
	s7 =	sadd.s32 $0x5400, s11;
	s8 =	sadd.s32 $0x14400, s11  }
0x12: {  	s10 =	sadd.s32 $0x23400, s0;
	s11 =	smax.u32 s12, $0x1;
	s12 =	ssub.s32 $0x2, s1  }
.LBB2_1:
0x13: {  	[spmem:s13], [sflag:s6] =	dma.local [hbm:s5], $0x2800  }
0x14: {  	_ =	swait.ge [sflag:s14], $0x2800  }
0x15: {  	[sflag:s14] =	ssyncset.done $0x0  }
0x16: {  	[sflag:s14] =	ssyncadd.s32 $0xFFFFD800  }
0x17: {  	[tilespmem:s3], [sflag:$0x5] =	stream.linear.gather [hbm4b:s7+s3], $0x3A00, $0x38;
	[tilespmem:$0x1F800] =	vst v63  }
0x18: {  	_ =	swait.ge [sflag:s14], $0x3A00  }
0x19: {  	[sflag:s14] =	ssyncset.done $0x0  }
0x1a: {  	[sflag:s14] =	ssyncadd.s32 $0xFFFFC600  }
0x1b: {  	[tilespmem:s15], [sflag:$0x5] =	stream.linear.gather [hbm4b:s8+s3], $0x3A00, $0x38;
	[tilespmem:$0x1F800] =	vst v63  }
0x1c: {  	_ =	swait.ge [sflag:s14], $0x3A00  }
0x1d: {  	[sflag:s14] =	ssyncset.done $0x0  }
0x1e: {  	[sflag:s14] =	ssyncadd.s32 $0xFFFFC600  }
0x1f: {  	[bflag:$0x0] =	sbarrier.arrive $0xFFFF  }
0x20: {  	[tilespmem:s17], [sflag:$0x1] =	stream.indirect.gather [hbm4b:s4+s16], $0x80, s3, s16, $0xb8;
	[tilespmem:$0x1F800] =	vst v63  }
0x21: {  	_ =	swait.ge [sflag:s18], $0x2000  }
0x22: {  	[sflag:s18] =	ssyncset.done $0x0  }
0x23: {  	s0 =	simm.s32 $0x80;
	[sflag:s18] =	ssyncadd.s32 $0xFFFFE000  }
0x24: {  	[tilespmem:s20], [sflag:$0x2] =	stream.indirect.gather [hbm4b:s4+s16], $0x80, s0, s16, $0xb8;
	[tilespmem:$0x1F800] =	vst v63  }
0x25: {  	_ = 	snop  }
0x26: {  	[spmem:s2] =	stream.indirect.scatter.add.f32 [tilespmem:s17], [sflag:$0x3], $0x80, s15, s16, $0xb8;
	[tilespmem:$0x1F800] =	vst v63  }
0x27: {  	_ =	swait.ge [sflag:s21], $0x2000  }
0x28: {  	[sflag:s21] =	ssyncset.done $0x0  }
0x29: {  	[sflag:s21] =	ssyncadd.s32 $0xFFFFE000  }
0x2a: {  	_ =	swait.ge [sflag:s22], $0x2000  }
0x2b: {  	[sflag:s22] =	ssyncset.done $0x0  }
0x2c: {  	[sflag:s22] =	ssyncadd.s32 $0xFFFFE000  }
0x2d: {  	[tilespmem:s17], [sflag:$0x1] =	stream.indirect.gather [hbm4b:s4+s16], $0x80, s23, s16, $0xb8;
	[tilespmem:$0x1F800] =	vst v63  }
0x2e: {  	_ = 	snop  }
0x2f: {  	[spmem:s2] =	stream.indirect.scatter.add.f32 [tilespmem:s20], [sflag:$0x4], $0x80, s24, s16, $0xb8;
	[tilespmem:$0x1F800] =	vst v63  }
0x30: {  	_ =	swait.ge [sflag:s18], $0x2000  }
0x31: {  	[sflag:s18] =	ssyncset.done $0x0  }
0x32: {  	[sflag:s18] =	ssyncadd.s32 $0xFFFFE000  }
0x33: {  	_ =	swait.ge [sflag:s25], $0x2000  }
0x34: {  	[sflag:s25] =	ssyncset.done $0x0  }
0x35: {  	s28 =	simm.s32 $0x180;
	[sflag:s25] =	ssyncadd.s32 $0xFFFFE000  }
0x36: {  	[tilespmem:s20], [sflag:$0x2] =	stream.indirect.gather [hbm4b:s4+s16], $0x80, s28, s16, $0xb8;
	[tilespmem:$0x1F800] =	vst v63  }
0x37: {  	s1 =	simm.s32 $0x3D00  }
0x38: {  	[spmem:s2] =	stream.indirect.scatter.add.f32 [tilespmem:s17], [sflag:$0x3], $0x80, s1, s16, $0xb8;
	[tilespmem:$0x1F800] =	vst v63  }
0x39: {  	_ =	swait.ge [sflag:s21], $0x2000  }
0x3a: {  	p0 =	sne.s32 s12, $0xFFFFFFFF;
	[sflag:s21] =	ssyncset.done $0x0  }
.Ltmp0:
0x3b: {  	[sflag:s21] =	ssyncadd.s32 $0xFFFFE000;
	(pc) =	sbr.rel @!p0 .LBB2_3-.Ltmp0, $4  }
0x3c: {  	s19 =	simm.s32 $0x200;
	s30 =	simm.s32 $0xFFFFFFFF;
	_ =	swait.ge [sflag:s22], $0x2000  }
0x3d: {  	s29 =	simm.s32 $0x3E80;
	s31 =	simm.s32 $0x280;
	[sflag:s22] =	ssyncset.done $0x0  }
0x3e: {  	s0 =	simm.s32 $0x3D80;
	s1 =	simm.s32 $0x3D80;
	[sflag:s22] =	ssyncadd.s32 $0xFFFFE000  }
0x3f: {  	[tilespmem:s17], [sflag:$0x1] =	stream.indirect.gather [hbm4b:s4+s16], $0x80, s19, s16, $0xb8;
	[tilespmem:$0x1F800] =	vst v63  }
.LBB2_2:
0x40: {  	s1 =	smov.u32 s29;
	s28 =	smov.u32 s31  }
0x41: {  	[spmem:s2] =	stream.indirect.scatter.add.f32 [tilespmem:s20], [sflag:$0x4], $0x80, s0, s16, $0xb8;
	[tilespmem:$0x1F800] =	vst v63  }
0x42: {  	s30 =	sadd.s32 $0xFFFFFFFF, s30;
	s0 =	smov.u32 s29;
	_ =	swait.ge [sflag:s18], $0x2000  }
0x43: {  	p0 =	sne.s32 s12, s30;
	[sflag:s18] =	ssyncset.done $0x0  }
0x44: {  	[sflag:s18] =	ssyncadd.s32 $0xFFFFE000  }
0x45: {  	_ =	swait.ge [sflag:s25], $0x2000  }
0x46: {  	[sflag:s25] =	ssyncset.done $0x0  }
0x47: {  	[sflag:s25] =	ssyncadd.s32 $0xFFFFE000  }
0x48: {  	[tilespmem:s20], [sflag:$0x2] =	stream.indirect.gather [hbm4b:s4+s16], $0x80, s31, s16, $0xb8;
	[tilespmem:$0x1F800] =	vst v63  }
0x49: {  	s19 =	sadd.s32 $0xFFFFFF80, s29  }
0x4a: {  	[spmem:s2] =	stream.indirect.scatter.add.f32 [tilespmem:s17], [sflag:$0x3], $0x80, s19, s16, $0xb8;
	[tilespmem:$0x1F800] =	vst v63  }
0x4b: {  	_ =	swait.ge [sflag:s21], $0x2000  }
0x4c: {  	[sflag:s21] =	ssyncset.done $0x0  }
0x4d: {  	[sflag:s21] =	ssyncadd.s32 $0xFFFFE000  }
.Ltmp1:
0x4e: {  	_ =	swait.ge [sflag:s22], $0x2000;
	(pc) =	sbr.rel @p0 .LBB2_2-.Ltmp1, $4  }
0x4f: {  	[sflag:s22] =	ssyncset.done $0x0  }
0x50: {  	s19 =	sadd.s32 $0x80, s31;
	[sflag:s22] =	ssyncadd.s32 $0xFFFFE000  }
0x51: {  	[tilespmem:s17], [sflag:$0x1] =	stream.indirect.gather [hbm4b:s4+s16], $0x80, s19, s16, $0xb8;
	[tilespmem:$0x1F800] =	vst v63  }
0x52: {  	s29 =	sadd.s32 $0x100, s29;
	s31 =	sadd.s32 $0x100, s31  }
.LBB2_3:
0x53: {  	[spmem:s2] =	stream.indirect.scatter.add.f32 [tilespmem:s20], [sflag:$0x4], $0x80, s0, s16, $0xb8;
	[tilespmem:$0x1F800] =	vst v63  }
0x54: {  	_ =	swait.ge [sflag:s18], $0x2000  }
0x55: {  	[sflag:s18] =	ssyncset.done $0x0  }
0x56: {  	[sflag:s18] =	ssyncadd.s32 $0xFFFFE000  }
0x57: {  	_ =	swait.ge [sflag:s25], $0x2000  }
0x58: {  	[sflag:s25] =	ssyncset.done $0x0  }
0x59: {  	[sflag:s25] =	ssyncadd.s32 $0xFFFFE000  }
0x5a: {  	[tilespmem:s20], [sflag:$0x2] =	stream.indirect.gather [hbm4b:s4+s16], $0x80, s31, s16, $0xb8;
	[tilespmem:$0x1F800] =	vst v63  }
0x5b: {  	s19 =	sadd.s32 $0x80, s1  }
0x5c: {  	[spmem:s2] =	stream.indirect.scatter.add.f32 [tilespmem:s17], [sflag:$0x3], $0x80, s19, s16, $0xb8;
	[tilespmem:$0x1F800] =	vst v63  }
0x5d: {  	_ =	swait.ge [sflag:s21], $0x2000  }
0x5e: {  	[sflag:s21] =	ssyncset.done $0x0  }
0x5f: {  	s31 =	ssub.s32 $0x1, s30;
	[sflag:s21] =	ssyncadd.s32 $0xFFFFE000  }
0x60: {  	p0 =	sge.u32 s31, s9;
	_ =	swait.ge [sflag:s22], $0x2000  }
0x61: {  	s0 =	sadd.s32 @!p0 $0x180, s28;
	[sflag:s22] =	ssyncset.done $0x0  }
0x62: {  	s1 =	simm.s32 @!p0 $0x40;
	s19 =	simm.s32 @!p0 $0x7800;
	[sflag:s22] =	ssyncadd.s32 $0xFFFFE000  }
0x63: {  	[tilespmem:s19], [sflag:$0x1] =	stream.indirect.gather @!p0 [hbm4b:s4+s1], $0x80, s0, s1, $0xb8;
	[tilespmem:$0x1F800] =	vst v63  }
0x64: {  	_ = 	snop  }
0x65: {  	[spmem:s2] =	stream.indirect.scatter.add.f32 [tilespmem:s20], [sflag:$0x4], $0x80, s29, s16, $0xb8;
	[tilespmem:$0x1F800] =	vst v63  }
0x66: {  	_ =	swait.ge [sflag:s25], $0x2000  }
0x67: {  	s26 =	sadd.s32 $0x1, s26;
	[sflag:s25] =	ssyncset.done $0x0  }
0x68: {  	p0 =	sne.s32 s26, s11;
	[sflag:s25] =	ssyncadd.s32 $0xFFFFE000  }
.Ltmp2:
0x69: {  	[bflag:$0x0] =	sbarrier.arrive $0xFFFF;
	(pc) =	sbr.rel @p0 .LBB2_1-.Ltmp2, $4  }
0x6a: {  	[hbm:s10], [sflag:s6] =	dma.local [spmem:s13], $0x2800  }
0x6b: {  	_ =	swait.ge [sflag:s14], $0x2800  }
0x6c: {  	[sflag:s14] =	ssyncset.done $0x0  }
0x6d: {  	[sflag:s14] =	ssyncadd.s32 $0xFFFFD800  }
0x6e: {  	_ =	sfence.sel $0x180000  }
0x6f: {  	[bflag:$0x0] =	sbarrier.arrive $0xFFFF  }
0x70: {  	_ =	strace $0x9000004D  }
0x71: {  	s0 =	stileid.u32;
	[bflag:$0x2] =	sbarrier.arrive $0xFFFF  }
0x72: {  	p0 =	sne.s32 s0, $0x0;
	s0 =	rddreg [dreg:$0x3]  }
0x73: {  	s0 =	sadd.s32 @!p0 $0x100000, s0  }
0x74: {  	[sflag:s0] =	ssyncadd.tile.s32 @!p0 $0x1;
	_ =	shalt  }
.Lfunc_end2:
_tile_overlayer_lowered:
.L_overlay_start_2:
0x75: {  	(tag) =	ssettag $0x2  }
0x76: {  	s0 =	rddreg [dreg:$0x0];
	s2 =	stileid.u32  }
0x77: {  	s1 =	rddreg [dreg:$0x1];
	p0 =	sne.s32 s2, $0x0  }
0x78: {  	s3 =	rddreg [dreg:$0x2];
	[bflag:$0x3] =	sbarrier.arrive $0xFFFF;
	s2 =	simm.s32 @!p0 $0x1C05  }
0x79: {  	[timem:s3], [sflag:s2] =	dma.local @!p0 [hbm:s0], s1  }
0x7a: {  	s0 =	simm.s32 @!p0 $0x5  }
0x7b: {  	_ =	swait.ge @!p0 [sflag:s0], s1  }
0x7c: {  	s1 =	ssub.s32 @!p0 $0x0, s1;
	[sflag:s0] =	ssyncset.done @!p0 $0x0  }
0x7d: {  	[sflag:s0] =	ssyncadd.s32 @!p0 s1  }
0x7e: {  	[bflag:$0x3] =	sbarrier.arrive $0xFFFF  }
0x7f: {  	_ =	shalt  }

</sc_bundles>
